<compile_context>
chip_gen: v7x
topology: tpu7x:2x2x1
jax: 0.10.2.dev20260603
libtpu: 0.0.44.dev20260713+nightly
codegen_flags: <defaults>
</compile_context>

<pallas_src>
import jax
import jax.numpy as jnp
from jax import lax
from jax.experimental import pallas as pl
from jax.experimental.pallas import tpu as pltpu
from jax.experimental.pallas import tpu_sc as plsc

GAMMA = 12.0
N_EDGES_TOTAL = 160000
ED = 128
RD = 16
L = 16
NC = 2
NS = 16
NW = NC * NS
G = 16
NGROUPS = N_EDGES_TOTAL // G
TMAX = (NGROUPS + NW - 1) // NW
SM = 17

_GDN = lax.GatherDimensionNumbers(
    offset_dims=(), collapsed_slice_dims=(0,), start_index_map=(0,))


def _bcast_lane(vec, i):
    idx = jnp.full((L, 1), i, jnp.int32)
    return lax.gather(vec, idx, _GDN, slice_sizes=(1,),
                      mode=lax.GatherScatterMode.PROMISE_IN_BOUNDS)


def _body(node_ref, ei0_ref, ei1_ref, rid_ref, rel_ref, proj_ref, out_ref,
          head0, tail0, proj0, sem0,
          head1, tail1, proj1, sem1,
          hidx_a, tidx_a, ridx_a, rel_tab, score_m,
          out_v0, osem0, out_v1, osem1):
    wid = lax.axis_index("s") * NC + lax.axis_index("c")
    ngroups = jnp.where(wid < L, TMAX, TMAX - 1)
    g0 = wid * (TMAX - 1) + jnp.minimum(wid, L)
    e0 = g0 * G
    pe0 = jnp.minimum(e0, N_EDGES_TOTAL - TMAX * G)
    off0 = e0 - pe0
    pltpu.sync_copy(ei0_ref.at[pl.ds(pe0, TMAX * G)], hidx_a)
    pltpu.sync_copy(ei1_ref.at[pl.ds(pe0, TMAX * G)], tidx_a)
    pltpu.sync_copy(rid_ref.at[pl.ds(pe0, TMAX * G)], ridx_a)
    pltpu.sync_copy(rel_ref, rel_tab)
    lanes = lax.iota(jnp.int32, L)

    bufs = ((head0, tail0, proj0, sem0), (head1, tail1, proj1, sem1))
    obufs = ((out_v0, osem0), (out_v1, osem1))

    def issue(t, buf):
        head_v, tail_v, proj_v, sem = buf

        @pl.when(t < ngroups)
        def _():
            hv = hidx_a[pl.ds(off0 + t * G, G)]
            tv = tidx_a[pl.ds(off0 + t * G, G)]
            rv = ridx_a[pl.ds(off0 + t * G, G)]
            pltpu.async_copy(node_ref.at[hv], head_v, sem)
            pltpu.async_copy(node_ref.at[tv], tail_v, sem)
            pltpu.async_copy(proj_ref.at[rv], proj_v, sem)

    def compute(t, buf, obuf):
        head_v, tail_v, proj_v, sem = buf
        out_v, osem = obuf

        @pl.when(t < ngroups)
        def _():
            @pl.when(t >= 2)
            def _():
                pltpu.make_async_copy(out_v, out_ref.at[pl.ds(e0, G)],
                                      osem).wait()
            pltpu.make_async_copy(node_ref.at[hidx_a.at[pl.ds(0, G)]],
                                  head_v, sem).wait()
            pltpu.make_async_copy(node_ref.at[hidx_a.at[pl.ds(0, G)]],
                                  tail_v, sem).wait()
            pltpu.make_async_copy(proj_ref.at[ridx_a.at[pl.ds(0, G)]],
                                  proj_v, sem).wait()
            rvec = ridx_a[pl.ds(off0 + t * G, G)]

            @plsc.parallel_loop(0, G, 1, unroll=4)
            def edge(e):
                rb = _bcast_lane(rvec, e)
                accs = [plsc.load_gather(rel_tab, [rb * RD + lanes])]
                accs += [jnp.zeros((L,), jnp.float32) for _ in range(3)]
                for c in range(ED // L):
                    dv = (head_v[e, pl.ds(c * L, L)]
                          - tail_v[e, pl.ds(c * L, L)])
                    for m in range(L // 2):
                        pw = proj_v[e, pl.ds((c * (L // 2) + m) * RD, RD)]
                        pa, pb = plsc.unpack(
                            plsc.bitcast(pw, jnp.bfloat16),
                            format=plsc.PackFormat.INTERLEAVED)
                        k = (2 * m) % 4
                        accs[k] = accs[k] + _bcast_lane(dv, 2 * m) * pa
                        accs[k + 1] = (accs[k + 1]
                                       + _bcast_lane(dv, 2 * m + 1) * pb)
                a0 = accs[0] + accs[2]
                a1 = accs[1] + accs[3]
                plsc.store_scatter(
                    score_m, [jnp.full((L,), e * SM, jnp.int32) + lanes],
                    jnp.full((L,), GAMMA / L, jnp.float32)
                    - jnp.abs(a0 + a1))

            rows = lanes * SM
            sv = plsc.load_gather(score_m, [rows])
            for j in range(1, L):
                sv = sv + plsc.load_gather(
                    score_m, [rows + jnp.full((L,), j, jnp.int32)])
            out_v[...] = sv
            pltpu.async_copy(out_v, out_ref.at[pl.ds(e0 + t * G, G)], osem)

    issue(0, bufs[0])

    def pair(p, carry):
        t = p * 2
        issue(t + 1, bufs[1])
        compute(t, bufs[0], obufs[0])
        issue(t + 2, bufs[0])
        compute(t + 1, bufs[1], obufs[1])
        return carry

    lax.fori_loop(0, (TMAX + 1) // 2, pair, 0, unroll=False)
    pltpu.make_async_copy(out_v0, out_ref.at[pl.ds(e0, G)], osem0).wait()
    pltpu.make_async_copy(out_v1, out_ref.at[pl.ds(e0, G)], osem1).wait()


@jax.jit
def _sc_call(node_emb, edge_index, rel_id, rel_emb_table, projection_table):
    mesh = plsc.VectorSubcoreMesh(core_axis_name="c", subcore_axis_name="s")
    staging = [
        pltpu.VMEM((G, ED), jnp.float32),
        pltpu.VMEM((G, ED), jnp.float32),
        pltpu.VMEM((G, ED * RD // 2), jnp.int32),
        pltpu.SemaphoreType.DMA,
    ]
    f = pl.kernel(
        _body,
        out_type=jax.ShapeDtypeStruct((N_EDGES_TOTAL,), jnp.float32),
        mesh=mesh,
        scratch_types=staging + staging + [
            pltpu.VMEM((TMAX * G,), jnp.int32),
            pltpu.VMEM((TMAX * G,), jnp.int32),
            pltpu.VMEM((TMAX * G,), jnp.int32),
            pltpu.VMEM((1000 * RD,), jnp.float32),
            pltpu.VMEM((G * SM,), jnp.float32),
            pltpu.VMEM((G,), jnp.float32),
            pltpu.SemaphoreType.DMA,
            pltpu.VMEM((G,), jnp.float32),
            pltpu.SemaphoreType.DMA,
        ],
        compiler_params=pltpu.CompilerParams(needs_layout_passes=False),
    )
    proj_bf = (projection_table.reshape(-1, ED // 2, 2, RD)
               .swapaxes(2, 3).astype(jnp.bfloat16)
               .reshape(-1, ED * RD // 2, 2))
    proj_i32 = lax.bitcast_convert_type(proj_bf, jnp.int32)
    return f(node_emb, edge_index[0], edge_index[1], rel_id,
             rel_emb_table.reshape(-1), proj_i32)


def kernel(node_emb, edge_index, rel_id, rel_emb_table, projection_table):
    return _sc_call(node_emb, edge_index, rel_id, rel_emb_table,
                    projection_table)

# --- scband reference (transcript-rebuilt; emitter-appended) ---
"""Pipeline reference for scband-trans-rscore-1872605741810 (READ-ONLY COPY).

The authoritative reference and input builder live on the scoring server;
editing this copy changes nothing except your own understanding.
"""

import jax, jax.numpy as jnp
import numpy as np

GAMMA = 12.0
N_NODES = 10000
N_EDGES = 160000
ENTITY_DIM = 128
RELATION_DIM = 16
N_RELS = 1000

def setup_inputs(seed: int = 0):
    key = jax.random.key(seed)
    k1, k2, k3, k4, k5 = jax.random.split(key, 5)
    node_emb = jax.random.normal(k1, (N_NODES, ENTITY_DIM), dtype=jnp.float32)
    edge_index = jax.random.randint(k2, (2, N_EDGES), 0, N_NODES, dtype=jnp.int32)
    rel_id = jax.random.randint(k3, (N_EDGES,), 0, N_RELS, dtype=jnp.int32)
    rel_emb_table = jax.random.normal(k4, (N_RELS, RELATION_DIM), dtype=jnp.float32)
    projection_table = jax.random.normal(k5, (N_RELS, ENTITY_DIM * RELATION_DIM), dtype=jnp.float32) * (1.0 / np.sqrt(ENTITY_DIM))
    return {"node_emb": node_emb, "edge_index": edge_index, "rel_id": rel_id, "rel_emb_table": rel_emb_table, "projection_table": projection_table}

def reference(node_emb, edge_index, rel_id, rel_emb_table, projection_table):
    # prepare(): embedding-lookup of per-edge projection matrices (projection_emb(g.edata['id']))
    projection = jnp.take(projection_table, rel_id, axis=0).reshape(-1, ENTITY_DIM, RELATION_DIM)
    head_in = jnp.take(node_emb, edge_index[0], axis=0)
    tail_in = jnp.take(node_emb, edge_index[1], axis=0)
    head_emb = jnp.einsum('ab,abc->ac', head_in, projection)
    tail_emb = jnp.einsum('ab,abc->ac', tail_in, projection)
    rel_emb = jnp.take(rel_emb_table, rel_id, axis=0)
    # edge_func(): score = gamma - ||head + rel - tail||_1 per edge
    score = head_emb + rel_emb - tail_emb
    return GAMMA - jnp.sum(jnp.abs(score), axis=-1)

if __name__ == "__main__":
    import jax
    _d = setup_inputs()
    print(jax.jit(kernel)(*tuple(_d.values())))

</pallas_src>

<mosaic_0001>
#map = affine_map<(d0, d1) -> (0, 0)>
#map1 = affine_map<(d0, d1) -> (0)>
module attributes {stable_mosaic.version = 14 : i64} {
  func.func @_body(%arg0: i32, %arg1: i32, %arg2: memref<10000x128xf32, #tpu.memory_space<hbm>>, %arg3: memref<160000xi32, #tpu.memory_space<hbm>>, %arg4: memref<160000xi32, #tpu.memory_space<hbm>>, %arg5: memref<160000xi32, #tpu.memory_space<hbm>>, %arg6: memref<16000xf32, #tpu.memory_space<hbm>>, %arg7: memref<1000x1024xi32, #tpu.memory_space<hbm>>, %arg8: memref<160000xf32, #tpu.memory_space<hbm>>, %arg9: memref<16x128xf32, #tpu.memory_space<vmem>>, %arg10: memref<16x128xf32, #tpu.memory_space<vmem>>, %arg11: memref<16x1024xi32, #tpu.memory_space<vmem>>, %arg12: memref<!tpu.dma_semaphore, #tpu.memory_space<semaphore_mem>>, %arg13: memref<16x128xf32, #tpu.memory_space<vmem>>, %arg14: memref<16x128xf32, #tpu.memory_space<vmem>>, %arg15: memref<16x1024xi32, #tpu.memory_space<vmem>>, %arg16: memref<!tpu.dma_semaphore, #tpu.memory_space<semaphore_mem>>, %arg17: memref<5008xi32, #tpu.memory_space<vmem>>, %arg18: memref<5008xi32, #tpu.memory_space<vmem>>, %arg19: memref<5008xi32, #tpu.memory_space<vmem>>, %arg20: memref<16000xf32, #tpu.memory_space<vmem>>, %arg21: memref<272xf32, #tpu.memory_space<vmem>>, %arg22: memref<16xf32, #tpu.memory_space<vmem>>, %arg23: memref<!tpu.dma_semaphore, #tpu.memory_space<semaphore_mem>>, %arg24: memref<16xf32, #tpu.memory_space<vmem>>, %arg25: memref<!tpu.dma_semaphore, #tpu.memory_space<semaphore_mem>>) attributes {dimension_semantics = [#tpu.dimension_semantics<core_parallel>, #tpu.dimension_semantics<subcore_parallel>], iteration_bounds = array<i64: 2, 16>, scalar_prefetch = 0 : i64, scratch_operands = 17 : i64, tpu.core_type = #tpu.core_type<sc_vector_subcore>, window_params = [{transform_indices = #map}, {transform_indices = #map1}, {transform_indices = #map1}, {transform_indices = #map1}, {transform_indices = #map1}, {transform_indices = #map}, {transform_indices = #map1}]} {
    %mul3A = arith.constant 2 : i32
    %mul3A_0 = arith.muli %arg1, %mul3A : i32
    %add3A = arith.addi %mul3A_0, %arg0 : i32
    %lt3A = arith.constant 16 : i32
    %lt3A_1 = arith.cmpi slt, %add3A, %lt3A : i32
    %jit3A = arith.constant 313 : i32
    %jit3A_2 = arith.constant 312 : i32
    %select_n3A = arith.select %lt3A_1, %jit3A, %jit3A_2 : i32
    %mul3A_3 = arith.constant 312 : i32
    %mul3A_4 = arith.muli %add3A, %mul3A_3 : i32
    %min3A = arith.constant 16 : i32
    %min3A_5 = arith.minsi %add3A, %min3A : i32
    %add3A_6 = arith.addi %mul3A_4, %min3A_5 : i32
    %mul3A_7 = arith.constant 16 : i32
    %mul3A_8 = arith.muli %add3A_6, %mul3A_7 : i32
    %min3A_9 = arith.constant 154992 : i32
    %min3A_10 = arith.minsi %mul3A_8, %min3A_9 : i32
    %sub3A = arith.subi %mul3A_8, %min3A_10 : i32
    "tpu.region"() ({
      %run_scoped3A = tpu.sem_alloc : memref<!tpu.dma_semaphore, #tpu.memory_space<semaphore_mem>>
      %dma_start3A = tpu.memref_slice %arg3[%min3A_10] : memref<160000xi32, #tpu.memory_space<hbm>> -> memref<5008xi32, #tpu.memory_space<hbm>>
      %dma_start3A_21 = tpu.memref_slice %arg3[%min3A_10] : memref<160000xi32, #tpu.memory_space<hbm>> -> memref<5008xi32, #tpu.memory_space<hbm>>
      tpu.enqueue_dma source(%dma_start3A_21 : memref<5008xi32, #tpu.memory_space<hbm>>) target(%arg17 : memref<5008xi32, #tpu.memory_space<vmem>>) target_semaphore(%run_scoped3A : memref<!tpu.dma_semaphore, #tpu.memory_space<semaphore_mem>>)
      %dma_wait3A_22 = tpu.memref_slice %arg3[%min3A_10] : memref<160000xi32, #tpu.memory_space<hbm>> -> memref<5008xi32, #tpu.memory_space<hbm>>
      %dma_wait3A_23 = tpu.memref_slice %arg3[%min3A_10] : memref<160000xi32, #tpu.memory_space<hbm>> -> memref<5008xi32, #tpu.memory_space<hbm>>
      tpu.wait_dma2 semaphore(%run_scoped3A : memref<!tpu.dma_semaphore, #tpu.memory_space<semaphore_mem>>) src(%dma_wait3A_23 : memref<5008xi32, #tpu.memory_space<hbm>>) dst(%arg17 : memref<5008xi32, #tpu.memory_space<vmem>>)
      tpu.yield
    }) : () -> ()
    "tpu.region"() ({
      %run_scoped3A = tpu.sem_alloc : memref<!tpu.dma_semaphore, #tpu.memory_space<semaphore_mem>>
      %dma_start3A = tpu.memref_slice %arg4[%min3A_10] : memref<160000xi32, #tpu.memory_space<hbm>> -> memref<5008xi32, #tpu.memory_space<hbm>>
      %dma_start3A_21 = tpu.memref_slice %arg4[%min3A_10] : memref<160000xi32, #tpu.memory_space<hbm>> -> memref<5008xi32, #tpu.memory_space<hbm>>
      tpu.enqueue_dma source(%dma_start3A_21 : memref<5008xi32, #tpu.memory_space<hbm>>) target(%arg18 : memref<5008xi32, #tpu.memory_space<vmem>>) target_semaphore(%run_scoped3A : memref<!tpu.dma_semaphore, #tpu.memory_space<semaphore_mem>>)
      %dma_wait3A_22 = tpu.memref_slice %arg4[%min3A_10] : memref<160000xi32, #tpu.memory_space<hbm>> -> memref<5008xi32, #tpu.memory_space<hbm>>
      %dma_wait3A_23 = tpu.memref_slice %arg4[%min3A_10] : memref<160000xi32, #tpu.memory_space<hbm>> -> memref<5008xi32, #tpu.memory_space<hbm>>
      tpu.wait_dma2 semaphore(%run_scoped3A : memref<!tpu.dma_semaphore, #tpu.memory_space<semaphore_mem>>) src(%dma_wait3A_23 : memref<5008xi32, #tpu.memory_space<hbm>>) dst(%arg18 : memref<5008xi32, #tpu.memory_space<vmem>>)
      tpu.yield
    }) : () -> ()
    "tpu.region"() ({
      %run_scoped3A = tpu.sem_alloc : memref<!tpu.dma_semaphore, #tpu.memory_space<semaphore_mem>>
      %dma_start3A = tpu.memref_slice %arg5[%min3A_10] : memref<160000xi32, #tpu.memory_space<hbm>> -> memref<5008xi32, #tpu.memory_space<hbm>>
      %dma_start3A_21 = tpu.memref_slice %arg5[%min3A_10] : memref<160000xi32, #tpu.memory_space<hbm>> -> memref<5008xi32, #tpu.memory_space<hbm>>
      tpu.enqueue_dma source(%dma_start3A_21 : memref<5008xi32, #tpu.memory_space<hbm>>) target(%arg19 : memref<5008xi32, #tpu.memory_space<vmem>>) target_semaphore(%run_scoped3A : memref<!tpu.dma_semaphore, #tpu.memory_space<semaphore_mem>>)
      %dma_wait3A_22 = tpu.memref_slice %arg5[%min3A_10] : memref<160000xi32, #tpu.memory_space<hbm>> -> memref<5008xi32, #tpu.memory_space<hbm>>
      %dma_wait3A_23 = tpu.memref_slice %arg5[%min3A_10] : memref<160000xi32, #tpu.memory_space<hbm>> -> memref<5008xi32, #tpu.memory_space<hbm>>
      tpu.wait_dma2 semaphore(%run_scoped3A : memref<!tpu.dma_semaphore, #tpu.memory_space<semaphore_mem>>) src(%dma_wait3A_23 : memref<5008xi32, #tpu.memory_space<hbm>>) dst(%arg19 : memref<5008xi32, #tpu.memory_space<vmem>>)
      tpu.yield
    }) : () -> ()
    "tpu.region"() ({
      %run_scoped3A = tpu.sem_alloc : memref<!tpu.dma_semaphore, #tpu.memory_space<semaphore_mem>>
      tpu.enqueue_dma source(%arg6 : memref<16000xf32, #tpu.memory_space<hbm>>) target(%arg20 : memref<16000xf32, #tpu.memory_space<vmem>>) target_semaphore(%run_scoped3A : memref<!tpu.dma_semaphore, #tpu.memory_space<semaphore_mem>>)
      tpu.wait_dma2 semaphore(%run_scoped3A : memref<!tpu.dma_semaphore, #tpu.memory_space<semaphore_mem>>) src(%arg6 : memref<16000xf32, #tpu.memory_space<hbm>>) dst(%arg20 : memref<16000xf32, #tpu.memory_space<vmem>>)
      tpu.yield
    }) : () -> ()
    %iota3A = tpu.iota {dimensions = array<i32: 0>} : vector<16xi32>
    %gt3A = arith.constant 0 : i32
    %gt3A_11 = arith.cmpi sgt, %select_n3A, %gt3A : i32
    %convert_element_type3A = arith.extui %gt3A_11 : i1 to i32
    %cond3A = arith.constant 0 : i32
    %cond3A_12 = arith.cmpi ne, %convert_element_type3A, %cond3A : i32
    scf.if %cond3A_12 {
      %add3A_21 = arith.constant 0 : i32
      %add3A_22 = arith.addi %sub3A, %add3A_21 : i32
      %get3A = arith.index_cast %add3A_22 : i32 to index
      %get3A_23 = tpu.vector_load %arg17[%get3A] {strides = array<i32>} : memref<5008xi32, #tpu.memory_space<vmem>>, vector<16xi32>,
      %add3A_24 = arith.constant 0 : i32
      %add3A_25 = arith.addi %sub3A, %add3A_24 : i32
      %get3A_26 = arith.index_cast %add3A_25 : i32 to index
      %get3A_27 = tpu.vector_load %arg18[%get3A_26] {strides = array<i32>} : memref<5008xi32, #tpu.memory_space<vmem>>, vector<16xi32>,
      %add3A_28 = arith.constant 0 : i32
      %add3A_29 = arith.addi %sub3A, %add3A_28 : i32
      %get3A_30 = arith.index_cast %add3A_29 : i32 to index
      %get3A_31 = tpu.vector_load %arg19[%get3A_30] {strides = array<i32>} : memref<5008xi32, #tpu.memory_space<vmem>>, vector<16xi32>,
      %dma_start3A = arith.constant 0 : i32
      %dma_start3A_32 = arith.constant 0 : i32
      %dma_start3A_33 = tpu.memref_slice %arg2[%dma_start3A, %dma_start3A_32] : memref<10000x128xf32, #tpu.memory_space<hbm>> -> memref<10000x128xf32, #tpu.memory_space<hbm>>
      tpu.enqueue_indirect_dma source(%dma_start3A_33 : memref<10000x128xf32, #tpu.memory_space<hbm>>) target(%arg9 : memref<16x128xf32, #tpu.memory_space<vmem>>) offsets(%get3A_23 : vector<16xi32>) semaphore(%arg12 : memref<!tpu.dma_semaphore, #tpu.memory_space<semaphore_mem>>)
      %dma_start3A_34 = arith.constant 0 : i32
      %dma_start3A_35 = arith.constant 0 : i32
      %dma_start3A_36 = tpu.memref_slice %arg2[%dma_start3A_34, %dma_start3A_35] : memref<10000x128xf32, #tpu.memory_space<hbm>> -> memref<10000x128xf32, #tpu.memory_space<hbm>>
      tpu.enqueue_indirect_dma source(%dma_start3A_36 : memref<10000x128xf32, #tpu.memory_space<hbm>>) target(%arg10 : memref<16x128xf32, #tpu.memory_space<vmem>>) offsets(%get3A_27 : vector<16xi32>) semaphore(%arg12 : memref<!tpu.dma_semaphore, #tpu.memory_space<semaphore_mem>>)
      %dma_start3A_37 = arith.constant 0 : i32
      %dma_start3A_38 = arith.constant 0 : i32
      %dma_start3A_39 = tpu.memref_slice %arg7[%dma_start3A_37, %dma_start3A_38] : memref<1000x1024xi32, #tpu.memory_space<hbm>> -> memref<1000x1024xi32, #tpu.memory_space<hbm>>
      tpu.enqueue_indirect_dma source(%dma_start3A_39 : memref<1000x1024xi32, #tpu.memory_space<hbm>>) target(%arg11 : memref<16x1024xi32, #tpu.memory_space<vmem>>) offsets(%get3A_31 : vector<16xi32>) semaphore(%arg12 : memref<!tpu.dma_semaphore, #tpu.memory_space<semaphore_mem>>)
    } else {
    }
    %scan3A = arith.constant 0 : i32
    %scan3A_13 = arith.constant 0 : i32
    %scan3A_14 = arith.constant 157 : i32
    %scan3A_15 = arith.addi %scan3A_13, %scan3A_14 : i32
    %scan3A_16 = arith.constant 1 : i32
    scf.for %scan3A_21 = %scan3A_13 to %scan3A_15 step %scan3A_16  : i32 {
      %mul3A_22 = arith.constant 2 : i32
      %mul3A_23 = arith.muli %scan3A_21, %mul3A_22 : i32
      %add3A_24 = arith.constant 1 : i32
      %add3A_25 = arith.addi %mul3A_23, %add3A_24 : i32
      %lt3A_26 = arith.cmpi slt, %add3A_25, %select_n3A : i32
      %convert_element_type3A_27 = arith.extui %lt3A_26 : i1 to i32
      %cond3A_28 = arith.constant 0 : i32
      %cond3A_29 = arith.cmpi ne, %convert_element_type3A_27, %cond3A_28 : i32
      scf.if %cond3A_29 {
        %mul3A_46 = arith.constant 16 : i32
        %mul3A_47 = arith.muli %add3A_25, %mul3A_46 : i32
        %add3A_48 = arith.addi %sub3A, %mul3A_47 : i32
        %get3A = arith.index_cast %add3A_48 : i32 to index
        %get3A_49 = tpu.vector_load %arg17[%get3A] {strides = array<i32>} : memref<5008xi32, #tpu.memory_space<vmem>>, vector<16xi32>,
        %mul3A_50 = arith.constant 16 : i32
        %mul3A_51 = arith.muli %add3A_25, %mul3A_50 : i32
        %add3A_52 = arith.addi %sub3A, %mul3A_51 : i32
        %get3A_53 = arith.index_cast %add3A_52 : i32 to index
        %get3A_54 = tpu.vector_load %arg18[%get3A_53] {strides = array<i32>} : memref<5008xi32, #tpu.memory_space<vmem>>, vector<16xi32>,
        %mul3A_55 = arith.constant 16 : i32
        %mul3A_56 = arith.muli %add3A_25, %mul3A_55 : i32
        %add3A_57 = arith.addi %sub3A, %mul3A_56 : i32
        %get3A_58 = arith.index_cast %add3A_57 : i32 to index
        %get3A_59 = tpu.vector_load %arg19[%get3A_58] {strides = array<i32>} : memref<5008xi32, #tpu.memory_space<vmem>>, vector<16xi32>,
        %dma_start3A = arith.constant 0 : i32
        %dma_start3A_60 = arith.constant 0 : i32
        %dma_start3A_61 = tpu.memref_slice %arg2[%dma_start3A, %dma_start3A_60] : memref<10000x128xf32, #tpu.memory_space<hbm>> -> memref<10000x128xf32, #tpu.memory_space<hbm>>
        tpu.enqueue_indirect_dma source(%dma_start3A_61 : memref<10000x128xf32, #tpu.memory_space<hbm>>) target(%arg13 : memref<16x128xf32, #tpu.memory_space<vmem>>) offsets(%get3A_49 : vector<16xi32>) semaphore(%arg16 : memref<!tpu.dma_semaphore, #tpu.memory_space<semaphore_mem>>)
        %dma_start3A_62 = arith.constant 0 : i32
        %dma_start3A_63 = arith.constant 0 : i32
        %dma_start3A_64 = tpu.memref_slice %arg2[%dma_start3A_62, %dma_start3A_63] : memref<10000x128xf32, #tpu.memory_space<hbm>> -> memref<10000x128xf32, #tpu.memory_space<hbm>>
        tpu.enqueue_indirect_dma source(%dma_start3A_64 : memref<10000x128xf32, #tpu.memory_space<hbm>>) target(%arg14 : memref<16x128xf32, #tpu.memory_space<vmem>>) offsets(%get3A_54 : vector<16xi32>) semaphore(%arg16 : memref<!tpu.dma_semaphore, #tpu.memory_space<semaphore_mem>>)
        %dma_start3A_65 = arith.constant 0 : i32
        %dma_start3A_66 = arith.constant 0 : i32
        %dma_start3A_67 = tpu.memref_slice %arg7[%dma_start3A_65, %dma_start3A_66] : memref<1000x1024xi32, #tpu.memory_space<hbm>> -> memref<1000x1024xi32, #tpu.memory_space<hbm>>
        tpu.enqueue_indirect_dma source(%dma_start3A_67 : memref<1000x1024xi32, #tpu.memory_space<hbm>>) target(%arg15 : memref<16x1024xi32, #tpu.memory_space<vmem>>) offsets(%get3A_59 : vector<16xi32>) semaphore(%arg16 : memref<!tpu.dma_semaphore, #tpu.memory_space<semaphore_mem>>)
      } else {
      }
      %lt3A_30 = arith.cmpi slt, %mul3A_23, %select_n3A : i32
      %convert_element_type3A_31 = arith.extui %lt3A_30 : i1 to i32
      %cond3A_32 = arith.constant 0 : i32
      %cond3A_33 = arith.cmpi ne, %convert_element_type3A_31, %cond3A_32 : i32
      scf.if %cond3A_33 {
        %ge3A = arith.constant 2 : i32
        %ge3A_46 = arith.cmpi sge, %mul3A_23, %ge3A : i32
        %convert_element_type3A_47 = arith.extui %ge3A_46 : i1 to i32
        %cond3A_48 = arith.constant 0 : i32
        %cond3A_49 = arith.cmpi ne, %convert_element_type3A_47, %cond3A_48 : i32
        scf.if %cond3A_49 {
          %dma_wait3A_153 = tpu.memref_slice %arg8[%mul3A_8] : memref<160000xf32, #tpu.memory_space<hbm>> -> memref<16xf32, #tpu.memory_space<hbm>>
          %dma_wait3A_154 = tpu.memref_slice %arg8[%mul3A_8] : memref<160000xf32, #tpu.memory_space<hbm>> -> memref<16xf32, #tpu.memory_space<hbm>>
          tpu.wait_dma2 semaphore(%arg23 : memref<!tpu.dma_semaphore, #tpu.memory_space<semaphore_mem>>) src(%arg22 : memref<16xf32, #tpu.memory_space<vmem>>) dst(%dma_wait3A_154 : memref<16xf32, #tpu.memory_space<hbm>>)
        } else {
        }
        %dma_wait3A_50 = arith.constant 0 : i32
        %dma_wait3A_51 = tpu.memref_slice %arg17[%dma_wait3A_50] : memref<5008xi32, #tpu.memory_space<vmem>> -> memref<16xi32, #tpu.memory_space<vmem>>
        %dma_wait3A_52 = arith.constant 0 : i32
        %dma_wait3A_53 = arith.constant 0 : i32
        %dma_wait3A_54 = tpu.memref_slice %arg2[%dma_wait3A_52, %dma_wait3A_53] : memref<10000x128xf32, #tpu.memory_space<hbm>> -> memref<10000x128xf32, #tpu.memory_space<hbm>>
        tpu.wait_indirect_dma semaphore(%arg12 : memref<!tpu.dma_semaphore, #tpu.memory_space<semaphore_mem>>) src(%dma_wait3A_54 : memref<10000x128xf32, #tpu.memory_space<hbm>>) dst(%arg9 : memref<16x128xf32, #tpu.memory_space<vmem>>)
        %dma_wait3A_55 = arith.constant 0 : i32
        %dma_wait3A_56 = tpu.memref_slice %arg17[%dma_wait3A_55] : memref<5008xi32, #tpu.memory_space<vmem>> -> memref<16xi32, #tpu.memory_space<vmem>>
        %dma_wait3A_57 = arith.constant 0 : i32
        %dma_wait3A_58 = arith.constant 0 : i32
        %dma_wait3A_59 = tpu.memref_slice %arg2[%dma_wait3A_57, %dma_wait3A_58] : memref<10000x128xf32, #tpu.memory_space<hbm>> -> memref<10000x128xf32, #tpu.memory_space<hbm>>
        tpu.wait_indirect_dma semaphore(%arg12 : memref<!tpu.dma_semaphore, #tpu.memory_space<semaphore_mem>>) src(%dma_wait3A_59 : memref<10000x128xf32, #tpu.memory_space<hbm>>) dst(%arg10 : memref<16x128xf32, #tpu.memory_space<vmem>>)
        %dma_wait3A_60 = arith.constant 0 : i32
        %dma_wait3A_61 = tpu.memref_slice %arg19[%dma_wait3A_60] : memref<5008xi32, #tpu.memory_space<vmem>> -> memref<16xi32, #tpu.memory_space<vmem>>
        %dma_wait3A_62 = arith.constant 0 : i32
        %dma_wait3A_63 = arith.constant 0 : i32
        %dma_wait3A_64 = tpu.memref_slice %arg7[%dma_wait3A_62, %dma_wait3A_63] : memref<1000x1024xi32, #tpu.memory_space<hbm>> -> memref<1000x1024xi32, #tpu.memory_space<hbm>>
        tpu.wait_indirect_dma semaphore(%arg12 : memref<!tpu.dma_semaphore, #tpu.memory_space<semaphore_mem>>) src(%dma_wait3A_64 : memref<1000x1024xi32, #tpu.memory_space<hbm>>) dst(%arg11 : memref<16x1024xi32, #tpu.memory_space<vmem>>)
        %mul3A_65 = arith.constant 16 : i32
        %mul3A_66 = arith.muli %mul3A_23, %mul3A_65 : i32
        %add3A_67 = arith.addi %sub3A, %mul3A_66 : i32
        %get3A = arith.index_cast %add3A_67 : i32 to index
        %get3A_68 = tpu.vector_load %arg19[%get3A] {strides = array<i32>} : memref<5008xi32, #tpu.memory_space<vmem>>, vector<16xi32>,
        %parallel_loop3A = arith.constant 0 : i32
        %parallel_loop3A_69 = arith.constant 16 : i32
        %parallel_loop3A_70 = arith.constant 1 : i32
        scf.for %parallel_loop3A_153 = %parallel_loop3A to %parallel_loop3A_69 step %parallel_loop3A_70  : i32 {
          %parallel_loop3A_154 = vector.broadcast %parallel_loop3A_153 : i32 to vector<16x1xi32>
          %parallel_loop3A_155 = vector.shape_cast %parallel_loop3A_154 : vector<16x1xi32> to vector<16xi32>
          %parallel_loop3A_156 = tpu.dynamic_gather %get3A_68[%parallel_loop3A_155] in [0] : vector<16xi32>, vector<16xi32> -> vector<16xi32>
          %parallel_loop3A_157 = arith.constant 16 : i32
          %parallel_loop3A_158 = vector.broadcast %parallel_loop3A_157 : i32 to vector<16xi32>
          %parallel_loop3A_159 = arith.muli %parallel_loop3A_156, %parallel_loop3A_158 : vector<16xi32>
          %parallel_loop3A_160 = arith.addi %parallel_loop3A_159, %iota3A : vector<16xi32>
          %parallel_loop3A_161 = tpu.vector_load_idx %arg20[%parallel_loop3A_160] : memref<16000xf32, #tpu.memory_space<vmem>>[vector<16xi32>], vector<16xf32>,
          %parallel_loop3A_162 = arith.constant 0.000000e+00 : f32
          %parallel_loop3A_163 = vector.broadcast %parallel_loop3A_162 : f32 to vector<16xf32>
          %parallel_loop3A_164 = arith.constant 0.000000e+00 : f32
          %parallel_loop3A_165 = vector.broadcast %parallel_loop3A_164 : f32 to vector<16xf32>
          %parallel_loop3A_166 = arith.constant 0.000000e+00 : f32
          %parallel_loop3A_167 = vector.broadcast %parallel_loop3A_166 : f32 to vector<16xf32>
          %parallel_loop3A_168 = arith.index_cast %parallel_loop3A_153 : i32 to index
          %parallel_loop3A_169 = arith.constant 0 : index
          %parallel_loop3A_170 = tpu.vector_load %arg9[%parallel_loop3A_168, %parallel_loop3A_169] {strides = array<i32>} : memref<16x128xf32, #tpu.memory_space<vmem>>, vector<16xf32>,
          %parallel_loop3A_171 = arith.index_cast %parallel_loop3A_153 : i32 to index
          %parallel_loop3A_172 = arith.constant 0 : index
          %parallel_loop3A_173 = tpu.vector_load %arg10[%parallel_loop3A_171, %parallel_loop3A_172] {strides = array<i32>} : memref<16x128xf32, #tpu.memory_space<vmem>>, vector<16xf32>,
          %parallel_loop3A_174 = arith.subf %parallel_loop3A_170, %parallel_loop3A_173 : vector<16xf32>
          %parallel_loop3A_175 = arith.index_cast %parallel_loop3A_153 : i32 to index
          %parallel_loop3A_176 = arith.constant 0 : index
          %parallel_loop3A_177 = tpu.vector_load %arg11[%parallel_loop3A_175, %parallel_loop3A_176] {strides = array<i32>} : memref<16x1024xi32, #tpu.memory_space<vmem>>, vector<16xi32>,
          %parallel_loop3A_178 = vector.bitcast %parallel_loop3A_177 : vector<16xi32> to vector<32xbf16>
          %parallel_loop3A_179 = tpu.unpack_subelements %parallel_loop3A_178, 0 {pack_format = #tpu.pack_format<interleaved>} : vector<32xbf16> -> vector<16xf32>
          %parallel_loop3A_180 = tpu.unpack_subelements %parallel_loop3A_178, 1 {pack_format = #tpu.pack_format<interleaved>} : vector<32xbf16> -> vector<16xf32>
          %parallel_loop3A_181 = arith.constant 0 : i32
          %parallel_loop3A_182 = vector.broadcast %parallel_loop3A_181 : i32 to vector<16x1xi32>
          %parallel_loop3A_183 = vector.shape_cast %parallel_loop3A_182 : vector<16x1xi32> to vector<16xi32>
          %parallel_loop3A_184 = tpu.dynamic_gather %parallel_loop3A_174[%parallel_loop3A_183] in [0] : vector<16xf32>, vector<16xi32> -> vector<16xf32>
          %parallel_loop3A_185 = arith.mulf %parallel_loop3A_184, %parallel_loop3A_179 : vector<16xf32>
          %parallel_loop3A_186 = arith.addf %parallel_loop3A_161, %parallel_loop3A_185 : vector<16xf32>
          %parallel_loop3A_187 = arith.constant 1 : i32
          %parallel_loop3A_188 = vector.broadcast %parallel_loop3A_187 : i32 to vector<16x1xi32>
          %parallel_loop3A_189 = vector.shape_cast %parallel_loop3A_188 : vector<16x1xi32> to vector<16xi32>
          %parallel_loop3A_190 = tpu.dynamic_gather %parallel_loop3A_174[%parallel_loop3A_189] in [0] : vector<16xf32>, vector<16xi32> -> vector<16xf32>
          %parallel_loop3A_191 = arith.mulf %parallel_loop3A_190, %parallel_loop3A_180 : vector<16xf32>
          %parallel_loop3A_192 = arith.addf %parallel_loop3A_163, %parallel_loop3A_191 : vector<16xf32>
          %parallel_loop3A_193 = arith.index_cast %parallel_loop3A_153 : i32 to index
          %parallel_loop3A_194 = arith.constant 16 : index
          %parallel_loop3A_195 = tpu.vector_load %arg11[%parallel_loop3A_193, %parallel_loop3A_194] {strides = array<i32>} : memref<16x1024xi32, #tpu.memory_space<vmem>>, vector<16xi32>,
          %parallel_loop3A_196 = vector.bitcast %parallel_loop3A_195 : vector<16xi32> to vector<32xbf16>
          %parallel_loop3A_197 = tpu.unpack_subelements %parallel_loop3A_196, 0 {pack_format = #tpu.pack_format<interleaved>} : vector<32xbf16> -> vector<16xf32>
          %parallel_loop3A_198 = tpu.unpack_subelements %parallel_loop3A_196, 1 {pack_format = #tpu.pack_format<interleaved>} : vector<32xbf16> -> vector<16xf32>
          %parallel_loop3A_199 = arith.constant 2 : i32
          %parallel_loop3A_200 = vector.broadcast %parallel_loop3A_199 : i32 to vector<16x1xi32>
          %parallel_loop3A_201 = vector.shape_cast %parallel_loop3A_200 : vector<16x1xi32> to vector<16xi32>
          %parallel_loop3A_202 = tpu.dynamic_gather %parallel_loop3A_174[%parallel_loop3A_201] in [0] : vector<16xf32>, vector<16xi32> -> vector<16xf32>
          %parallel_loop3A_203 = arith.mulf %parallel_loop3A_202, %parallel_loop3A_197 : vector<16xf32>
          %parallel_loop3A_204 = arith.addf %parallel_loop3A_165, %parallel_loop3A_203 : vector<16xf32>
          %parallel_loop3A_205 = arith.constant 3 : i32
          %parallel_loop3A_206 = vector.broadcast %parallel_loop3A_205 : i32 to vector<16x1xi32>
          %parallel_loop3A_207 = vector.shape_cast %parallel_loop3A_206 : vector<16x1xi32> to vector<16xi32>
          %parallel_loop3A_208 = tpu.dynamic_gather %parallel_loop3A_174[%parallel_loop3A_207] in [0] : vector<16xf32>, vector<16xi32> -> vector<16xf32>
          %parallel_loop3A_209 = arith.mulf %parallel_loop3A_208, %parallel_loop3A_198 : vector<16xf32>
          %parallel_loop3A_210 = arith.addf %parallel_loop3A_167, %parallel_loop3A_209 : vector<16xf32>
          %parallel_loop3A_211 = arith.index_cast %parallel_loop3A_153 : i32 to index
          %parallel_loop3A_212 = arith.constant 32 : index
          %parallel_loop3A_213 = tpu.vector_load %arg11[%parallel_loop3A_211, %parallel_loop3A_212] {strides = array<i32>} : memref<16x1024xi32, #tpu.memory_space<vmem>>, vector<16xi32>,
          %parallel_loop3A_214 = vector.bitcast %parallel_loop3A_213 : vector<16xi32> to vector<32xbf16>
          %parallel_loop3A_215 = tpu.unpack_subelements %parallel_loop3A_214, 0 {pack_format = #tpu.pack_format<interleaved>} : vector<32xbf16> -> vector<16xf32>
          %parallel_loop3A_216 = tpu.unpack_subelements %parallel_loop3A_214, 1 {pack_format = #tpu.pack_format<interleaved>} : vector<32xbf16> -> vector<16xf32>
          %parallel_loop3A_217 = arith.constant 4 : i32
          %parallel_loop3A_218 = vector.broadcast %parallel_loop3A_217 : i32 to vector<16x1xi32>
          %parallel_loop3A_219 = vector.shape_cast %parallel_loop3A_218 : vector<16x1xi32> to vector<16xi32>
          %parallel_loop3A_220 = tpu.dynamic_gather %parallel_loop3A_174[%parallel_loop3A_219] in [0] : vector<16xf32>, vector<16xi32> -> vector<16xf32>
          %parallel_loop3A_221 = arith.mulf %parallel_loop3A_220, %parallel_loop3A_215 : vector<16xf32>
          %parallel_loop3A_222 = arith.addf %parallel_loop3A_186, %parallel_loop3A_221 : vector<16xf32>
          %parallel_loop3A_223 = arith.constant 5 : i32
          %parallel_loop3A_224 = vector.broadcast %parallel_loop3A_223 : i32 to vector<16x1xi32>
          %parallel_loop3A_225 = vector.shape_cast %parallel_loop3A_224 : vector<16x1xi32> to vector<16xi32>
          %parallel_loop3A_226 = tpu.dynamic_gather %parallel_loop3A_174[%parallel_loop3A_225] in [0] : vector<16xf32>, vector<16xi32> -> vector<16xf32>
          %parallel_loop3A_227 = arith.mulf %parallel_loop3A_226, %parallel_loop3A_216 : vector<16xf32>
          %parallel_loop3A_228 = arith.addf %parallel_loop3A_192, %parallel_loop3A_227 : vector<16xf32>
          %parallel_loop3A_229 = arith.index_cast %parallel_loop3A_153 : i32 to index
          %parallel_loop3A_230 = arith.constant 48 : index
          %parallel_loop3A_231 = tpu.vector_load %arg11[%parallel_loop3A_229, %parallel_loop3A_230] {strides = array<i32>} : memref<16x1024xi32, #tpu.memory_space<vmem>>, vector<16xi32>,
          %parallel_loop3A_232 = vector.bitcast %parallel_loop3A_231 : vector<16xi32> to vector<32xbf16>
          %parallel_loop3A_233 = tpu.unpack_subelements %parallel_loop3A_232, 0 {pack_format = #tpu.pack_format<interleaved>} : vector<32xbf16> -> vector<16xf32>
          %parallel_loop3A_234 = tpu.unpack_subelements %parallel_loop3A_232, 1 {pack_format = #tpu.pack_format<interleaved>} : vector<32xbf16> -> vector<16xf32>
          %parallel_loop3A_235 = arith.constant 6 : i32
          %parallel_loop3A_236 = vector.broadcast %parallel_loop3A_235 : i32 to vector<16x1xi32>
          %parallel_loop3A_237 = vector.shape_cast %parallel_loop3A_236 : vector<16x1xi32> to vector<16xi32>
          %parallel_loop3A_238 = tpu.dynamic_gather %parallel_loop3A_174[%parallel_loop3A_237] in [0] : vector<16xf32>, vector<16xi32> -> vector<16xf32>
          %parallel_loop3A_239 = arith.mulf %parallel_loop3A_238, %parallel_loop3A_233 : vector<16xf32>
          %parallel_loop3A_240 = arith.addf %parallel_loop3A_204, %parallel_loop3A_239 : vector<16xf32>
          %parallel_loop3A_241 = arith.constant 7 : i32
          %parallel_loop3A_242 = vector.broadcast %parallel_loop3A_241 : i32 to vector<16x1xi32>
          %parallel_loop3A_243 = vector.shape_cast %parallel_loop3A_242 : vector<16x1xi32> to vector<16xi32>
          %parallel_loop3A_244 = tpu.dynamic_gather %parallel_loop3A_174[%parallel_loop3A_243] in [0] : vector<16xf32>, vector<16xi32> -> vector<16xf32>
          %parallel_loop3A_245 = arith.mulf %parallel_loop3A_244, %parallel_loop3A_234 : vector<16xf32>
          %parallel_loop3A_246 = arith.addf %parallel_loop3A_210, %parallel_loop3A_245 : vector<16xf32>
          %parallel_loop3A_247 = arith.index_cast %parallel_loop3A_153 : i32 to index
          %parallel_loop3A_248 = arith.constant 64 : index
          %parallel_loop3A_249 = tpu.vector_load %arg11[%parallel_loop3A_247, %parallel_loop3A_248] {strides = array<i32>} : memref<16x1024xi32, #tpu.memory_space<vmem>>, vector<16xi32>,
          %parallel_loop3A_250 = vector.bitcast %parallel_loop3A_249 : vector<16xi32> to vector<32xbf16>
          %parallel_loop3A_251 = tpu.unpack_subelements %parallel_loop3A_250, 0 {pack_format = #tpu.pack_format<interleaved>} : vector<32xbf16> -> vector<16xf32>
          %parallel_loop3A_252 = tpu.unpack_subelements %parallel_loop3A_250, 1 {pack_format = #tpu.pack_format<interleaved>} : vector<32xbf16> -> vector<16xf32>
          %parallel_loop3A_253 = arith.constant 8 : i32
          %parallel_loop3A_254 = vector.broadcast %parallel_loop3A_253 : i32 to vector<16x1xi32>
          %parallel_loop3A_255 = vector.shape_cast %parallel_loop3A_254 : vector<16x1xi32> to vector<16xi32>
          %parallel_loop3A_256 = tpu.dynamic_gather %parallel_loop3A_174[%parallel_loop3A_255] in [0] : vector<16xf32>, vector<16xi32> -> vector<16xf32>
          %parallel_loop3A_257 = arith.mulf %parallel_loop3A_256, %parallel_loop3A_251 : vector<16xf32>
          %parallel_loop3A_258 = arith.addf %parallel_loop3A_222, %parallel_loop3A_257 : vector<16xf32>
          %parallel_loop3A_259 = arith.constant 9 : i32
          %parallel_loop3A_260 = vector.broadcast %parallel_loop3A_259 : i32 to vector<16x1xi32>
          %parallel_loop3A_261 = vector.shape_cast %parallel_loop3A_260 : vector<16x1xi32> to vector<16xi32>
          %parallel_loop3A_262 = tpu.dynamic_gather %parallel_loop3A_174[%parallel_loop3A_261] in [0] : vector<16xf32>, vector<16xi32> -> vector<16xf32>
          %parallel_loop3A_263 = arith.mulf %parallel_loop3A_262, %parallel_loop3A_252 : vector<16xf32>
          %parallel_loop3A_264 = arith.addf %parallel_loop3A_228, %parallel_loop3A_263 : vector<16xf32>
          %parallel_loop3A_265 = arith.index_cast %parallel_loop3A_153 : i32 to index
          %parallel_loop3A_266 = arith.constant 80 : index
          %parallel_loop3A_267 = tpu.vector_load %arg11[%parallel_loop3A_265, %parallel_loop3A_266] {strides = array<i32>} : memref<16x1024xi32, #tpu.memory_space<vmem>>, vector<16xi32>,
          %parallel_loop3A_268 = vector.bitcast %parallel_loop3A_267 : vector<16xi32> to vector<32xbf16>
          %parallel_loop3A_269 = tpu.unpack_subelements %parallel_loop3A_268, 0 {pack_format = #tpu.pack_format<interleaved>} : vector<32xbf16> -> vector<16xf32>
          %parallel_loop3A_270 = tpu.unpack_subelements %parallel_loop3A_268, 1 {pack_format = #tpu.pack_format<interleaved>} : vector<32xbf16> -> vector<16xf32>
          %parallel_loop3A_271 = arith.constant 10 : i32
          %parallel_loop3A_272 = vector.broadcast %parallel_loop3A_271 : i32 to vector<16x1xi32>
          %parallel_loop3A_273 = vector.shape_cast %parallel_loop3A_272 : vector<16x1xi32> to vector<16xi32>
          %parallel_loop3A_274 = tpu.dynamic_gather %parallel_loop3A_174[%parallel_loop3A_273] in [0] : vector<16xf32>, vector<16xi32> -> vector<16xf32>
          %parallel_loop3A_275 = arith.mulf %parallel_loop3A_274, %parallel_loop3A_269 : vector<16xf32>
          %parallel_loop3A_276 = arith.addf %parallel_loop3A_240, %parallel_loop3A_275 : vector<16xf32>
          %parallel_loop3A_277 = arith.constant 11 : i32
          %parallel_loop3A_278 = vector.broadcast %parallel_loop3A_277 : i32 to vector<16x1xi32>
          %parallel_loop3A_279 = vector.shape_cast %parallel_loop3A_278 : vector<16x1xi32> to vector<16xi32>
          %parallel_loop3A_280 = tpu.dynamic_gather %parallel_loop3A_174[%parallel_loop3A_279] in [0] : vector<16xf32>, vector<16xi32> -> vector<16xf32>
          %parallel_loop3A_281 = arith.mulf %parallel_loop3A_280, %parallel_loop3A_270 : vector<16xf32>
          %parallel_loop3A_282 = arith.addf %parallel_loop3A_246, %parallel_loop3A_281 : vector<16xf32>
          %parallel_loop3A_283 = arith.index_cast %parallel_loop3A_153 : i32 to index
          %parallel_loop3A_284 = arith.constant 96 : index
          %parallel_loop3A_285 = tpu.vector_load %arg11[%parallel_loop3A_283, %parallel_loop3A_284] {strides = array<i32>} : memref<16x1024xi32, #tpu.memory_space<vmem>>, vector<16xi32>,
          %parallel_loop3A_286 = vector.bitcast %parallel_loop3A_285 : vector<16xi32> to vector<32xbf16>
          %parallel_loop3A_287 = tpu.unpack_subelements %parallel_loop3A_286, 0 {pack_format = #tpu.pack_format<interleaved>} : vector<32xbf16> -> vector<16xf32>
          %parallel_loop3A_288 = tpu.unpack_subelements %parallel_loop3A_286, 1 {pack_format = #tpu.pack_format<interleaved>} : vector<32xbf16> -> vector<16xf32>
          %parallel_loop3A_289 = arith.constant 12 : i32
          %parallel_loop3A_290 = vector.broadcast %parallel_loop3A_289 : i32 to vector<16x1xi32>
          %parallel_loop3A_291 = vector.shape_cast %parallel_loop3A_290 : vector<16x1xi32> to vector<16xi32>
          %parallel_loop3A_292 = tpu.dynamic_gather %parallel_loop3A_174[%parallel_loop3A_291] in [0] : vector<16xf32>, vector<16xi32> -> vector<16xf32>
          %parallel_loop3A_293 = arith.mulf %parallel_loop3A_292, %parallel_loop3A_287 : vector<16xf32>
          %parallel_loop3A_294 = arith.addf %parallel_loop3A_258, %parallel_loop3A_293 : vector<16xf32>
          %parallel_loop3A_295 = arith.constant 13 : i32
          %parallel_loop3A_296 = vector.broadcast %parallel_loop3A_295 : i32 to vector<16x1xi32>
          %parallel_loop3A_297 = vector.shape_cast %parallel_loop3A_296 : vector<16x1xi32> to vector<16xi32>
          %parallel_loop3A_298 = tpu.dynamic_gather %parallel_loop3A_174[%parallel_loop3A_297] in [0] : vector<16xf32>, vector<16xi32> -> vector<16xf32>
          %parallel_loop3A_299 = arith.mulf %parallel_loop3A_298, %parallel_loop3A_288 : vector<16xf32>
          %parallel_loop3A_300 = arith.addf %parallel_loop3A_264, %parallel_loop3A_299 : vector<16xf32>
          %parallel_loop3A_301 = arith.index_cast %parallel_loop3A_153 : i32 to index
          %parallel_loop3A_302 = arith.constant 112 : index
          %parallel_loop3A_303 = tpu.vector_load %arg11[%parallel_loop3A_301, %parallel_loop3A_302] {strides = array<i32>} : memref<16x1024xi32, #tpu.memory_space<vmem>>, vector<16xi32>,
          %parallel_loop3A_304 = vector.bitcast %parallel_loop3A_303 : vector<16xi32> to vector<32xbf16>
          %parallel_loop3A_305 = tpu.unpack_subelements %parallel_loop3A_304, 0 {pack_format = #tpu.pack_format<interleaved>} : vector<32xbf16> -> vector<16xf32>
          %parallel_loop3A_306 = tpu.unpack_subelements %parallel_loop3A_304, 1 {pack_format = #tpu.pack_format<interleaved>} : vector<32xbf16> -> vector<16xf32>
          %parallel_loop3A_307 = arith.constant 14 : i32
          %parallel_loop3A_308 = vector.broadcast %parallel_loop3A_307 : i32 to vector<16x1xi32>
          %parallel_loop3A_309 = vector.shape_cast %parallel_loop3A_308 : vector<16x1xi32> to vector<16xi32>
          %parallel_loop3A_310 = tpu.dynamic_gather %parallel_loop3A_174[%parallel_loop3A_309] in [0] : vector<16xf32>, vector<16xi32> -> vector<16xf32>
          %parallel_loop3A_311 = arith.mulf %parallel_loop3A_310, %parallel_loop3A_305 : vector<16xf32>
          %parallel_loop3A_312 = arith.addf %parallel_loop3A_276, %parallel_loop3A_311 : vector<16xf32>
          %parallel_loop3A_313 = arith.constant 15 : i32
          %parallel_loop3A_314 = vector.broadcast %parallel_loop3A_313 : i32 to vector<16x1xi32>
          %parallel_loop3A_315 = vector.shape_cast %parallel_loop3A_314 : vector<16x1xi32> to vector<16xi32>
          %parallel_loop3A_316 = tpu.dynamic_gather %parallel_loop3A_174[%parallel_loop3A_315] in [0] : vector<16xf32>, vector<16xi32> -> vector<16xf32>
          %parallel_loop3A_317 = arith.mulf %parallel_loop3A_316, %parallel_loop3A_306 : vector<16xf32>
          %parallel_loop3A_318 = arith.addf %parallel_loop3A_282, %parallel_loop3A_317 : vector<16xf32>
          %parallel_loop3A_319 = arith.index_cast %parallel_loop3A_153 : i32 to index
          %parallel_loop3A_320 = arith.constant 16 : index
          %parallel_loop3A_321 = tpu.vector_load %arg9[%parallel_loop3A_319, %parallel_loop3A_320] {strides = array<i32>} : memref<16x128xf32, #tpu.memory_space<vmem>>, vector<16xf32>,
          %parallel_loop3A_322 = arith.index_cast %parallel_loop3A_153 : i32 to index
          %parallel_loop3A_323 = arith.constant 16 : index
          %parallel_loop3A_324 = tpu.vector_load %arg10[%parallel_loop3A_322, %parallel_loop3A_323] {strides = array<i32>} : memref<16x128xf32, #tpu.memory_space<vmem>>, vector<16xf32>,
          %parallel_loop3A_325 = arith.subf %parallel_loop3A_321, %parallel_loop3A_324 : vector<16xf32>
          %parallel_loop3A_326 = arith.index_cast %parallel_loop3A_153 : i32 to index
          %parallel_loop3A_327 = arith.constant 128 : index
          %parallel_loop3A_328 = tpu.vector_load %arg11[%parallel_loop3A_326, %parallel_loop3A_327] {strides = array<i32>} : memref<16x1024xi32, #tpu.memory_space<vmem>>, vector<16xi32>,
          %parallel_loop3A_329 = vector.bitcast %parallel_loop3A_328 : vector<16xi32> to vector<32xbf16>
          %parallel_loop3A_330 = tpu.unpack_subelements %parallel_loop3A_329, 0 {pack_format = #tpu.pack_format<interleaved>} : vector<32xbf16> -> vector<16xf32>
          %parallel_loop3A_331 = tpu.unpack_subelements %parallel_loop3A_329, 1 {pack_format = #tpu.pack_format<interleaved>} : vector<32xbf16> -> vector<16xf32>
          %parallel_loop3A_332 = arith.constant 0 : i32
          %parallel_loop3A_333 = vector.broadcast %parallel_loop3A_332 : i32 to vector<16x1xi32>
          %parallel_loop3A_334 = vector.shape_cast %parallel_loop3A_333 : vector<16x1xi32> to vector<16xi32>
          %parallel_loop3A_335 = tpu.dynamic_gather %parallel_loop3A_325[%parallel_loop3A_334] in [0] : vector<16xf32>, vector<16xi32> -> vector<16xf32>
          %parallel_loop3A_336 = arith.mulf %parallel_loop3A_335, %parallel_loop3A_330 : vector<16xf32>
          %parallel_loop3A_337 = arith.addf %parallel_loop3A_294, %parallel_loop3A_336 : vector<16xf32>
          %parallel_loop3A_338 = arith.constant 1 : i32
          %parallel_loop3A_339 = vector.broadcast %parallel_loop3A_338 : i32 to vector<16x1xi32>
          %parallel_loop3A_340 = vector.shape_cast %parallel_loop3A_339 : vector<16x1xi32> to vector<16xi32>
          %parallel_loop3A_341 = tpu.dynamic_gather %parallel_loop3A_325[%parallel_loop3A_340] in [0] : vector<16xf32>, vector<16xi32> -> vector<16xf32>
          %parallel_loop3A_342 = arith.mulf %parallel_loop3A_341, %parallel_loop3A_331 : vector<16xf32>
          %parallel_loop3A_343 = arith.addf %parallel_loop3A_300, %parallel_loop3A_342 : vector<16xf32>
          %parallel_loop3A_344 = arith.index_cast %parallel_loop3A_153 : i32 to index
          %parallel_loop3A_345 = arith.constant 144 : index
          %parallel_loop3A_346 = tpu.vector_load %arg11[%parallel_loop3A_344, %parallel_loop3A_345] {strides = array<i32>} : memref<16x1024xi32, #tpu.memory_space<vmem>>, vector<16xi32>,
          %parallel_loop3A_347 = vector.bitcast %parallel_loop3A_346 : vector<16xi32> to vector<32xbf16>
          %parallel_loop3A_348 = tpu.unpack_subelements %parallel_loop3A_347, 0 {pack_format = #tpu.pack_format<interleaved>} : vector<32xbf16> -> vector<16xf32>
          %parallel_loop3A_349 = tpu.unpack_subelements %parallel_loop3A_347, 1 {pack_format = #tpu.pack_format<interleaved>} : vector<32xbf16> -> vector<16xf32>
          %parallel_loop3A_350 = arith.constant 2 : i32
          %parallel_loop3A_351 = vector.broadcast %parallel_loop3A_350 : i32 to vector<16x1xi32>
          %parallel_loop3A_352 = vector.shape_cast %parallel_loop3A_351 : vector<16x1xi32> to vector<16xi32>
          %parallel_loop3A_353 = tpu.dynamic_gather %parallel_loop3A_325[%parallel_loop3A_352] in [0] : vector<16xf32>, vector<16xi32> -> vector<16xf32>
          %parallel_loop3A_354 = arith.mulf %parallel_loop3A_353, %parallel_loop3A_348 : vector<16xf32>
          %parallel_loop3A_355 = arith.addf %parallel_loop3A_312, %parallel_loop3A_354 : vector<16xf32>
          %parallel_loop3A_356 = arith.constant 3 : i32
          %parallel_loop3A_357 = vector.broadcast %parallel_loop3A_356 : i32 to vector<16x1xi32>
          %parallel_loop3A_358 = vector.shape_cast %parallel_loop3A_357 : vector<16x1xi32> to vector<16xi32>
          %parallel_loop3A_359 = tpu.dynamic_gather %parallel_loop3A_325[%parallel_loop3A_358] in [0] : vector<16xf32>, vector<16xi32> -> vector<16xf32>
          %parallel_loop3A_360 = arith.mulf %parallel_loop3A_359, %parallel_loop3A_349 : vector<16xf32>
          %parallel_loop3A_361 = arith.addf %parallel_loop3A_318, %parallel_loop3A_360 : vector<16xf32>
          %parallel_loop3A_362 = arith.index_cast %parallel_loop3A_153 : i32 to index
          %parallel_loop3A_363 = arith.constant 160 : index
          %parallel_loop3A_364 = tpu.vector_load %arg11[%parallel_loop3A_362, %parallel_loop3A_363] {strides = array<i32>} : memref<16x1024xi32, #tpu.memory_space<vmem>>, vector<16xi32>,
          %parallel_loop3A_365 = vector.bitcast %parallel_loop3A_364 : vector<16xi32> to vector<32xbf16>
          %parallel_loop3A_366 = tpu.unpack_subelements %parallel_loop3A_365, 0 {pack_format = #tpu.pack_format<interleaved>} : vector<32xbf16> -> vector<16xf32>
          %parallel_loop3A_367 = tpu.unpack_subelements %parallel_loop3A_365, 1 {pack_format = #tpu.pack_format<interleaved>} : vector<32xbf16> -> vector<16xf32>
          %parallel_loop3A_368 = arith.constant 4 : i32
          %parallel_loop3A_369 = vector.broadcast %parallel_loop3A_368 : i32 to vector<16x1xi32>
          %parallel_loop3A_370 = vector.shape_cast %parallel_loop3A_369 : vector<16x1xi32> to vector<16xi32>
          %parallel_loop3A_371 = tpu.dynamic_gather %parallel_loop3A_325[%parallel_loop3A_370] in [0] : vector<16xf32>, vector<16xi32> -> vector<16xf32>
          %parallel_loop3A_372 = arith.mulf %parallel_loop3A_371, %parallel_loop3A_366 : vector<16xf32>
          %parallel_loop3A_373 = arith.addf %parallel_loop3A_337, %parallel_loop3A_372 : vector<16xf32>
          %parallel_loop3A_374 = arith.constant 5 : i32
          %parallel_loop3A_375 = vector.broadcast %parallel_loop3A_374 : i32 to vector<16x1xi32>
          %parallel_loop3A_376 = vector.shape_cast %parallel_loop3A_375 : vector<16x1xi32> to vector<16xi32>
          %parallel_loop3A_377 = tpu.dynamic_gather %parallel_loop3A_325[%parallel_loop3A_376] in [0] : vector<16xf32>, vector<16xi32> -> vector<16xf32>
          %parallel_loop3A_378 = arith.mulf %parallel_loop3A_377, %parallel_loop3A_367 : vector<16xf32>
          %parallel_loop3A_379 = arith.addf %parallel_loop3A_343, %parallel_loop3A_378 : vector<16xf32>
          %parallel_loop3A_380 = arith.index_cast %parallel_loop3A_153 : i32 to index
          %parallel_loop3A_381 = arith.constant 176 : index
          %parallel_loop3A_382 = tpu.vector_load %arg11[%parallel_loop3A_380, %parallel_loop3A_381] {strides = array<i32>} : memref<16x1024xi32, #tpu.memory_space<vmem>>, vector<16xi32>,
          %parallel_loop3A_383 = vector.bitcast %parallel_loop3A_382 : vector<16xi32> to vector<32xbf16>
          %parallel_loop3A_384 = tpu.unpack_subelements %parallel_loop3A_383, 0 {pack_format = #tpu.pack_format<interleaved>} : vector<32xbf16> -> vector<16xf32>
          %parallel_loop3A_385 = tpu.unpack_subelements %parallel_loop3A_383, 1 {pack_format = #tpu.pack_format<interleaved>} : vector<32xbf16> -> vector<16xf32>
          %parallel_loop3A_386 = arith.constant 6 : i32
          %parallel_loop3A_387 = vector.broadcast %parallel_loop3A_386 : i32 to vector<16x1xi32>
          %parallel_loop3A_388 = vector.shape_cast %parallel_loop3A_387 : vector<16x1xi32> to vector<16xi32>
          %parallel_loop3A_389 = tpu.dynamic_gather %parallel_loop3A_325[%parallel_loop3A_388] in [0] : vector<16xf32>, vector<16xi32> -> vector<16xf32>
          %parallel_loop3A_390 = arith.mulf %parallel_loop3A_389, %parallel_loop3A_384 : vector<16xf32>
          %parallel_loop3A_391 = arith.addf %parallel_loop3A_355, %parallel_loop3A_390 : vector<16xf32>
          %parallel_loop3A_392 = arith.constant 7 : i32
          %parallel_loop3A_393 = vector.broadcast %parallel_loop3A_392 : i32 to vector<16x1xi32>
          %parallel_loop3A_394 = vector.shape_cast %parallel_loop3A_393 : vector<16x1xi32> to vector<16xi32>
          %parallel_loop3A_395 = tpu.dynamic_gather %parallel_loop3A_325[%parallel_loop3A_394] in [0] : vector<16xf32>, vector<16xi32> -> vector<16xf32>
          %parallel_loop3A_396 = arith.mulf %parallel_loop3A_395, %parallel_loop3A_385 : vector<16xf32>
          %parallel_loop3A_397 = arith.addf %parallel_loop3A_361, %parallel_loop3A_396 : vector<16xf32>
          %parallel_loop3A_398 = arith.index_cast %parallel_loop3A_153 : i32 to index
          %parallel_loop3A_399 = arith.constant 192 : index
          %parallel_loop3A_400 = tpu.vector_load %arg11[%parallel_loop3A_398, %parallel_loop3A_399] {strides = array<i32>} : memref<16x1024xi32, #tpu.memory_space<vmem>>, vector<16xi32>,
          %parallel_loop3A_401 = vector.bitcast %parallel_loop3A_400 : vector<16xi32> to vector<32xbf16>
          %parallel_loop3A_402 = tpu.unpack_subelements %parallel_loop3A_401, 0 {pack_format = #tpu.pack_format<interleaved>} : vector<32xbf16> -> vector<16xf32>
          %parallel_loop3A_403 = tpu.unpack_subelements %parallel_loop3A_401, 1 {pack_format = #tpu.pack_format<interleaved>} : vector<32xbf16> -> vector<16xf32>
          %parallel_loop3A_404 = arith.constant 8 : i32
          %parallel_loop3A_405 = vector.broadcast %parallel_loop3A_404 : i32 to vector<16x1xi32>
          %parallel_loop3A_406 = vector.shape_cast %parallel_loop3A_405 : vector<16x1xi32> to vector<16xi32>
          %parallel_loop3A_407 = tpu.dynamic_gather %parallel_loop3A_325[%parallel_loop3A_406] in [0] : vector<16xf32>, vector<16xi32> -> vector<16xf32>
          %parallel_loop3A_408 = arith.mulf %parallel_loop3A_407, %parallel_loop3A_402 : vector<16xf32>
          %parallel_loop3A_409 = arith.addf %parallel_loop3A_373, %parallel_loop3A_408 : vector<16xf32>
          %parallel_loop3A_410 = arith.constant 9 : i32
          %parallel_loop3A_411 = vector.broadcast %parallel_loop3A_410 : i32 to vector<16x1xi32>
          %parallel_loop3A_412 = vector.shape_cast %parallel_loop3A_411 : vector<16x1xi32> to vector<16xi32>
          %parallel_loop3A_413 = tpu.dynamic_gather %parallel_loop3A_325[%parallel_loop3A_412] in [0] : vector<16xf32>, vector<16xi32> -> vector<16xf32>
          %parallel_loop3A_414 = arith.mulf %parallel_loop3A_413, %parallel_loop3A_403 : vector<16xf32>
          %parallel_loop3A_415 = arith.addf %parallel_loop3A_379, %parallel_loop3A_414 : vector<16xf32>
          %parallel_loop3A_416 = arith.index_cast %parallel_loop3A_153 : i32 to index
          %parallel_loop3A_417 = arith.constant 208 : index
          %parallel_loop3A_418 = tpu.vector_load %arg11[%parallel_loop3A_416, %parallel_loop3A_417] {strides = array<i32>} : memref<16x1024xi32, #tpu.memory_space<vmem>>, vector<16xi32>,
          %parallel_loop3A_419 = vector.bitcast %parallel_loop3A_418 : vector<16xi32> to vector<32xbf16>
          %parallel_loop3A_420 = tpu.unpack_subelements %parallel_loop3A_419, 0 {pack_format = #tpu.pack_format<interleaved>} : vector<32xbf16> -> vector<16xf32>
          %parallel_loop3A_421 = tpu.unpack_subelements %parallel_loop3A_419, 1 {pack_format = #tpu.pack_format<interleaved>} : vector<32xbf16> -> vector<16xf32>
          %parallel_loop3A_422 = arith.constant 10 : i32
          %parallel_loop3A_423 = vector.broadcast %parallel_loop3A_422 : i32 to vector<16x1xi32>
          %parallel_loop3A_424 = vector.shape_cast %parallel_loop3A_423 : vector<16x1xi32> to vector<16xi32>
          %parallel_loop3A_425 = tpu.dynamic_gather %parallel_loop3A_325[%parallel_loop3A_424] in [0] : vector<16xf32>, vector<16xi32> -> vector<16xf32>
          %parallel_loop3A_426 = arith.mulf %parallel_loop3A_425, %parallel_loop3A_420 : vector<16xf32>
          %parallel_loop3A_427 = arith.addf %parallel_loop3A_391, %parallel_loop3A_426 : vector<16xf32>
          %parallel_loop3A_428 = arith.constant 11 : i32
          %parallel_loop3A_429 = vector.broadcast %parallel_loop3A_428 : i32 to vector<16x1xi32>
          %parallel_loop3A_430 = vector.shape_cast %parallel_loop3A_429 : vector<16x1xi32> to vector<16xi32>
          %parallel_loop3A_431 = tpu.dynamic_gather %parallel_loop3A_325[%parallel_loop3A_430] in [0] : vector<16xf32>, vector<16xi32> -> vector<16xf32>
          %parallel_loop3A_432 = arith.mulf %parallel_loop3A_431, %parallel_loop3A_421 : vector<16xf32>
          %parallel_loop3A_433 = arith.addf %parallel_loop3A_397, %parallel_loop3A_432 : vector<16xf32>
          %parallel_loop3A_434 = arith.index_cast %parallel_loop3A_153 : i32 to index
          %parallel_loop3A_435 = arith.constant 224 : index
          %parallel_loop3A_436 = tpu.vector_load %arg11[%parallel_loop3A_434, %parallel_loop3A_435] {strides = array<i32>} : memref<16x1024xi32, #tpu.memory_space<vmem>>, vector<16xi32>,
          %parallel_loop3A_437 = vector.bitcast %parallel_loop3A_436 : vector<16xi32> to vector<32xbf16>
          %parallel_loop3A_438 = tpu.unpack_subelements %parallel_loop3A_437, 0 {pack_format = #tpu.pack_format<interleaved>} : vector<32xbf16> -> vector<16xf32>
          %parallel_loop3A_439 = tpu.unpack_subelements %parallel_loop3A_437, 1 {pack_format = #tpu.pack_format<interleaved>} : vector<32xbf16> -> vector<16xf32>
          %parallel_loop3A_440 = arith.constant 12 : i32
          %parallel_loop3A_441 = vector.broadcast %parallel_loop3A_440 : i32 to vector<16x1xi32>
          %parallel_loop3A_442 = vector.shape_cast %parallel_loop3A_441 : vector<16x1xi32> to vector<16xi32>
          %parallel_loop3A_443 = tpu.dynamic_gather %parallel_loop3A_325[%parallel_loop3A_442] in [0] : vector<16xf32>, vector<16xi32> -> vector<16xf32>
          %parallel_loop3A_444 = arith.mulf %parallel_loop3A_443, %parallel_loop3A_438 : vector<16xf32>
          %parallel_loop3A_445 = arith.addf %parallel_loop3A_409, %parallel_loop3A_444 : vector<16xf32>
          %parallel_loop3A_446 = arith.constant 13 : i32
          %parallel_loop3A_447 = vector.broadcast %parallel_loop3A_446 : i32 to vector<16x1xi32>
          %parallel_loop3A_448 = vector.shape_cast %parallel_loop3A_447 : vector<16x1xi32> to vector<16xi32>
          %parallel_loop3A_449 = tpu.dynamic_gather %parallel_loop3A_325[%parallel_loop3A_448] in [0] : vector<16xf32>, vector<16xi32> -> vector<16xf32>
          %parallel_loop3A_450 = arith.mulf %parallel_loop3A_449, %parallel_loop3A_439 : vector<16xf32>
          %parallel_loop3A_451 = arith.addf %parallel_loop3A_415, %parallel_loop3A_450 : vector<16xf32>
          %parallel_loop3A_452 = arith.index_cast %parallel_loop3A_153 : i32 to index
          %parallel_loop3A_453 = arith.constant 240 : index
          %parallel_loop3A_454 = tpu.vector_load %arg11[%parallel_loop3A_452, %parallel_loop3A_453] {strides = array<i32>} : memref<16x1024xi32, #tpu.memory_space<vmem>>, vector<16xi32>,
          %parallel_loop3A_455 = vector.bitcast %parallel_loop3A_454 : vector<16xi32> to vector<32xbf16>
          %parallel_loop3A_456 = tpu.unpack_subelements %parallel_loop3A_455, 0 {pack_format = #tpu.pack_format<interleaved>} : vector<32xbf16> -> vector<16xf32>
          %parallel_loop3A_457 = tpu.unpack_subelements %parallel_loop3A_455, 1 {pack_format = #tpu.pack_format<interleaved>} : vector<32xbf16> -> vector<16xf32>
          %parallel_loop3A_458 = arith.constant 14 : i32
          %parallel_loop3A_459 = vector.broadcast %parallel_loop3A_458 : i32 to vector<16x1xi32>
          %parallel_loop3A_460 = vector.shape_cast %parallel_loop3A_459 : vector<16x1xi32> to vector<16xi32>
          %parallel_loop3A_461 = tpu.dynamic_gather %parallel_loop3A_325[%parallel_loop3A_460] in [0] : vector<16xf32>, vector<16xi32> -> vector<16xf32>
          %parallel_loop3A_462 = arith.mulf %parallel_loop3A_461, %parallel_loop3A_456 : vector<16xf32>
          %parallel_loop3A_463 = arith.addf %parallel_loop3A_427, %parallel_loop3A_462 : vector<16xf32>
          %parallel_loop3A_464 = arith.constant 15 : i32
          %parallel_loop3A_465 = vector.broadcast %parallel_loop3A_464 : i32 to vector<16x1xi32>
          %parallel_loop3A_466 = vector.shape_cast %parallel_loop3A_465 : vector<16x1xi32> to vector<16xi32>
          %parallel_loop3A_467 = tpu.dynamic_gather %parallel_loop3A_325[%parallel_loop3A_466] in [0] : vector<16xf32>, vector<16xi32> -> vector<16xf32>
          %parallel_loop3A_468 = arith.mulf %parallel_loop3A_467, %parallel_loop3A_457 : vector<16xf32>
          %parallel_loop3A_469 = arith.addf %parallel_loop3A_433, %parallel_loop3A_468 : vector<16xf32>
          %parallel_loop3A_470 = arith.index_cast %parallel_loop3A_153 : i32 to index
          %parallel_loop3A_471 = arith.constant 32 : index
          %parallel_loop3A_472 = tpu.vector_load %arg9[%parallel_loop3A_470, %parallel_loop3A_471] {strides = array<i32>} : memref<16x128xf32, #tpu.memory_space<vmem>>, vector<16xf32>,
          %parallel_loop3A_473 = arith.index_cast %parallel_loop3A_153 : i32 to index
          %parallel_loop3A_474 = arith.constant 32 : index
          %parallel_loop3A_475 = tpu.vector_load %arg10[%parallel_loop3A_473, %parallel_loop3A_474] {strides = array<i32>} : memref<16x128xf32, #tpu.memory_space<vmem>>, vector<16xf32>,
          %parallel_loop3A_476 = arith.subf %parallel_loop3A_472, %parallel_loop3A_475 : vector<16xf32>
          %parallel_loop3A_477 = arith.index_cast %parallel_loop3A_153 : i32 to index
          %parallel_loop3A_478 = arith.constant 256 : index
          %parallel_loop3A_479 = tpu.vector_load %arg11[%parallel_loop3A_477, %parallel_loop3A_478] {strides = array<i32>} : memref<16x1024xi32, #tpu.memory_space<vmem>>, vector<16xi32>,
          %parallel_loop3A_480 = vector.bitcast %parallel_loop3A_479 : vector<16xi32> to vector<32xbf16>
          %parallel_loop3A_481 = tpu.unpack_subelements %parallel_loop3A_480, 0 {pack_format = #tpu.pack_format<interleaved>} : vector<32xbf16> -> vector<16xf32>
          %parallel_loop3A_482 = tpu.unpack_subelements %parallel_loop3A_480, 1 {pack_format = #tpu.pack_format<interleaved>} : vector<32xbf16> -> vector<16xf32>
          %parallel_loop3A_483 = arith.constant 0 : i32
          %parallel_loop3A_484 = vector.broadcast %parallel_loop3A_483 : i32 to vector<16x1xi32>
          %parallel_loop3A_485 = vector.shape_cast %parallel_loop3A_484 : vector<16x1xi32> to vector<16xi32>
          %parallel_loop3A_486 = tpu.dynamic_gather %parallel_loop3A_476[%parallel_loop3A_485] in [0] : vector<16xf32>, vector<16xi32> -> vector<16xf32>
          %parallel_loop3A_487 = arith.mulf %parallel_loop3A_486, %parallel_loop3A_481 : vector<16xf32>
          %parallel_loop3A_488 = arith.addf %parallel_loop3A_445, %parallel_loop3A_487 : vector<16xf32>
          %parallel_loop3A_489 = arith.constant 1 : i32
          %parallel_loop3A_490 = vector.broadcast %parallel_loop3A_489 : i32 to vector<16x1xi32>
          %parallel_loop3A_491 = vector.shape_cast %parallel_loop3A_490 : vector<16x1xi32> to vector<16xi32>
          %parallel_loop3A_492 = tpu.dynamic_gather %parallel_loop3A_476[%parallel_loop3A_491] in [0] : vector<16xf32>, vector<16xi32> -> vector<16xf32>
          %parallel_loop3A_493 = arith.mulf %parallel_loop3A_492, %parallel_loop3A_482 : vector<16xf32>
          %parallel_loop3A_494 = arith.addf %parallel_loop3A_451, %parallel_loop3A_493 : vector<16xf32>
          %parallel_loop3A_495 = arith.index_cast %parallel_loop3A_153 : i32 to index
          %parallel_loop3A_496 = arith.constant 272 : index
          %parallel_loop3A_497 = tpu.vector_load %arg11[%parallel_loop3A_495, %parallel_loop3A_496] {strides = array<i32>} : memref<16x1024xi32, #tpu.memory_space<vmem>>, vector<16xi32>,
          %parallel_loop3A_498 = vector.bitcast %parallel_loop3A_497 : vector<16xi32> to vector<32xbf16>
          %parallel_loop3A_499 = tpu.unpack_subelements %parallel_loop3A_498, 0 {pack_format = #tpu.pack_format<interleaved>} : vector<32xbf16> -> vector<16xf32>
          %parallel_loop3A_500 = tpu.unpack_subelements %parallel_loop3A_498, 1 {pack_format = #tpu.pack_format<interleaved>} : vector<32xbf16> -> vector<16xf32>
          %parallel_loop3A_501 = arith.constant 2 : i32
          %parallel_loop3A_502 = vector.broadcast %parallel_loop3A_501 : i32 to vector<16x1xi32>
          %parallel_loop3A_503 = vector.shape_cast %parallel_loop3A_502 : vector<16x1xi32> to vector<16xi32>
          %parallel_loop3A_504 = tpu.dynamic_gather %parallel_loop3A_476[%parallel_loop3A_503] in [0] : vector<16xf32>, vector<16xi32> -> vector<16xf32>
          %parallel_loop3A_505 = arith.mulf %parallel_loop3A_504, %parallel_loop3A_499 : vector<16xf32>
          %parallel_loop3A_506 = arith.addf %parallel_loop3A_463, %parallel_loop3A_505 : vector<16xf32>
          %parallel_loop3A_507 = arith.constant 3 : i32
          %parallel_loop3A_508 = vector.broadcast %parallel_loop3A_507 : i32 to vector<16x1xi32>
          %parallel_loop3A_509 = vector.shape_cast %parallel_loop3A_508 : vector<16x1xi32> to vector<16xi32>
          %parallel_loop3A_510 = tpu.dynamic_gather %parallel_loop3A_476[%parallel_loop3A_509] in [0] : vector<16xf32>, vector<16xi32> -> vector<16xf32>
          %parallel_loop3A_511 = arith.mulf %parallel_loop3A_510, %parallel_loop3A_500 : vector<16xf32>
          %parallel_loop3A_512 = arith.addf %parallel_loop3A_469, %parallel_loop3A_511 : vector<16xf32>
          %parallel_loop3A_513 = arith.index_cast %parallel_loop3A_153 : i32 to index
          %parallel_loop3A_514 = arith.constant 288 : index
          %parallel_loop3A_515 = tpu.vector_load %arg11[%parallel_loop3A_513, %parallel_loop3A_514] {strides = array<i32>} : memref<16x1024xi32, #tpu.memory_space<vmem>>, vector<16xi32>,
          %parallel_loop3A_516 = vector.bitcast %parallel_loop3A_515 : vector<16xi32> to vector<32xbf16>
          %parallel_loop3A_517 = tpu.unpack_subelements %parallel_loop3A_516, 0 {pack_format = #tpu.pack_format<interleaved>} : vector<32xbf16> -> vector<16xf32>
          %parallel_loop3A_518 = tpu.unpack_subelements %parallel_loop3A_516, 1 {pack_format = #tpu.pack_format<interleaved>} : vector<32xbf16> -> vector<16xf32>
          %parallel_loop3A_519 = arith.constant 4 : i32
          %parallel_loop3A_520 = vector.broadcast %parallel_loop3A_519 : i32 to vector<16x1xi32>
          %parallel_loop3A_521 = vector.shape_cast %parallel_loop3A_520 : vector<16x1xi32> to vector<16xi32>
          %parallel_loop3A_522 = tpu.dynamic_gather %parallel_loop3A_476[%parallel_loop3A_521] in [0] : vector<16xf32>, vector<16xi32> -> vector<16xf32>
          %parallel_loop3A_523 = arith.mulf %parallel_loop3A_522, %parallel_loop3A_517 : vector<16xf32>
          %parallel_loop3A_524 = arith.addf %parallel_loop3A_488, %parallel_loop3A_523 : vector<16xf32>
          %parallel_loop3A_525 = arith.constant 5 : i32
          %parallel_loop3A_526 = vector.broadcast %parallel_loop3A_525 : i32 to vector<16x1xi32>
          %parallel_loop3A_527 = vector.shape_cast %parallel_loop3A_526 : vector<16x1xi32> to vector<16xi32>
          %parallel_loop3A_528 = tpu.dynamic_gather %parallel_loop3A_476[%parallel_loop3A_527] in [0] : vector<16xf32>, vector<16xi32> -> vector<16xf32>
          %parallel_loop3A_529 = arith.mulf %parallel_loop3A_528, %parallel_loop3A_518 : vector<16xf32>
          %parallel_loop3A_530 = arith.addf %parallel_loop3A_494, %parallel_loop3A_529 : vector<16xf32>
          %parallel_loop3A_531 = arith.index_cast %parallel_loop3A_153 : i32 to index
          %parallel_loop3A_532 = arith.constant 304 : index
          %parallel_loop3A_533 = tpu.vector_load %arg11[%parallel_loop3A_531, %parallel_loop3A_532] {strides = array<i32>} : memref<16x1024xi32, #tpu.memory_space<vmem>>, vector<16xi32>,
          %parallel_loop3A_534 = vector.bitcast %parallel_loop3A_533 : vector<16xi32> to vector<32xbf16>
          %parallel_loop3A_535 = tpu.unpack_subelements %parallel_loop3A_534, 0 {pack_format = #tpu.pack_format<interleaved>} : vector<32xbf16> -> vector<16xf32>
          %parallel_loop3A_536 = tpu.unpack_subelements %parallel_loop3A_534, 1 {pack_format = #tpu.pack_format<interleaved>} : vector<32xbf16> -> vector<16xf32>
          %parallel_loop3A_537 = arith.constant 6 : i32
          %parallel_loop3A_538 = vector.broadcast %parallel_loop3A_537 : i32 to vector<16x1xi32>
          %parallel_loop3A_539 = vector.shape_cast %parallel_loop3A_538 : vector<16x1xi32> to vector<16xi32>
          %parallel_loop3A_540 = tpu.dynamic_gather %parallel_loop3A_476[%parallel_loop3A_539] in [0] : vector<16xf32>, vector<16xi32> -> vector<16xf32>
          %parallel_loop3A_541 = arith.mulf %parallel_loop3A_540, %parallel_loop3A_535 : vector<16xf32>
          %parallel_loop3A_542 = arith.addf %parallel_loop3A_506, %parallel_loop3A_541 : vector<16xf32>
          %parallel_loop3A_543 = arith.constant 7 : i32
          %parallel_loop3A_544 = vector.broadcast %parallel_loop3A_543 : i32 to vector<16x1xi32>
          %parallel_loop3A_545 = vector.shape_cast %parallel_loop3A_544 : vector<16x1xi32> to vector<16xi32>
          %parallel_loop3A_546 = tpu.dynamic_gather %parallel_loop3A_476[%parallel_loop3A_545] in [0] : vector<16xf32>, vector<16xi32> -> vector<16xf32>
          %parallel_loop3A_547 = arith.mulf %parallel_loop3A_546, %parallel_loop3A_536 : vector<16xf32>
          %parallel_loop3A_548 = arith.addf %parallel_loop3A_512, %parallel_loop3A_547 : vector<16xf32>
          %parallel_loop3A_549 = arith.index_cast %parallel_loop3A_153 : i32 to index
          %parallel_loop3A_550 = arith.constant 320 : index
          %parallel_loop3A_551 = tpu.vector_load %arg11[%parallel_loop3A_549, %parallel_loop3A_550] {strides = array<i32>} : memref<16x1024xi32, #tpu.memory_space<vmem>>, vector<16xi32>,
          %parallel_loop3A_552 = vector.bitcast %parallel_loop3A_551 : vector<16xi32> to vector<32xbf16>
          %parallel_loop3A_553 = tpu.unpack_subelements %parallel_loop3A_552, 0 {pack_format = #tpu.pack_format<interleaved>} : vector<32xbf16> -> vector<16xf32>
          %parallel_loop3A_554 = tpu.unpack_subelements %parallel_loop3A_552, 1 {pack_format = #tpu.pack_format<interleaved>} : vector<32xbf16> -> vector<16xf32>
          %parallel_loop3A_555 = arith.constant 8 : i32
          %parallel_loop3A_556 = vector.broadcast %parallel_loop3A_555 : i32 to vector<16x1xi32>
          %parallel_loop3A_557 = vector.shape_cast %parallel_loop3A_556 : vector<16x1xi32> to vector<16xi32>
          %parallel_loop3A_558 = tpu.dynamic_gather %parallel_loop3A_476[%parallel_loop3A_557] in [0] : vector<16xf32>, vector<16xi32> -> vector<16xf32>
          %parallel_loop3A_559 = arith.mulf %parallel_loop3A_558, %parallel_loop3A_553 : vector<16xf32>
          %parallel_loop3A_560 = arith.addf %parallel_loop3A_524, %parallel_loop3A_559 : vector<16xf32>
          %parallel_loop3A_561 = arith.constant 9 : i32
          %parallel_loop3A_562 = vector.broadcast %parallel_loop3A_561 : i32 to vector<16x1xi32>
          %parallel_loop3A_563 = vector.shape_cast %parallel_loop3A_562 : vector<16x1xi32> to vector<16xi32>
          %parallel_loop3A_564 = tpu.dynamic_gather %parallel_loop3A_476[%parallel_loop3A_563] in [0] : vector<16xf32>, vector<16xi32> -> vector<16xf32>
          %parallel_loop3A_565 = arith.mulf %parallel_loop3A_564, %parallel_loop3A_554 : vector<16xf32>
          %parallel_loop3A_566 = arith.addf %parallel_loop3A_530, %parallel_loop3A_565 : vector<16xf32>
          %parallel_loop3A_567 = arith.index_cast %parallel_loop3A_153 : i32 to index
          %parallel_loop3A_568 = arith.constant 336 : index
          %parallel_loop3A_569 = tpu.vector_load %arg11[%parallel_loop3A_567, %parallel_loop3A_568] {strides = array<i32>} : memref<16x1024xi32, #tpu.memory_space<vmem>>, vector<16xi32>,
          %parallel_loop3A_570 = vector.bitcast %parallel_loop3A_569 : vector<16xi32> to vector<32xbf16>
          %parallel_loop3A_571 = tpu.unpack_subelements %parallel_loop3A_570, 0 {pack_format = #tpu.pack_format<interleaved>} : vector<32xbf16> -> vector<16xf32>
          %parallel_loop3A_572 = tpu.unpack_subelements %parallel_loop3A_570, 1 {pack_format = #tpu.pack_format<interleaved>} : vector<32xbf16> -> vector<16xf32>
          %parallel_loop3A_573 = arith.constant 10 : i32
          %parallel_loop3A_574 = vector.broadcast %parallel_loop3A_573 : i32 to vector<16x1xi32>
          %parallel_loop3A_575 = vector.shape_cast %parallel_loop3A_574 : vector<16x1xi32> to vector<16xi32>
          %parallel_loop3A_576 = tpu.dynamic_gather %parallel_loop3A_476[%parallel_loop3A_575] in [0] : vector<16xf32>, vector<16xi32> -> vector<16xf32>
          %parallel_loop3A_577 = arith.mulf %parallel_loop3A_576, %parallel_loop3A_571 : vector<16xf32>
          %parallel_loop3A_578 = arith.addf %parallel_loop3A_542, %parallel_loop3A_577 : vector<16xf32>
          %parallel_loop3A_579 = arith.constant 11 : i32
          %parallel_loop3A_580 = vector.broadcast %parallel_loop3A_579 : i32 to vector<16x1xi32>
          %parallel_loop3A_581 = vector.shape_cast %parallel_loop3A_580 : vector<16x1xi32> to vector<16xi32>
          %parallel_loop3A_582 = tpu.dynamic_gather %parallel_loop3A_476[%parallel_loop3A_581] in [0] : vector<16xf32>, vector<16xi32> -> vector<16xf32>
          %parallel_loop3A_583 = arith.mulf %parallel_loop3A_582, %parallel_loop3A_572 : vector<16xf32>
          %parallel_loop3A_584 = arith.addf %parallel_loop3A_548, %parallel_loop3A_583 : vector<16xf32>
          %parallel_loop3A_585 = arith.index_cast %parallel_loop3A_153 : i32 to index
          %parallel_loop3A_586 = arith.constant 352 : index
          %parallel_loop3A_587 = tpu.vector_load %arg11[%parallel_loop3A_585, %parallel_loop3A_586] {strides = array<i32>} : memref<16x1024xi32, #tpu.memory_space<vmem>>, vector<16xi32>,
          %parallel_loop3A_588 = vector.bitcast %parallel_loop3A_587 : vector<16xi32> to vector<32xbf16>
          %parallel_loop3A_589 = tpu.unpack_subelements %parallel_loop3A_588, 0 {pack_format = #tpu.pack_format<interleaved>} : vector<32xbf16> -> vector<16xf32>
          %parallel_loop3A_590 = tpu.unpack_subelements %parallel_loop3A_588, 1 {pack_format = #tpu.pack_format<interleaved>} : vector<32xbf16> -> vector<16xf32>
          %parallel_loop3A_591 = arith.constant 12 : i32
          %parallel_loop3A_592 = vector.broadcast %parallel_loop3A_591 : i32 to vector<16x1xi32>
          %parallel_loop3A_593 = vector.shape_cast %parallel_loop3A_592 : vector<16x1xi32> to vector<16xi32>
          %parallel_loop3A_594 = tpu.dynamic_gather %parallel_loop3A_476[%parallel_loop3A_593] in [0] : vector<16xf32>, vector<16xi32> -> vector<16xf32>
          %parallel_loop3A_595 = arith.mulf %parallel_loop3A_594, %parallel_loop3A_589 : vector<16xf32>
          %parallel_loop3A_596 = arith.addf %parallel_loop3A_560, %parallel_loop3A_595 : vector<16xf32>
          %parallel_loop3A_597 = arith.constant 13 : i32
          %parallel_loop3A_598 = vector.broadcast %parallel_loop3A_597 : i32 to vector<16x1xi32>
          %parallel_loop3A_599 = vector.shape_cast %parallel_loop3A_598 : vector<16x1xi32> to vector<16xi32>
          %parallel_loop3A_600 = tpu.dynamic_gather %parallel_loop3A_476[%parallel_loop3A_599] in [0] : vector<16xf32>, vector<16xi32> -> vector<16xf32>
          %parallel_loop3A_601 = arith.mulf %parallel_loop3A_600, %parallel_loop3A_590 : vector<16xf32>
          %parallel_loop3A_602 = arith.addf %parallel_loop3A_566, %parallel_loop3A_601 : vector<16xf32>
          %parallel_loop3A_603 = arith.index_cast %parallel_loop3A_153 : i32 to index
          %parallel_loop3A_604 = arith.constant 368 : index
          %parallel_loop3A_605 = tpu.vector_load %arg11[%parallel_loop3A_603, %parallel_loop3A_604] {strides = array<i32>} : memref<16x1024xi32, #tpu.memory_space<vmem>>, vector<16xi32>,
          %parallel_loop3A_606 = vector.bitcast %parallel_loop3A_605 : vector<16xi32> to vector<32xbf16>
          %parallel_loop3A_607 = tpu.unpack_subelements %parallel_loop3A_606, 0 {pack_format = #tpu.pack_format<interleaved>} : vector<32xbf16> -> vector<16xf32>
          %parallel_loop3A_608 = tpu.unpack_subelements %parallel_loop3A_606, 1 {pack_format = #tpu.pack_format<interleaved>} : vector<32xbf16> -> vector<16xf32>
          %parallel_loop3A_609 = arith.constant 14 : i32
          %parallel_loop3A_610 = vector.broadcast %parallel_loop3A_609 : i32 to vector<16x1xi32>
          %parallel_loop3A_611 = vector.shape_cast %parallel_loop3A_610 : vector<16x1xi32> to vector<16xi32>
          %parallel_loop3A_612 = tpu.dynamic_gather %parallel_loop3A_476[%parallel_loop3A_611] in [0] : vector<16xf32>, vector<16xi32> -> vector<16xf32>
          %parallel_loop3A_613 = arith.mulf %parallel_loop3A_612, %parallel_loop3A_607 : vector<16xf32>
          %parallel_loop3A_614 = arith.addf %parallel_loop3A_578, %parallel_loop3A_613 : vector<16xf32>
          %parallel_loop3A_615 = arith.constant 15 : i32
          %parallel_loop3A_616 = vector.broadcast %parallel_loop3A_615 : i32 to vector<16x1xi32>
          %parallel_loop3A_617 = vector.shape_cast %parallel_loop3A_616 : vector<16x1xi32> to vector<16xi32>
          %parallel_loop3A_618 = tpu.dynamic_gather %parallel_loop3A_476[%parallel_loop3A_617] in [0] : vector<16xf32>, vector<16xi32> -> vector<16xf32>
          %parallel_loop3A_619 = arith.mulf %parallel_loop3A_618, %parallel_loop3A_608 : vector<16xf32>
          %parallel_loop3A_620 = arith.addf %parallel_loop3A_584, %parallel_loop3A_619 : vector<16xf32>
          %parallel_loop3A_621 = arith.index_cast %parallel_loop3A_153 : i32 to index
          %parallel_loop3A_622 = arith.constant 48 : index
          %parallel_loop3A_623 = tpu.vector_load %arg9[%parallel_loop3A_621, %parallel_loop3A_622] {strides = array<i32>} : memref<16x128xf32, #tpu.memory_space<vmem>>, vector<16xf32>,
          %parallel_loop3A_624 = arith.index_cast %parallel_loop3A_153 : i32 to index
          %parallel_loop3A_625 = arith.constant 48 : index
          %parallel_loop3A_626 = tpu.vector_load %arg10[%parallel_loop3A_624, %parallel_loop3A_625] {strides = array<i32>} : memref<16x128xf32, #tpu.memory_space<vmem>>, vector<16xf32>,
          %parallel_loop3A_627 = arith.subf %parallel_loop3A_623, %parallel_loop3A_626 : vector<16xf32>
          %parallel_loop3A_628 = arith.index_cast %parallel_loop3A_153 : i32 to index
          %parallel_loop3A_629 = arith.constant 384 : index
          %parallel_loop3A_630 = tpu.vector_load %arg11[%parallel_loop3A_628, %parallel_loop3A_629] {strides = array<i32>} : memref<16x1024xi32, #tpu.memory_space<vmem>>, vector<16xi32>,
          %parallel_loop3A_631 = vector.bitcast %parallel_loop3A_630 : vector<16xi32> to vector<32xbf16>
          %parallel_loop3A_632 = tpu.unpack_subelements %parallel_loop3A_631, 0 {pack_format = #tpu.pack_format<interleaved>} : vector<32xbf16> -> vector<16xf32>
          %parallel_loop3A_633 = tpu.unpack_subelements %parallel_loop3A_631, 1 {pack_format = #tpu.pack_format<interleaved>} : vector<32xbf16> -> vector<16xf32>
          %parallel_loop3A_634 = arith.constant 0 : i32
          %parallel_loop3A_635 = vector.broadcast %parallel_loop3A_634 : i32 to vector<16x1xi32>
          %parallel_loop3A_636 = vector.shape_cast %parallel_loop3A_635 : vector<16x1xi32> to vector<16xi32>
          %parallel_loop3A_637 = tpu.dynamic_gather %parallel_loop3A_627[%parallel_loop3A_636] in [0] : vector<16xf32>, vector<16xi32> -> vector<16xf32>
          %parallel_loop3A_638 = arith.mulf %parallel_loop3A_637, %parallel_loop3A_632 : vector<16xf32>
          %parallel_loop3A_639 = arith.addf %parallel_loop3A_596, %parallel_loop3A_638 : vector<16xf32>
          %parallel_loop3A_640 = arith.constant 1 : i32
          %parallel_loop3A_641 = vector.broadcast %parallel_loop3A_640 : i32 to vector<16x1xi32>
          %parallel_loop3A_642 = vector.shape_cast %parallel_loop3A_641 : vector<16x1xi32> to vector<16xi32>
          %parallel_loop3A_643 = tpu.dynamic_gather %parallel_loop3A_627[%parallel_loop3A_642] in [0] : vector<16xf32>, vector<16xi32> -> vector<16xf32>
          %parallel_loop3A_644 = arith.mulf %parallel_loop3A_643, %parallel_loop3A_633 : vector<16xf32>
          %parallel_loop3A_645 = arith.addf %parallel_loop3A_602, %parallel_loop3A_644 : vector<16xf32>
          %parallel_loop3A_646 = arith.index_cast %parallel_loop3A_153 : i32 to index
          %parallel_loop3A_647 = arith.constant 400 : index
          %parallel_loop3A_648 = tpu.vector_load %arg11[%parallel_loop3A_646, %parallel_loop3A_647] {strides = array<i32>} : memref<16x1024xi32, #tpu.memory_space<vmem>>, vector<16xi32>,
          %parallel_loop3A_649 = vector.bitcast %parallel_loop3A_648 : vector<16xi32> to vector<32xbf16>
          %parallel_loop3A_650 = tpu.unpack_subelements %parallel_loop3A_649, 0 {pack_format = #tpu.pack_format<interleaved>} : vector<32xbf16> -> vector<16xf32>
          %parallel_loop3A_651 = tpu.unpack_subelements %parallel_loop3A_649, 1 {pack_format = #tpu.pack_format<interleaved>} : vector<32xbf16> -> vector<16xf32>
          %parallel_loop3A_652 = arith.constant 2 : i32
          %parallel_loop3A_653 = vector.broadcast %parallel_loop3A_652 : i32 to vector<16x1xi32>
          %parallel_loop3A_654 = vector.shape_cast %parallel_loop3A_653 : vector<16x1xi32> to vector<16xi32>
          %parallel_loop3A_655 = tpu.dynamic_gather %parallel_loop3A_627[%parallel_loop3A_654] in [0] : vector<16xf32>, vector<16xi32> -> vector<16xf32>
          %parallel_loop3A_656 = arith.mulf %parallel_loop3A_655, %parallel_loop3A_650 : vector<16xf32>
          %parallel_loop3A_657 = arith.addf %parallel_loop3A_614, %parallel_loop3A_656 : vector<16xf32>
          %parallel_loop3A_658 = arith.constant 3 : i32
          %parallel_loop3A_659 = vector.broadcast %parallel_loop3A_658 : i32 to vector<16x1xi32>
          %parallel_loop3A_660 = vector.shape_cast %parallel_loop3A_659 : vector<16x1xi32> to vector<16xi32>
          %parallel_loop3A_661 = tpu.dynamic_gather %parallel_loop3A_627[%parallel_loop3A_660] in [0] : vector<16xf32>, vector<16xi32> -> vector<16xf32>
          %parallel_loop3A_662 = arith.mulf %parallel_loop3A_661, %parallel_loop3A_651 : vector<16xf32>
          %parallel_loop3A_663 = arith.addf %parallel_loop3A_620, %parallel_loop3A_662 : vector<16xf32>
          %parallel_loop3A_664 = arith.index_cast %parallel_loop3A_153 : i32 to index
          %parallel_loop3A_665 = arith.constant 416 : index
          %parallel_loop3A_666 = tpu.vector_load %arg11[%parallel_loop3A_664, %parallel_loop3A_665] {strides = array<i32>} : memref<16x1024xi32, #tpu.memory_space<vmem>>, vector<16xi32>,
          %parallel_loop3A_667 = vector.bitcast %parallel_loop3A_666 : vector<16xi32> to vector<32xbf16>
          %parallel_loop3A_668 = tpu.unpack_subelements %parallel_loop3A_667, 0 {pack_format = #tpu.pack_format<interleaved>} : vector<32xbf16> -> vector<16xf32>
          %parallel_loop3A_669 = tpu.unpack_subelements %parallel_loop3A_667, 1 {pack_format = #tpu.pack_format<interleaved>} : vector<32xbf16> -> vector<16xf32>
          %parallel_loop3A_670 = arith.constant 4 : i32
          %parallel_loop3A_671 = vector.broadcast %parallel_loop3A_670 : i32 to vector<16x1xi32>
          %parallel_loop3A_672 = vector.shape_cast %parallel_loop3A_671 : vector<16x1xi32> to vector<16xi32>
          %parallel_loop3A_673 = tpu.dynamic_gather %parallel_loop3A_627[%parallel_loop3A_672] in [0] : vector<16xf32>, vector<16xi32> -> vector<16xf32>
          %parallel_loop3A_674 = arith.mulf %parallel_loop3A_673, %parallel_loop3A_668 : vector<16xf32>
          %parallel_loop3A_675 = arith.addf %parallel_loop3A_639, %parallel_loop3A_674 : vector<16xf32>
          %parallel_loop3A_676 = arith.constant 5 : i32
          %parallel_loop3A_677 = vector.broadcast %parallel_loop3A_676 : i32 to vector<16x1xi32>
          %parallel_loop3A_678 = vector.shape_cast %parallel_loop3A_677 : vector<16x1xi32> to vector<16xi32>
          %parallel_loop3A_679 = tpu.dynamic_gather %parallel_loop3A_627[%parallel_loop3A_678] in [0] : vector<16xf32>, vector<16xi32> -> vector<16xf32>
          %parallel_loop3A_680 = arith.mulf %parallel_loop3A_679, %parallel_loop3A_669 : vector<16xf32>
          %parallel_loop3A_681 = arith.addf %parallel_loop3A_645, %parallel_loop3A_680 : vector<16xf32>
          %parallel_loop3A_682 = arith.index_cast %parallel_loop3A_153 : i32 to index
          %parallel_loop3A_683 = arith.constant 432 : index
          %parallel_loop3A_684 = tpu.vector_load %arg11[%parallel_loop3A_682, %parallel_loop3A_683] {strides = array<i32>} : memref<16x1024xi32, #tpu.memory_space<vmem>>, vector<16xi32>,
          %parallel_loop3A_685 = vector.bitcast %parallel_loop3A_684 : vector<16xi32> to vector<32xbf16>
          %parallel_loop3A_686 = tpu.unpack_subelements %parallel_loop3A_685, 0 {pack_format = #tpu.pack_format<interleaved>} : vector<32xbf16> -> vector<16xf32>
          %parallel_loop3A_687 = tpu.unpack_subelements %parallel_loop3A_685, 1 {pack_format = #tpu.pack_format<interleaved>} : vector<32xbf16> -> vector<16xf32>
          %parallel_loop3A_688 = arith.constant 6 : i32
          %parallel_loop3A_689 = vector.broadcast %parallel_loop3A_688 : i32 to vector<16x1xi32>
          %parallel_loop3A_690 = vector.shape_cast %parallel_loop3A_689 : vector<16x1xi32> to vector<16xi32>
          %parallel_loop3A_691 = tpu.dynamic_gather %parallel_loop3A_627[%parallel_loop3A_690] in [0] : vector<16xf32>, vector<16xi32> -> vector<16xf32>
          %parallel_loop3A_692 = arith.mulf %parallel_loop3A_691, %parallel_loop3A_686 : vector<16xf32>
          %parallel_loop3A_693 = arith.addf %parallel_loop3A_657, %parallel_loop3A_692 : vector<16xf32>
          %parallel_loop3A_694 = arith.constant 7 : i32
          %parallel_loop3A_695 = vector.broadcast %parallel_loop3A_694 : i32 to vector<16x1xi32>
          %parallel_loop3A_696 = vector.shape_cast %parallel_loop3A_695 : vector<16x1xi32> to vector<16xi32>
          %parallel_loop3A_697 = tpu.dynamic_gather %parallel_loop3A_627[%parallel_loop3A_696] in [0] : vector<16xf32>, vector<16xi32> -> vector<16xf32>
          %parallel_loop3A_698 = arith.mulf %parallel_loop3A_697, %parallel_loop3A_687 : vector<16xf32>
          %parallel_loop3A_699 = arith.addf %parallel_loop3A_663, %parallel_loop3A_698 : vector<16xf32>
          %parallel_loop3A_700 = arith.index_cast %parallel_loop3A_153 : i32 to index
          %parallel_loop3A_701 = arith.constant 448 : index
          %parallel_loop3A_702 = tpu.vector_load %arg11[%parallel_loop3A_700, %parallel_loop3A_701] {strides = array<i32>} : memref<16x1024xi32, #tpu.memory_space<vmem>>, vector<16xi32>,
          %parallel_loop3A_703 = vector.bitcast %parallel_loop3A_702 : vector<16xi32> to vector<32xbf16>
          %parallel_loop3A_704 = tpu.unpack_subelements %parallel_loop3A_703, 0 {pack_format = #tpu.pack_format<interleaved>} : vector<32xbf16> -> vector<16xf32>
          %parallel_loop3A_705 = tpu.unpack_subelements %parallel_loop3A_703, 1 {pack_format = #tpu.pack_format<interleaved>} : vector<32xbf16> -> vector<16xf32>
          %parallel_loop3A_706 = arith.constant 8 : i32
          %parallel_loop3A_707 = vector.broadcast %parallel_loop3A_706 : i32 to vector<16x1xi32>
          %parallel_loop3A_708 = vector.shape_cast %parallel_loop3A_707 : vector<16x1xi32> to vector<16xi32>
          %parallel_loop3A_709 = tpu.dynamic_gather %parallel_loop3A_627[%parallel_loop3A_708] in [0] : vector<16xf32>, vector<16xi32> -> vector<16xf32>
          %parallel_loop3A_710 = arith.mulf %parallel_loop3A_709, %parallel_loop3A_704 : vector<16xf32>
          %parallel_loop3A_711 = arith.addf %parallel_loop3A_675, %parallel_loop3A_710 : vector<16xf32>
          %parallel_loop3A_712 = arith.constant 9 : i32
          %parallel_loop3A_713 = vector.broadcast %parallel_loop3A_712 : i32 to vector<16x1xi32>
          %parallel_loop3A_714 = vector.shape_cast %parallel_loop3A_713 : vector<16x1xi32> to vector<16xi32>
          %parallel_loop3A_715 = tpu.dynamic_gather %parallel_loop3A_627[%parallel_loop3A_714] in [0] : vector<16xf32>, vector<16xi32> -> vector<16xf32>
          %parallel_loop3A_716 = arith.mulf %parallel_loop3A_715, %parallel_loop3A_705 : vector<16xf32>
          %parallel_loop3A_717 = arith.addf %parallel_loop3A_681, %parallel_loop3A_716 : vector<16xf32>
          %parallel_loop3A_718 = arith.index_cast %parallel_loop3A_153 : i32 to index
          %parallel_loop3A_719 = arith.constant 464 : index
          %parallel_loop3A_720 = tpu.vector_load %arg11[%parallel_loop3A_718, %parallel_loop3A_719] {strides = array<i32>} : memref<16x1024xi32, #tpu.memory_space<vmem>>, vector<16xi32>,
          %parallel_loop3A_721 = vector.bitcast %parallel_loop3A_720 : vector<16xi32> to vector<32xbf16>
          %parallel_loop3A_722 = tpu.unpack_subelements %parallel_loop3A_721, 0 {pack_format = #tpu.pack_format<interleaved>} : vector<32xbf16> -> vector<16xf32>
          %parallel_loop3A_723 = tpu.unpack_subelements %parallel_loop3A_721, 1 {pack_format = #tpu.pack_format<interleaved>} : vector<32xbf16> -> vector<16xf32>
          %parallel_loop3A_724 = arith.constant 10 : i32
          %parallel_loop3A_725 = vector.broadcast %parallel_loop3A_724 : i32 to vector<16x1xi32>
          %parallel_loop3A_726 = vector.shape_cast %parallel_loop3A_725 : vector<16x1xi32> to vector<16xi32>
          %parallel_loop3A_727 = tpu.dynamic_gather %parallel_loop3A_627[%parallel_loop3A_726] in [0] : vector<16xf32>, vector<16xi32> -> vector<16xf32>
          %parallel_loop3A_728 = arith.mulf %parallel_loop3A_727, %parallel_loop3A_722 : vector<16xf32>
          %parallel_loop3A_729 = arith.addf %parallel_loop3A_693, %parallel_loop3A_728 : vector<16xf32>
          %parallel_loop3A_730 = arith.constant 11 : i32
          %parallel_loop3A_731 = vector.broadcast %parallel_loop3A_730 : i32 to vector<16x1xi32>
          %parallel_loop3A_732 = vector.shape_cast %parallel_loop3A_731 : vector<16x1xi32> to vector<16xi32>
          %parallel_loop3A_733 = tpu.dynamic_gather %parallel_loop3A_627[%parallel_loop3A_732] in [0] : vector<16xf32>, vector<16xi32> -> vector<16xf32>
          %parallel_loop3A_734 = arith.mulf %parallel_loop3A_733, %parallel_loop3A_723 : vector<16xf32>
          %parallel_loop3A_735 = arith.addf %parallel_loop3A_699, %parallel_loop3A_734 : vector<16xf32>
          %parallel_loop3A_736 = arith.index_cast %parallel_loop3A_153 : i32 to index
          %parallel_loop3A_737 = arith.constant 480 : index
          %parallel_loop3A_738 = tpu.vector_load %arg11[%parallel_loop3A_736, %parallel_loop3A_737] {strides = array<i32>} : memref<16x1024xi32, #tpu.memory_space<vmem>>, vector<16xi32>,
          %parallel_loop3A_739 = vector.bitcast %parallel_loop3A_738 : vector<16xi32> to vector<32xbf16>
          %parallel_loop3A_740 = tpu.unpack_subelements %parallel_loop3A_739, 0 {pack_format = #tpu.pack_format<interleaved>} : vector<32xbf16> -> vector<16xf32>
          %parallel_loop3A_741 = tpu.unpack_subelements %parallel_loop3A_739, 1 {pack_format = #tpu.pack_format<interleaved>} : vector<32xbf16> -> vector<16xf32>
          %parallel_loop3A_742 = arith.constant 12 : i32
          %parallel_loop3A_743 = vector.broadcast %parallel_loop3A_742 : i32 to vector<16x1xi32>
          %parallel_loop3A_744 = vector.shape_cast %parallel_loop3A_743 : vector<16x1xi32> to vector<16xi32>
          %parallel_loop3A_745 = tpu.dynamic_gather %parallel_loop3A_627[%parallel_loop3A_744] in [0] : vector<16xf32>, vector<16xi32> -> vector<16xf32>
          %parallel_loop3A_746 = arith.mulf %parallel_loop3A_745, %parallel_loop3A_740 : vector<16xf32>
          %parallel_loop3A_747 = arith.addf %parallel_loop3A_711, %parallel_loop3A_746 : vector<16xf32>
          %parallel_loop3A_748 = arith.constant 13 : i32
          %parallel_loop3A_749 = vector.broadcast %parallel_loop3A_748 : i32 to vector<16x1xi32>
          %parallel_loop3A_750 = vector.shape_cast %parallel_loop3A_749 : vector<16x1xi32> to vector<16xi32>
          %parallel_loop3A_751 = tpu.dynamic_gather %parallel_loop3A_627[%parallel_loop3A_750] in [0] : vector<16xf32>, vector<16xi32> -> vector<16xf32>
          %parallel_loop3A_752 = arith.mulf %parallel_loop3A_751, %parallel_loop3A_741 : vector<16xf32>
          %parallel_loop3A_753 = arith.addf %parallel_loop3A_717, %parallel_loop3A_752 : vector<16xf32>
          %parallel_loop3A_754 = arith.index_cast %parallel_loop3A_153 : i32 to index
          %parallel_loop3A_755 = arith.constant 496 : index
          %parallel_loop3A_756 = tpu.vector_load %arg11[%parallel_loop3A_754, %parallel_loop3A_755] {strides = array<i32>} : memref<16x1024xi32, #tpu.memory_space<vmem>>, vector<16xi32>,
          %parallel_loop3A_757 = vector.bitcast %parallel_loop3A_756 : vector<16xi32> to vector<32xbf16>
          %parallel_loop3A_758 = tpu.unpack_subelements %parallel_loop3A_757, 0 {pack_format = #tpu.pack_format<interleaved>} : vector<32xbf16> -> vector<16xf32>
          %parallel_loop3A_759 = tpu.unpack_subelements %parallel_loop3A_757, 1 {pack_format = #tpu.pack_format<interleaved>} : vector<32xbf16> -> vector<16xf32>
          %parallel_loop3A_760 = arith.constant 14 : i32
          %parallel_loop3A_761 = vector.broadcast %parallel_loop3A_760 : i32 to vector<16x1xi32>
          %parallel_loop3A_762 = vector.shape_cast %parallel_loop3A_761 : vector<16x1xi32> to vector<16xi32>
          %parallel_loop3A_763 = tpu.dynamic_gather %parallel_loop3A_627[%parallel_loop3A_762] in [0] : vector<16xf32>, vector<16xi32> -> vector<16xf32>
          %parallel_loop3A_764 = arith.mulf %parallel_loop3A_763, %parallel_loop3A_758 : vector<16xf32>
          %parallel_loop3A_765 = arith.addf %parallel_loop3A_729, %parallel_loop3A_764 : vector<16xf32>
          %parallel_loop3A_766 = arith.constant 15 : i32
          %parallel_loop3A_767 = vector.broadcast %parallel_loop3A_766 : i32 to vector<16x1xi32>
          %parallel_loop3A_768 = vector.shape_cast %parallel_loop3A_767 : vector<16x1xi32> to vector<16xi32>
          %parallel_loop3A_769 = tpu.dynamic_gather %parallel_loop3A_627[%parallel_loop3A_768] in [0] : vector<16xf32>, vector<16xi32> -> vector<16xf32>
          %parallel_loop3A_770 = arith.mulf %parallel_loop3A_769, %parallel_loop3A_759 : vector<16xf32>
          %parallel_loop3A_771 = arith.addf %parallel_loop3A_735, %parallel_loop3A_770 : vector<16xf32>
          %parallel_loop3A_772 = arith.index_cast %parallel_loop3A_153 : i32 to index
          %parallel_loop3A_773 = arith.constant 64 : index
          %parallel_loop3A_774 = tpu.vector_load %arg9[%parallel_loop3A_772, %parallel_loop3A_773] {strides = array<i32>} : memref<16x128xf32, #tpu.memory_space<vmem>>, vector<16xf32>,
          %parallel_loop3A_775 = arith.index_cast %parallel_loop3A_153 : i32 to index
          %parallel_loop3A_776 = arith.constant 64 : index
          %parallel_loop3A_777 = tpu.vector_load %arg10[%parallel_loop3A_775, %parallel_loop3A_776] {strides = array<i32>} : memref<16x128xf32, #tpu.memory_space<vmem>>, vector<16xf32>,
          %parallel_loop3A_778 = arith.subf %parallel_loop3A_774, %parallel_loop3A_777 : vector<16xf32>
          %parallel_loop3A_779 = arith.index_cast %parallel_loop3A_153 : i32 to index
          %parallel_loop3A_780 = arith.constant 512 : index
          %parallel_loop3A_781 = tpu.vector_load %arg11[%parallel_loop3A_779, %parallel_loop3A_780] {strides = array<i32>} : memref<16x1024xi32, #tpu.memory_space<vmem>>, vector<16xi32>,
          %parallel_loop3A_782 = vector.bitcast %parallel_loop3A_781 : vector<16xi32> to vector<32xbf16>
          %parallel_loop3A_783 = tpu.unpack_subelements %parallel_loop3A_782, 0 {pack_format = #tpu.pack_format<interleaved>} : vector<32xbf16> -> vector<16xf32>
          %parallel_loop3A_784 = tpu.unpack_subelements %parallel_loop3A_782, 1 {pack_format = #tpu.pack_format<interleaved>} : vector<32xbf16> -> vector<16xf32>
          %parallel_loop3A_785 = arith.constant 0 : i32
          %parallel_loop3A_786 = vector.broadcast %parallel_loop3A_785 : i32 to vector<16x1xi32>
          %parallel_loop3A_787 = vector.shape_cast %parallel_loop3A_786 : vector<16x1xi32> to vector<16xi32>
          %parallel_loop3A_788 = tpu.dynamic_gather %parallel_loop3A_778[%parallel_loop3A_787] in [0] : vector<16xf32>, vector<16xi32> -> vector<16xf32>
          %parallel_loop3A_789 = arith.mulf %parallel_loop3A_788, %parallel_loop3A_783 : vector<16xf32>
          %parallel_loop3A_790 = arith.addf %parallel_loop3A_747, %parallel_loop3A_789 : vector<16xf32>
          %parallel_loop3A_791 = arith.constant 1 : i32
          %parallel_loop3A_792 = vector.broadcast %parallel_loop3A_791 : i32 to vector<16x1xi32>
          %parallel_loop3A_793 = vector.shape_cast %parallel_loop3A_792 : vector<16x1xi32> to vector<16xi32>
          %parallel_loop3A_794 = tpu.dynamic_gather %parallel_loop3A_778[%parallel_loop3A_793] in [0] : vector<16xf32>, vector<16xi32> -> vector<16xf32>
          %parallel_loop3A_795 = arith.mulf %parallel_loop3A_794, %parallel_loop3A_784 : vector<16xf32>
          %parallel_loop3A_796 = arith.addf %parallel_loop3A_753, %parallel_loop3A_795 : vector<16xf32>
          %parallel_loop3A_797 = arith.index_cast %parallel_loop3A_153 : i32 to index
          %parallel_loop3A_798 = arith.constant 528 : index
          %parallel_loop3A_799 = tpu.vector_load %arg11[%parallel_loop3A_797, %parallel_loop3A_798] {strides = array<i32>} : memref<16x1024xi32, #tpu.memory_space<vmem>>, vector<16xi32>,
          %parallel_loop3A_800 = vector.bitcast %parallel_loop3A_799 : vector<16xi32> to vector<32xbf16>
          %parallel_loop3A_801 = tpu.unpack_subelements %parallel_loop3A_800, 0 {pack_format = #tpu.pack_format<interleaved>} : vector<32xbf16> -> vector<16xf32>
          %parallel_loop3A_802 = tpu.unpack_subelements %parallel_loop3A_800, 1 {pack_format = #tpu.pack_format<interleaved>} : vector<32xbf16> -> vector<16xf32>
          %parallel_loop3A_803 = arith.constant 2 : i32
          %parallel_loop3A_804 = vector.broadcast %parallel_loop3A_803 : i32 to vector<16x1xi32>
          %parallel_loop3A_805 = vector.shape_cast %parallel_loop3A_804 : vector<16x1xi32> to vector<16xi32>
          %parallel_loop3A_806 = tpu.dynamic_gather %parallel_loop3A_778[%parallel_loop3A_805] in [0] : vector<16xf32>, vector<16xi32> -> vector<16xf32>
          %parallel_loop3A_807 = arith.mulf %parallel_loop3A_806, %parallel_loop3A_801 : vector<16xf32>
          %parallel_loop3A_808 = arith.addf %parallel_loop3A_765, %parallel_loop3A_807 : vector<16xf32>
          %parallel_loop3A_809 = arith.constant 3 : i32
          %parallel_loop3A_810 = vector.broadcast %parallel_loop3A_809 : i32 to vector<16x1xi32>
          %parallel_loop3A_811 = vector.shape_cast %parallel_loop3A_810 : vector<16x1xi32> to vector<16xi32>
          %parallel_loop3A_812 = tpu.dynamic_gather %parallel_loop3A_778[%parallel_loop3A_811] in [0] : vector<16xf32>, vector<16xi32> -> vector<16xf32>
          %parallel_loop3A_813 = arith.mulf %parallel_loop3A_812, %parallel_loop3A_802 : vector<16xf32>
          %parallel_loop3A_814 = arith.addf %parallel_loop3A_771, %parallel_loop3A_813 : vector<16xf32>
          %parallel_loop3A_815 = arith.index_cast %parallel_loop3A_153 : i32 to index
          %parallel_loop3A_816 = arith.constant 544 : index
          %parallel_loop3A_817 = tpu.vector_load %arg11[%parallel_loop3A_815, %parallel_loop3A_816] {strides = array<i32>} : memref<16x1024xi32, #tpu.memory_space<vmem>>, vector<16xi32>,
          %parallel_loop3A_818 = vector.bitcast %parallel_loop3A_817 : vector<16xi32> to vector<32xbf16>
          %parallel_loop3A_819 = tpu.unpack_subelements %parallel_loop3A_818, 0 {pack_format = #tpu.pack_format<interleaved>} : vector<32xbf16> -> vector<16xf32>
          %parallel_loop3A_820 = tpu.unpack_subelements %parallel_loop3A_818, 1 {pack_format = #tpu.pack_format<interleaved>} : vector<32xbf16> -> vector<16xf32>
          %parallel_loop3A_821 = arith.constant 4 : i32
          %parallel_loop3A_822 = vector.broadcast %parallel_loop3A_821 : i32 to vector<16x1xi32>
          %parallel_loop3A_823 = vector.shape_cast %parallel_loop3A_822 : vector<16x1xi32> to vector<16xi32>
          %parallel_loop3A_824 = tpu.dynamic_gather %parallel_loop3A_778[%parallel_loop3A_823] in [0] : vector<16xf32>, vector<16xi32> -> vector<16xf32>
          %parallel_loop3A_825 = arith.mulf %parallel_loop3A_824, %parallel_loop3A_819 : vector<16xf32>
          %parallel_loop3A_826 = arith.addf %parallel_loop3A_790, %parallel_loop3A_825 : vector<16xf32>
          %parallel_loop3A_827 = arith.constant 5 : i32
          %parallel_loop3A_828 = vector.broadcast %parallel_loop3A_827 : i32 to vector<16x1xi32>
          %parallel_loop3A_829 = vector.shape_cast %parallel_loop3A_828 : vector<16x1xi32> to vector<16xi32>
          %parallel_loop3A_830 = tpu.dynamic_gather %parallel_loop3A_778[%parallel_loop3A_829] in [0] : vector<16xf32>, vector<16xi32> -> vector<16xf32>
          %parallel_loop3A_831 = arith.mulf %parallel_loop3A_830, %parallel_loop3A_820 : vector<16xf32>
          %parallel_loop3A_832 = arith.addf %parallel_loop3A_796, %parallel_loop3A_831 : vector<16xf32>
          %parallel_loop3A_833 = arith.index_cast %parallel_loop3A_153 : i32 to index
          %parallel_loop3A_834 = arith.constant 560 : index
          %parallel_loop3A_835 = tpu.vector_load %arg11[%parallel_loop3A_833, %parallel_loop3A_834] {strides = array<i32>} : memref<16x1024xi32, #tpu.memory_space<vmem>>, vector<16xi32>,
          %parallel_loop3A_836 = vector.bitcast %parallel_loop3A_835 : vector<16xi32> to vector<32xbf16>
          %parallel_loop3A_837 = tpu.unpack_subelements %parallel_loop3A_836, 0 {pack_format = #tpu.pack_format<interleaved>} : vector<32xbf16> -> vector<16xf32>
          %parallel_loop3A_838 = tpu.unpack_subelements %parallel_loop3A_836, 1 {pack_format = #tpu.pack_format<interleaved>} : vector<32xbf16> -> vector<16xf32>
          %parallel_loop3A_839 = arith.constant 6 : i32
          %parallel_loop3A_840 = vector.broadcast %parallel_loop3A_839 : i32 to vector<16x1xi32>
          %parallel_loop3A_841 = vector.shape_cast %parallel_loop3A_840 : vector<16x1xi32> to vector<16xi32>
          %parallel_loop3A_842 = tpu.dynamic_gather %parallel_loop3A_778[%parallel_loop3A_841] in [0] : vector<16xf32>, vector<16xi32> -> vector<16xf32>
          %parallel_loop3A_843 = arith.mulf %parallel_loop3A_842, %parallel_loop3A_837 : vector<16xf32>
          %parallel_loop3A_844 = arith.addf %parallel_loop3A_808, %parallel_loop3A_843 : vector<16xf32>
          %parallel_loop3A_845 = arith.constant 7 : i32
          %parallel_loop3A_846 = vector.broadcast %parallel_loop3A_845 : i32 to vector<16x1xi32>
          %parallel_loop3A_847 = vector.shape_cast %parallel_loop3A_846 : vector<16x1xi32> to vector<16xi32>
          %parallel_loop3A_848 = tpu.dynamic_gather %parallel_loop3A_778[%parallel_loop3A_847] in [0] : vector<16xf32>, vector<16xi32> -> vector<16xf32>
          %parallel_loop3A_849 = arith.mulf %parallel_loop3A_848, %parallel_loop3A_838 : vector<16xf32>
          %parallel_loop3A_850 = arith.addf %parallel_loop3A_814, %parallel_loop3A_849 : vector<16xf32>
          %parallel_loop3A_851 = arith.index_cast %parallel_loop3A_153 : i32 to index
          %parallel_loop3A_852 = arith.constant 576 : index
          %parallel_loop3A_853 = tpu.vector_load %arg11[%parallel_loop3A_851, %parallel_loop3A_852] {strides = array<i32>} : memref<16x1024xi32, #tpu.memory_space<vmem>>, vector<16xi32>,
          %parallel_loop3A_854 = vector.bitcast %parallel_loop3A_853 : vector<16xi32> to vector<32xbf16>
          %parallel_loop3A_855 = tpu.unpack_subelements %parallel_loop3A_854, 0 {pack_format = #tpu.pack_format<interleaved>} : vector<32xbf16> -> vector<16xf32>
          %parallel_loop3A_856 = tpu.unpack_subelements %parallel_loop3A_854, 1 {pack_format = #tpu.pack_format<interleaved>} : vector<32xbf16> -> vector<16xf32>
          %parallel_loop3A_857 = arith.constant 8 : i32
          %parallel_loop3A_858 = vector.broadcast %parallel_loop3A_857 : i32 to vector<16x1xi32>
          %parallel_loop3A_859 = vector.shape_cast %parallel_loop3A_858 : vector<16x1xi32> to vector<16xi32>
          %parallel_loop3A_860 = tpu.dynamic_gather %parallel_loop3A_778[%parallel_loop3A_859] in [0] : vector<16xf32>, vector<16xi32> -> vector<16xf32>
          %parallel_loop3A_861 = arith.mulf %parallel_loop3A_860, %parallel_loop3A_855 : vector<16xf32>
          %parallel_loop3A_862 = arith.addf %parallel_loop3A_826, %parallel_loop3A_861 : vector<16xf32>
          %parallel_loop3A_863 = arith.constant 9 : i32
          %parallel_loop3A_864 = vector.broadcast %parallel_loop3A_863 : i32 to vector<16x1xi32>
          %parallel_loop3A_865 = vector.shape_cast %parallel_loop3A_864 : vector<16x1xi32> to vector<16xi32>
          %parallel_loop3A_866 = tpu.dynamic_gather %parallel_loop3A_778[%parallel_loop3A_865] in [0] : vector<16xf32>, vector<16xi32> -> vector<16xf32>
          %parallel_loop3A_867 = arith.mulf %parallel_loop3A_866, %parallel_loop3A_856 : vector<16xf32>
          %parallel_loop3A_868 = arith.addf %parallel_loop3A_832, %parallel_loop3A_867 : vector<16xf32>
          %parallel_loop3A_869 = arith.index_cast %parallel_loop3A_153 : i32 to index
          %parallel_loop3A_870 = arith.constant 592 : index
          %parallel_loop3A_871 = tpu.vector_load %arg11[%parallel_loop3A_869, %parallel_loop3A_870] {strides = array<i32>} : memref<16x1024xi32, #tpu.memory_space<vmem>>, vector<16xi32>,
          %parallel_loop3A_872 = vector.bitcast %parallel_loop3A_871 : vector<16xi32> to vector<32xbf16>
          %parallel_loop3A_873 = tpu.unpack_subelements %parallel_loop3A_872, 0 {pack_format = #tpu.pack_format<interleaved>} : vector<32xbf16> -> vector<16xf32>
          %parallel_loop3A_874 = tpu.unpack_subelements %parallel_loop3A_872, 1 {pack_format = #tpu.pack_format<interleaved>} : vector<32xbf16> -> vector<16xf32>
          %parallel_loop3A_875 = arith.constant 10 : i32
          %parallel_loop3A_876 = vector.broadcast %parallel_loop3A_875 : i32 to vector<16x1xi32>
          %parallel_loop3A_877 = vector.shape_cast %parallel_loop3A_876 : vector<16x1xi32> to vector<16xi32>
          %parallel_loop3A_878 = tpu.dynamic_gather %parallel_loop3A_778[%parallel_loop3A_877] in [0] : vector<16xf32>, vector<16xi32> -> vector<16xf32>
          %parallel_loop3A_879 = arith.mulf %parallel_loop3A_878, %parallel_loop3A_873 : vector<16xf32>
          %parallel_loop3A_880 = arith.addf %parallel_loop3A_844, %parallel_loop3A_879 : vector<16xf32>
          %parallel_loop3A_881 = arith.constant 11 : i32
          %parallel_loop3A_882 = vector.broadcast %parallel_loop3A_881 : i32 to vector<16x1xi32>
          %parallel_loop3A_883 = vector.shape_cast %parallel_loop3A_882 : vector<16x1xi32> to vector<16xi32>
          %parallel_loop3A_884 = tpu.dynamic_gather %parallel_loop3A_778[%parallel_loop3A_883] in [0] : vector<16xf32>, vector<16xi32> -> vector<16xf32>
          %parallel_loop3A_885 = arith.mulf %parallel_loop3A_884, %parallel_loop3A_874 : vector<16xf32>
          %parallel_loop3A_886 = arith.addf %parallel_loop3A_850, %parallel_loop3A_885 : vector<16xf32>
          %parallel_loop3A_887 = arith.index_cast %parallel_loop3A_153 : i32 to index
          %parallel_loop3A_888 = arith.constant 608 : index
          %parallel_loop3A_889 = tpu.vector_load %arg11[%parallel_loop3A_887, %parallel_loop3A_888] {strides = array<i32>} : memref<16x1024xi32, #tpu.memory_space<vmem>>, vector<16xi32>,
          %parallel_loop3A_890 = vector.bitcast %parallel_loop3A_889 : vector<16xi32> to vector<32xbf16>
          %parallel_loop3A_891 = tpu.unpack_subelements %parallel_loop3A_890, 0 {pack_format = #tpu.pack_format<interleaved>} : vector<32xbf16> -> vector<16xf32>
          %parallel_loop3A_892 = tpu.unpack_subelements %parallel_loop3A_890, 1 {pack_format = #tpu.pack_format<interleaved>} : vector<32xbf16> -> vector<16xf32>
          %parallel_loop3A_893 = arith.constant 12 : i32
          %parallel_loop3A_894 = vector.broadcast %parallel_loop3A_893 : i32 to vector<16x1xi32>
          %parallel_loop3A_895 = vector.shape_cast %parallel_loop3A_894 : vector<16x1xi32> to vector<16xi32>
          %parallel_loop3A_896 = tpu.dynamic_gather %parallel_loop3A_778[%parallel_loop3A_895] in [0] : vector<16xf32>, vector<16xi32> -> vector<16xf32>
          %parallel_loop3A_897 = arith.mulf %parallel_loop3A_896, %parallel_loop3A_891 : vector<16xf32>
          %parallel_loop3A_898 = arith.addf %parallel_loop3A_862, %parallel_loop3A_897 : vector<16xf32>
          %parallel_loop3A_899 = arith.constant 13 : i32
          %parallel_loop3A_900 = vector.broadcast %parallel_loop3A_899 : i32 to vector<16x1xi32>
          %parallel_loop3A_901 = vector.shape_cast %parallel_loop3A_900 : vector<16x1xi32> to vector<16xi32>
          %parallel_loop3A_902 = tpu.dynamic_gather %parallel_loop3A_778[%parallel_loop3A_901] in [0] : vector<16xf32>, vector<16xi32> -> vector<16xf32>
          %parallel_loop3A_903 = arith.mulf %parallel_loop3A_902, %parallel_loop3A_892 : vector<16xf32>
          %parallel_loop3A_904 = arith.addf %parallel_loop3A_868, %parallel_loop3A_903 : vector<16xf32>
          %parallel_loop3A_905 = arith.index_cast %parallel_loop3A_153 : i32 to index
          %parallel_loop3A_906 = arith.constant 624 : index
          %parallel_loop3A_907 = tpu.vector_load %arg11[%parallel_loop3A_905, %parallel_loop3A_906] {strides = array<i32>} : memref<16x1024xi32, #tpu.memory_space<vmem>>, vector<16xi32>,
          %parallel_loop3A_908 = vector.bitcast %parallel_loop3A_907 : vector<16xi32> to vector<32xbf16>
          %parallel_loop3A_909 = tpu.unpack_subelements %parallel_loop3A_908, 0 {pack_format = #tpu.pack_format<interleaved>} : vector<32xbf16> -> vector<16xf32>
          %parallel_loop3A_910 = tpu.unpack_subelements %parallel_loop3A_908, 1 {pack_format = #tpu.pack_format<interleaved>} : vector<32xbf16> -> vector<16xf32>
          %parallel_loop3A_911 = arith.constant 14 : i32
          %parallel_loop3A_912 = vector.broadcast %parallel_loop3A_911 : i32 to vector<16x1xi32>
          %parallel_loop3A_913 = vector.shape_cast %parallel_loop3A_912 : vector<16x1xi32> to vector<16xi32>
          %parallel_loop3A_914 = tpu.dynamic_gather %parallel_loop3A_778[%parallel_loop3A_913] in [0] : vector<16xf32>, vector<16xi32> -> vector<16xf32>
          %parallel_loop3A_915 = arith.mulf %parallel_loop3A_914, %parallel_loop3A_909 : vector<16xf32>
          %parallel_loop3A_916 = arith.addf %parallel_loop3A_880, %parallel_loop3A_915 : vector<16xf32>
          %parallel_loop3A_917 = arith.constant 15 : i32
          %parallel_loop3A_918 = vector.broadcast %parallel_loop3A_917 : i32 to vector<16x1xi32>
          %parallel_loop3A_919 = vector.shape_cast %parallel_loop3A_918 : vector<16x1xi32> to vector<16xi32>
          %parallel_loop3A_920 = tpu.dynamic_gather %parallel_loop3A_778[%parallel_loop3A_919] in [0] : vector<16xf32>, vector<16xi32> -> vector<16xf32>
          %parallel_loop3A_921 = arith.mulf %parallel_loop3A_920, %parallel_loop3A_910 : vector<16xf32>
          %parallel_loop3A_922 = arith.addf %parallel_loop3A_886, %parallel_loop3A_921 : vector<16xf32>
          %parallel_loop3A_923 = arith.index_cast %parallel_loop3A_153 : i32 to index
          %parallel_loop3A_924 = arith.constant 80 : index
          %parallel_loop3A_925 = tpu.vector_load %arg9[%parallel_loop3A_923, %parallel_loop3A_924] {strides = array<i32>} : memref<16x128xf32, #tpu.memory_space<vmem>>, vector<16xf32>,
          %parallel_loop3A_926 = arith.index_cast %parallel_loop3A_153 : i32 to index
          %parallel_loop3A_927 = arith.constant 80 : index
          %parallel_loop3A_928 = tpu.vector_load %arg10[%parallel_loop3A_926, %parallel_loop3A_927] {strides = array<i32>} : memref<16x128xf32, #tpu.memory_space<vmem>>, vector<16xf32>,
          %parallel_loop3A_929 = arith.subf %parallel_loop3A_925, %parallel_loop3A_928 : vector<16xf32>
          %parallel_loop3A_930 = arith.index_cast %parallel_loop3A_153 : i32 to index
          %parallel_loop3A_931 = arith.constant 640 : index
          %parallel_loop3A_932 = tpu.vector_load %arg11[%parallel_loop3A_930, %parallel_loop3A_931] {strides = array<i32>} : memref<16x1024xi32, #tpu.memory_space<vmem>>, vector<16xi32>,
          %parallel_loop3A_933 = vector.bitcast %parallel_loop3A_932 : vector<16xi32> to vector<32xbf16>
          %parallel_loop3A_934 = tpu.unpack_subelements %parallel_loop3A_933, 0 {pack_format = #tpu.pack_format<interleaved>} : vector<32xbf16> -> vector<16xf32>
          %parallel_loop3A_935 = tpu.unpack_subelements %parallel_loop3A_933, 1 {pack_format = #tpu.pack_format<interleaved>} : vector<32xbf16> -> vector<16xf32>
          %parallel_loop3A_936 = arith.constant 0 : i32
          %parallel_loop3A_937 = vector.broadcast %parallel_loop3A_936 : i32 to vector<16x1xi32>
          %parallel_loop3A_938 = vector.shape_cast %parallel_loop3A_937 : vector<16x1xi32> to vector<16xi32>
          %parallel_loop3A_939 = tpu.dynamic_gather %parallel_loop3A_929[%parallel_loop3A_938] in [0] : vector<16xf32>, vector<16xi32> -> vector<16xf32>
          %parallel_loop3A_940 = arith.mulf %parallel_loop3A_939, %parallel_loop3A_934 : vector<16xf32>
          %parallel_loop3A_941 = arith.addf %parallel_loop3A_898, %parallel_loop3A_940 : vector<16xf32>
          %parallel_loop3A_942 = arith.constant 1 : i32
          %parallel_loop3A_943 = vector.broadcast %parallel_loop3A_942 : i32 to vector<16x1xi32>
          %parallel_loop3A_944 = vector.shape_cast %parallel_loop3A_943 : vector<16x1xi32> to vector<16xi32>
          %parallel_loop3A_945 = tpu.dynamic_gather %parallel_loop3A_929[%parallel_loop3A_944] in [0] : vector<16xf32>, vector<16xi32> -> vector<16xf32>
          %parallel_loop3A_946 = arith.mulf %parallel_loop3A_945, %parallel_loop3A_935 : vector<16xf32>
          %parallel_loop3A_947 = arith.addf %parallel_loop3A_904, %parallel_loop3A_946 : vector<16xf32>
          %parallel_loop3A_948 = arith.index_cast %parallel_loop3A_153 : i32 to index
          %parallel_loop3A_949 = arith.constant 656 : index
          %parallel_loop3A_950 = tpu.vector_load %arg11[%parallel_loop3A_948, %parallel_loop3A_949] {strides = array<i32>} : memref<16x1024xi32, #tpu.memory_space<vmem>>, vector<16xi32>,
          %parallel_loop3A_951 = vector.bitcast %parallel_loop3A_950 : vector<16xi32> to vector<32xbf16>
          %parallel_loop3A_952 = tpu.unpack_subelements %parallel_loop3A_951, 0 {pack_format = #tpu.pack_format<interleaved>} : vector<32xbf16> -> vector<16xf32>
          %parallel_loop3A_953 = tpu.unpack_subelements %parallel_loop3A_951, 1 {pack_format = #tpu.pack_format<interleaved>} : vector<32xbf16> -> vector<16xf32>
          %parallel_loop3A_954 = arith.constant 2 : i32
          %parallel_loop3A_955 = vector.broadcast %parallel_loop3A_954 : i32 to vector<16x1xi32>
          %parallel_loop3A_956 = vector.shape_cast %parallel_loop3A_955 : vector<16x1xi32> to vector<16xi32>
          %parallel_loop3A_957 = tpu.dynamic_gather %parallel_loop3A_929[%parallel_loop3A_956] in [0] : vector<16xf32>, vector<16xi32> -> vector<16xf32>
          %parallel_loop3A_958 = arith.mulf %parallel_loop3A_957, %parallel_loop3A_952 : vector<16xf32>
          %parallel_loop3A_959 = arith.addf %parallel_loop3A_916, %parallel_loop3A_958 : vector<16xf32>
          %parallel_loop3A_960 = arith.constant 3 : i32
          %parallel_loop3A_961 = vector.broadcast %parallel_loop3A_960 : i32 to vector<16x1xi32>
          %parallel_loop3A_962 = vector.shape_cast %parallel_loop3A_961 : vector<16x1xi32> to vector<16xi32>
          %parallel_loop3A_963 = tpu.dynamic_gather %parallel_loop3A_929[%parallel_loop3A_962] in [0] : vector<16xf32>, vector<16xi32> -> vector<16xf32>
          %parallel_loop3A_964 = arith.mulf %parallel_loop3A_963, %parallel_loop3A_953 : vector<16xf32>
          %parallel_loop3A_965 = arith.addf %parallel_loop3A_922, %parallel_loop3A_964 : vector<16xf32>
          %parallel_loop3A_966 = arith.index_cast %parallel_loop3A_153 : i32 to index
          %parallel_loop3A_967 = arith.constant 672 : index
          %parallel_loop3A_968 = tpu.vector_load %arg11[%parallel_loop3A_966, %parallel_loop3A_967] {strides = array<i32>} : memref<16x1024xi32, #tpu.memory_space<vmem>>, vector<16xi32>,
          %parallel_loop3A_969 = vector.bitcast %parallel_loop3A_968 : vector<16xi32> to vector<32xbf16>
          %parallel_loop3A_970 = tpu.unpack_subelements %parallel_loop3A_969, 0 {pack_format = #tpu.pack_format<interleaved>} : vector<32xbf16> -> vector<16xf32>
          %parallel_loop3A_971 = tpu.unpack_subelements %parallel_loop3A_969, 1 {pack_format = #tpu.pack_format<interleaved>} : vector<32xbf16> -> vector<16xf32>
          %parallel_loop3A_972 = arith.constant 4 : i32
          %parallel_loop3A_973 = vector.broadcast %parallel_loop3A_972 : i32 to vector<16x1xi32>
          %parallel_loop3A_974 = vector.shape_cast %parallel_loop3A_973 : vector<16x1xi32> to vector<16xi32>
          %parallel_loop3A_975 = tpu.dynamic_gather %parallel_loop3A_929[%parallel_loop3A_974] in [0] : vector<16xf32>, vector<16xi32> -> vector<16xf32>
          %parallel_loop3A_976 = arith.mulf %parallel_loop3A_975, %parallel_loop3A_970 : vector<16xf32>
          %parallel_loop3A_977 = arith.addf %parallel_loop3A_941, %parallel_loop3A_976 : vector<16xf32>
          %parallel_loop3A_978 = arith.constant 5 : i32
          %parallel_loop3A_979 = vector.broadcast %parallel_loop3A_978 : i32 to vector<16x1xi32>
          %parallel_loop3A_980 = vector.shape_cast %parallel_loop3A_979 : vector<16x1xi32> to vector<16xi32>
          %parallel_loop3A_981 = tpu.dynamic_gather %parallel_loop3A_929[%parallel_loop3A_980] in [0] : vector<16xf32>, vector<16xi32> -> vector<16xf32>
          %parallel_loop3A_982 = arith.mulf %parallel_loop3A_981, %parallel_loop3A_971 : vector<16xf32>
          %parallel_loop3A_983 = arith.addf %parallel_loop3A_947, %parallel_loop3A_982 : vector<16xf32>
          %parallel_loop3A_984 = arith.index_cast %parallel_loop3A_153 : i32 to index
          %parallel_loop3A_985 = arith.constant 688 : index
          %parallel_loop3A_986 = tpu.vector_load %arg11[%parallel_loop3A_984, %parallel_loop3A_985] {strides = array<i32>} : memref<16x1024xi32, #tpu.memory_space<vmem>>, vector<16xi32>,
          %parallel_loop3A_987 = vector.bitcast %parallel_loop3A_986 : vector<16xi32> to vector<32xbf16>
          %parallel_loop3A_988 = tpu.unpack_subelements %parallel_loop3A_987, 0 {pack_format = #tpu.pack_format<interleaved>} : vector<32xbf16> -> vector<16xf32>
          %parallel_loop3A_989 = tpu.unpack_subelements %parallel_loop3A_987, 1 {pack_format = #tpu.pack_format<interleaved>} : vector<32xbf16> -> vector<16xf32>
          %parallel_loop3A_990 = arith.constant 6 : i32
          %parallel_loop3A_991 = vector.broadcast %parallel_loop3A_990 : i32 to vector<16x1xi32>
          %parallel_loop3A_992 = vector.shape_cast %parallel_loop3A_991 : vector<16x1xi32> to vector<16xi32>
          %parallel_loop3A_993 = tpu.dynamic_gather %parallel_loop3A_929[%parallel_loop3A_992] in [0] : vector<16xf32>, vector<16xi32> -> vector<16xf32>
          %parallel_loop3A_994 = arith.mulf %parallel_loop3A_993, %parallel_loop3A_988 : vector<16xf32>
          %parallel_loop3A_995 = arith.addf %parallel_loop3A_959, %parallel_loop3A_994 : vector<16xf32>
          %parallel_loop3A_996 = arith.constant 7 : i32
          %parallel_loop3A_997 = vector.broadcast %parallel_loop3A_996 : i32 to vector<16x1xi32>
          %parallel_loop3A_998 = vector.shape_cast %parallel_loop3A_997 : vector<16x1xi32> to vector<16xi32>
          %parallel_loop3A_999 = tpu.dynamic_gather %parallel_loop3A_929[%parallel_loop3A_998] in [0] : vector<16xf32>, vector<16xi32> -> vector<16xf32>
          %parallel_loop3A_1000 = arith.mulf %parallel_loop3A_999, %parallel_loop3A_989 : vector<16xf32>
          %parallel_loop3A_1001 = arith.addf %parallel_loop3A_965, %parallel_loop3A_1000 : vector<16xf32>
          %parallel_loop3A_1002 = arith.index_cast %parallel_loop3A_153 : i32 to index
          %parallel_loop3A_1003 = arith.constant 704 : index
          %parallel_loop3A_1004 = tpu.vector_load %arg11[%parallel_loop3A_1002, %parallel_loop3A_1003] {strides = array<i32>} : memref<16x1024xi32, #tpu.memory_space<vmem>>, vector<16xi32>,
          %parallel_loop3A_1005 = vector.bitcast %parallel_loop3A_1004 : vector<16xi32> to vector<32xbf16>
          %parallel_loop3A_1006 = tpu.unpack_subelements %parallel_loop3A_1005, 0 {pack_format = #tpu.pack_format<interleaved>} : vector<32xbf16> -> vector<16xf32>
          %parallel_loop3A_1007 = tpu.unpack_subelements %parallel_loop3A_1005, 1 {pack_format = #tpu.pack_format<interleaved>} : vector<32xbf16> -> vector<16xf32>
          %parallel_loop3A_1008 = arith.constant 8 : i32
          %parallel_loop3A_1009 = vector.broadcast %parallel_loop3A_1008 : i32 to vector<16x1xi32>
          %parallel_loop3A_1010 = vector.shape_cast %parallel_loop3A_1009 : vector<16x1xi32> to vector<16xi32>
          %parallel_loop3A_1011 = tpu.dynamic_gather %parallel_loop3A_929[%parallel_loop3A_1010] in [0] : vector<16xf32>, vector<16xi32> -> vector<16xf32>
          %parallel_loop3A_1012 = arith.mulf %parallel_loop3A_1011, %parallel_loop3A_1006 : vector<16xf32>
          %parallel_loop3A_1013 = arith.addf %parallel_loop3A_977, %parallel_loop3A_1012 : vector<16xf32>
          %parallel_loop3A_1014 = arith.constant 9 : i32
          %parallel_loop3A_1015 = vector.broadcast %parallel_loop3A_1014 : i32 to vector<16x1xi32>
          %parallel_loop3A_1016 = vector.shape_cast %parallel_loop3A_1015 : vector<16x1xi32> to vector<16xi32>
          %parallel_loop3A_1017 = tpu.dynamic_gather %parallel_loop3A_929[%parallel_loop3A_1016] in [0] : vector<16xf32>, vector<16xi32> -> vector<16xf32>
          %parallel_loop3A_1018 = arith.mulf %parallel_loop3A_1017, %parallel_loop3A_1007 : vector<16xf32>
          %parallel_loop3A_1019 = arith.addf %parallel_loop3A_983, %parallel_loop3A_1018 : vector<16xf32>
          %parallel_loop3A_1020 = arith.index_cast %parallel_loop3A_153 : i32 to index
          %parallel_loop3A_1021 = arith.constant 720 : index
          %parallel_loop3A_1022 = tpu.vector_load %arg11[%parallel_loop3A_1020, %parallel_loop3A_1021] {strides = array<i32>} : memref<16x1024xi32, #tpu.memory_space<vmem>>, vector<16xi32>,
          %parallel_loop3A_1023 = vector.bitcast %parallel_loop3A_1022 : vector<16xi32> to vector<32xbf16>
          %parallel_loop3A_1024 = tpu.unpack_subelements %parallel_loop3A_1023, 0 {pack_format = #tpu.pack_format<interleaved>} : vector<32xbf16> -> vector<16xf32>
          %parallel_loop3A_1025 = tpu.unpack_subelements %parallel_loop3A_1023, 1 {pack_format = #tpu.pack_format<interleaved>} : vector<32xbf16> -> vector<16xf32>
          %parallel_loop3A_1026 = arith.constant 10 : i32
          %parallel_loop3A_1027 = vector.broadcast %parallel_loop3A_1026 : i32 to vector<16x1xi32>
          %parallel_loop3A_1028 = vector.shape_cast %parallel_loop3A_1027 : vector<16x1xi32> to vector<16xi32>
          %parallel_loop3A_1029 = tpu.dynamic_gather %parallel_loop3A_929[%parallel_loop3A_1028] in [0] : vector<16xf32>, vector<16xi32> -> vector<16xf32>
          %parallel_loop3A_1030 = arith.mulf %parallel_loop3A_1029, %parallel_loop3A_1024 : vector<16xf32>
          %parallel_loop3A_1031 = arith.addf %parallel_loop3A_995, %parallel_loop3A_1030 : vector<16xf32>
          %parallel_loop3A_1032 = arith.constant 11 : i32
          %parallel_loop3A_1033 = vector.broadcast %parallel_loop3A_1032 : i32 to vector<16x1xi32>
          %parallel_loop3A_1034 = vector.shape_cast %parallel_loop3A_1033 : vector<16x1xi32> to vector<16xi32>
          %parallel_loop3A_1035 = tpu.dynamic_gather %parallel_loop3A_929[%parallel_loop3A_1034] in [0] : vector<16xf32>, vector<16xi32> -> vector<16xf32>
          %parallel_loop3A_1036 = arith.mulf %parallel_loop3A_1035, %parallel_loop3A_1025 : vector<16xf32>
          %parallel_loop3A_1037 = arith.addf %parallel_loop3A_1001, %parallel_loop3A_1036 : vector<16xf32>
          %parallel_loop3A_1038 = arith.index_cast %parallel_loop3A_153 : i32 to index
          %parallel_loop3A_1039 = arith.constant 736 : index
          %parallel_loop3A_1040 = tpu.vector_load %arg11[%parallel_loop3A_1038, %parallel_loop3A_1039] {strides = array<i32>} : memref<16x1024xi32, #tpu.memory_space<vmem>>, vector<16xi32>,
          %parallel_loop3A_1041 = vector.bitcast %parallel_loop3A_1040 : vector<16xi32> to vector<32xbf16>
          %parallel_loop3A_1042 = tpu.unpack_subelements %parallel_loop3A_1041, 0 {pack_format = #tpu.pack_format<interleaved>} : vector<32xbf16> -> vector<16xf32>
          %parallel_loop3A_1043 = tpu.unpack_subelements %parallel_loop3A_1041, 1 {pack_format = #tpu.pack_format<interleaved>} : vector<32xbf16> -> vector<16xf32>
          %parallel_loop3A_1044 = arith.constant 12 : i32
          %parallel_loop3A_1045 = vector.broadcast %parallel_loop3A_1044 : i32 to vector<16x1xi32>
          %parallel_loop3A_1046 = vector.shape_cast %parallel_loop3A_1045 : vector<16x1xi32> to vector<16xi32>
          %parallel_loop3A_1047 = tpu.dynamic_gather %parallel_loop3A_929[%parallel_loop3A_1046] in [0] : vector<16xf32>, vector<16xi32> -> vector<16xf32>
          %parallel_loop3A_1048 = arith.mulf %parallel_loop3A_1047, %parallel_loop3A_1042 : vector<16xf32>
          %parallel_loop3A_1049 = arith.addf %parallel_loop3A_1013, %parallel_loop3A_1048 : vector<16xf32>
          %parallel_loop3A_1050 = arith.constant 13 : i32
          %parallel_loop3A_1051 = vector.broadcast %parallel_loop3A_1050 : i32 to vector<16x1xi32>
          %parallel_loop3A_1052 = vector.shape_cast %parallel_loop3A_1051 : vector<16x1xi32> to vector<16xi32>
          %parallel_loop3A_1053 = tpu.dynamic_gather %parallel_loop3A_929[%parallel_loop3A_1052] in [0] : vector<16xf32>, vector<16xi32> -> vector<16xf32>
          %parallel_loop3A_1054 = arith.mulf %parallel_loop3A_1053, %parallel_loop3A_1043 : vector<16xf32>
          %parallel_loop3A_1055 = arith.addf %parallel_loop3A_1019, %parallel_loop3A_1054 : vector<16xf32>
          %parallel_loop3A_1056 = arith.index_cast %parallel_loop3A_153 : i32 to index
          %parallel_loop3A_1057 = arith.constant 752 : index
          %parallel_loop3A_1058 = tpu.vector_load %arg11[%parallel_loop3A_1056, %parallel_loop3A_1057] {strides = array<i32>} : memref<16x1024xi32, #tpu.memory_space<vmem>>, vector<16xi32>,
          %parallel_loop3A_1059 = vector.bitcast %parallel_loop3A_1058 : vector<16xi32> to vector<32xbf16>
          %parallel_loop3A_1060 = tpu.unpack_subelements %parallel_loop3A_1059, 0 {pack_format = #tpu.pack_format<interleaved>} : vector<32xbf16> -> vector<16xf32>
          %parallel_loop3A_1061 = tpu.unpack_subelements %parallel_loop3A_1059, 1 {pack_format = #tpu.pack_format<interleaved>} : vector<32xbf16> -> vector<16xf32>
          %parallel_loop3A_1062 = arith.constant 14 : i32
          %parallel_loop3A_1063 = vector.broadcast %parallel_loop3A_1062 : i32 to vector<16x1xi32>
          %parallel_loop3A_1064 = vector.shape_cast %parallel_loop3A_1063 : vector<16x1xi32> to vector<16xi32>
          %parallel_loop3A_1065 = tpu.dynamic_gather %parallel_loop3A_929[%parallel_loop3A_1064] in [0] : vector<16xf32>, vector<16xi32> -> vector<16xf32>
          %parallel_loop3A_1066 = arith.mulf %parallel_loop3A_1065, %parallel_loop3A_1060 : vector<16xf32>
          %parallel_loop3A_1067 = arith.addf %parallel_loop3A_1031, %parallel_loop3A_1066 : vector<16xf32>
          %parallel_loop3A_1068 = arith.constant 15 : i32
          %parallel_loop3A_1069 = vector.broadcast %parallel_loop3A_1068 : i32 to vector<16x1xi32>
          %parallel_loop3A_1070 = vector.shape_cast %parallel_loop3A_1069 : vector<16x1xi32> to vector<16xi32>
          %parallel_loop3A_1071 = tpu.dynamic_gather %parallel_loop3A_929[%parallel_loop3A_1070] in [0] : vector<16xf32>, vector<16xi32> -> vector<16xf32>
          %parallel_loop3A_1072 = arith.mulf %parallel_loop3A_1071, %parallel_loop3A_1061 : vector<16xf32>
          %parallel_loop3A_1073 = arith.addf %parallel_loop3A_1037, %parallel_loop3A_1072 : vector<16xf32>
          %parallel_loop3A_1074 = arith.index_cast %parallel_loop3A_153 : i32 to index
          %parallel_loop3A_1075 = arith.constant 96 : index
          %parallel_loop3A_1076 = tpu.vector_load %arg9[%parallel_loop3A_1074, %parallel_loop3A_1075] {strides = array<i32>} : memref<16x128xf32, #tpu.memory_space<vmem>>, vector<16xf32>,
          %parallel_loop3A_1077 = arith.index_cast %parallel_loop3A_153 : i32 to index
          %parallel_loop3A_1078 = arith.constant 96 : index
          %parallel_loop3A_1079 = tpu.vector_load %arg10[%parallel_loop3A_1077, %parallel_loop3A_1078] {strides = array<i32>} : memref<16x128xf32, #tpu.memory_space<vmem>>, vector<16xf32>,
          %parallel_loop3A_1080 = arith.subf %parallel_loop3A_1076, %parallel_loop3A_1079 : vector<16xf32>
          %parallel_loop3A_1081 = arith.index_cast %parallel_loop3A_153 : i32 to index
          %parallel_loop3A_1082 = arith.constant 768 : index
          %parallel_loop3A_1083 = tpu.vector_load %arg11[%parallel_loop3A_1081, %parallel_loop3A_1082] {strides = array<i32>} : memref<16x1024xi32, #tpu.memory_space<vmem>>, vector<16xi32>,
          %parallel_loop3A_1084 = vector.bitcast %parallel_loop3A_1083 : vector<16xi32> to vector<32xbf16>
          %parallel_loop3A_1085 = tpu.unpack_subelements %parallel_loop3A_1084, 0 {pack_format = #tpu.pack_format<interleaved>} : vector<32xbf16> -> vector<16xf32>
          %parallel_loop3A_1086 = tpu.unpack_subelements %parallel_loop3A_1084, 1 {pack_format = #tpu.pack_format<interleaved>} : vector<32xbf16> -> vector<16xf32>
          %parallel_loop3A_1087 = arith.constant 0 : i32
          %parallel_loop3A_1088 = vector.broadcast %parallel_loop3A_1087 : i32 to vector<16x1xi32>
          %parallel_loop3A_1089 = vector.shape_cast %parallel_loop3A_1088 : vector<16x1xi32> to vector<16xi32>
          %parallel_loop3A_1090 = tpu.dynamic_gather %parallel_loop3A_1080[%parallel_loop3A_1089] in [0] : vector<16xf32>, vector<16xi32> -> vector<16xf32>
          %parallel_loop3A_1091 = arith.mulf %parallel_loop3A_1090, %parallel_loop3A_1085 : vector<16xf32>
          %parallel_loop3A_1092 = arith.addf %parallel_loop3A_1049, %parallel_loop3A_1091 : vector<16xf32>
          %parallel_loop3A_1093 = arith.constant 1 : i32
          %parallel_loop3A_1094 = vector.broadcast %parallel_loop3A_1093 : i32 to vector<16x1xi32>
          %parallel_loop3A_1095 = vector.shape_cast %parallel_loop3A_1094 : vector<16x1xi32> to vector<16xi32>
          %parallel_loop3A_1096 = tpu.dynamic_gather %parallel_loop3A_1080[%parallel_loop3A_1095] in [0] : vector<16xf32>, vector<16xi32> -> vector<16xf32>
          %parallel_loop3A_1097 = arith.mulf %parallel_loop3A_1096, %parallel_loop3A_1086 : vector<16xf32>
          %parallel_loop3A_1098 = arith.addf %parallel_loop3A_1055, %parallel_loop3A_1097 : vector<16xf32>
          %parallel_loop3A_1099 = arith.index_cast %parallel_loop3A_153 : i32 to index
          %parallel_loop3A_1100 = arith.constant 784 : index
          %parallel_loop3A_1101 = tpu.vector_load %arg11[%parallel_loop3A_1099, %parallel_loop3A_1100] {strides = array<i32>} : memref<16x1024xi32, #tpu.memory_space<vmem>>, vector<16xi32>,
          %parallel_loop3A_1102 = vector.bitcast %parallel_loop3A_1101 : vector<16xi32> to vector<32xbf16>
          %parallel_loop3A_1103 = tpu.unpack_subelements %parallel_loop3A_1102, 0 {pack_format = #tpu.pack_format<interleaved>} : vector<32xbf16> -> vector<16xf32>
          %parallel_loop3A_1104 = tpu.unpack_subelements %parallel_loop3A_1102, 1 {pack_format = #tpu.pack_format<interleaved>} : vector<32xbf16> -> vector<16xf32>
          %parallel_loop3A_1105 = arith.constant 2 : i32
          %parallel_loop3A_1106 = vector.broadcast %parallel_loop3A_1105 : i32 to vector<16x1xi32>
          %parallel_loop3A_1107 = vector.shape_cast %parallel_loop3A_1106 : vector<16x1xi32> to vector<16xi32>
          %parallel_loop3A_1108 = tpu.dynamic_gather %parallel_loop3A_1080[%parallel_loop3A_1107] in [0] : vector<16xf32>, vector<16xi32> -> vector<16xf32>
          %parallel_loop3A_1109 = arith.mulf %parallel_loop3A_1108, %parallel_loop3A_1103 : vector<16xf32>
          %parallel_loop3A_1110 = arith.addf %parallel_loop3A_1067, %parallel_loop3A_1109 : vector<16xf32>
          %parallel_loop3A_1111 = arith.constant 3 : i32
          %parallel_loop3A_1112 = vector.broadcast %parallel_loop3A_1111 : i32 to vector<16x1xi32>
          %parallel_loop3A_1113 = vector.shape_cast %parallel_loop3A_1112 : vector<16x1xi32> to vector<16xi32>
          %parallel_loop3A_1114 = tpu.dynamic_gather %parallel_loop3A_1080[%parallel_loop3A_1113] in [0] : vector<16xf32>, vector<16xi32> -> vector<16xf32>
          %parallel_loop3A_1115 = arith.mulf %parallel_loop3A_1114, %parallel_loop3A_1104 : vector<16xf32>
          %parallel_loop3A_1116 = arith.addf %parallel_loop3A_1073, %parallel_loop3A_1115 : vector<16xf32>
          %parallel_loop3A_1117 = arith.index_cast %parallel_loop3A_153 : i32 to index
          %parallel_loop3A_1118 = arith.constant 800 : index
          %parallel_loop3A_1119 = tpu.vector_load %arg11[%parallel_loop3A_1117, %parallel_loop3A_1118] {strides = array<i32>} : memref<16x1024xi32, #tpu.memory_space<vmem>>, vector<16xi32>,
          %parallel_loop3A_1120 = vector.bitcast %parallel_loop3A_1119 : vector<16xi32> to vector<32xbf16>
          %parallel_loop3A_1121 = tpu.unpack_subelements %parallel_loop3A_1120, 0 {pack_format = #tpu.pack_format<interleaved>} : vector<32xbf16> -> vector<16xf32>
          %parallel_loop3A_1122 = tpu.unpack_subelements %parallel_loop3A_1120, 1 {pack_format = #tpu.pack_format<interleaved>} : vector<32xbf16> -> vector<16xf32>
          %parallel_loop3A_1123 = arith.constant 4 : i32
          %parallel_loop3A_1124 = vector.broadcast %parallel_loop3A_1123 : i32 to vector<16x1xi32>
          %parallel_loop3A_1125 = vector.shape_cast %parallel_loop3A_1124 : vector<16x1xi32> to vector<16xi32>
          %parallel_loop3A_1126 = tpu.dynamic_gather %parallel_loop3A_1080[%parallel_loop3A_1125] in [0] : vector<16xf32>, vector<16xi32> -> vector<16xf32>
          %parallel_loop3A_1127 = arith.mulf %parallel_loop3A_1126, %parallel_loop3A_1121 : vector<16xf32>
          %parallel_loop3A_1128 = arith.addf %parallel_loop3A_1092, %parallel_loop3A_1127 : vector<16xf32>
          %parallel_loop3A_1129 = arith.constant 5 : i32
          %parallel_loop3A_1130 = vector.broadcast %parallel_loop3A_1129 : i32 to vector<16x1xi32>
          %parallel_loop3A_1131 = vector.shape_cast %parallel_loop3A_1130 : vector<16x1xi32> to vector<16xi32>
          %parallel_loop3A_1132 = tpu.dynamic_gather %parallel_loop3A_1080[%parallel_loop3A_1131] in [0] : vector<16xf32>, vector<16xi32> -> vector<16xf32>
          %parallel_loop3A_1133 = arith.mulf %parallel_loop3A_1132, %parallel_loop3A_1122 : vector<16xf32>
          %parallel_loop3A_1134 = arith.addf %parallel_loop3A_1098, %parallel_loop3A_1133 : vector<16xf32>
          %parallel_loop3A_1135 = arith.index_cast %parallel_loop3A_153 : i32 to index
          %parallel_loop3A_1136 = arith.constant 816 : index
          %parallel_loop3A_1137 = tpu.vector_load %arg11[%parallel_loop3A_1135, %parallel_loop3A_1136] {strides = array<i32>} : memref<16x1024xi32, #tpu.memory_space<vmem>>, vector<16xi32>,
          %parallel_loop3A_1138 = vector.bitcast %parallel_loop3A_1137 : vector<16xi32> to vector<32xbf16>
          %parallel_loop3A_1139 = tpu.unpack_subelements %parallel_loop3A_1138, 0 {pack_format = #tpu.pack_format<interleaved>} : vector<32xbf16> -> vector<16xf32>
          %parallel_loop3A_1140 = tpu.unpack_subelements %parallel_loop3A_1138, 1 {pack_format = #tpu.pack_format<interleaved>} : vector<32xbf16> -> vector<16xf32>
          %parallel_loop3A_1141 = arith.constant 6 : i32
          %parallel_loop3A_1142 = vector.broadcast %parallel_loop3A_1141 : i32 to vector<16x1xi32>
          %parallel_loop3A_1143 = vector.shape_cast %parallel_loop3A_1142 : vector<16x1xi32> to vector<16xi32>
          %parallel_loop3A_1144 = tpu.dynamic_gather %parallel_loop3A_1080[%parallel_loop3A_1143] in [0] : vector<16xf32>, vector<16xi32> -> vector<16xf32>
          %parallel_loop3A_1145 = arith.mulf %parallel_loop3A_1144, %parallel_loop3A_1139 : vector<16xf32>
          %parallel_loop3A_1146 = arith.addf %parallel_loop3A_1110, %parallel_loop3A_1145 : vector<16xf32>
          %parallel_loop3A_1147 = arith.constant 7 : i32
          %parallel_loop3A_1148 = vector.broadcast %parallel_loop3A_1147 : i32 to vector<16x1xi32>
          %parallel_loop3A_1149 = vector.shape_cast %parallel_loop3A_1148 : vector<16x1xi32> to vector<16xi32>
          %parallel_loop3A_1150 = tpu.dynamic_gather %parallel_loop3A_1080[%parallel_loop3A_1149] in [0] : vector<16xf32>, vector<16xi32> -> vector<16xf32>
          %parallel_loop3A_1151 = arith.mulf %parallel_loop3A_1150, %parallel_loop3A_1140 : vector<16xf32>
          %parallel_loop3A_1152 = arith.addf %parallel_loop3A_1116, %parallel_loop3A_1151 : vector<16xf32>
          %parallel_loop3A_1153 = arith.index_cast %parallel_loop3A_153 : i32 to index
          %parallel_loop3A_1154 = arith.constant 832 : index
          %parallel_loop3A_1155 = tpu.vector_load %arg11[%parallel_loop3A_1153, %parallel_loop3A_1154] {strides = array<i32>} : memref<16x1024xi32, #tpu.memory_space<vmem>>, vector<16xi32>,
          %parallel_loop3A_1156 = vector.bitcast %parallel_loop3A_1155 : vector<16xi32> to vector<32xbf16>
          %parallel_loop3A_1157 = tpu.unpack_subelements %parallel_loop3A_1156, 0 {pack_format = #tpu.pack_format<interleaved>} : vector<32xbf16> -> vector<16xf32>
          %parallel_loop3A_1158 = tpu.unpack_subelements %parallel_loop3A_1156, 1 {pack_format = #tpu.pack_format<interleaved>} : vector<32xbf16> -> vector<16xf32>
          %parallel_loop3A_1159 = arith.constant 8 : i32
          %parallel_loop3A_1160 = vector.broadcast %parallel_loop3A_1159 : i32 to vector<16x1xi32>
          %parallel_loop3A_1161 = vector.shape_cast %parallel_loop3A_1160 : vector<16x1xi32> to vector<16xi32>
          %parallel_loop3A_1162 = tpu.dynamic_gather %parallel_loop3A_1080[%parallel_loop3A_1161] in [0] : vector<16xf32>, vector<16xi32> -> vector<16xf32>
          %parallel_loop3A_1163 = arith.mulf %parallel_loop3A_1162, %parallel_loop3A_1157 : vector<16xf32>
          %parallel_loop3A_1164 = arith.addf %parallel_loop3A_1128, %parallel_loop3A_1163 : vector<16xf32>
          %parallel_loop3A_1165 = arith.constant 9 : i32
          %parallel_loop3A_1166 = vector.broadcast %parallel_loop3A_1165 : i32 to vector<16x1xi32>
          %parallel_loop3A_1167 = vector.shape_cast %parallel_loop3A_1166 : vector<16x1xi32> to vector<16xi32>
          %parallel_loop3A_1168 = tpu.dynamic_gather %parallel_loop3A_1080[%parallel_loop3A_1167] in [0] : vector<16xf32>, vector<16xi32> -> vector<16xf32>
          %parallel_loop3A_1169 = arith.mulf %parallel_loop3A_1168, %parallel_loop3A_1158 : vector<16xf32>
          %parallel_loop3A_1170 = arith.addf %parallel_loop3A_1134, %parallel_loop3A_1169 : vector<16xf32>
          %parallel_loop3A_1171 = arith.index_cast %parallel_loop3A_153 : i32 to index
          %parallel_loop3A_1172 = arith.constant 848 : index
          %parallel_loop3A_1173 = tpu.vector_load %arg11[%parallel_loop3A_1171, %parallel_loop3A_1172] {strides = array<i32>} : memref<16x1024xi32, #tpu.memory_space<vmem>>, vector<16xi32>,
          %parallel_loop3A_1174 = vector.bitcast %parallel_loop3A_1173 : vector<16xi32> to vector<32xbf16>
          %parallel_loop3A_1175 = tpu.unpack_subelements %parallel_loop3A_1174, 0 {pack_format = #tpu.pack_format<interleaved>} : vector<32xbf16> -> vector<16xf32>
          %parallel_loop3A_1176 = tpu.unpack_subelements %parallel_loop3A_1174, 1 {pack_format = #tpu.pack_format<interleaved>} : vector<32xbf16> -> vector<16xf32>
          %parallel_loop3A_1177 = arith.constant 10 : i32
          %parallel_loop3A_1178 = vector.broadcast %parallel_loop3A_1177 : i32 to vector<16x1xi32>
          %parallel_loop3A_1179 = vector.shape_cast %parallel_loop3A_1178 : vector<16x1xi32> to vector<16xi32>
          %parallel_loop3A_1180 = tpu.dynamic_gather %parallel_loop3A_1080[%parallel_loop3A_1179] in [0] : vector<16xf32>, vector<16xi32> -> vector<16xf32>
          %parallel_loop3A_1181 = arith.mulf %parallel_loop3A_1180, %parallel_loop3A_1175 : vector<16xf32>
          %parallel_loop3A_1182 = arith.addf %parallel_loop3A_1146, %parallel_loop3A_1181 : vector<16xf32>
          %parallel_loop3A_1183 = arith.constant 11 : i32
          %parallel_loop3A_1184 = vector.broadcast %parallel_loop3A_1183 : i32 to vector<16x1xi32>
          %parallel_loop3A_1185 = vector.shape_cast %parallel_loop3A_1184 : vector<16x1xi32> to vector<16xi32>
          %parallel_loop3A_1186 = tpu.dynamic_gather %parallel_loop3A_1080[%parallel_loop3A_1185] in [0] : vector<16xf32>, vector<16xi32> -> vector<16xf32>
          %parallel_loop3A_1187 = arith.mulf %parallel_loop3A_1186, %parallel_loop3A_1176 : vector<16xf32>
          %parallel_loop3A_1188 = arith.addf %parallel_loop3A_1152, %parallel_loop3A_1187 : vector<16xf32>
          %parallel_loop3A_1189 = arith.index_cast %parallel_loop3A_153 : i32 to index
          %parallel_loop3A_1190 = arith.constant 864 : index
          %parallel_loop3A_1191 = tpu.vector_load %arg11[%parallel_loop3A_1189, %parallel_loop3A_1190] {strides = array<i32>} : memref<16x1024xi32, #tpu.memory_space<vmem>>, vector<16xi32>,
          %parallel_loop3A_1192 = vector.bitcast %parallel_loop3A_1191 : vector<16xi32> to vector<32xbf16>
          %parallel_loop3A_1193 = tpu.unpack_subelements %parallel_loop3A_1192, 0 {pack_format = #tpu.pack_format<interleaved>} : vector<32xbf16> -> vector<16xf32>
          %parallel_loop3A_1194 = tpu.unpack_subelements %parallel_loop3A_1192, 1 {pack_format = #tpu.pack_format<interleaved>} : vector<32xbf16> -> vector<16xf32>
          %parallel_loop3A_1195 = arith.constant 12 : i32
          %parallel_loop3A_1196 = vector.broadcast %parallel_loop3A_1195 : i32 to vector<16x1xi32>
          %parallel_loop3A_1197 = vector.shape_cast %parallel_loop3A_1196 : vector<16x1xi32> to vector<16xi32>
          %parallel_loop3A_1198 = tpu.dynamic_gather %parallel_loop3A_1080[%parallel_loop3A_1197] in [0] : vector<16xf32>, vector<16xi32> -> vector<16xf32>
          %parallel_loop3A_1199 = arith.mulf %parallel_loop3A_1198, %parallel_loop3A_1193 : vector<16xf32>
          %parallel_loop3A_1200 = arith.addf %parallel_loop3A_1164, %parallel_loop3A_1199 : vector<16xf32>
          %parallel_loop3A_1201 = arith.constant 13 : i32
          %parallel_loop3A_1202 = vector.broadcast %parallel_loop3A_1201 : i32 to vector<16x1xi32>
          %parallel_loop3A_1203 = vector.shape_cast %parallel_loop3A_1202 : vector<16x1xi32> to vector<16xi32>
          %parallel_loop3A_1204 = tpu.dynamic_gather %parallel_loop3A_1080[%parallel_loop3A_1203] in [0] : vector<16xf32>, vector<16xi32> -> vector<16xf32>
          %parallel_loop3A_1205 = arith.mulf %parallel_loop3A_1204, %parallel_loop3A_1194 : vector<16xf32>
          %parallel_loop3A_1206 = arith.addf %parallel_loop3A_1170, %parallel_loop3A_1205 : vector<16xf32>
          %parallel_loop3A_1207 = arith.index_cast %parallel_loop3A_153 : i32 to index
          %parallel_loop3A_1208 = arith.constant 880 : index
          %parallel_loop3A_1209 = tpu.vector_load %arg11[%parallel_loop3A_1207, %parallel_loop3A_1208] {strides = array<i32>} : memref<16x1024xi32, #tpu.memory_space<vmem>>, vector<16xi32>,
          %parallel_loop3A_1210 = vector.bitcast %parallel_loop3A_1209 : vector<16xi32> to vector<32xbf16>
          %parallel_loop3A_1211 = tpu.unpack_subelements %parallel_loop3A_1210, 0 {pack_format = #tpu.pack_format<interleaved>} : vector<32xbf16> -> vector<16xf32>
          %parallel_loop3A_1212 = tpu.unpack_subelements %parallel_loop3A_1210, 1 {pack_format = #tpu.pack_format<interleaved>} : vector<32xbf16> -> vector<16xf32>
          %parallel_loop3A_1213 = arith.constant 14 : i32
          %parallel_loop3A_1214 = vector.broadcast %parallel_loop3A_1213 : i32 to vector<16x1xi32>
          %parallel_loop3A_1215 = vector.shape_cast %parallel_loop3A_1214 : vector<16x1xi32> to vector<16xi32>
          %parallel_loop3A_1216 = tpu.dynamic_gather %parallel_loop3A_1080[%parallel_loop3A_1215] in [0] : vector<16xf32>, vector<16xi32> -> vector<16xf32>
          %parallel_loop3A_1217 = arith.mulf %parallel_loop3A_1216, %parallel_loop3A_1211 : vector<16xf32>
          %parallel_loop3A_1218 = arith.addf %parallel_loop3A_1182, %parallel_loop3A_1217 : vector<16xf32>
          %parallel_loop3A_1219 = arith.constant 15 : i32
          %parallel_loop3A_1220 = vector.broadcast %parallel_loop3A_1219 : i32 to vector<16x1xi32>
          %parallel_loop3A_1221 = vector.shape_cast %parallel_loop3A_1220 : vector<16x1xi32> to vector<16xi32>
          %parallel_loop3A_1222 = tpu.dynamic_gather %parallel_loop3A_1080[%parallel_loop3A_1221] in [0] : vector<16xf32>, vector<16xi32> -> vector<16xf32>
          %parallel_loop3A_1223 = arith.mulf %parallel_loop3A_1222, %parallel_loop3A_1212 : vector<16xf32>
          %parallel_loop3A_1224 = arith.addf %parallel_loop3A_1188, %parallel_loop3A_1223 : vector<16xf32>
          %parallel_loop3A_1225 = arith.index_cast %parallel_loop3A_153 : i32 to index
          %parallel_loop3A_1226 = arith.constant 112 : index
          %parallel_loop3A_1227 = tpu.vector_load %arg9[%parallel_loop3A_1225, %parallel_loop3A_1226] {strides = array<i32>} : memref<16x128xf32, #tpu.memory_space<vmem>>, vector<16xf32>,
          %parallel_loop3A_1228 = arith.index_cast %parallel_loop3A_153 : i32 to index
          %parallel_loop3A_1229 = arith.constant 112 : index
          %parallel_loop3A_1230 = tpu.vector_load %arg10[%parallel_loop3A_1228, %parallel_loop3A_1229] {strides = array<i32>} : memref<16x128xf32, #tpu.memory_space<vmem>>, vector<16xf32>,
          %parallel_loop3A_1231 = arith.subf %parallel_loop3A_1227, %parallel_loop3A_1230 : vector<16xf32>
          %parallel_loop3A_1232 = arith.index_cast %parallel_loop3A_153 : i32 to index
          %parallel_loop3A_1233 = arith.constant 896 : index
          %parallel_loop3A_1234 = tpu.vector_load %arg11[%parallel_loop3A_1232, %parallel_loop3A_1233] {strides = array<i32>} : memref<16x1024xi32, #tpu.memory_space<vmem>>, vector<16xi32>,
          %parallel_loop3A_1235 = vector.bitcast %parallel_loop3A_1234 : vector<16xi32> to vector<32xbf16>
          %parallel_loop3A_1236 = tpu.unpack_subelements %parallel_loop3A_1235, 0 {pack_format = #tpu.pack_format<interleaved>} : vector<32xbf16> -> vector<16xf32>
          %parallel_loop3A_1237 = tpu.unpack_subelements %parallel_loop3A_1235, 1 {pack_format = #tpu.pack_format<interleaved>} : vector<32xbf16> -> vector<16xf32>
          %parallel_loop3A_1238 = arith.constant 0 : i32
          %parallel_loop3A_1239 = vector.broadcast %parallel_loop3A_1238 : i32 to vector<16x1xi32>
          %parallel_loop3A_1240 = vector.shape_cast %parallel_loop3A_1239 : vector<16x1xi32> to vector<16xi32>
          %parallel_loop3A_1241 = tpu.dynamic_gather %parallel_loop3A_1231[%parallel_loop3A_1240] in [0] : vector<16xf32>, vector<16xi32> -> vector<16xf32>
          %parallel_loop3A_1242 = arith.mulf %parallel_loop3A_1241, %parallel_loop3A_1236 : vector<16xf32>
          %parallel_loop3A_1243 = arith.addf %parallel_loop3A_1200, %parallel_loop3A_1242 : vector<16xf32>
          %parallel_loop3A_1244 = arith.constant 1 : i32
          %parallel_loop3A_1245 = vector.broadcast %parallel_loop3A_1244 : i32 to vector<16x1xi32>
          %parallel_loop3A_1246 = vector.shape_cast %parallel_loop3A_1245 : vector<16x1xi32> to vector<16xi32>
          %parallel_loop3A_1247 = tpu.dynamic_gather %parallel_loop3A_1231[%parallel_loop3A_1246] in [0] : vector<16xf32>, vector<16xi32> -> vector<16xf32>
          %parallel_loop3A_1248 = arith.mulf %parallel_loop3A_1247, %parallel_loop3A_1237 : vector<16xf32>
          %parallel_loop3A_1249 = arith.addf %parallel_loop3A_1206, %parallel_loop3A_1248 : vector<16xf32>
          %parallel_loop3A_1250 = arith.index_cast %parallel_loop3A_153 : i32 to index
          %parallel_loop3A_1251 = arith.constant 912 : index
          %parallel_loop3A_1252 = tpu.vector_load %arg11[%parallel_loop3A_1250, %parallel_loop3A_1251] {strides = array<i32>} : memref<16x1024xi32, #tpu.memory_space<vmem>>, vector<16xi32>,
          %parallel_loop3A_1253 = vector.bitcast %parallel_loop3A_1252 : vector<16xi32> to vector<32xbf16>
          %parallel_loop3A_1254 = tpu.unpack_subelements %parallel_loop3A_1253, 0 {pack_format = #tpu.pack_format<interleaved>} : vector<32xbf16> -> vector<16xf32>
          %parallel_loop3A_1255 = tpu.unpack_subelements %parallel_loop3A_1253, 1 {pack_format = #tpu.pack_format<interleaved>} : vector<32xbf16> -> vector<16xf32>
          %parallel_loop3A_1256 = arith.constant 2 : i32
          %parallel_loop3A_1257 = vector.broadcast %parallel_loop3A_1256 : i32 to vector<16x1xi32>
          %parallel_loop3A_1258 = vector.shape_cast %parallel_loop3A_1257 : vector<16x1xi32> to vector<16xi32>
          %parallel_loop3A_1259 = tpu.dynamic_gather %parallel_loop3A_1231[%parallel_loop3A_1258] in [0] : vector<16xf32>, vector<16xi32> -> vector<16xf32>
          %parallel_loop3A_1260 = arith.mulf %parallel_loop3A_1259, %parallel_loop3A_1254 : vector<16xf32>
          %parallel_loop3A_1261 = arith.addf %parallel_loop3A_1218, %parallel_loop3A_1260 : vector<16xf32>
          %parallel_loop3A_1262 = arith.constant 3 : i32
          %parallel_loop3A_1263 = vector.broadcast %parallel_loop3A_1262 : i32 to vector<16x1xi32>
          %parallel_loop3A_1264 = vector.shape_cast %parallel_loop3A_1263 : vector<16x1xi32> to vector<16xi32>
          %parallel_loop3A_1265 = tpu.dynamic_gather %parallel_loop3A_1231[%parallel_loop3A_1264] in [0] : vector<16xf32>, vector<16xi32> -> vector<16xf32>
          %parallel_loop3A_1266 = arith.mulf %parallel_loop3A_1265, %parallel_loop3A_1255 : vector<16xf32>
          %parallel_loop3A_1267 = arith.addf %parallel_loop3A_1224, %parallel_loop3A_1266 : vector<16xf32>
          %parallel_loop3A_1268 = arith.index_cast %parallel_loop3A_153 : i32 to index
          %parallel_loop3A_1269 = arith.constant 928 : index
          %parallel_loop3A_1270 = tpu.vector_load %arg11[%parallel_loop3A_1268, %parallel_loop3A_1269] {strides = array<i32>} : memref<16x1024xi32, #tpu.memory_space<vmem>>, vector<16xi32>,
          %parallel_loop3A_1271 = vector.bitcast %parallel_loop3A_1270 : vector<16xi32> to vector<32xbf16>
          %parallel_loop3A_1272 = tpu.unpack_subelements %parallel_loop3A_1271, 0 {pack_format = #tpu.pack_format<interleaved>} : vector<32xbf16> -> vector<16xf32>
          %parallel_loop3A_1273 = tpu.unpack_subelements %parallel_loop3A_1271, 1 {pack_format = #tpu.pack_format<interleaved>} : vector<32xbf16> -> vector<16xf32>
          %parallel_loop3A_1274 = arith.constant 4 : i32
          %parallel_loop3A_1275 = vector.broadcast %parallel_loop3A_1274 : i32 to vector<16x1xi32>
          %parallel_loop3A_1276 = vector.shape_cast %parallel_loop3A_1275 : vector<16x1xi32> to vector<16xi32>
          %parallel_loop3A_1277 = tpu.dynamic_gather %parallel_loop3A_1231[%parallel_loop3A_1276] in [0] : vector<16xf32>, vector<16xi32> -> vector<16xf32>
          %parallel_loop3A_1278 = arith.mulf %parallel_loop3A_1277, %parallel_loop3A_1272 : vector<16xf32>
          %parallel_loop3A_1279 = arith.addf %parallel_loop3A_1243, %parallel_loop3A_1278 : vector<16xf32>
          %parallel_loop3A_1280 = arith.constant 5 : i32
          %parallel_loop3A_1281 = vector.broadcast %parallel_loop3A_1280 : i32 to vector<16x1xi32>
          %parallel_loop3A_1282 = vector.shape_cast %parallel_loop3A_1281 : vector<16x1xi32> to vector<16xi32>
          %parallel_loop3A_1283 = tpu.dynamic_gather %parallel_loop3A_1231[%parallel_loop3A_1282] in [0] : vector<16xf32>, vector<16xi32> -> vector<16xf32>
          %parallel_loop3A_1284 = arith.mulf %parallel_loop3A_1283, %parallel_loop3A_1273 : vector<16xf32>
          %parallel_loop3A_1285 = arith.addf %parallel_loop3A_1249, %parallel_loop3A_1284 : vector<16xf32>
          %parallel_loop3A_1286 = arith.index_cast %parallel_loop3A_153 : i32 to index
          %parallel_loop3A_1287 = arith.constant 944 : index
          %parallel_loop3A_1288 = tpu.vector_load %arg11[%parallel_loop3A_1286, %parallel_loop3A_1287] {strides = array<i32>} : memref<16x1024xi32, #tpu.memory_space<vmem>>, vector<16xi32>,
          %parallel_loop3A_1289 = vector.bitcast %parallel_loop3A_1288 : vector<16xi32> to vector<32xbf16>
          %parallel_loop3A_1290 = tpu.unpack_subelements %parallel_loop3A_1289, 0 {pack_format = #tpu.pack_format<interleaved>} : vector<32xbf16> -> vector<16xf32>
          %parallel_loop3A_1291 = tpu.unpack_subelements %parallel_loop3A_1289, 1 {pack_format = #tpu.pack_format<interleaved>} : vector<32xbf16> -> vector<16xf32>
          %parallel_loop3A_1292 = arith.constant 6 : i32
          %parallel_loop3A_1293 = vector.broadcast %parallel_loop3A_1292 : i32 to vector<16x1xi32>
          %parallel_loop3A_1294 = vector.shape_cast %parallel_loop3A_1293 : vector<16x1xi32> to vector<16xi32>
          %parallel_loop3A_1295 = tpu.dynamic_gather %parallel_loop3A_1231[%parallel_loop3A_1294] in [0] : vector<16xf32>, vector<16xi32> -> vector<16xf32>
          %parallel_loop3A_1296 = arith.mulf %parallel_loop3A_1295, %parallel_loop3A_1290 : vector<16xf32>
          %parallel_loop3A_1297 = arith.addf %parallel_loop3A_1261, %parallel_loop3A_1296 : vector<16xf32>
          %parallel_loop3A_1298 = arith.constant 7 : i32
          %parallel_loop3A_1299 = vector.broadcast %parallel_loop3A_1298 : i32 to vector<16x1xi32>
          %parallel_loop3A_1300 = vector.shape_cast %parallel_loop3A_1299 : vector<16x1xi32> to vector<16xi32>
          %parallel_loop3A_1301 = tpu.dynamic_gather %parallel_loop3A_1231[%parallel_loop3A_1300] in [0] : vector<16xf32>, vector<16xi32> -> vector<16xf32>
          %parallel_loop3A_1302 = arith.mulf %parallel_loop3A_1301, %parallel_loop3A_1291 : vector<16xf32>
          %parallel_loop3A_1303 = arith.addf %parallel_loop3A_1267, %parallel_loop3A_1302 : vector<16xf32>
          %parallel_loop3A_1304 = arith.index_cast %parallel_loop3A_153 : i32 to index
          %parallel_loop3A_1305 = arith.constant 960 : index
          %parallel_loop3A_1306 = tpu.vector_load %arg11[%parallel_loop3A_1304, %parallel_loop3A_1305] {strides = array<i32>} : memref<16x1024xi32, #tpu.memory_space<vmem>>, vector<16xi32>,
          %parallel_loop3A_1307 = vector.bitcast %parallel_loop3A_1306 : vector<16xi32> to vector<32xbf16>
          %parallel_loop3A_1308 = tpu.unpack_subelements %parallel_loop3A_1307, 0 {pack_format = #tpu.pack_format<interleaved>} : vector<32xbf16> -> vector<16xf32>
          %parallel_loop3A_1309 = tpu.unpack_subelements %parallel_loop3A_1307, 1 {pack_format = #tpu.pack_format<interleaved>} : vector<32xbf16> -> vector<16xf32>
          %parallel_loop3A_1310 = arith.constant 8 : i32
          %parallel_loop3A_1311 = vector.broadcast %parallel_loop3A_1310 : i32 to vector<16x1xi32>
          %parallel_loop3A_1312 = vector.shape_cast %parallel_loop3A_1311 : vector<16x1xi32> to vector<16xi32>
          %parallel_loop3A_1313 = tpu.dynamic_gather %parallel_loop3A_1231[%parallel_loop3A_1312] in [0] : vector<16xf32>, vector<16xi32> -> vector<16xf32>
          %parallel_loop3A_1314 = arith.mulf %parallel_loop3A_1313, %parallel_loop3A_1308 : vector<16xf32>
          %parallel_loop3A_1315 = arith.addf %parallel_loop3A_1279, %parallel_loop3A_1314 : vector<16xf32>
          %parallel_loop3A_1316 = arith.constant 9 : i32
          %parallel_loop3A_1317 = vector.broadcast %parallel_loop3A_1316 : i32 to vector<16x1xi32>
          %parallel_loop3A_1318 = vector.shape_cast %parallel_loop3A_1317 : vector<16x1xi32> to vector<16xi32>
          %parallel_loop3A_1319 = tpu.dynamic_gather %parallel_loop3A_1231[%parallel_loop3A_1318] in [0] : vector<16xf32>, vector<16xi32> -> vector<16xf32>
          %parallel_loop3A_1320 = arith.mulf %parallel_loop3A_1319, %parallel_loop3A_1309 : vector<16xf32>
          %parallel_loop3A_1321 = arith.addf %parallel_loop3A_1285, %parallel_loop3A_1320 : vector<16xf32>
          %parallel_loop3A_1322 = arith.index_cast %parallel_loop3A_153 : i32 to index
          %parallel_loop3A_1323 = arith.constant 976 : index
          %parallel_loop3A_1324 = tpu.vector_load %arg11[%parallel_loop3A_1322, %parallel_loop3A_1323] {strides = array<i32>} : memref<16x1024xi32, #tpu.memory_space<vmem>>, vector<16xi32>,
          %parallel_loop3A_1325 = vector.bitcast %parallel_loop3A_1324 : vector<16xi32> to vector<32xbf16>
          %parallel_loop3A_1326 = tpu.unpack_subelements %parallel_loop3A_1325, 0 {pack_format = #tpu.pack_format<interleaved>} : vector<32xbf16> -> vector<16xf32>
          %parallel_loop3A_1327 = tpu.unpack_subelements %parallel_loop3A_1325, 1 {pack_format = #tpu.pack_format<interleaved>} : vector<32xbf16> -> vector<16xf32>
          %parallel_loop3A_1328 = arith.constant 10 : i32
          %parallel_loop3A_1329 = vector.broadcast %parallel_loop3A_1328 : i32 to vector<16x1xi32>
          %parallel_loop3A_1330 = vector.shape_cast %parallel_loop3A_1329 : vector<16x1xi32> to vector<16xi32>
          %parallel_loop3A_1331 = tpu.dynamic_gather %parallel_loop3A_1231[%parallel_loop3A_1330] in [0] : vector<16xf32>, vector<16xi32> -> vector<16xf32>
          %parallel_loop3A_1332 = arith.mulf %parallel_loop3A_1331, %parallel_loop3A_1326 : vector<16xf32>
          %parallel_loop3A_1333 = arith.addf %parallel_loop3A_1297, %parallel_loop3A_1332 : vector<16xf32>
          %parallel_loop3A_1334 = arith.constant 11 : i32
          %parallel_loop3A_1335 = vector.broadcast %parallel_loop3A_1334 : i32 to vector<16x1xi32>
          %parallel_loop3A_1336 = vector.shape_cast %parallel_loop3A_1335 : vector<16x1xi32> to vector<16xi32>
          %parallel_loop3A_1337 = tpu.dynamic_gather %parallel_loop3A_1231[%parallel_loop3A_1336] in [0] : vector<16xf32>, vector<16xi32> -> vector<16xf32>
          %parallel_loop3A_1338 = arith.mulf %parallel_loop3A_1337, %parallel_loop3A_1327 : vector<16xf32>
          %parallel_loop3A_1339 = arith.addf %parallel_loop3A_1303, %parallel_loop3A_1338 : vector<16xf32>
          %parallel_loop3A_1340 = arith.index_cast %parallel_loop3A_153 : i32 to index
          %parallel_loop3A_1341 = arith.constant 992 : index
          %parallel_loop3A_1342 = tpu.vector_load %arg11[%parallel_loop3A_1340, %parallel_loop3A_1341] {strides = array<i32>} : memref<16x1024xi32, #tpu.memory_space<vmem>>, vector<16xi32>,
          %parallel_loop3A_1343 = vector.bitcast %parallel_loop3A_1342 : vector<16xi32> to vector<32xbf16>
          %parallel_loop3A_1344 = tpu.unpack_subelements %parallel_loop3A_1343, 0 {pack_format = #tpu.pack_format<interleaved>} : vector<32xbf16> -> vector<16xf32>
          %parallel_loop3A_1345 = tpu.unpack_subelements %parallel_loop3A_1343, 1 {pack_format = #tpu.pack_format<interleaved>} : vector<32xbf16> -> vector<16xf32>
          %parallel_loop3A_1346 = arith.constant 12 : i32
          %parallel_loop3A_1347 = vector.broadcast %parallel_loop3A_1346 : i32 to vector<16x1xi32>
          %parallel_loop3A_1348 = vector.shape_cast %parallel_loop3A_1347 : vector<16x1xi32> to vector<16xi32>
          %parallel_loop3A_1349 = tpu.dynamic_gather %parallel_loop3A_1231[%parallel_loop3A_1348] in [0] : vector<16xf32>, vector<16xi32> -> vector<16xf32>
          %parallel_loop3A_1350 = arith.mulf %parallel_loop3A_1349, %parallel_loop3A_1344 : vector<16xf32>
          %parallel_loop3A_1351 = arith.addf %parallel_loop3A_1315, %parallel_loop3A_1350 : vector<16xf32>
          %parallel_loop3A_1352 = arith.constant 13 : i32
          %parallel_loop3A_1353 = vector.broadcast %parallel_loop3A_1352 : i32 to vector<16x1xi32>
          %parallel_loop3A_1354 = vector.shape_cast %parallel_loop3A_1353 : vector<16x1xi32> to vector<16xi32>
          %parallel_loop3A_1355 = tpu.dynamic_gather %parallel_loop3A_1231[%parallel_loop3A_1354] in [0] : vector<16xf32>, vector<16xi32> -> vector<16xf32>
          %parallel_loop3A_1356 = arith.mulf %parallel_loop3A_1355, %parallel_loop3A_1345 : vector<16xf32>
          %parallel_loop3A_1357 = arith.addf %parallel_loop3A_1321, %parallel_loop3A_1356 : vector<16xf32>
          %parallel_loop3A_1358 = arith.index_cast %parallel_loop3A_153 : i32 to index
          %parallel_loop3A_1359 = arith.constant 1008 : index
          %parallel_loop3A_1360 = tpu.vector_load %arg11[%parallel_loop3A_1358, %parallel_loop3A_1359] {strides = array<i32>} : memref<16x1024xi32, #tpu.memory_space<vmem>>, vector<16xi32>,
          %parallel_loop3A_1361 = vector.bitcast %parallel_loop3A_1360 : vector<16xi32> to vector<32xbf16>
          %parallel_loop3A_1362 = tpu.unpack_subelements %parallel_loop3A_1361, 0 {pack_format = #tpu.pack_format<interleaved>} : vector<32xbf16> -> vector<16xf32>
          %parallel_loop3A_1363 = tpu.unpack_subelements %parallel_loop3A_1361, 1 {pack_format = #tpu.pack_format<interleaved>} : vector<32xbf16> -> vector<16xf32>
          %parallel_loop3A_1364 = arith.constant 14 : i32
          %parallel_loop3A_1365 = vector.broadcast %parallel_loop3A_1364 : i32 to vector<16x1xi32>
          %parallel_loop3A_1366 = vector.shape_cast %parallel_loop3A_1365 : vector<16x1xi32> to vector<16xi32>
          %parallel_loop3A_1367 = tpu.dynamic_gather %parallel_loop3A_1231[%parallel_loop3A_1366] in [0] : vector<16xf32>, vector<16xi32> -> vector<16xf32>
          %parallel_loop3A_1368 = arith.mulf %parallel_loop3A_1367, %parallel_loop3A_1362 : vector<16xf32>
          %parallel_loop3A_1369 = arith.addf %parallel_loop3A_1333, %parallel_loop3A_1368 : vector<16xf32>
          %parallel_loop3A_1370 = arith.constant 15 : i32
          %parallel_loop3A_1371 = vector.broadcast %parallel_loop3A_1370 : i32 to vector<16x1xi32>
          %parallel_loop3A_1372 = vector.shape_cast %parallel_loop3A_1371 : vector<16x1xi32> to vector<16xi32>
          %parallel_loop3A_1373 = tpu.dynamic_gather %parallel_loop3A_1231[%parallel_loop3A_1372] in [0] : vector<16xf32>, vector<16xi32> -> vector<16xf32>
          %parallel_loop3A_1374 = arith.mulf %parallel_loop3A_1373, %parallel_loop3A_1363 : vector<16xf32>
          %parallel_loop3A_1375 = arith.addf %parallel_loop3A_1339, %parallel_loop3A_1374 : vector<16xf32>
          %parallel_loop3A_1376 = arith.addf %parallel_loop3A_1351, %parallel_loop3A_1369 : vector<16xf32>
          %parallel_loop3A_1377 = arith.addf %parallel_loop3A_1357, %parallel_loop3A_1375 : vector<16xf32>
          %parallel_loop3A_1378 = arith.constant 17 : i32
          %parallel_loop3A_1379 = arith.muli %parallel_loop3A_153, %parallel_loop3A_1378 : i32
          %parallel_loop3A_1380 = vector.broadcast %parallel_loop3A_1379 : i32 to vector<16xi32>
          %parallel_loop3A_1381 = arith.addi %parallel_loop3A_1380, %iota3A : vector<16xi32>
          %parallel_loop3A_1382 = arith.constant 7.500000e-01 : f32
          %parallel_loop3A_1383 = vector.broadcast %parallel_loop3A_1382 : f32 to vector<16xf32>
          %parallel_loop3A_1384 = arith.addf %parallel_loop3A_1376, %parallel_loop3A_1377 : vector<16xf32>
          %parallel_loop3A_1385 = math.absf %parallel_loop3A_1384 : vector<16xf32>
          %parallel_loop3A_1386 = arith.subf %parallel_loop3A_1383, %parallel_loop3A_1385 : vector<16xf32>
          tpu.vector_store_idx %arg21[%parallel_loop3A_1381], %parallel_loop3A_1386 : memref<272xf32, #tpu.memory_space<vmem>>[vector<16xi32>], vector<16xf32>,
        } {sc.loop_unroll_factor = 4 : i64, sc.parallel_access}
        %mul3A_71 = arith.constant 17 : i32
        %mul3A_72 = vector.broadcast %mul3A_71 : i32 to vector<16xi32>
        %mul3A_73 = arith.muli %iota3A, %mul3A_72 : vector<16xi32>
        %gather3A = tpu.vector_load_idx %arg21[%mul3A_73] : memref<272xf32, #tpu.memory_space<vmem>>[vector<16xi32>], vector<16xf32>,
        %broadcast_in_dim3A = arith.constant 1 : i32
        %broadcast_in_dim3A_74 = vector.broadcast %broadcast_in_dim3A : i32 to vector<16xi32>
        %add3A_75 = arith.addi %mul3A_73, %broadcast_in_dim3A_74 : vector<16xi32>
        %gather3A_76 = tpu.vector_load_idx %arg21[%add3A_75] : memref<272xf32, #tpu.memory_space<vmem>>[vector<16xi32>], vector<16xf32>,
        %add3A_77 = arith.addf %gather3A, %gather3A_76 : vector<16xf32>
        %broadcast_in_dim3A_78 = arith.constant 2 : i32
        %broadcast_in_dim3A_79 = vector.broadcast %broadcast_in_dim3A_78 : i32 to vector<16xi32>
        %add3A_80 = arith.addi %mul3A_73, %broadcast_in_dim3A_79 : vector<16xi32>
        %gather3A_81 = tpu.vector_load_idx %arg21[%add3A_80] : memref<272xf32, #tpu.memory_space<vmem>>[vector<16xi32>], vector<16xf32>,
        %add3A_82 = arith.addf %add3A_77, %gather3A_81 : vector<16xf32>
        %broadcast_in_dim3A_83 = arith.constant 3 : i32
        %broadcast_in_dim3A_84 = vector.broadcast %broadcast_in_dim3A_83 : i32 to vector<16xi32>
        %add3A_85 = arith.addi %mul3A_73, %broadcast_in_dim3A_84 : vector<16xi32>
        %gather3A_86 = tpu.vector_load_idx %arg21[%add3A_85] : memref<272xf32, #tpu.memory_space<vmem>>[vector<16xi32>], vector<16xf32>,
        %add3A_87 = arith.addf %add3A_82, %gather3A_86 : vector<16xf32>
        %broadcast_in_dim3A_88 = arith.constant 4 : i32
        %broadcast_in_dim3A_89 = vector.broadcast %broadcast_in_dim3A_88 : i32 to vector<16xi32>
        %add3A_90 = arith.addi %mul3A_73, %broadcast_in_dim3A_89 : vector<16xi32>
        %gather3A_91 = tpu.vector_load_idx %arg21[%add3A_90] : memref<272xf32, #tpu.memory_space<vmem>>[vector<16xi32>], vector<16xf32>,
        %add3A_92 = arith.addf %add3A_87, %gather3A_91 : vector<16xf32>
        %broadcast_in_dim3A_93 = arith.constant 5 : i32
        %broadcast_in_dim3A_94 = vector.broadcast %broadcast_in_dim3A_93 : i32 to vector<16xi32>
        %add3A_95 = arith.addi %mul3A_73, %broadcast_in_dim3A_94 : vector<16xi32>
        %gather3A_96 = tpu.vector_load_idx %arg21[%add3A_95] : memref<272xf32, #tpu.memory_space<vmem>>[vector<16xi32>], vector<16xf32>,
        %add3A_97 = arith.addf %add3A_92, %gather3A_96 : vector<16xf32>
        %broadcast_in_dim3A_98 = arith.constant 6 : i32
        %broadcast_in_dim3A_99 = vector.broadcast %broadcast_in_dim3A_98 : i32 to vector<16xi32>
        %add3A_100 = arith.addi %mul3A_73, %broadcast_in_dim3A_99 : vector<16xi32>
        %gather3A_101 = tpu.vector_load_idx %arg21[%add3A_100] : memref<272xf32, #tpu.memory_space<vmem>>[vector<16xi32>], vector<16xf32>,
        %add3A_102 = arith.addf %add3A_97, %gather3A_101 : vector<16xf32>
        %broadcast_in_dim3A_103 = arith.constant 7 : i32
        %broadcast_in_dim3A_104 = vector.broadcast %broadcast_in_dim3A_103 : i32 to vector<16xi32>
        %add3A_105 = arith.addi %mul3A_73, %broadcast_in_dim3A_104 : vector<16xi32>
        %gather3A_106 = tpu.vector_load_idx %arg21[%add3A_105] : memref<272xf32, #tpu.memory_space<vmem>>[vector<16xi32>], vector<16xf32>,
        %add3A_107 = arith.addf %add3A_102, %gather3A_106 : vector<16xf32>
        %broadcast_in_dim3A_108 = arith.constant 8 : i32
        %broadcast_in_dim3A_109 = vector.broadcast %broadcast_in_dim3A_108 : i32 to vector<16xi32>
        %add3A_110 = arith.addi %mul3A_73, %broadcast_in_dim3A_109 : vector<16xi32>
        %gather3A_111 = tpu.vector_load_idx %arg21[%add3A_110] : memref<272xf32, #tpu.memory_space<vmem>>[vector<16xi32>], vector<16xf32>,
        %add3A_112 = arith.addf %add3A_107, %gather3A_111 : vector<16xf32>
        %broadcast_in_dim3A_113 = arith.constant 9 : i32
        %broadcast_in_dim3A_114 = vector.broadcast %broadcast_in_dim3A_113 : i32 to vector<16xi32>
        %add3A_115 = arith.addi %mul3A_73, %broadcast_in_dim3A_114 : vector<16xi32>
        %gather3A_116 = tpu.vector_load_idx %arg21[%add3A_115] : memref<272xf32, #tpu.memory_space<vmem>>[vector<16xi32>], vector<16xf32>,
        %add3A_117 = arith.addf %add3A_112, %gather3A_116 : vector<16xf32>
        %broadcast_in_dim3A_118 = arith.constant 10 : i32
        %broadcast_in_dim3A_119 = vector.broadcast %broadcast_in_dim3A_118 : i32 to vector<16xi32>
        %add3A_120 = arith.addi %mul3A_73, %broadcast_in_dim3A_119 : vector<16xi32>
        %gather3A_121 = tpu.vector_load_idx %arg21[%add3A_120] : memref<272xf32, #tpu.memory_space<vmem>>[vector<16xi32>], vector<16xf32>,
        %add3A_122 = arith.addf %add3A_117, %gather3A_121 : vector<16xf32>
        %broadcast_in_dim3A_123 = arith.constant 11 : i32
        %broadcast_in_dim3A_124 = vector.broadcast %broadcast_in_dim3A_123 : i32 to vector<16xi32>
        %add3A_125 = arith.addi %mul3A_73, %broadcast_in_dim3A_124 : vector<16xi32>
        %gather3A_126 = tpu.vector_load_idx %arg21[%add3A_125] : memref<272xf32, #tpu.memory_space<vmem>>[vector<16xi32>], vector<16xf32>,
        %add3A_127 = arith.addf %add3A_122, %gather3A_126 : vector<16xf32>
        %broadcast_in_dim3A_128 = arith.constant 12 : i32
        %broadcast_in_dim3A_129 = vector.broadcast %broadcast_in_dim3A_128 : i32 to vector<16xi32>
        %add3A_130 = arith.addi %mul3A_73, %broadcast_in_dim3A_129 : vector<16xi32>
        %gather3A_131 = tpu.vector_load_idx %arg21[%add3A_130] : memref<272xf32, #tpu.memory_space<vmem>>[vector<16xi32>], vector<16xf32>,
        %add3A_132 = arith.addf %add3A_127, %gather3A_131 : vector<16xf32>
        %broadcast_in_dim3A_133 = arith.constant 13 : i32
        %broadcast_in_dim3A_134 = vector.broadcast %broadcast_in_dim3A_133 : i32 to vector<16xi32>
        %add3A_135 = arith.addi %mul3A_73, %broadcast_in_dim3A_134 : vector<16xi32>
        %gather3A_136 = tpu.vector_load_idx %arg21[%add3A_135] : memref<272xf32, #tpu.memory_space<vmem>>[vector<16xi32>], vector<16xf32>,
        %add3A_137 = arith.addf %add3A_132, %gather3A_136 : vector<16xf32>
        %broadcast_in_dim3A_138 = arith.constant 14 : i32
        %broadcast_in_dim3A_139 = vector.broadcast %broadcast_in_dim3A_138 : i32 to vector<16xi32>
        %add3A_140 = arith.addi %mul3A_73, %broadcast_in_dim3A_139 : vector<16xi32>
        %gather3A_141 = tpu.vector_load_idx %arg21[%add3A_140] : memref<272xf32, #tpu.memory_space<vmem>>[vector<16xi32>], vector<16xf32>,
        %add3A_142 = arith.addf %add3A_137, %gather3A_141 : vector<16xf32>
        %broadcast_in_dim3A_143 = arith.constant 15 : i32
        %broadcast_in_dim3A_144 = vector.broadcast %broadcast_in_dim3A_143 : i32 to vector<16xi32>
        %add3A_145 = arith.addi %mul3A_73, %broadcast_in_dim3A_144 : vector<16xi32>
        %gather3A_146 = tpu.vector_load_idx %arg21[%add3A_145] : memref<272xf32, #tpu.memory_space<vmem>>[vector<16xi32>], vector<16xf32>,
        %add3A_147 = arith.addf %add3A_142, %gather3A_146 : vector<16xf32>
        %swap3A = arith.constant 0 : index
        %swap3A_148 = tpu.vector_load %arg22[%swap3A] {strides = array<i32>} : memref<16xf32, #tpu.memory_space<vmem>>, vector<16xf32>,
        tpu.vector_store %arg22[%swap3A], %add3A_147 {strides = array<i32>} : memref<16xf32, #tpu.memory_space<vmem>>, vector<16xf32>,
        %mul3A_149 = arith.constant 16 : i32
        %mul3A_150 = arith.muli %mul3A_23, %mul3A_149 : i32
        %add3A_151 = arith.addi %mul3A_8, %mul3A_150 : i32
        %dma_start3A = tpu.memref_slice %arg8[%add3A_151] : memref<160000xf32, #tpu.memory_space<hbm>> -> memref<16xf32, #tpu.memory_space<hbm>>
        %dma_start3A_152 = tpu.memref_slice %arg8[%add3A_151] : memref<160000xf32, #tpu.memory_space<hbm>> -> memref<16xf32, #tpu.memory_space<hbm>>
        tpu.enqueue_dma source(%arg22 : memref<16xf32, #tpu.memory_space<vmem>>) target(%dma_start3A_152 : memref<16xf32, #tpu.memory_space<hbm>>) target_semaphore(%arg23 : memref<!tpu.dma_semaphore, #tpu.memory_space<semaphore_mem>>)
      } else {
      }
      %add3A_34 = arith.constant 2 : i32
      %add3A_35 = arith.addi %mul3A_23, %add3A_34 : i32
      %lt3A_36 = arith.cmpi slt, %add3A_35, %select_n3A : i32
      %convert_element_type3A_37 = arith.extui %lt3A_36 : i1 to i32
      %cond3A_38 = arith.constant 0 : i32
      %cond3A_39 = arith.cmpi ne, %convert_element_type3A_37, %cond3A_38 : i32
      scf.if %cond3A_39 {
        %mul3A_46 = arith.constant 16 : i32
        %mul3A_47 = arith.muli %add3A_35, %mul3A_46 : i32
        %add3A_48 = arith.addi %sub3A, %mul3A_47 : i32
        %get3A = arith.index_cast %add3A_48 : i32 to index
        %get3A_49 = tpu.vector_load %arg17[%get3A] {strides = array<i32>} : memref<5008xi32, #tpu.memory_space<vmem>>, vector<16xi32>,
        %mul3A_50 = arith.constant 16 : i32
        %mul3A_51 = arith.muli %add3A_35, %mul3A_50 : i32
        %add3A_52 = arith.addi %sub3A, %mul3A_51 : i32
        %get3A_53 = arith.index_cast %add3A_52 : i32 to index
        %get3A_54 = tpu.vector_load %arg18[%get3A_53] {strides = array<i32>} : memref<5008xi32, #tpu.memory_space<vmem>>, vector<16xi32>,
        %mul3A_55 = arith.constant 16 : i32
        %mul3A_56 = arith.muli %add3A_35, %mul3A_55 : i32
        %add3A_57 = arith.addi %sub3A, %mul3A_56 : i32
        %get3A_58 = arith.index_cast %add3A_57 : i32 to index
        %get3A_59 = tpu.vector_load %arg19[%get3A_58] {strides = array<i32>} : memref<5008xi32, #tpu.memory_space<vmem>>, vector<16xi32>,
        %dma_start3A = arith.constant 0 : i32
        %dma_start3A_60 = arith.constant 0 : i32
        %dma_start3A_61 = tpu.memref_slice %arg2[%dma_start3A, %dma_start3A_60] : memref<10000x128xf32, #tpu.memory_space<hbm>> -> memref<10000x128xf32, #tpu.memory_space<hbm>>
        tpu.enqueue_indirect_dma source(%dma_start3A_61 : memref<10000x128xf32, #tpu.memory_space<hbm>>) target(%arg9 : memref<16x128xf32, #tpu.memory_space<vmem>>) offsets(%get3A_49 : vector<16xi32>) semaphore(%arg12 : memref<!tpu.dma_semaphore, #tpu.memory_space<semaphore_mem>>)
        %dma_start3A_62 = arith.constant 0 : i32
        %dma_start3A_63 = arith.constant 0 : i32
        %dma_start3A_64 = tpu.memref_slice %arg2[%dma_start3A_62, %dma_start3A_63] : memref<10000x128xf32, #tpu.memory_space<hbm>> -> memref<10000x128xf32, #tpu.memory_space<hbm>>
        tpu.enqueue_indirect_dma source(%dma_start3A_64 : memref<10000x128xf32, #tpu.memory_space<hbm>>) target(%arg10 : memref<16x128xf32, #tpu.memory_space<vmem>>) offsets(%get3A_54 : vector<16xi32>) semaphore(%arg12 : memref<!tpu.dma_semaphore, #tpu.memory_space<semaphore_mem>>)
        %dma_start3A_65 = arith.constant 0 : i32
        %dma_start3A_66 = arith.constant 0 : i32
        %dma_start3A_67 = tpu.memref_slice %arg7[%dma_start3A_65, %dma_start3A_66] : memref<1000x1024xi32, #tpu.memory_space<hbm>> -> memref<1000x1024xi32, #tpu.memory_space<hbm>>
        tpu.enqueue_indirect_dma source(%dma_start3A_67 : memref<1000x1024xi32, #tpu.memory_space<hbm>>) target(%arg11 : memref<16x1024xi32, #tpu.memory_space<vmem>>) offsets(%get3A_59 : vector<16xi32>) semaphore(%arg12 : memref<!tpu.dma_semaphore, #tpu.memory_space<semaphore_mem>>)
      } else {
      }
      %add3A_40 = arith.constant 1 : i32
      %add3A_41 = arith.addi %mul3A_23, %add3A_40 : i32
      %lt3A_42 = arith.cmpi slt, %add3A_41, %select_n3A : i32
      %convert_element_type3A_43 = arith.extui %lt3A_42 : i1 to i32
      %cond3A_44 = arith.constant 0 : i32
      %cond3A_45 = arith.cmpi ne, %convert_element_type3A_43, %cond3A_44 : i32
      scf.if %cond3A_45 {
        %ge3A = arith.constant 2 : i32
        %ge3A_46 = arith.cmpi sge, %add3A_41, %ge3A : i32
        %convert_element_type3A_47 = arith.extui %ge3A_46 : i1 to i32
        %cond3A_48 = arith.constant 0 : i32
        %cond3A_49 = arith.cmpi ne, %convert_element_type3A_47, %cond3A_48 : i32
        scf.if %cond3A_49 {
          %dma_wait3A_153 = tpu.memref_slice %arg8[%mul3A_8] : memref<160000xf32, #tpu.memory_space<hbm>> -> memref<16xf32, #tpu.memory_space<hbm>>
          %dma_wait3A_154 = tpu.memref_slice %arg8[%mul3A_8] : memref<160000xf32, #tpu.memory_space<hbm>> -> memref<16xf32, #tpu.memory_space<hbm>>
          tpu.wait_dma2 semaphore(%arg25 : memref<!tpu.dma_semaphore, #tpu.memory_space<semaphore_mem>>) src(%arg24 : memref<16xf32, #tpu.memory_space<vmem>>) dst(%dma_wait3A_154 : memref<16xf32, #tpu.memory_space<hbm>>)
        } else {
        }
        %dma_wait3A_50 = arith.constant 0 : i32
        %dma_wait3A_51 = tpu.memref_slice %arg17[%dma_wait3A_50] : memref<5008xi32, #tpu.memory_space<vmem>> -> memref<16xi32, #tpu.memory_space<vmem>>
        %dma_wait3A_52 = arith.constant 0 : i32
        %dma_wait3A_53 = arith.constant 0 : i32
        %dma_wait3A_54 = tpu.memref_slice %arg2[%dma_wait3A_52, %dma_wait3A_53] : memref<10000x128xf32, #tpu.memory_space<hbm>> -> memref<10000x128xf32, #tpu.memory_space<hbm>>
        tpu.wait_indirect_dma semaphore(%arg16 : memref<!tpu.dma_semaphore, #tpu.memory_space<semaphore_mem>>) src(%dma_wait3A_54 : memref<10000x128xf32, #tpu.memory_space<hbm>>) dst(%arg13 : memref<16x128xf32, #tpu.memory_space<vmem>>)
        %dma_wait3A_55 = arith.constant 0 : i32
        %dma_wait3A_56 = tpu.memref_slice %arg17[%dma_wait3A_55] : memref<5008xi32, #tpu.memory_space<vmem>> -> memref<16xi32, #tpu.memory_space<vmem>>
        %dma_wait3A_57 = arith.constant 0 : i32
        %dma_wait3A_58 = arith.constant 0 : i32
        %dma_wait3A_59 = tpu.memref_slice %arg2[%dma_wait3A_57, %dma_wait3A_58] : memref<10000x128xf32, #tpu.memory_space<hbm>> -> memref<10000x128xf32, #tpu.memory_space<hbm>>
        tpu.wait_indirect_dma semaphore(%arg16 : memref<!tpu.dma_semaphore, #tpu.memory_space<semaphore_mem>>) src(%dma_wait3A_59 : memref<10000x128xf32, #tpu.memory_space<hbm>>) dst(%arg14 : memref<16x128xf32, #tpu.memory_space<vmem>>)
        %dma_wait3A_60 = arith.constant 0 : i32
        %dma_wait3A_61 = tpu.memref_slice %arg19[%dma_wait3A_60] : memref<5008xi32, #tpu.memory_space<vmem>> -> memref<16xi32, #tpu.memory_space<vmem>>
        %dma_wait3A_62 = arith.constant 0 : i32
        %dma_wait3A_63 = arith.constant 0 : i32
        %dma_wait3A_64 = tpu.memref_slice %arg7[%dma_wait3A_62, %dma_wait3A_63] : memref<1000x1024xi32, #tpu.memory_space<hbm>> -> memref<1000x1024xi32, #tpu.memory_space<hbm>>
        tpu.wait_indirect_dma semaphore(%arg16 : memref<!tpu.dma_semaphore, #tpu.memory_space<semaphore_mem>>) src(%dma_wait3A_64 : memref<1000x1024xi32, #tpu.memory_space<hbm>>) dst(%arg15 : memref<16x1024xi32, #tpu.memory_space<vmem>>)
        %mul3A_65 = arith.constant 16 : i32
        %mul3A_66 = arith.muli %add3A_41, %mul3A_65 : i32
        %add3A_67 = arith.addi %sub3A, %mul3A_66 : i32
        %get3A = arith.index_cast %add3A_67 : i32 to index
        %get3A_68 = tpu.vector_load %arg19[%get3A] {strides = array<i32>} : memref<5008xi32, #tpu.memory_space<vmem>>, vector<16xi32>,
        %parallel_loop3A = arith.constant 0 : i32
        %parallel_loop3A_69 = arith.constant 16 : i32
        %parallel_loop3A_70 = arith.constant 1 : i32
        scf.for %parallel_loop3A_153 = %parallel_loop3A to %parallel_loop3A_69 step %parallel_loop3A_70  : i32 {
          %parallel_loop3A_154 = vector.broadcast %parallel_loop3A_153 : i32 to vector<16x1xi32>
          %parallel_loop3A_155 = vector.shape_cast %parallel_loop3A_154 : vector<16x1xi32> to vector<16xi32>
          %parallel_loop3A_156 = tpu.dynamic_gather %get3A_68[%parallel_loop3A_155] in [0] : vector<16xi32>, vector<16xi32> -> vector<16xi32>
          %parallel_loop3A_157 = arith.constant 16 : i32
          %parallel_loop3A_158 = vector.broadcast %parallel_loop3A_157 : i32 to vector<16xi32>
          %parallel_loop3A_159 = arith.muli %parallel_loop3A_156, %parallel_loop3A_158 : vector<16xi32>
          %parallel_loop3A_160 = arith.addi %parallel_loop3A_159, %iota3A : vector<16xi32>
          %parallel_loop3A_161 = tpu.vector_load_idx %arg20[%parallel_loop3A_160] : memref<16000xf32, #tpu.memory_space<vmem>>[vector<16xi32>], vector<16xf32>,
          %parallel_loop3A_162 = arith.constant 0.000000e+00 : f32
          %parallel_loop3A_163 = vector.broadcast %parallel_loop3A_162 : f32 to vector<16xf32>
          %parallel_loop3A_164 = arith.constant 0.000000e+00 : f32
          %parallel_loop3A_165 = vector.broadcast %parallel_loop3A_164 : f32 to vector<16xf32>
          %parallel_loop3A_166 = arith.constant 0.000000e+00 : f32
          %parallel_loop3A_167 = vector.broadcast %parallel_loop3A_166 : f32 to vector<16xf32>
          %parallel_loop3A_168 = arith.index_cast %parallel_loop3A_153 : i32 to index
          %parallel_loop3A_169 = arith.constant 0 : index
          %parallel_loop3A_170 = tpu.vector_load %arg13[%parallel_loop3A_168, %parallel_loop3A_169] {strides = array<i32>} : memref<16x128xf32, #tpu.memory_space<vmem>>, vector<16xf32>,
          %parallel_loop3A_171 = arith.index_cast %parallel_loop3A_153 : i32 to index
          %parallel_loop3A_172 = arith.constant 0 : index
          %parallel_loop3A_173 = tpu.vector_load %arg14[%parallel_loop3A_171, %parallel_loop3A_172] {strides = array<i32>} : memref<16x128xf32, #tpu.memory_space<vmem>>, vector<16xf32>,
          %parallel_loop3A_174 = arith.subf %parallel_loop3A_170, %parallel_loop3A_173 : vector<16xf32>
          %parallel_loop3A_175 = arith.index_cast %parallel_loop3A_153 : i32 to index
          %parallel_loop3A_176 = arith.constant 0 : index
          %parallel_loop3A_177 = tpu.vector_load %arg15[%parallel_loop3A_175, %parallel_loop3A_176] {strides = array<i32>} : memref<16x1024xi32, #tpu.memory_space<vmem>>, vector<16xi32>,
          %parallel_loop3A_178 = vector.bitcast %parallel_loop3A_177 : vector<16xi32> to vector<32xbf16>
          %parallel_loop3A_179 = tpu.unpack_subelements %parallel_loop3A_178, 0 {pack_format = #tpu.pack_format<interleaved>} : vector<32xbf16> -> vector<16xf32>
          %parallel_loop3A_180 = tpu.unpack_subelements %parallel_loop3A_178, 1 {pack_format = #tpu.pack_format<interleaved>} : vector<32xbf16> -> vector<16xf32>
          %parallel_loop3A_181 = arith.constant 0 : i32
          %parallel_loop3A_182 = vector.broadcast %parallel_loop3A_181 : i32 to vector<16x1xi32>
          %parallel_loop3A_183 = vector.shape_cast %parallel_loop3A_182 : vector<16x1xi32> to vector<16xi32>
          %parallel_loop3A_184 = tpu.dynamic_gather %parallel_loop3A_174[%parallel_loop3A_183] in [0] : vector<16xf32>, vector<16xi32> -> vector<16xf32>
          %parallel_loop3A_185 = arith.mulf %parallel_loop3A_184, %parallel_loop3A_179 : vector<16xf32>
          %parallel_loop3A_186 = arith.addf %parallel_loop3A_161, %parallel_loop3A_185 : vector<16xf32>
          %parallel_loop3A_187 = arith.constant 1 : i32
          %parallel_loop3A_188 = vector.broadcast %parallel_loop3A_187 : i32 to vector<16x1xi32>
          %parallel_loop3A_189 = vector.shape_cast %parallel_loop3A_188 : vector<16x1xi32> to vector<16xi32>
          %parallel_loop3A_190 = tpu.dynamic_gather %parallel_loop3A_174[%parallel_loop3A_189] in [0] : vector<16xf32>, vector<16xi32> -> vector<16xf32>
          %parallel_loop3A_191 = arith.mulf %parallel_loop3A_190, %parallel_loop3A_180 : vector<16xf32>
          %parallel_loop3A_192 = arith.addf %parallel_loop3A_163, %parallel_loop3A_191 : vector<16xf32>
          %parallel_loop3A_193 = arith.index_cast %parallel_loop3A_153 : i32 to index
          %parallel_loop3A_194 = arith.constant 16 : index
          %parallel_loop3A_195 = tpu.vector_load %arg15[%parallel_loop3A_193, %parallel_loop3A_194] {strides = array<i32>} : memref<16x1024xi32, #tpu.memory_space<vmem>>, vector<16xi32>,
          %parallel_loop3A_196 = vector.bitcast %parallel_loop3A_195 : vector<16xi32> to vector<32xbf16>
          %parallel_loop3A_197 = tpu.unpack_subelements %parallel_loop3A_196, 0 {pack_format = #tpu.pack_format<interleaved>} : vector<32xbf16> -> vector<16xf32>
          %parallel_loop3A_198 = tpu.unpack_subelements %parallel_loop3A_196, 1 {pack_format = #tpu.pack_format<interleaved>} : vector<32xbf16> -> vector<16xf32>
          %parallel_loop3A_199 = arith.constant 2 : i32
          %parallel_loop3A_200 = vector.broadcast %parallel_loop3A_199 : i32 to vector<16x1xi32>
          %parallel_loop3A_201 = vector.shape_cast %parallel_loop3A_200 : vector<16x1xi32> to vector<16xi32>
          %parallel_loop3A_202 = tpu.dynamic_gather %parallel_loop3A_174[%parallel_loop3A_201] in [0] : vector<16xf32>, vector<16xi32> -> vector<16xf32>
          %parallel_loop3A_203 = arith.mulf %parallel_loop3A_202, %parallel_loop3A_197 : vector<16xf32>
          %parallel_loop3A_204 = arith.addf %parallel_loop3A_165, %parallel_loop3A_203 : vector<16xf32>
          %parallel_loop3A_205 = arith.constant 3 : i32
          %parallel_loop3A_206 = vector.broadcast %parallel_loop3A_205 : i32 to vector<16x1xi32>
          %parallel_loop3A_207 = vector.shape_cast %parallel_loop3A_206 : vector<16x1xi32> to vector<16xi32>
          %parallel_loop3A_208 = tpu.dynamic_gather %parallel_loop3A_174[%parallel_loop3A_207] in [0] : vector<16xf32>, vector<16xi32> -> vector<16xf32>
          %parallel_loop3A_209 = arith.mulf %parallel_loop3A_208, %parallel_loop3A_198 : vector<16xf32>
          %parallel_loop3A_210 = arith.addf %parallel_loop3A_167, %parallel_loop3A_209 : vector<16xf32>
          %parallel_loop3A_211 = arith.index_cast %parallel_loop3A_153 : i32 to index
          %parallel_loop3A_212 = arith.constant 32 : index
          %parallel_loop3A_213 = tpu.vector_load %arg15[%parallel_loop3A_211, %parallel_loop3A_212] {strides = array<i32>} : memref<16x1024xi32, #tpu.memory_space<vmem>>, vector<16xi32>,
          %parallel_loop3A_214 = vector.bitcast %parallel_loop3A_213 : vector<16xi32> to vector<32xbf16>
          %parallel_loop3A_215 = tpu.unpack_subelements %parallel_loop3A_214, 0 {pack_format = #tpu.pack_format<interleaved>} : vector<32xbf16> -> vector<16xf32>
          %parallel_loop3A_216 = tpu.unpack_subelements %parallel_loop3A_214, 1 {pack_format = #tpu.pack_format<interleaved>} : vector<32xbf16> -> vector<16xf32>
          %parallel_loop3A_217 = arith.constant 4 : i32
          %parallel_loop3A_218 = vector.broadcast %parallel_loop3A_217 : i32 to vector<16x1xi32>
          %parallel_loop3A_219 = vector.shape_cast %parallel_loop3A_218 : vector<16x1xi32> to vector<16xi32>
          %parallel_loop3A_220 = tpu.dynamic_gather %parallel_loop3A_174[%parallel_loop3A_219] in [0] : vector<16xf32>, vector<16xi32> -> vector<16xf32>
          %parallel_loop3A_221 = arith.mulf %parallel_loop3A_220, %parallel_loop3A_215 : vector<16xf32>
          %parallel_loop3A_222 = arith.addf %parallel_loop3A_186, %parallel_loop3A_221 : vector<16xf32>
          %parallel_loop3A_223 = arith.constant 5 : i32
          %parallel_loop3A_224 = vector.broadcast %parallel_loop3A_223 : i32 to vector<16x1xi32>
          %parallel_loop3A_225 = vector.shape_cast %parallel_loop3A_224 : vector<16x1xi32> to vector<16xi32>
          %parallel_loop3A_226 = tpu.dynamic_gather %parallel_loop3A_174[%parallel_loop3A_225] in [0] : vector<16xf32>, vector<16xi32> -> vector<16xf32>
          %parallel_loop3A_227 = arith.mulf %parallel_loop3A_226, %parallel_loop3A_216 : vector<16xf32>
          %parallel_loop3A_228 = arith.addf %parallel_loop3A_192, %parallel_loop3A_227 : vector<16xf32>
          %parallel_loop3A_229 = arith.index_cast %parallel_loop3A_153 : i32 to index
          %parallel_loop3A_230 = arith.constant 48 : index
          %parallel_loop3A_231 = tpu.vector_load %arg15[%parallel_loop3A_229, %parallel_loop3A_230] {strides = array<i32>} : memref<16x1024xi32, #tpu.memory_space<vmem>>, vector<16xi32>,
          %parallel_loop3A_232 = vector.bitcast %parallel_loop3A_231 : vector<16xi32> to vector<32xbf16>
          %parallel_loop3A_233 = tpu.unpack_subelements %parallel_loop3A_232, 0 {pack_format = #tpu.pack_format<interleaved>} : vector<32xbf16> -> vector<16xf32>
          %parallel_loop3A_234 = tpu.unpack_subelements %parallel_loop3A_232, 1 {pack_format = #tpu.pack_format<interleaved>} : vector<32xbf16> -> vector<16xf32>
          %parallel_loop3A_235 = arith.constant 6 : i32
          %parallel_loop3A_236 = vector.broadcast %parallel_loop3A_235 : i32 to vector<16x1xi32>
          %parallel_loop3A_237 = vector.shape_cast %parallel_loop3A_236 : vector<16x1xi32> to vector<16xi32>
          %parallel_loop3A_238 = tpu.dynamic_gather %parallel_loop3A_174[%parallel_loop3A_237] in [0] : vector<16xf32>, vector<16xi32> -> vector<16xf32>
          %parallel_loop3A_239 = arith.mulf %parallel_loop3A_238, %parallel_loop3A_233 : vector<16xf32>
          %parallel_loop3A_240 = arith.addf %parallel_loop3A_204, %parallel_loop3A_239 : vector<16xf32>
          %parallel_loop3A_241 = arith.constant 7 : i32
          %parallel_loop3A_242 = vector.broadcast %parallel_loop3A_241 : i32 to vector<16x1xi32>
          %parallel_loop3A_243 = vector.shape_cast %parallel_loop3A_242 : vector<16x1xi32> to vector<16xi32>
          %parallel_loop3A_244 = tpu.dynamic_gather %parallel_loop3A_174[%parallel_loop3A_243] in [0] : vector<16xf32>, vector<16xi32> -> vector<16xf32>
          %parallel_loop3A_245 = arith.mulf %parallel_loop3A_244, %parallel_loop3A_234 : vector<16xf32>
          %parallel_loop3A_246 = arith.addf %parallel_loop3A_210, %parallel_loop3A_245 : vector<16xf32>
          %parallel_loop3A_247 = arith.index_cast %parallel_loop3A_153 : i32 to index
          %parallel_loop3A_248 = arith.constant 64 : index
          %parallel_loop3A_249 = tpu.vector_load %arg15[%parallel_loop3A_247, %parallel_loop3A_248] {strides = array<i32>} : memref<16x1024xi32, #tpu.memory_space<vmem>>, vector<16xi32>,
          %parallel_loop3A_250 = vector.bitcast %parallel_loop3A_249 : vector<16xi32> to vector<32xbf16>
          %parallel_loop3A_251 = tpu.unpack_subelements %parallel_loop3A_250, 0 {pack_format = #tpu.pack_format<interleaved>} : vector<32xbf16> -> vector<16xf32>
          %parallel_loop3A_252 = tpu.unpack_subelements %parallel_loop3A_250, 1 {pack_format = #tpu.pack_format<interleaved>} : vector<32xbf16> -> vector<16xf32>
          %parallel_loop3A_253 = arith.constant 8 : i32
          %parallel_loop3A_254 = vector.broadcast %parallel_loop3A_253 : i32 to vector<16x1xi32>
          %parallel_loop3A_255 = vector.shape_cast %parallel_loop3A_254 : vector<16x1xi32> to vector<16xi32>
          %parallel_loop3A_256 = tpu.dynamic_gather %parallel_loop3A_174[%parallel_loop3A_255] in [0] : vector<16xf32>, vector<16xi32> -> vector<16xf32>
          %parallel_loop3A_257 = arith.mulf %parallel_loop3A_256, %parallel_loop3A_251 : vector<16xf32>
          %parallel_loop3A_258 = arith.addf %parallel_loop3A_222, %parallel_loop3A_257 : vector<16xf32>
          %parallel_loop3A_259 = arith.constant 9 : i32
          %parallel_loop3A_260 = vector.broadcast %parallel_loop3A_259 : i32 to vector<16x1xi32>
          %parallel_loop3A_261 = vector.shape_cast %parallel_loop3A_260 : vector<16x1xi32> to vector<16xi32>
          %parallel_loop3A_262 = tpu.dynamic_gather %parallel_loop3A_174[%parallel_loop3A_261] in [0] : vector<16xf32>, vector<16xi32> -> vector<16xf32>
          %parallel_loop3A_263 = arith.mulf %parallel_loop3A_262, %parallel_loop3A_252 : vector<16xf32>
          %parallel_loop3A_264 = arith.addf %parallel_loop3A_228, %parallel_loop3A_263 : vector<16xf32>
          %parallel_loop3A_265 = arith.index_cast %parallel_loop3A_153 : i32 to index
          %parallel_loop3A_266 = arith.constant 80 : index
          %parallel_loop3A_267 = tpu.vector_load %arg15[%parallel_loop3A_265, %parallel_loop3A_266] {strides = array<i32>} : memref<16x1024xi32, #tpu.memory_space<vmem>>, vector<16xi32>,
          %parallel_loop3A_268 = vector.bitcast %parallel_loop3A_267 : vector<16xi32> to vector<32xbf16>
          %parallel_loop3A_269 = tpu.unpack_subelements %parallel_loop3A_268, 0 {pack_format = #tpu.pack_format<interleaved>} : vector<32xbf16> -> vector<16xf32>
          %parallel_loop3A_270 = tpu.unpack_subelements %parallel_loop3A_268, 1 {pack_format = #tpu.pack_format<interleaved>} : vector<32xbf16> -> vector<16xf32>
          %parallel_loop3A_271 = arith.constant 10 : i32
          %parallel_loop3A_272 = vector.broadcast %parallel_loop3A_271 : i32 to vector<16x1xi32>
          %parallel_loop3A_273 = vector.shape_cast %parallel_loop3A_272 : vector<16x1xi32> to vector<16xi32>
          %parallel_loop3A_274 = tpu.dynamic_gather %parallel_loop3A_174[%parallel_loop3A_273] in [0] : vector<16xf32>, vector<16xi32> -> vector<16xf32>
          %parallel_loop3A_275 = arith.mulf %parallel_loop3A_274, %parallel_loop3A_269 : vector<16xf32>
          %parallel_loop3A_276 = arith.addf %parallel_loop3A_240, %parallel_loop3A_275 : vector<16xf32>
          %parallel_loop3A_277 = arith.constant 11 : i32
          %parallel_loop3A_278 = vector.broadcast %parallel_loop3A_277 : i32 to vector<16x1xi32>
          %parallel_loop3A_279 = vector.shape_cast %parallel_loop3A_278 : vector<16x1xi32> to vector<16xi32>
          %parallel_loop3A_280 = tpu.dynamic_gather %parallel_loop3A_174[%parallel_loop3A_279] in [0] : vector<16xf32>, vector<16xi32> -> vector<16xf32>
          %parallel_loop3A_281 = arith.mulf %parallel_loop3A_280, %parallel_loop3A_270 : vector<16xf32>
          %parallel_loop3A_282 = arith.addf %parallel_loop3A_246, %parallel_loop3A_281 : vector<16xf32>
          %parallel_loop3A_283 = arith.index_cast %parallel_loop3A_153 : i32 to index
          %parallel_loop3A_284 = arith.constant 96 : index
          %parallel_loop3A_285 = tpu.vector_load %arg15[%parallel_loop3A_283, %parallel_loop3A_284] {strides = array<i32>} : memref<16x1024xi32, #tpu.memory_space<vmem>>, vector<16xi32>,
          %parallel_loop3A_286 = vector.bitcast %parallel_loop3A_285 : vector<16xi32> to vector<32xbf16>
          %parallel_loop3A_287 = tpu.unpack_subelements %parallel_loop3A_286, 0 {pack_format = #tpu.pack_format<interleaved>} : vector<32xbf16> -> vector<16xf32>
          %parallel_loop3A_288 = tpu.unpack_subelements %parallel_loop3A_286, 1 {pack_format = #tpu.pack_format<interleaved>} : vector<32xbf16> -> vector<16xf32>
          %parallel_loop3A_289 = arith.constant 12 : i32
          %parallel_loop3A_290 = vector.broadcast %parallel_loop3A_289 : i32 to vector<16x1xi32>
          %parallel_loop3A_291 = vector.shape_cast %parallel_loop3A_290 : vector<16x1xi32> to vector<16xi32>
          %parallel_loop3A_292 = tpu.dynamic_gather %parallel_loop3A_174[%parallel_loop3A_291] in [0] : vector<16xf32>, vector<16xi32> -> vector<16xf32>
          %parallel_loop3A_293 = arith.mulf %parallel_loop3A_292, %parallel_loop3A_287 : vector<16xf32>
          %parallel_loop3A_294 = arith.addf %parallel_loop3A_258, %parallel_loop3A_293 : vector<16xf32>
          %parallel_loop3A_295 = arith.constant 13 : i32
          %parallel_loop3A_296 = vector.broadcast %parallel_loop3A_295 : i32 to vector<16x1xi32>
          %parallel_loop3A_297 = vector.shape_cast %parallel_loop3A_296 : vector<16x1xi32> to vector<16xi32>
          %parallel_loop3A_298 = tpu.dynamic_gather %parallel_loop3A_174[%parallel_loop3A_297] in [0] : vector<16xf32>, vector<16xi32> -> vector<16xf32>
          %parallel_loop3A_299 = arith.mulf %parallel_loop3A_298, %parallel_loop3A_288 : vector<16xf32>
          %parallel_loop3A_300 = arith.addf %parallel_loop3A_264, %parallel_loop3A_299 : vector<16xf32>
          %parallel_loop3A_301 = arith.index_cast %parallel_loop3A_153 : i32 to index
          %parallel_loop3A_302 = arith.constant 112 : index
          %parallel_loop3A_303 = tpu.vector_load %arg15[%parallel_loop3A_301, %parallel_loop3A_302] {strides = array<i32>} : memref<16x1024xi32, #tpu.memory_space<vmem>>, vector<16xi32>,
          %parallel_loop3A_304 = vector.bitcast %parallel_loop3A_303 : vector<16xi32> to vector<32xbf16>
          %parallel_loop3A_305 = tpu.unpack_subelements %parallel_loop3A_304, 0 {pack_format = #tpu.pack_format<interleaved>} : vector<32xbf16> -> vector<16xf32>
          %parallel_loop3A_306 = tpu.unpack_subelements %parallel_loop3A_304, 1 {pack_format = #tpu.pack_format<interleaved>} : vector<32xbf16> -> vector<16xf32>
          %parallel_loop3A_307 = arith.constant 14 : i32
          %parallel_loop3A_308 = vector.broadcast %parallel_loop3A_307 : i32 to vector<16x1xi32>
          %parallel_loop3A_309 = vector.shape_cast %parallel_loop3A_308 : vector<16x1xi32> to vector<16xi32>
          %parallel_loop3A_310 = tpu.dynamic_gather %parallel_loop3A_174[%parallel_loop3A_309] in [0] : vector<16xf32>, vector<16xi32> -> vector<16xf32>
          %parallel_loop3A_311 = arith.mulf %parallel_loop3A_310, %parallel_loop3A_305 : vector<16xf32>
          %parallel_loop3A_312 = arith.addf %parallel_loop3A_276, %parallel_loop3A_311 : vector<16xf32>
          %parallel_loop3A_313 = arith.constant 15 : i32
          %parallel_loop3A_314 = vector.broadcast %parallel_loop3A_313 : i32 to vector<16x1xi32>
          %parallel_loop3A_315 = vector.shape_cast %parallel_loop3A_314 : vector<16x1xi32> to vector<16xi32>
          %parallel_loop3A_316 = tpu.dynamic_gather %parallel_loop3A_174[%parallel_loop3A_315] in [0] : vector<16xf32>, vector<16xi32> -> vector<16xf32>
          %parallel_loop3A_317 = arith.mulf %parallel_loop3A_316, %parallel_loop3A_306 : vector<16xf32>
          %parallel_loop3A_318 = arith.addf %parallel_loop3A_282, %parallel_loop3A_317 : vector<16xf32>
          %parallel_loop3A_319 = arith.index_cast %parallel_loop3A_153 : i32 to index
          %parallel_loop3A_320 = arith.constant 16 : index
          %parallel_loop3A_321 = tpu.vector_load %arg13[%parallel_loop3A_319, %parallel_loop3A_320] {strides = array<i32>} : memref<16x128xf32, #tpu.memory_space<vmem>>, vector<16xf32>,
          %parallel_loop3A_322 = arith.index_cast %parallel_loop3A_153 : i32 to index
          %parallel_loop3A_323 = arith.constant 16 : index
          %parallel_loop3A_324 = tpu.vector_load %arg14[%parallel_loop3A_322, %parallel_loop3A_323] {strides = array<i32>} : memref<16x128xf32, #tpu.memory_space<vmem>>, vector<16xf32>,
          %parallel_loop3A_325 = arith.subf %parallel_loop3A_321, %parallel_loop3A_324 : vector<16xf32>
          %parallel_loop3A_326 = arith.index_cast %parallel_loop3A_153 : i32 to index
          %parallel_loop3A_327 = arith.constant 128 : index
          %parallel_loop3A_328 = tpu.vector_load %arg15[%parallel_loop3A_326, %parallel_loop3A_327] {strides = array<i32>} : memref<16x1024xi32, #tpu.memory_space<vmem>>, vector<16xi32>,
          %parallel_loop3A_329 = vector.bitcast %parallel_loop3A_328 : vector<16xi32> to vector<32xbf16>
          %parallel_loop3A_330 = tpu.unpack_subelements %parallel_loop3A_329, 0 {pack_format = #tpu.pack_format<interleaved>} : vector<32xbf16> -> vector<16xf32>
          %parallel_loop3A_331 = tpu.unpack_subelements %parallel_loop3A_329, 1 {pack_format = #tpu.pack_format<interleaved>} : vector<32xbf16> -> vector<16xf32>
          %parallel_loop3A_332 = arith.constant 0 : i32
          %parallel_loop3A_333 = vector.broadcast %parallel_loop3A_332 : i32 to vector<16x1xi32>
          %parallel_loop3A_334 = vector.shape_cast %parallel_loop3A_333 : vector<16x1xi32> to vector<16xi32>
          %parallel_loop3A_335 = tpu.dynamic_gather %parallel_loop3A_325[%parallel_loop3A_334] in [0] : vector<16xf32>, vector<16xi32> -> vector<16xf32>
          %parallel_loop3A_336 = arith.mulf %parallel_loop3A_335, %parallel_loop3A_330 : vector<16xf32>
          %parallel_loop3A_337 = arith.addf %parallel_loop3A_294, %parallel_loop3A_336 : vector<16xf32>
          %parallel_loop3A_338 = arith.constant 1 : i32
          %parallel_loop3A_339 = vector.broadcast %parallel_loop3A_338 : i32 to vector<16x1xi32>
          %parallel_loop3A_340 = vector.shape_cast %parallel_loop3A_339 : vector<16x1xi32> to vector<16xi32>
          %parallel_loop3A_341 = tpu.dynamic_gather %parallel_loop3A_325[%parallel_loop3A_340] in [0] : vector<16xf32>, vector<16xi32> -> vector<16xf32>
          %parallel_loop3A_342 = arith.mulf %parallel_loop3A_341, %parallel_loop3A_331 : vector<16xf32>
          %parallel_loop3A_343 = arith.addf %parallel_loop3A_300, %parallel_loop3A_342 : vector<16xf32>
          %parallel_loop3A_344 = arith.index_cast %parallel_loop3A_153 : i32 to index
          %parallel_loop3A_345 = arith.constant 144 : index
          %parallel_loop3A_346 = tpu.vector_load %arg15[%parallel_loop3A_344, %parallel_loop3A_345] {strides = array<i32>} : memref<16x1024xi32, #tpu.memory_space<vmem>>, vector<16xi32>,
          %parallel_loop3A_347 = vector.bitcast %parallel_loop3A_346 : vector<16xi32> to vector<32xbf16>
          %parallel_loop3A_348 = tpu.unpack_subelements %parallel_loop3A_347, 0 {pack_format = #tpu.pack_format<interleaved>} : vector<32xbf16> -> vector<16xf32>
          %parallel_loop3A_349 = tpu.unpack_subelements %parallel_loop3A_347, 1 {pack_format = #tpu.pack_format<interleaved>} : vector<32xbf16> -> vector<16xf32>
          %parallel_loop3A_350 = arith.constant 2 : i32
          %parallel_loop3A_351 = vector.broadcast %parallel_loop3A_350 : i32 to vector<16x1xi32>
          %parallel_loop3A_352 = vector.shape_cast %parallel_loop3A_351 : vector<16x1xi32> to vector<16xi32>
          %parallel_loop3A_353 = tpu.dynamic_gather %parallel_loop3A_325[%parallel_loop3A_352] in [0] : vector<16xf32>, vector<16xi32> -> vector<16xf32>
          %parallel_loop3A_354 = arith.mulf %parallel_loop3A_353, %parallel_loop3A_348 : vector<16xf32>
          %parallel_loop3A_355 = arith.addf %parallel_loop3A_312, %parallel_loop3A_354 : vector<16xf32>
          %parallel_loop3A_356 = arith.constant 3 : i32
          %parallel_loop3A_357 = vector.broadcast %parallel_loop3A_356 : i32 to vector<16x1xi32>
          %parallel_loop3A_358 = vector.shape_cast %parallel_loop3A_357 : vector<16x1xi32> to vector<16xi32>
          %parallel_loop3A_359 = tpu.dynamic_gather %parallel_loop3A_325[%parallel_loop3A_358] in [0] : vector<16xf32>, vector<16xi32> -> vector<16xf32>
          %parallel_loop3A_360 = arith.mulf %parallel_loop3A_359, %parallel_loop3A_349 : vector<16xf32>
          %parallel_loop3A_361 = arith.addf %parallel_loop3A_318, %parallel_loop3A_360 : vector<16xf32>
          %parallel_loop3A_362 = arith.index_cast %parallel_loop3A_153 : i32 to index
          %parallel_loop3A_363 = arith.constant 160 : index
          %parallel_loop3A_364 = tpu.vector_load %arg15[%parallel_loop3A_362, %parallel_loop3A_363] {strides = array<i32>} : memref<16x1024xi32, #tpu.memory_space<vmem>>, vector<16xi32>,
          %parallel_loop3A_365 = vector.bitcast %parallel_loop3A_364 : vector<16xi32> to vector<32xbf16>
          %parallel_loop3A_366 = tpu.unpack_subelements %parallel_loop3A_365, 0 {pack_format = #tpu.pack_format<interleaved>} : vector<32xbf16> -> vector<16xf32>
          %parallel_loop3A_367 = tpu.unpack_subelements %parallel_loop3A_365, 1 {pack_format = #tpu.pack_format<interleaved>} : vector<32xbf16> -> vector<16xf32>
          %parallel_loop3A_368 = arith.constant 4 : i32
          %parallel_loop3A_369 = vector.broadcast %parallel_loop3A_368 : i32 to vector<16x1xi32>
          %parallel_loop3A_370 = vector.shape_cast %parallel_loop3A_369 : vector<16x1xi32> to vector<16xi32>
          %parallel_loop3A_371 = tpu.dynamic_gather %parallel_loop3A_325[%parallel_loop3A_370] in [0] : vector<16xf32>, vector<16xi32> -> vector<16xf32>
          %parallel_loop3A_372 = arith.mulf %parallel_loop3A_371, %parallel_loop3A_366 : vector<16xf32>
          %parallel_loop3A_373 = arith.addf %parallel_loop3A_337, %parallel_loop3A_372 : vector<16xf32>
          %parallel_loop3A_374 = arith.constant 5 : i32
          %parallel_loop3A_375 = vector.broadcast %parallel_loop3A_374 : i32 to vector<16x1xi32>
          %parallel_loop3A_376 = vector.shape_cast %parallel_loop3A_375 : vector<16x1xi32> to vector<16xi32>
          %parallel_loop3A_377 = tpu.dynamic_gather %parallel_loop3A_325[%parallel_loop3A_376] in [0] : vector<16xf32>, vector<16xi32> -> vector<16xf32>
          %parallel_loop3A_378 = arith.mulf %parallel_loop3A_377, %parallel_loop3A_367 : vector<16xf32>
          %parallel_loop3A_379 = arith.addf %parallel_loop3A_343, %parallel_loop3A_378 : vector<16xf32>
          %parallel_loop3A_380 = arith.index_cast %parallel_loop3A_153 : i32 to index
          %parallel_loop3A_381 = arith.constant 176 : index
          %parallel_loop3A_382 = tpu.vector_load %arg15[%parallel_loop3A_380, %parallel_loop3A_381] {strides = array<i32>} : memref<16x1024xi32, #tpu.memory_space<vmem>>, vector<16xi32>,
          %parallel_loop3A_383 = vector.bitcast %parallel_loop3A_382 : vector<16xi32> to vector<32xbf16>
          %parallel_loop3A_384 = tpu.unpack_subelements %parallel_loop3A_383, 0 {pack_format = #tpu.pack_format<interleaved>} : vector<32xbf16> -> vector<16xf32>
          %parallel_loop3A_385 = tpu.unpack_subelements %parallel_loop3A_383, 1 {pack_format = #tpu.pack_format<interleaved>} : vector<32xbf16> -> vector<16xf32>
          %parallel_loop3A_386 = arith.constant 6 : i32
          %parallel_loop3A_387 = vector.broadcast %parallel_loop3A_386 : i32 to vector<16x1xi32>
          %parallel_loop3A_388 = vector.shape_cast %parallel_loop3A_387 : vector<16x1xi32> to vector<16xi32>
          %parallel_loop3A_389 = tpu.dynamic_gather %parallel_loop3A_325[%parallel_loop3A_388] in [0] : vector<16xf32>, vector<16xi32> -> vector<16xf32>
          %parallel_loop3A_390 = arith.mulf %parallel_loop3A_389, %parallel_loop3A_384 : vector<16xf32>
          %parallel_loop3A_391 = arith.addf %parallel_loop3A_355, %parallel_loop3A_390 : vector<16xf32>
          %parallel_loop3A_392 = arith.constant 7 : i32
          %parallel_loop3A_393 = vector.broadcast %parallel_loop3A_392 : i32 to vector<16x1xi32>
          %parallel_loop3A_394 = vector.shape_cast %parallel_loop3A_393 : vector<16x1xi32> to vector<16xi32>
          %parallel_loop3A_395 = tpu.dynamic_gather %parallel_loop3A_325[%parallel_loop3A_394] in [0] : vector<16xf32>, vector<16xi32> -> vector<16xf32>
          %parallel_loop3A_396 = arith.mulf %parallel_loop3A_395, %parallel_loop3A_385 : vector<16xf32>
          %parallel_loop3A_397 = arith.addf %parallel_loop3A_361, %parallel_loop3A_396 : vector<16xf32>
          %parallel_loop3A_398 = arith.index_cast %parallel_loop3A_153 : i32 to index
          %parallel_loop3A_399 = arith.constant 192 : index
          %parallel_loop3A_400 = tpu.vector_load %arg15[%parallel_loop3A_398, %parallel_loop3A_399] {strides = array<i32>} : memref<16x1024xi32, #tpu.memory_space<vmem>>, vector<16xi32>,
          %parallel_loop3A_401 = vector.bitcast %parallel_loop3A_400 : vector<16xi32> to vector<32xbf16>
          %parallel_loop3A_402 = tpu.unpack_subelements %parallel_loop3A_401, 0 {pack_format = #tpu.pack_format<interleaved>} : vector<32xbf16> -> vector<16xf32>
          %parallel_loop3A_403 = tpu.unpack_subelements %parallel_loop3A_401, 1 {pack_format = #tpu.pack_format<interleaved>} : vector<32xbf16> -> vector<16xf32>
          %parallel_loop3A_404 = arith.constant 8 : i32
          %parallel_loop3A_405 = vector.broadcast %parallel_loop3A_404 : i32 to vector<16x1xi32>
          %parallel_loop3A_406 = vector.shape_cast %parallel_loop3A_405 : vector<16x1xi32> to vector<16xi32>
          %parallel_loop3A_407 = tpu.dynamic_gather %parallel_loop3A_325[%parallel_loop3A_406] in [0] : vector<16xf32>, vector<16xi32> -> vector<16xf32>
          %parallel_loop3A_408 = arith.mulf %parallel_loop3A_407, %parallel_loop3A_402 : vector<16xf32>
          %parallel_loop3A_409 = arith.addf %parallel_loop3A_373, %parallel_loop3A_408 : vector<16xf32>
          %parallel_loop3A_410 = arith.constant 9 : i32
          %parallel_loop3A_411 = vector.broadcast %parallel_loop3A_410 : i32 to vector<16x1xi32>
          %parallel_loop3A_412 = vector.shape_cast %parallel_loop3A_411 : vector<16x1xi32> to vector<16xi32>
          %parallel_loop3A_413 = tpu.dynamic_gather %parallel_loop3A_325[%parallel_loop3A_412] in [0] : vector<16xf32>, vector<16xi32> -> vector<16xf32>
          %parallel_loop3A_414 = arith.mulf %parallel_loop3A_413, %parallel_loop3A_403 : vector<16xf32>
          %parallel_loop3A_415 = arith.addf %parallel_loop3A_379, %parallel_loop3A_414 : vector<16xf32>
          %parallel_loop3A_416 = arith.index_cast %parallel_loop3A_153 : i32 to index
          %parallel_loop3A_417 = arith.constant 208 : index
          %parallel_loop3A_418 = tpu.vector_load %arg15[%parallel_loop3A_416, %parallel_loop3A_417] {strides = array<i32>} : memref<16x1024xi32, #tpu.memory_space<vmem>>, vector<16xi32>,
          %parallel_loop3A_419 = vector.bitcast %parallel_loop3A_418 : vector<16xi32> to vector<32xbf16>
          %parallel_loop3A_420 = tpu.unpack_subelements %parallel_loop3A_419, 0 {pack_format = #tpu.pack_format<interleaved>} : vector<32xbf16> -> vector<16xf32>
          %parallel_loop3A_421 = tpu.unpack_subelements %parallel_loop3A_419, 1 {pack_format = #tpu.pack_format<interleaved>} : vector<32xbf16> -> vector<16xf32>
          %parallel_loop3A_422 = arith.constant 10 : i32
          %parallel_loop3A_423 = vector.broadcast %parallel_loop3A_422 : i32 to vector<16x1xi32>
          %parallel_loop3A_424 = vector.shape_cast %parallel_loop3A_423 : vector<16x1xi32> to vector<16xi32>
          %parallel_loop3A_425 = tpu.dynamic_gather %parallel_loop3A_325[%parallel_loop3A_424] in [0] : vector<16xf32>, vector<16xi32> -> vector<16xf32>
          %parallel_loop3A_426 = arith.mulf %parallel_loop3A_425, %parallel_loop3A_420 : vector<16xf32>
          %parallel_loop3A_427 = arith.addf %parallel_loop3A_391, %parallel_loop3A_426 : vector<16xf32>
          %parallel_loop3A_428 = arith.constant 11 : i32
          %parallel_loop3A_429 = vector.broadcast %parallel_loop3A_428 : i32 to vector<16x1xi32>
          %parallel_loop3A_430 = vector.shape_cast %parallel_loop3A_429 : vector<16x1xi32> to vector<16xi32>
          %parallel_loop3A_431 = tpu.dynamic_gather %parallel_loop3A_325[%parallel_loop3A_430] in [0] : vector<16xf32>, vector<16xi32> -> vector<16xf32>
          %parallel_loop3A_432 = arith.mulf %parallel_loop3A_431, %parallel_loop3A_421 : vector<16xf32>
          %parallel_loop3A_433 = arith.addf %parallel_loop3A_397, %parallel_loop3A_432 : vector<16xf32>
          %parallel_loop3A_434 = arith.index_cast %parallel_loop3A_153 : i32 to index
          %parallel_loop3A_435 = arith.constant 224 : index
          %parallel_loop3A_436 = tpu.vector_load %arg15[%parallel_loop3A_434, %parallel_loop3A_435] {strides = array<i32>} : memref<16x1024xi32, #tpu.memory_space<vmem>>, vector<16xi32>,
          %parallel_loop3A_437 = vector.bitcast %parallel_loop3A_436 : vector<16xi32> to vector<32xbf16>
          %parallel_loop3A_438 = tpu.unpack_subelements %parallel_loop3A_437, 0 {pack_format = #tpu.pack_format<interleaved>} : vector<32xbf16> -> vector<16xf32>
          %parallel_loop3A_439 = tpu.unpack_subelements %parallel_loop3A_437, 1 {pack_format = #tpu.pack_format<interleaved>} : vector<32xbf16> -> vector<16xf32>
          %parallel_loop3A_440 = arith.constant 12 : i32
          %parallel_loop3A_441 = vector.broadcast %parallel_loop3A_440 : i32 to vector<16x1xi32>
          %parallel_loop3A_442 = vector.shape_cast %parallel_loop3A_441 : vector<16x1xi32> to vector<16xi32>
          %parallel_loop3A_443 = tpu.dynamic_gather %parallel_loop3A_325[%parallel_loop3A_442] in [0] : vector<16xf32>, vector<16xi32> -> vector<16xf32>
          %parallel_loop3A_444 = arith.mulf %parallel_loop3A_443, %parallel_loop3A_438 : vector<16xf32>
          %parallel_loop3A_445 = arith.addf %parallel_loop3A_409, %parallel_loop3A_444 : vector<16xf32>
          %parallel_loop3A_446 = arith.constant 13 : i32
          %parallel_loop3A_447 = vector.broadcast %parallel_loop3A_446 : i32 to vector<16x1xi32>
          %parallel_loop3A_448 = vector.shape_cast %parallel_loop3A_447 : vector<16x1xi32> to vector<16xi32>
          %parallel_loop3A_449 = tpu.dynamic_gather %parallel_loop3A_325[%parallel_loop3A_448] in [0] : vector<16xf32>, vector<16xi32> -> vector<16xf32>
          %parallel_loop3A_450 = arith.mulf %parallel_loop3A_449, %parallel_loop3A_439 : vector<16xf32>
          %parallel_loop3A_451 = arith.addf %parallel_loop3A_415, %parallel_loop3A_450 : vector<16xf32>
          %parallel_loop3A_452 = arith.index_cast %parallel_loop3A_153 : i32 to index
          %parallel_loop3A_453 = arith.constant 240 : index
          %parallel_loop3A_454 = tpu.vector_load %arg15[%parallel_loop3A_452, %parallel_loop3A_453] {strides = array<i32>} : memref<16x1024xi32, #tpu.memory_space<vmem>>, vector<16xi32>,
          %parallel_loop3A_455 = vector.bitcast %parallel_loop3A_454 : vector<16xi32> to vector<32xbf16>
          %parallel_loop3A_456 = tpu.unpack_subelements %parallel_loop3A_455, 0 {pack_format = #tpu.pack_format<interleaved>} : vector<32xbf16> -> vector<16xf32>
          %parallel_loop3A_457 = tpu.unpack_subelements %parallel_loop3A_455, 1 {pack_format = #tpu.pack_format<interleaved>} : vector<32xbf16> -> vector<16xf32>
          %parallel_loop3A_458 = arith.constant 14 : i32
          %parallel_loop3A_459 = vector.broadcast %parallel_loop3A_458 : i32 to vector<16x1xi32>
          %parallel_loop3A_460 = vector.shape_cast %parallel_loop3A_459 : vector<16x1xi32> to vector<16xi32>
          %parallel_loop3A_461 = tpu.dynamic_gather %parallel_loop3A_325[%parallel_loop3A_460] in [0] : vector<16xf32>, vector<16xi32> -> vector<16xf32>
          %parallel_loop3A_462 = arith.mulf %parallel_loop3A_461, %parallel_loop3A_456 : vector<16xf32>
          %parallel_loop3A_463 = arith.addf %parallel_loop3A_427, %parallel_loop3A_462 : vector<16xf32>
          %parallel_loop3A_464 = arith.constant 15 : i32
          %parallel_loop3A_465 = vector.broadcast %parallel_loop3A_464 : i32 to vector<16x1xi32>
          %parallel_loop3A_466 = vector.shape_cast %parallel_loop3A_465 : vector<16x1xi32> to vector<16xi32>
          %parallel_loop3A_467 = tpu.dynamic_gather %parallel_loop3A_325[%parallel_loop3A_466] in [0] : vector<16xf32>, vector<16xi32> -> vector<16xf32>
          %parallel_loop3A_468 = arith.mulf %parallel_loop3A_467, %parallel_loop3A_457 : vector<16xf32>
          %parallel_loop3A_469 = arith.addf %parallel_loop3A_433, %parallel_loop3A_468 : vector<16xf32>
          %parallel_loop3A_470 = arith.index_cast %parallel_loop3A_153 : i32 to index
          %parallel_loop3A_471 = arith.constant 32 : index
          %parallel_loop3A_472 = tpu.vector_load %arg13[%parallel_loop3A_470, %parallel_loop3A_471] {strides = array<i32>} : memref<16x128xf32, #tpu.memory_space<vmem>>, vector<16xf32>,
          %parallel_loop3A_473 = arith.index_cast %parallel_loop3A_153 : i32 to index
          %parallel_loop3A_474 = arith.constant 32 : index
          %parallel_loop3A_475 = tpu.vector_load %arg14[%parallel_loop3A_473, %parallel_loop3A_474] {strides = array<i32>} : memref<16x128xf32, #tpu.memory_space<vmem>>, vector<16xf32>,
          %parallel_loop3A_476 = arith.subf %parallel_loop3A_472, %parallel_loop3A_475 : vector<16xf32>
          %parallel_loop3A_477 = arith.index_cast %parallel_loop3A_153 : i32 to index
          %parallel_loop3A_478 = arith.constant 256 : index
          %parallel_loop3A_479 = tpu.vector_load %arg15[%parallel_loop3A_477, %parallel_loop3A_478] {strides = array<i32>} : memref<16x1024xi32, #tpu.memory_space<vmem>>, vector<16xi32>,
          %parallel_loop3A_480 = vector.bitcast %parallel_loop3A_479 : vector<16xi32> to vector<32xbf16>
          %parallel_loop3A_481 = tpu.unpack_subelements %parallel_loop3A_480, 0 {pack_format = #tpu.pack_format<interleaved>} : vector<32xbf16> -> vector<16xf32>
          %parallel_loop3A_482 = tpu.unpack_subelements %parallel_loop3A_480, 1 {pack_format = #tpu.pack_format<interleaved>} : vector<32xbf16> -> vector<16xf32>
          %parallel_loop3A_483 = arith.constant 0 : i32
          %parallel_loop3A_484 = vector.broadcast %parallel_loop3A_483 : i32 to vector<16x1xi32>
          %parallel_loop3A_485 = vector.shape_cast %parallel_loop3A_484 : vector<16x1xi32> to vector<16xi32>
          %parallel_loop3A_486 = tpu.dynamic_gather %parallel_loop3A_476[%parallel_loop3A_485] in [0] : vector<16xf32>, vector<16xi32> -> vector<16xf32>
          %parallel_loop3A_487 = arith.mulf %parallel_loop3A_486, %parallel_loop3A_481 : vector<16xf32>
          %parallel_loop3A_488 = arith.addf %parallel_loop3A_445, %parallel_loop3A_487 : vector<16xf32>
          %parallel_loop3A_489 = arith.constant 1 : i32
          %parallel_loop3A_490 = vector.broadcast %parallel_loop3A_489 : i32 to vector<16x1xi32>
          %parallel_loop3A_491 = vector.shape_cast %parallel_loop3A_490 : vector<16x1xi32> to vector<16xi32>
          %parallel_loop3A_492 = tpu.dynamic_gather %parallel_loop3A_476[%parallel_loop3A_491] in [0] : vector<16xf32>, vector<16xi32> -> vector<16xf32>
          %parallel_loop3A_493 = arith.mulf %parallel_loop3A_492, %parallel_loop3A_482 : vector<16xf32>
          %parallel_loop3A_494 = arith.addf %parallel_loop3A_451, %parallel_loop3A_493 : vector<16xf32>
          %parallel_loop3A_495 = arith.index_cast %parallel_loop3A_153 : i32 to index
          %parallel_loop3A_496 = arith.constant 272 : index
          %parallel_loop3A_497 = tpu.vector_load %arg15[%parallel_loop3A_495, %parallel_loop3A_496] {strides = array<i32>} : memref<16x1024xi32, #tpu.memory_space<vmem>>, vector<16xi32>,
          %parallel_loop3A_498 = vector.bitcast %parallel_loop3A_497 : vector<16xi32> to vector<32xbf16>
          %parallel_loop3A_499 = tpu.unpack_subelements %parallel_loop3A_498, 0 {pack_format = #tpu.pack_format<interleaved>} : vector<32xbf16> -> vector<16xf32>
          %parallel_loop3A_500 = tpu.unpack_subelements %parallel_loop3A_498, 1 {pack_format = #tpu.pack_format<interleaved>} : vector<32xbf16> -> vector<16xf32>
          %parallel_loop3A_501 = arith.constant 2 : i32
          %parallel_loop3A_502 = vector.broadcast %parallel_loop3A_501 : i32 to vector<16x1xi32>
          %parallel_loop3A_503 = vector.shape_cast %parallel_loop3A_502 : vector<16x1xi32> to vector<16xi32>
          %parallel_loop3A_504 = tpu.dynamic_gather %parallel_loop3A_476[%parallel_loop3A_503] in [0] : vector<16xf32>, vector<16xi32> -> vector<16xf32>
          %parallel_loop3A_505 = arith.mulf %parallel_loop3A_504, %parallel_loop3A_499 : vector<16xf32>
          %parallel_loop3A_506 = arith.addf %parallel_loop3A_463, %parallel_loop3A_505 : vector<16xf32>
          %parallel_loop3A_507 = arith.constant 3 : i32
          %parallel_loop3A_508 = vector.broadcast %parallel_loop3A_507 : i32 to vector<16x1xi32>
          %parallel_loop3A_509 = vector.shape_cast %parallel_loop3A_508 : vector<16x1xi32> to vector<16xi32>
          %parallel_loop3A_510 = tpu.dynamic_gather %parallel_loop3A_476[%parallel_loop3A_509] in [0] : vector<16xf32>, vector<16xi32> -> vector<16xf32>
          %parallel_loop3A_511 = arith.mulf %parallel_loop3A_510, %parallel_loop3A_500 : vector<16xf32>
          %parallel_loop3A_512 = arith.addf %parallel_loop3A_469, %parallel_loop3A_511 : vector<16xf32>
          %parallel_loop3A_513 = arith.index_cast %parallel_loop3A_153 : i32 to index
          %parallel_loop3A_514 = arith.constant 288 : index
          %parallel_loop3A_515 = tpu.vector_load %arg15[%parallel_loop3A_513, %parallel_loop3A_514] {strides = array<i32>} : memref<16x1024xi32, #tpu.memory_space<vmem>>, vector<16xi32>,
          %parallel_loop3A_516 = vector.bitcast %parallel_loop3A_515 : vector<16xi32> to vector<32xbf16>
          %parallel_loop3A_517 = tpu.unpack_subelements %parallel_loop3A_516, 0 {pack_format = #tpu.pack_format<interleaved>} : vector<32xbf16> -> vector<16xf32>
          %parallel_loop3A_518 = tpu.unpack_subelements %parallel_loop3A_516, 1 {pack_format = #tpu.pack_format<interleaved>} : vector<32xbf16> -> vector<16xf32>
          %parallel_loop3A_519 = arith.constant 4 : i32
          %parallel_loop3A_520 = vector.broadcast %parallel_loop3A_519 : i32 to vector<16x1xi32>
          %parallel_loop3A_521 = vector.shape_cast %parallel_loop3A_520 : vector<16x1xi32> to vector<16xi32>
          %parallel_loop3A_522 = tpu.dynamic_gather %parallel_loop3A_476[%parallel_loop3A_521] in [0] : vector<16xf32>, vector<16xi32> -> vector<16xf32>
          %parallel_loop3A_523 = arith.mulf %parallel_loop3A_522, %parallel_loop3A_517 : vector<16xf32>
          %parallel_loop3A_524 = arith.addf %parallel_loop3A_488, %parallel_loop3A_523 : vector<16xf32>
          %parallel_loop3A_525 = arith.constant 5 : i32
          %parallel_loop3A_526 = vector.broadcast %parallel_loop3A_525 : i32 to vector<16x1xi32>
          %parallel_loop3A_527 = vector.shape_cast %parallel_loop3A_526 : vector<16x1xi32> to vector<16xi32>
          %parallel_loop3A_528 = tpu.dynamic_gather %parallel_loop3A_476[%parallel_loop3A_527] in [0] : vector<16xf32>, vector<16xi32> -> vector<16xf32>
          %parallel_loop3A_529 = arith.mulf %parallel_loop3A_528, %parallel_loop3A_518 : vector<16xf32>
          %parallel_loop3A_530 = arith.addf %parallel_loop3A_494, %parallel_loop3A_529 : vector<16xf32>
          %parallel_loop3A_531 = arith.index_cast %parallel_loop3A_153 : i32 to index
          %parallel_loop3A_532 = arith.constant 304 : index
          %parallel_loop3A_533 = tpu.vector_load %arg15[%parallel_loop3A_531, %parallel_loop3A_532] {strides = array<i32>} : memref<16x1024xi32, #tpu.memory_space<vmem>>, vector<16xi32>,
          %parallel_loop3A_534 = vector.bitcast %parallel_loop3A_533 : vector<16xi32> to vector<32xbf16>
          %parallel_loop3A_535 = tpu.unpack_subelements %parallel_loop3A_534, 0 {pack_format = #tpu.pack_format<interleaved>} : vector<32xbf16> -> vector<16xf32>
          %parallel_loop3A_536 = tpu.unpack_subelements %parallel_loop3A_534, 1 {pack_format = #tpu.pack_format<interleaved>} : vector<32xbf16> -> vector<16xf32>
          %parallel_loop3A_537 = arith.constant 6 : i32
          %parallel_loop3A_538 = vector.broadcast %parallel_loop3A_537 : i32 to vector<16x1xi32>
          %parallel_loop3A_539 = vector.shape_cast %parallel_loop3A_538 : vector<16x1xi32> to vector<16xi32>
          %parallel_loop3A_540 = tpu.dynamic_gather %parallel_loop3A_476[%parallel_loop3A_539] in [0] : vector<16xf32>, vector<16xi32> -> vector<16xf32>
          %parallel_loop3A_541 = arith.mulf %parallel_loop3A_540, %parallel_loop3A_535 : vector<16xf32>
          %parallel_loop3A_542 = arith.addf %parallel_loop3A_506, %parallel_loop3A_541 : vector<16xf32>
          %parallel_loop3A_543 = arith.constant 7 : i32
          %parallel_loop3A_544 = vector.broadcast %parallel_loop3A_543 : i32 to vector<16x1xi32>
          %parallel_loop3A_545 = vector.shape_cast %parallel_loop3A_544 : vector<16x1xi32> to vector<16xi32>
          %parallel_loop3A_546 = tpu.dynamic_gather %parallel_loop3A_476[%parallel_loop3A_545] in [0] : vector<16xf32>, vector<16xi32> -> vector<16xf32>
          %parallel_loop3A_547 = arith.mulf %parallel_loop3A_546, %parallel_loop3A_536 : vector<16xf32>
          %parallel_loop3A_548 = arith.addf %parallel_loop3A_512, %parallel_loop3A_547 : vector<16xf32>
          %parallel_loop3A_549 = arith.index_cast %parallel_loop3A_153 : i32 to index
          %parallel_loop3A_550 = arith.constant 320 : index
          %parallel_loop3A_551 = tpu.vector_load %arg15[%parallel_loop3A_549, %parallel_loop3A_550] {strides = array<i32>} : memref<16x1024xi32, #tpu.memory_space<vmem>>, vector<16xi32>,
          %parallel_loop3A_552 = vector.bitcast %parallel_loop3A_551 : vector<16xi32> to vector<32xbf16>
          %parallel_loop3A_553 = tpu.unpack_subelements %parallel_loop3A_552, 0 {pack_format = #tpu.pack_format<interleaved>} : vector<32xbf16> -> vector<16xf32>
          %parallel_loop3A_554 = tpu.unpack_subelements %parallel_loop3A_552, 1 {pack_format = #tpu.pack_format<interleaved>} : vector<32xbf16> -> vector<16xf32>
          %parallel_loop3A_555 = arith.constant 8 : i32
          %parallel_loop3A_556 = vector.broadcast %parallel_loop3A_555 : i32 to vector<16x1xi32>
          %parallel_loop3A_557 = vector.shape_cast %parallel_loop3A_556 : vector<16x1xi32> to vector<16xi32>
          %parallel_loop3A_558 = tpu.dynamic_gather %parallel_loop3A_476[%parallel_loop3A_557] in [0] : vector<16xf32>, vector<16xi32> -> vector<16xf32>
          %parallel_loop3A_559 = arith.mulf %parallel_loop3A_558, %parallel_loop3A_553 : vector<16xf32>
          %parallel_loop3A_560 = arith.addf %parallel_loop3A_524, %parallel_loop3A_559 : vector<16xf32>
          %parallel_loop3A_561 = arith.constant 9 : i32
          %parallel_loop3A_562 = vector.broadcast %parallel_loop3A_561 : i32 to vector<16x1xi32>
          %parallel_loop3A_563 = vector.shape_cast %parallel_loop3A_562 : vector<16x1xi32> to vector<16xi32>
          %parallel_loop3A_564 = tpu.dynamic_gather %parallel_loop3A_476[%parallel_loop3A_563] in [0] : vector<16xf32>, vector<16xi32> -> vector<16xf32>
          %parallel_loop3A_565 = arith.mulf %parallel_loop3A_564, %parallel_loop3A_554 : vector<16xf32>
          %parallel_loop3A_566 = arith.addf %parallel_loop3A_530, %parallel_loop3A_565 : vector<16xf32>
          %parallel_loop3A_567 = arith.index_cast %parallel_loop3A_153 : i32 to index
          %parallel_loop3A_568 = arith.constant 336 : index
          %parallel_loop3A_569 = tpu.vector_load %arg15[%parallel_loop3A_567, %parallel_loop3A_568] {strides = array<i32>} : memref<16x1024xi32, #tpu.memory_space<vmem>>, vector<16xi32>,
          %parallel_loop3A_570 = vector.bitcast %parallel_loop3A_569 : vector<16xi32> to vector<32xbf16>
          %parallel_loop3A_571 = tpu.unpack_subelements %parallel_loop3A_570, 0 {pack_format = #tpu.pack_format<interleaved>} : vector<32xbf16> -> vector<16xf32>
          %parallel_loop3A_572 = tpu.unpack_subelements %parallel_loop3A_570, 1 {pack_format = #tpu.pack_format<interleaved>} : vector<32xbf16> -> vector<16xf32>
          %parallel_loop3A_573 = arith.constant 10 : i32
          %parallel_loop3A_574 = vector.broadcast %parallel_loop3A_573 : i32 to vector<16x1xi32>
          %parallel_loop3A_575 = vector.shape_cast %parallel_loop3A_574 : vector<16x1xi32> to vector<16xi32>
          %parallel_loop3A_576 = tpu.dynamic_gather %parallel_loop3A_476[%parallel_loop3A_575] in [0] : vector<16xf32>, vector<16xi32> -> vector<16xf32>
          %parallel_loop3A_577 = arith.mulf %parallel_loop3A_576, %parallel_loop3A_571 : vector<16xf32>
          %parallel_loop3A_578 = arith.addf %parallel_loop3A_542, %parallel_loop3A_577 : vector<16xf32>
          %parallel_loop3A_579 = arith.constant 11 : i32
          %parallel_loop3A_580 = vector.broadcast %parallel_loop3A_579 : i32 to vector<16x1xi32>
          %parallel_loop3A_581 = vector.shape_cast %parallel_loop3A_580 : vector<16x1xi32> to vector<16xi32>
          %parallel_loop3A_582 = tpu.dynamic_gather %parallel_loop3A_476[%parallel_loop3A_581] in [0] : vector<16xf32>, vector<16xi32> -> vector<16xf32>
          %parallel_loop3A_583 = arith.mulf %parallel_loop3A_582, %parallel_loop3A_572 : vector<16xf32>
          %parallel_loop3A_584 = arith.addf %parallel_loop3A_548, %parallel_loop3A_583 : vector<16xf32>
          %parallel_loop3A_585 = arith.index_cast %parallel_loop3A_153 : i32 to index
          %parallel_loop3A_586 = arith.constant 352 : index
          %parallel_loop3A_587 = tpu.vector_load %arg15[%parallel_loop3A_585, %parallel_loop3A_586] {strides = array<i32>} : memref<16x1024xi32, #tpu.memory_space<vmem>>, vector<16xi32>,
          %parallel_loop3A_588 = vector.bitcast %parallel_loop3A_587 : vector<16xi32> to vector<32xbf16>
          %parallel_loop3A_589 = tpu.unpack_subelements %parallel_loop3A_588, 0 {pack_format = #tpu.pack_format<interleaved>} : vector<32xbf16> -> vector<16xf32>
          %parallel_loop3A_590 = tpu.unpack_subelements %parallel_loop3A_588, 1 {pack_format = #tpu.pack_format<interleaved>} : vector<32xbf16> -> vector<16xf32>
          %parallel_loop3A_591 = arith.constant 12 : i32
          %parallel_loop3A_592 = vector.broadcast %parallel_loop3A_591 : i32 to vector<16x1xi32>
          %parallel_loop3A_593 = vector.shape_cast %parallel_loop3A_592 : vector<16x1xi32> to vector<16xi32>
          %parallel_loop3A_594 = tpu.dynamic_gather %parallel_loop3A_476[%parallel_loop3A_593] in [0] : vector<16xf32>, vector<16xi32> -> vector<16xf32>
          %parallel_loop3A_595 = arith.mulf %parallel_loop3A_594, %parallel_loop3A_589 : vector<16xf32>
          %parallel_loop3A_596 = arith.addf %parallel_loop3A_560, %parallel_loop3A_595 : vector<16xf32>
          %parallel_loop3A_597 = arith.constant 13 : i32
          %parallel_loop3A_598 = vector.broadcast %parallel_loop3A_597 : i32 to vector<16x1xi32>
          %parallel_loop3A_599 = vector.shape_cast %parallel_loop3A_598 : vector<16x1xi32> to vector<16xi32>
          %parallel_loop3A_600 = tpu.dynamic_gather %parallel_loop3A_476[%parallel_loop3A_599] in [0] : vector<16xf32>, vector<16xi32> -> vector<16xf32>
          %parallel_loop3A_601 = arith.mulf %parallel_loop3A_600, %parallel_loop3A_590 : vector<16xf32>
          %parallel_loop3A_602 = arith.addf %parallel_loop3A_566, %parallel_loop3A_601 : vector<16xf32>
          %parallel_loop3A_603 = arith.index_cast %parallel_loop3A_153 : i32 to index
          %parallel_loop3A_604 = arith.constant 368 : index
          %parallel_loop3A_605 = tpu.vector_load %arg15[%parallel_loop3A_603, %parallel_loop3A_604] {strides = array<i32>} : memref<16x1024xi32, #tpu.memory_space<vmem>>, vector<16xi32>,
          %parallel_loop3A_606 = vector.bitcast %parallel_loop3A_605 : vector<16xi32> to vector<32xbf16>
          %parallel_loop3A_607 = tpu.unpack_subelements %parallel_loop3A_606, 0 {pack_format = #tpu.pack_format<interleaved>} : vector<32xbf16> -> vector<16xf32>
          %parallel_loop3A_608 = tpu.unpack_subelements %parallel_loop3A_606, 1 {pack_format = #tpu.pack_format<interleaved>} : vector<32xbf16> -> vector<16xf32>
          %parallel_loop3A_609 = arith.constant 14 : i32
          %parallel_loop3A_610 = vector.broadcast %parallel_loop3A_609 : i32 to vector<16x1xi32>
          %parallel_loop3A_611 = vector.shape_cast %parallel_loop3A_610 : vector<16x1xi32> to vector<16xi32>
          %parallel_loop3A_612 = tpu.dynamic_gather %parallel_loop3A_476[%parallel_loop3A_611] in [0] : vector<16xf32>, vector<16xi32> -> vector<16xf32>
          %parallel_loop3A_613 = arith.mulf %parallel_loop3A_612, %parallel_loop3A_607 : vector<16xf32>
          %parallel_loop3A_614 = arith.addf %parallel_loop3A_578, %parallel_loop3A_613 : vector<16xf32>
          %parallel_loop3A_615 = arith.constant 15 : i32
          %parallel_loop3A_616 = vector.broadcast %parallel_loop3A_615 : i32 to vector<16x1xi32>
          %parallel_loop3A_617 = vector.shape_cast %parallel_loop3A_616 : vector<16x1xi32> to vector<16xi32>
          %parallel_loop3A_618 = tpu.dynamic_gather %parallel_loop3A_476[%parallel_loop3A_617] in [0] : vector<16xf32>, vector<16xi32> -> vector<16xf32>
          %parallel_loop3A_619 = arith.mulf %parallel_loop3A_618, %parallel_loop3A_608 : vector<16xf32>
          %parallel_loop3A_620 = arith.addf %parallel_loop3A_584, %parallel_loop3A_619 : vector<16xf32>
          %parallel_loop3A_621 = arith.index_cast %parallel_loop3A_153 : i32 to index
          %parallel_loop3A_622 = arith.constant 48 : index
          %parallel_loop3A_623 = tpu.vector_load %arg13[%parallel_loop3A_621, %parallel_loop3A_622] {strides = array<i32>} : memref<16x128xf32, #tpu.memory_space<vmem>>, vector<16xf32>,
          %parallel_loop3A_624 = arith.index_cast %parallel_loop3A_153 : i32 to index
          %parallel_loop3A_625 = arith.constant 48 : index
          %parallel_loop3A_626 = tpu.vector_load %arg14[%parallel_loop3A_624, %parallel_loop3A_625] {strides = array<i32>} : memref<16x128xf32, #tpu.memory_space<vmem>>, vector<16xf32>,
          %parallel_loop3A_627 = arith.subf %parallel_loop3A_623, %parallel_loop3A_626 : vector<16xf32>
          %parallel_loop3A_628 = arith.index_cast %parallel_loop3A_153 : i32 to index
          %parallel_loop3A_629 = arith.constant 384 : index
          %parallel_loop3A_630 = tpu.vector_load %arg15[%parallel_loop3A_628, %parallel_loop3A_629] {strides = array<i32>} : memref<16x1024xi32, #tpu.memory_space<vmem>>, vector<16xi32>,
          %parallel_loop3A_631 = vector.bitcast %parallel_loop3A_630 : vector<16xi32> to vector<32xbf16>
          %parallel_loop3A_632 = tpu.unpack_subelements %parallel_loop3A_631, 0 {pack_format = #tpu.pack_format<interleaved>} : vector<32xbf16> -> vector<16xf32>
          %parallel_loop3A_633 = tpu.unpack_subelements %parallel_loop3A_631, 1 {pack_format = #tpu.pack_format<interleaved>} : vector<32xbf16> -> vector<16xf32>
          %parallel_loop3A_634 = arith.constant 0 : i32
          %parallel_loop3A_635 = vector.broadcast %parallel_loop3A_634 : i32 to vector<16x1xi32>
          %parallel_loop3A_636 = vector.shape_cast %parallel_loop3A_635 : vector<16x1xi32> to vector<16xi32>
          %parallel_loop3A_637 = tpu.dynamic_gather %parallel_loop3A_627[%parallel_loop3A_636] in [0] : vector<16xf32>, vector<16xi32> -> vector<16xf32>
          %parallel_loop3A_638 = arith.mulf %parallel_loop3A_637, %parallel_loop3A_632 : vector<16xf32>
          %parallel_loop3A_639 = arith.addf %parallel_loop3A_596, %parallel_loop3A_638 : vector<16xf32>
          %parallel_loop3A_640 = arith.constant 1 : i32
          %parallel_loop3A_641 = vector.broadcast %parallel_loop3A_640 : i32 to vector<16x1xi32>
          %parallel_loop3A_642 = vector.shape_cast %parallel_loop3A_641 : vector<16x1xi32> to vector<16xi32>
          %parallel_loop3A_643 = tpu.dynamic_gather %parallel_loop3A_627[%parallel_loop3A_642] in [0] : vector<16xf32>, vector<16xi32> -> vector<16xf32>
          %parallel_loop3A_644 = arith.mulf %parallel_loop3A_643, %parallel_loop3A_633 : vector<16xf32>
          %parallel_loop3A_645 = arith.addf %parallel_loop3A_602, %parallel_loop3A_644 : vector<16xf32>
          %parallel_loop3A_646 = arith.index_cast %parallel_loop3A_153 : i32 to index
          %parallel_loop3A_647 = arith.constant 400 : index
          %parallel_loop3A_648 = tpu.vector_load %arg15[%parallel_loop3A_646, %parallel_loop3A_647] {strides = array<i32>} : memref<16x1024xi32, #tpu.memory_space<vmem>>, vector<16xi32>,
          %parallel_loop3A_649 = vector.bitcast %parallel_loop3A_648 : vector<16xi32> to vector<32xbf16>
          %parallel_loop3A_650 = tpu.unpack_subelements %parallel_loop3A_649, 0 {pack_format = #tpu.pack_format<interleaved>} : vector<32xbf16> -> vector<16xf32>
          %parallel_loop3A_651 = tpu.unpack_subelements %parallel_loop3A_649, 1 {pack_format = #tpu.pack_format<interleaved>} : vector<32xbf16> -> vector<16xf32>
          %parallel_loop3A_652 = arith.constant 2 : i32
          %parallel_loop3A_653 = vector.broadcast %parallel_loop3A_652 : i32 to vector<16x1xi32>
          %parallel_loop3A_654 = vector.shape_cast %parallel_loop3A_653 : vector<16x1xi32> to vector<16xi32>
          %parallel_loop3A_655 = tpu.dynamic_gather %parallel_loop3A_627[%parallel_loop3A_654] in [0] : vector<16xf32>, vector<16xi32> -> vector<16xf32>
          %parallel_loop3A_656 = arith.mulf %parallel_loop3A_655, %parallel_loop3A_650 : vector<16xf32>
          %parallel_loop3A_657 = arith.addf %parallel_loop3A_614, %parallel_loop3A_656 : vector<16xf32>
          %parallel_loop3A_658 = arith.constant 3 : i32
          %parallel_loop3A_659 = vector.broadcast %parallel_loop3A_658 : i32 to vector<16x1xi32>
          %parallel_loop3A_660 = vector.shape_cast %parallel_loop3A_659 : vector<16x1xi32> to vector<16xi32>
          %parallel_loop3A_661 = tpu.dynamic_gather %parallel_loop3A_627[%parallel_loop3A_660] in [0] : vector<16xf32>, vector<16xi32> -> vector<16xf32>
          %parallel_loop3A_662 = arith.mulf %parallel_loop3A_661, %parallel_loop3A_651 : vector<16xf32>
          %parallel_loop3A_663 = arith.addf %parallel_loop3A_620, %parallel_loop3A_662 : vector<16xf32>
          %parallel_loop3A_664 = arith.index_cast %parallel_loop3A_153 : i32 to index
          %parallel_loop3A_665 = arith.constant 416 : index
          %parallel_loop3A_666 = tpu.vector_load %arg15[%parallel_loop3A_664, %parallel_loop3A_665] {strides = array<i32>} : memref<16x1024xi32, #tpu.memory_space<vmem>>, vector<16xi32>,
          %parallel_loop3A_667 = vector.bitcast %parallel_loop3A_666 : vector<16xi32> to vector<32xbf16>
          %parallel_loop3A_668 = tpu.unpack_subelements %parallel_loop3A_667, 0 {pack_format = #tpu.pack_format<interleaved>} : vector<32xbf16> -> vector<16xf32>
          %parallel_loop3A_669 = tpu.unpack_subelements %parallel_loop3A_667, 1 {pack_format = #tpu.pack_format<interleaved>} : vector<32xbf16> -> vector<16xf32>
          %parallel_loop3A_670 = arith.constant 4 : i32
          %parallel_loop3A_671 = vector.broadcast %parallel_loop3A_670 : i32 to vector<16x1xi32>
          %parallel_loop3A_672 = vector.shape_cast %parallel_loop3A_671 : vector<16x1xi32> to vector<16xi32>
          %parallel_loop3A_673 = tpu.dynamic_gather %parallel_loop3A_627[%parallel_loop3A_672] in [0] : vector<16xf32>, vector<16xi32> -> vector<16xf32>
          %parallel_loop3A_674 = arith.mulf %parallel_loop3A_673, %parallel_loop3A_668 : vector<16xf32>
          %parallel_loop3A_675 = arith.addf %parallel_loop3A_639, %parallel_loop3A_674 : vector<16xf32>
          %parallel_loop3A_676 = arith.constant 5 : i32
          %parallel_loop3A_677 = vector.broadcast %parallel_loop3A_676 : i32 to vector<16x1xi32>
          %parallel_loop3A_678 = vector.shape_cast %parallel_loop3A_677 : vector<16x1xi32> to vector<16xi32>
          %parallel_loop3A_679 = tpu.dynamic_gather %parallel_loop3A_627[%parallel_loop3A_678] in [0] : vector<16xf32>, vector<16xi32> -> vector<16xf32>
          %parallel_loop3A_680 = arith.mulf %parallel_loop3A_679, %parallel_loop3A_669 : vector<16xf32>
          %parallel_loop3A_681 = arith.addf %parallel_loop3A_645, %parallel_loop3A_680 : vector<16xf32>
          %parallel_loop3A_682 = arith.index_cast %parallel_loop3A_153 : i32 to index
          %parallel_loop3A_683 = arith.constant 432 : index
          %parallel_loop3A_684 = tpu.vector_load %arg15[%parallel_loop3A_682, %parallel_loop3A_683] {strides = array<i32>} : memref<16x1024xi32, #tpu.memory_space<vmem>>, vector<16xi32>,
          %parallel_loop3A_685 = vector.bitcast %parallel_loop3A_684 : vector<16xi32> to vector<32xbf16>
          %parallel_loop3A_686 = tpu.unpack_subelements %parallel_loop3A_685, 0 {pack_format = #tpu.pack_format<interleaved>} : vector<32xbf16> -> vector<16xf32>
          %parallel_loop3A_687 = tpu.unpack_subelements %parallel_loop3A_685, 1 {pack_format = #tpu.pack_format<interleaved>} : vector<32xbf16> -> vector<16xf32>
          %parallel_loop3A_688 = arith.constant 6 : i32
          %parallel_loop3A_689 = vector.broadcast %parallel_loop3A_688 : i32 to vector<16x1xi32>
          %parallel_loop3A_690 = vector.shape_cast %parallel_loop3A_689 : vector<16x1xi32> to vector<16xi32>
          %parallel_loop3A_691 = tpu.dynamic_gather %parallel_loop3A_627[%parallel_loop3A_690] in [0] : vector<16xf32>, vector<16xi32> -> vector<16xf32>
          %parallel_loop3A_692 = arith.mulf %parallel_loop3A_691, %parallel_loop3A_686 : vector<16xf32>
          %parallel_loop3A_693 = arith.addf %parallel_loop3A_657, %parallel_loop3A_692 : vector<16xf32>
          %parallel_loop3A_694 = arith.constant 7 : i32
          %parallel_loop3A_695 = vector.broadcast %parallel_loop3A_694 : i32 to vector<16x1xi32>
          %parallel_loop3A_696 = vector.shape_cast %parallel_loop3A_695 : vector<16x1xi32> to vector<16xi32>
          %parallel_loop3A_697 = tpu.dynamic_gather %parallel_loop3A_627[%parallel_loop3A_696] in [0] : vector<16xf32>, vector<16xi32> -> vector<16xf32>
          %parallel_loop3A_698 = arith.mulf %parallel_loop3A_697, %parallel_loop3A_687 : vector<16xf32>
          %parallel_loop3A_699 = arith.addf %parallel_loop3A_663, %parallel_loop3A_698 : vector<16xf32>
          %parallel_loop3A_700 = arith.index_cast %parallel_loop3A_153 : i32 to index
          %parallel_loop3A_701 = arith.constant 448 : index
          %parallel_loop3A_702 = tpu.vector_load %arg15[%parallel_loop3A_700, %parallel_loop3A_701] {strides = array<i32>} : memref<16x1024xi32, #tpu.memory_space<vmem>>, vector<16xi32>,
          %parallel_loop3A_703 = vector.bitcast %parallel_loop3A_702 : vector<16xi32> to vector<32xbf16>
          %parallel_loop3A_704 = tpu.unpack_subelements %parallel_loop3A_703, 0 {pack_format = #tpu.pack_format<interleaved>} : vector<32xbf16> -> vector<16xf32>
          %parallel_loop3A_705 = tpu.unpack_subelements %parallel_loop3A_703, 1 {pack_format = #tpu.pack_format<interleaved>} : vector<32xbf16> -> vector<16xf32>
          %parallel_loop3A_706 = arith.constant 8 : i32
          %parallel_loop3A_707 = vector.broadcast %parallel_loop3A_706 : i32 to vector<16x1xi32>
          %parallel_loop3A_708 = vector.shape_cast %parallel_loop3A_707 : vector<16x1xi32> to vector<16xi32>
          %parallel_loop3A_709 = tpu.dynamic_gather %parallel_loop3A_627[%parallel_loop3A_708] in [0] : vector<16xf32>, vector<16xi32> -> vector<16xf32>
          %parallel_loop3A_710 = arith.mulf %parallel_loop3A_709, %parallel_loop3A_704 : vector<16xf32>
          %parallel_loop3A_711 = arith.addf %parallel_loop3A_675, %parallel_loop3A_710 : vector<16xf32>
          %parallel_loop3A_712 = arith.constant 9 : i32
          %parallel_loop3A_713 = vector.broadcast %parallel_loop3A_712 : i32 to vector<16x1xi32>
          %parallel_loop3A_714 = vector.shape_cast %parallel_loop3A_713 : vector<16x1xi32> to vector<16xi32>
          %parallel_loop3A_715 = tpu.dynamic_gather %parallel_loop3A_627[%parallel_loop3A_714] in [0] : vector<16xf32>, vector<16xi32> -> vector<16xf32>
          %parallel_loop3A_716 = arith.mulf %parallel_loop3A_715, %parallel_loop3A_705 : vector<16xf32>
          %parallel_loop3A_717 = arith.addf %parallel_loop3A_681, %parallel_loop3A_716 : vector<16xf32>
          %parallel_loop3A_718 = arith.index_cast %parallel_loop3A_153 : i32 to index
          %parallel_loop3A_719 = arith.constant 464 : index
          %parallel_loop3A_720 = tpu.vector_load %arg15[%parallel_loop3A_718, %parallel_loop3A_719] {strides = array<i32>} : memref<16x1024xi32, #tpu.memory_space<vmem>>, vector<16xi32>,
          %parallel_loop3A_721 = vector.bitcast %parallel_loop3A_720 : vector<16xi32> to vector<32xbf16>
          %parallel_loop3A_722 = tpu.unpack_subelements %parallel_loop3A_721, 0 {pack_format = #tpu.pack_format<interleaved>} : vector<32xbf16> -> vector<16xf32>
          %parallel_loop3A_723 = tpu.unpack_subelements %parallel_loop3A_721, 1 {pack_format = #tpu.pack_format<interleaved>} : vector<32xbf16> -> vector<16xf32>
          %parallel_loop3A_724 = arith.constant 10 : i32
          %parallel_loop3A_725 = vector.broadcast %parallel_loop3A_724 : i32 to vector<16x1xi32>
          %parallel_loop3A_726 = vector.shape_cast %parallel_loop3A_725 : vector<16x1xi32> to vector<16xi32>
          %parallel_loop3A_727 = tpu.dynamic_gather %parallel_loop3A_627[%parallel_loop3A_726] in [0] : vector<16xf32>, vector<16xi32> -> vector<16xf32>
          %parallel_loop3A_728 = arith.mulf %parallel_loop3A_727, %parallel_loop3A_722 : vector<16xf32>
          %parallel_loop3A_729 = arith.addf %parallel_loop3A_693, %parallel_loop3A_728 : vector<16xf32>
          %parallel_loop3A_730 = arith.constant 11 : i32
          %parallel_loop3A_731 = vector.broadcast %parallel_loop3A_730 : i32 to vector<16x1xi32>
          %parallel_loop3A_732 = vector.shape_cast %parallel_loop3A_731 : vector<16x1xi32> to vector<16xi32>
          %parallel_loop3A_733 = tpu.dynamic_gather %parallel_loop3A_627[%parallel_loop3A_732] in [0] : vector<16xf32>, vector<16xi32> -> vector<16xf32>
          %parallel_loop3A_734 = arith.mulf %parallel_loop3A_733, %parallel_loop3A_723 : vector<16xf32>
          %parallel_loop3A_735 = arith.addf %parallel_loop3A_699, %parallel_loop3A_734 : vector<16xf32>
          %parallel_loop3A_736 = arith.index_cast %parallel_loop3A_153 : i32 to index
          %parallel_loop3A_737 = arith.constant 480 : index
          %parallel_loop3A_738 = tpu.vector_load %arg15[%parallel_loop3A_736, %parallel_loop3A_737] {strides = array<i32>} : memref<16x1024xi32, #tpu.memory_space<vmem>>, vector<16xi32>,
          %parallel_loop3A_739 = vector.bitcast %parallel_loop3A_738 : vector<16xi32> to vector<32xbf16>
          %parallel_loop3A_740 = tpu.unpack_subelements %parallel_loop3A_739, 0 {pack_format = #tpu.pack_format<interleaved>} : vector<32xbf16> -> vector<16xf32>
          %parallel_loop3A_741 = tpu.unpack_subelements %parallel_loop3A_739, 1 {pack_format = #tpu.pack_format<interleaved>} : vector<32xbf16> -> vector<16xf32>
          %parallel_loop3A_742 = arith.constant 12 : i32
          %parallel_loop3A_743 = vector.broadcast %parallel_loop3A_742 : i32 to vector<16x1xi32>
          %parallel_loop3A_744 = vector.shape_cast %parallel_loop3A_743 : vector<16x1xi32> to vector<16xi32>
          %parallel_loop3A_745 = tpu.dynamic_gather %parallel_loop3A_627[%parallel_loop3A_744] in [0] : vector<16xf32>, vector<16xi32> -> vector<16xf32>
          %parallel_loop3A_746 = arith.mulf %parallel_loop3A_745, %parallel_loop3A_740 : vector<16xf32>
          %parallel_loop3A_747 = arith.addf %parallel_loop3A_711, %parallel_loop3A_746 : vector<16xf32>
          %parallel_loop3A_748 = arith.constant 13 : i32
          %parallel_loop3A_749 = vector.broadcast %parallel_loop3A_748 : i32 to vector<16x1xi32>
          %parallel_loop3A_750 = vector.shape_cast %parallel_loop3A_749 : vector<16x1xi32> to vector<16xi32>
          %parallel_loop3A_751 = tpu.dynamic_gather %parallel_loop3A_627[%parallel_loop3A_750] in [0] : vector<16xf32>, vector<16xi32> -> vector<16xf32>
          %parallel_loop3A_752 = arith.mulf %parallel_loop3A_751, %parallel_loop3A_741 : vector<16xf32>
          %parallel_loop3A_753 = arith.addf %parallel_loop3A_717, %parallel_loop3A_752 : vector<16xf32>
          %parallel_loop3A_754 = arith.index_cast %parallel_loop3A_153 : i32 to index
          %parallel_loop3A_755 = arith.constant 496 : index
          %parallel_loop3A_756 = tpu.vector_load %arg15[%parallel_loop3A_754, %parallel_loop3A_755] {strides = array<i32>} : memref<16x1024xi32, #tpu.memory_space<vmem>>, vector<16xi32>,
          %parallel_loop3A_757 = vector.bitcast %parallel_loop3A_756 : vector<16xi32> to vector<32xbf16>
          %parallel_loop3A_758 = tpu.unpack_subelements %parallel_loop3A_757, 0 {pack_format = #tpu.pack_format<interleaved>} : vector<32xbf16> -> vector<16xf32>
          %parallel_loop3A_759 = tpu.unpack_subelements %parallel_loop3A_757, 1 {pack_format = #tpu.pack_format<interleaved>} : vector<32xbf16> -> vector<16xf32>
          %parallel_loop3A_760 = arith.constant 14 : i32
          %parallel_loop3A_761 = vector.broadcast %parallel_loop3A_760 : i32 to vector<16x1xi32>
          %parallel_loop3A_762 = vector.shape_cast %parallel_loop3A_761 : vector<16x1xi32> to vector<16xi32>
          %parallel_loop3A_763 = tpu.dynamic_gather %parallel_loop3A_627[%parallel_loop3A_762] in [0] : vector<16xf32>, vector<16xi32> -> vector<16xf32>
          %parallel_loop3A_764 = arith.mulf %parallel_loop3A_763, %parallel_loop3A_758 : vector<16xf32>
          %parallel_loop3A_765 = arith.addf %parallel_loop3A_729, %parallel_loop3A_764 : vector<16xf32>
          %parallel_loop3A_766 = arith.constant 15 : i32
          %parallel_loop3A_767 = vector.broadcast %parallel_loop3A_766 : i32 to vector<16x1xi32>
          %parallel_loop3A_768 = vector.shape_cast %parallel_loop3A_767 : vector<16x1xi32> to vector<16xi32>
          %parallel_loop3A_769 = tpu.dynamic_gather %parallel_loop3A_627[%parallel_loop3A_768] in [0] : vector<16xf32>, vector<16xi32> -> vector<16xf32>
          %parallel_loop3A_770 = arith.mulf %parallel_loop3A_769, %parallel_loop3A_759 : vector<16xf32>
          %parallel_loop3A_771 = arith.addf %parallel_loop3A_735, %parallel_loop3A_770 : vector<16xf32>
          %parallel_loop3A_772 = arith.index_cast %parallel_loop3A_153 : i32 to index
          %parallel_loop3A_773 = arith.constant 64 : index
          %parallel_loop3A_774 = tpu.vector_load %arg13[%parallel_loop3A_772, %parallel_loop3A_773] {strides = array<i32>} : memref<16x128xf32, #tpu.memory_space<vmem>>, vector<16xf32>,
          %parallel_loop3A_775 = arith.index_cast %parallel_loop3A_153 : i32 to index
          %parallel_loop3A_776 = arith.constant 64 : index
          %parallel_loop3A_777 = tpu.vector_load %arg14[%parallel_loop3A_775, %parallel_loop3A_776] {strides = array<i32>} : memref<16x128xf32, #tpu.memory_space<vmem>>, vector<16xf32>,
          %parallel_loop3A_778 = arith.subf %parallel_loop3A_774, %parallel_loop3A_777 : vector<16xf32>
          %parallel_loop3A_779 = arith.index_cast %parallel_loop3A_153 : i32 to index
          %parallel_loop3A_780 = arith.constant 512 : index
          %parallel_loop3A_781 = tpu.vector_load %arg15[%parallel_loop3A_779, %parallel_loop3A_780] {strides = array<i32>} : memref<16x1024xi32, #tpu.memory_space<vmem>>, vector<16xi32>,
          %parallel_loop3A_782 = vector.bitcast %parallel_loop3A_781 : vector<16xi32> to vector<32xbf16>
          %parallel_loop3A_783 = tpu.unpack_subelements %parallel_loop3A_782, 0 {pack_format = #tpu.pack_format<interleaved>} : vector<32xbf16> -> vector<16xf32>
          %parallel_loop3A_784 = tpu.unpack_subelements %parallel_loop3A_782, 1 {pack_format = #tpu.pack_format<interleaved>} : vector<32xbf16> -> vector<16xf32>
          %parallel_loop3A_785 = arith.constant 0 : i32
          %parallel_loop3A_786 = vector.broadcast %parallel_loop3A_785 : i32 to vector<16x1xi32>
          %parallel_loop3A_787 = vector.shape_cast %parallel_loop3A_786 : vector<16x1xi32> to vector<16xi32>
          %parallel_loop3A_788 = tpu.dynamic_gather %parallel_loop3A_778[%parallel_loop3A_787] in [0] : vector<16xf32>, vector<16xi32> -> vector<16xf32>
          %parallel_loop3A_789 = arith.mulf %parallel_loop3A_788, %parallel_loop3A_783 : vector<16xf32>
          %parallel_loop3A_790 = arith.addf %parallel_loop3A_747, %parallel_loop3A_789 : vector<16xf32>
          %parallel_loop3A_791 = arith.constant 1 : i32
          %parallel_loop3A_792 = vector.broadcast %parallel_loop3A_791 : i32 to vector<16x1xi32>
          %parallel_loop3A_793 = vector.shape_cast %parallel_loop3A_792 : vector<16x1xi32> to vector<16xi32>
          %parallel_loop3A_794 = tpu.dynamic_gather %parallel_loop3A_778[%parallel_loop3A_793] in [0] : vector<16xf32>, vector<16xi32> -> vector<16xf32>
          %parallel_loop3A_795 = arith.mulf %parallel_loop3A_794, %parallel_loop3A_784 : vector<16xf32>
          %parallel_loop3A_796 = arith.addf %parallel_loop3A_753, %parallel_loop3A_795 : vector<16xf32>
          %parallel_loop3A_797 = arith.index_cast %parallel_loop3A_153 : i32 to index
          %parallel_loop3A_798 = arith.constant 528 : index
          %parallel_loop3A_799 = tpu.vector_load %arg15[%parallel_loop3A_797, %parallel_loop3A_798] {strides = array<i32>} : memref<16x1024xi32, #tpu.memory_space<vmem>>, vector<16xi32>,
          %parallel_loop3A_800 = vector.bitcast %parallel_loop3A_799 : vector<16xi32> to vector<32xbf16>
          %parallel_loop3A_801 = tpu.unpack_subelements %parallel_loop3A_800, 0 {pack_format = #tpu.pack_format<interleaved>} : vector<32xbf16> -> vector<16xf32>
          %parallel_loop3A_802 = tpu.unpack_subelements %parallel_loop3A_800, 1 {pack_format = #tpu.pack_format<interleaved>} : vector<32xbf16> -> vector<16xf32>
          %parallel_loop3A_803 = arith.constant 2 : i32
          %parallel_loop3A_804 = vector.broadcast %parallel_loop3A_803 : i32 to vector<16x1xi32>
          %parallel_loop3A_805 = vector.shape_cast %parallel_loop3A_804 : vector<16x1xi32> to vector<16xi32>
          %parallel_loop3A_806 = tpu.dynamic_gather %parallel_loop3A_778[%parallel_loop3A_805] in [0] : vector<16xf32>, vector<16xi32> -> vector<16xf32>
          %parallel_loop3A_807 = arith.mulf %parallel_loop3A_806, %parallel_loop3A_801 : vector<16xf32>
          %parallel_loop3A_808 = arith.addf %parallel_loop3A_765, %parallel_loop3A_807 : vector<16xf32>
          %parallel_loop3A_809 = arith.constant 3 : i32
          %parallel_loop3A_810 = vector.broadcast %parallel_loop3A_809 : i32 to vector<16x1xi32>
          %parallel_loop3A_811 = vector.shape_cast %parallel_loop3A_810 : vector<16x1xi32> to vector<16xi32>
          %parallel_loop3A_812 = tpu.dynamic_gather %parallel_loop3A_778[%parallel_loop3A_811] in [0] : vector<16xf32>, vector<16xi32> -> vector<16xf32>
          %parallel_loop3A_813 = arith.mulf %parallel_loop3A_812, %parallel_loop3A_802 : vector<16xf32>
          %parallel_loop3A_814 = arith.addf %parallel_loop3A_771, %parallel_loop3A_813 : vector<16xf32>
          %parallel_loop3A_815 = arith.index_cast %parallel_loop3A_153 : i32 to index
          %parallel_loop3A_816 = arith.constant 544 : index
          %parallel_loop3A_817 = tpu.vector_load %arg15[%parallel_loop3A_815, %parallel_loop3A_816] {strides = array<i32>} : memref<16x1024xi32, #tpu.memory_space<vmem>>, vector<16xi32>,
          %parallel_loop3A_818 = vector.bitcast %parallel_loop3A_817 : vector<16xi32> to vector<32xbf16>
          %parallel_loop3A_819 = tpu.unpack_subelements %parallel_loop3A_818, 0 {pack_format = #tpu.pack_format<interleaved>} : vector<32xbf16> -> vector<16xf32>
          %parallel_loop3A_820 = tpu.unpack_subelements %parallel_loop3A_818, 1 {pack_format = #tpu.pack_format<interleaved>} : vector<32xbf16> -> vector<16xf32>
          %parallel_loop3A_821 = arith.constant 4 : i32
          %parallel_loop3A_822 = vector.broadcast %parallel_loop3A_821 : i32 to vector<16x1xi32>
          %parallel_loop3A_823 = vector.shape_cast %parallel_loop3A_822 : vector<16x1xi32> to vector<16xi32>
          %parallel_loop3A_824 = tpu.dynamic_gather %parallel_loop3A_778[%parallel_loop3A_823] in [0] : vector<16xf32>, vector<16xi32> -> vector<16xf32>
          %parallel_loop3A_825 = arith.mulf %parallel_loop3A_824, %parallel_loop3A_819 : vector<16xf32>
          %parallel_loop3A_826 = arith.addf %parallel_loop3A_790, %parallel_loop3A_825 : vector<16xf32>
          %parallel_loop3A_827 = arith.constant 5 : i32
          %parallel_loop3A_828 = vector.broadcast %parallel_loop3A_827 : i32 to vector<16x1xi32>
          %parallel_loop3A_829 = vector.shape_cast %parallel_loop3A_828 : vector<16x1xi32> to vector<16xi32>
          %parallel_loop3A_830 = tpu.dynamic_gather %parallel_loop3A_778[%parallel_loop3A_829] in [0] : vector<16xf32>, vector<16xi32> -> vector<16xf32>
          %parallel_loop3A_831 = arith.mulf %parallel_loop3A_830, %parallel_loop3A_820 : vector<16xf32>
          %parallel_loop3A_832 = arith.addf %parallel_loop3A_796, %parallel_loop3A_831 : vector<16xf32>
          %parallel_loop3A_833 = arith.index_cast %parallel_loop3A_153 : i32 to index
          %parallel_loop3A_834 = arith.constant 560 : index
          %parallel_loop3A_835 = tpu.vector_load %arg15[%parallel_loop3A_833, %parallel_loop3A_834] {strides = array<i32>} : memref<16x1024xi32, #tpu.memory_space<vmem>>, vector<16xi32>,
          %parallel_loop3A_836 = vector.bitcast %parallel_loop3A_835 : vector<16xi32> to vector<32xbf16>
          %parallel_loop3A_837 = tpu.unpack_subelements %parallel_loop3A_836, 0 {pack_format = #tpu.pack_format<interleaved>} : vector<32xbf16> -> vector<16xf32>
          %parallel_loop3A_838 = tpu.unpack_subelements %parallel_loop3A_836, 1 {pack_format = #tpu.pack_format<interleaved>} : vector<32xbf16> -> vector<16xf32>
          %parallel_loop3A_839 = arith.constant 6 : i32
          %parallel_loop3A_840 = vector.broadcast %parallel_loop3A_839 : i32 to vector<16x1xi32>
          %parallel_loop3A_841 = vector.shape_cast %parallel_loop3A_840 : vector<16x1xi32> to vector<16xi32>
          %parallel_loop3A_842 = tpu.dynamic_gather %parallel_loop3A_778[%parallel_loop3A_841] in [0] : vector<16xf32>, vector<16xi32> -> vector<16xf32>
          %parallel_loop3A_843 = arith.mulf %parallel_loop3A_842, %parallel_loop3A_837 : vector<16xf32>
          %parallel_loop3A_844 = arith.addf %parallel_loop3A_808, %parallel_loop3A_843 : vector<16xf32>
          %parallel_loop3A_845 = arith.constant 7 : i32
          %parallel_loop3A_846 = vector.broadcast %parallel_loop3A_845 : i32 to vector<16x1xi32>
          %parallel_loop3A_847 = vector.shape_cast %parallel_loop3A_846 : vector<16x1xi32> to vector<16xi32>
          %parallel_loop3A_848 = tpu.dynamic_gather %parallel_loop3A_778[%parallel_loop3A_847] in [0] : vector<16xf32>, vector<16xi32> -> vector<16xf32>
          %parallel_loop3A_849 = arith.mulf %parallel_loop3A_848, %parallel_loop3A_838 : vector<16xf32>
          %parallel_loop3A_850 = arith.addf %parallel_loop3A_814, %parallel_loop3A_849 : vector<16xf32>
          %parallel_loop3A_851 = arith.index_cast %parallel_loop3A_153 : i32 to index
          %parallel_loop3A_852 = arith.constant 576 : index
          %parallel_loop3A_853 = tpu.vector_load %arg15[%parallel_loop3A_851, %parallel_loop3A_852] {strides = array<i32>} : memref<16x1024xi32, #tpu.memory_space<vmem>>, vector<16xi32>,
          %parallel_loop3A_854 = vector.bitcast %parallel_loop3A_853 : vector<16xi32> to vector<32xbf16>
          %parallel_loop3A_855 = tpu.unpack_subelements %parallel_loop3A_854, 0 {pack_format = #tpu.pack_format<interleaved>} : vector<32xbf16> -> vector<16xf32>
          %parallel_loop3A_856 = tpu.unpack_subelements %parallel_loop3A_854, 1 {pack_format = #tpu.pack_format<interleaved>} : vector<32xbf16> -> vector<16xf32>
          %parallel_loop3A_857 = arith.constant 8 : i32
          %parallel_loop3A_858 = vector.broadcast %parallel_loop3A_857 : i32 to vector<16x1xi32>
          %parallel_loop3A_859 = vector.shape_cast %parallel_loop3A_858 : vector<16x1xi32> to vector<16xi32>
          %parallel_loop3A_860 = tpu.dynamic_gather %parallel_loop3A_778[%parallel_loop3A_859] in [0] : vector<16xf32>, vector<16xi32> -> vector<16xf32>
          %parallel_loop3A_861 = arith.mulf %parallel_loop3A_860, %parallel_loop3A_855 : vector<16xf32>
          %parallel_loop3A_862 = arith.addf %parallel_loop3A_826, %parallel_loop3A_861 : vector<16xf32>
          %parallel_loop3A_863 = arith.constant 9 : i32
          %parallel_loop3A_864 = vector.broadcast %parallel_loop3A_863 : i32 to vector<16x1xi32>
          %parallel_loop3A_865 = vector.shape_cast %parallel_loop3A_864 : vector<16x1xi32> to vector<16xi32>
          %parallel_loop3A_866 = tpu.dynamic_gather %parallel_loop3A_778[%parallel_loop3A_865] in [0] : vector<16xf32>, vector<16xi32> -> vector<16xf32>
          %parallel_loop3A_867 = arith.mulf %parallel_loop3A_866, %parallel_loop3A_856 : vector<16xf32>
          %parallel_loop3A_868 = arith.addf %parallel_loop3A_832, %parallel_loop3A_867 : vector<16xf32>
          %parallel_loop3A_869 = arith.index_cast %parallel_loop3A_153 : i32 to index
          %parallel_loop3A_870 = arith.constant 592 : index
          %parallel_loop3A_871 = tpu.vector_load %arg15[%parallel_loop3A_869, %parallel_loop3A_870] {strides = array<i32>} : memref<16x1024xi32, #tpu.memory_space<vmem>>, vector<16xi32>,
          %parallel_loop3A_872 = vector.bitcast %parallel_loop3A_871 : vector<16xi32> to vector<32xbf16>
          %parallel_loop3A_873 = tpu.unpack_subelements %parallel_loop3A_872, 0 {pack_format = #tpu.pack_format<interleaved>} : vector<32xbf16> -> vector<16xf32>
          %parallel_loop3A_874 = tpu.unpack_subelements %parallel_loop3A_872, 1 {pack_format = #tpu.pack_format<interleaved>} : vector<32xbf16> -> vector<16xf32>
          %parallel_loop3A_875 = arith.constant 10 : i32
          %parallel_loop3A_876 = vector.broadcast %parallel_loop3A_875 : i32 to vector<16x1xi32>
          %parallel_loop3A_877 = vector.shape_cast %parallel_loop3A_876 : vector<16x1xi32> to vector<16xi32>
          %parallel_loop3A_878 = tpu.dynamic_gather %parallel_loop3A_778[%parallel_loop3A_877] in [0] : vector<16xf32>, vector<16xi32> -> vector<16xf32>
          %parallel_loop3A_879 = arith.mulf %parallel_loop3A_878, %parallel_loop3A_873 : vector<16xf32>
          %parallel_loop3A_880 = arith.addf %parallel_loop3A_844, %parallel_loop3A_879 : vector<16xf32>
          %parallel_loop3A_881 = arith.constant 11 : i32
          %parallel_loop3A_882 = vector.broadcast %parallel_loop3A_881 : i32 to vector<16x1xi32>
          %parallel_loop3A_883 = vector.shape_cast %parallel_loop3A_882 : vector<16x1xi32> to vector<16xi32>
          %parallel_loop3A_884 = tpu.dynamic_gather %parallel_loop3A_778[%parallel_loop3A_883] in [0] : vector<16xf32>, vector<16xi32> -> vector<16xf32>
          %parallel_loop3A_885 = arith.mulf %parallel_loop3A_884, %parallel_loop3A_874 : vector<16xf32>
          %parallel_loop3A_886 = arith.addf %parallel_loop3A_850, %parallel_loop3A_885 : vector<16xf32>
          %parallel_loop3A_887 = arith.index_cast %parallel_loop3A_153 : i32 to index
          %parallel_loop3A_888 = arith.constant 608 : index
          %parallel_loop3A_889 = tpu.vector_load %arg15[%parallel_loop3A_887, %parallel_loop3A_888] {strides = array<i32>} : memref<16x1024xi32, #tpu.memory_space<vmem>>, vector<16xi32>,
          %parallel_loop3A_890 = vector.bitcast %parallel_loop3A_889 : vector<16xi32> to vector<32xbf16>
          %parallel_loop3A_891 = tpu.unpack_subelements %parallel_loop3A_890, 0 {pack_format = #tpu.pack_format<interleaved>} : vector<32xbf16> -> vector<16xf32>
          %parallel_loop3A_892 = tpu.unpack_subelements %parallel_loop3A_890, 1 {pack_format = #tpu.pack_format<interleaved>} : vector<32xbf16> -> vector<16xf32>
          %parallel_loop3A_893 = arith.constant 12 : i32
          %parallel_loop3A_894 = vector.broadcast %parallel_loop3A_893 : i32 to vector<16x1xi32>
          %parallel_loop3A_895 = vector.shape_cast %parallel_loop3A_894 : vector<16x1xi32> to vector<16xi32>
          %parallel_loop3A_896 = tpu.dynamic_gather %parallel_loop3A_778[%parallel_loop3A_895] in [0] : vector<16xf32>, vector<16xi32> -> vector<16xf32>
          %parallel_loop3A_897 = arith.mulf %parallel_loop3A_896, %parallel_loop3A_891 : vector<16xf32>
          %parallel_loop3A_898 = arith.addf %parallel_loop3A_862, %parallel_loop3A_897 : vector<16xf32>
          %parallel_loop3A_899 = arith.constant 13 : i32
          %parallel_loop3A_900 = vector.broadcast %parallel_loop3A_899 : i32 to vector<16x1xi32>
          %parallel_loop3A_901 = vector.shape_cast %parallel_loop3A_900 : vector<16x1xi32> to vector<16xi32>
          %parallel_loop3A_902 = tpu.dynamic_gather %parallel_loop3A_778[%parallel_loop3A_901] in [0] : vector<16xf32>, vector<16xi32> -> vector<16xf32>
          %parallel_loop3A_903 = arith.mulf %parallel_loop3A_902, %parallel_loop3A_892 : vector<16xf32>
          %parallel_loop3A_904 = arith.addf %parallel_loop3A_868, %parallel_loop3A_903 : vector<16xf32>
          %parallel_loop3A_905 = arith.index_cast %parallel_loop3A_153 : i32 to index
          %parallel_loop3A_906 = arith.constant 624 : index
          %parallel_loop3A_907 = tpu.vector_load %arg15[%parallel_loop3A_905, %parallel_loop3A_906] {strides = array<i32>} : memref<16x1024xi32, #tpu.memory_space<vmem>>, vector<16xi32>,
          %parallel_loop3A_908 = vector.bitcast %parallel_loop3A_907 : vector<16xi32> to vector<32xbf16>
          %parallel_loop3A_909 = tpu.unpack_subelements %parallel_loop3A_908, 0 {pack_format = #tpu.pack_format<interleaved>} : vector<32xbf16> -> vector<16xf32>
          %parallel_loop3A_910 = tpu.unpack_subelements %parallel_loop3A_908, 1 {pack_format = #tpu.pack_format<interleaved>} : vector<32xbf16> -> vector<16xf32>
          %parallel_loop3A_911 = arith.constant 14 : i32
          %parallel_loop3A_912 = vector.broadcast %parallel_loop3A_911 : i32 to vector<16x1xi32>
          %parallel_loop3A_913 = vector.shape_cast %parallel_loop3A_912 : vector<16x1xi32> to vector<16xi32>
          %parallel_loop3A_914 = tpu.dynamic_gather %parallel_loop3A_778[%parallel_loop3A_913] in [0] : vector<16xf32>, vector<16xi32> -> vector<16xf32>
          %parallel_loop3A_915 = arith.mulf %parallel_loop3A_914, %parallel_loop3A_909 : vector<16xf32>
          %parallel_loop3A_916 = arith.addf %parallel_loop3A_880, %parallel_loop3A_915 : vector<16xf32>
          %parallel_loop3A_917 = arith.constant 15 : i32
          %parallel_loop3A_918 = vector.broadcast %parallel_loop3A_917 : i32 to vector<16x1xi32>
          %parallel_loop3A_919 = vector.shape_cast %parallel_loop3A_918 : vector<16x1xi32> to vector<16xi32>
          %parallel_loop3A_920 = tpu.dynamic_gather %parallel_loop3A_778[%parallel_loop3A_919] in [0] : vector<16xf32>, vector<16xi32> -> vector<16xf32>
          %parallel_loop3A_921 = arith.mulf %parallel_loop3A_920, %parallel_loop3A_910 : vector<16xf32>
          %parallel_loop3A_922 = arith.addf %parallel_loop3A_886, %parallel_loop3A_921 : vector<16xf32>
          %parallel_loop3A_923 = arith.index_cast %parallel_loop3A_153 : i32 to index
          %parallel_loop3A_924 = arith.constant 80 : index
          %parallel_loop3A_925 = tpu.vector_load %arg13[%parallel_loop3A_923, %parallel_loop3A_924] {strides = array<i32>} : memref<16x128xf32, #tpu.memory_space<vmem>>, vector<16xf32>,
          %parallel_loop3A_926 = arith.index_cast %parallel_loop3A_153 : i32 to index
          %parallel_loop3A_927 = arith.constant 80 : index
          %parallel_loop3A_928 = tpu.vector_load %arg14[%parallel_loop3A_926, %parallel_loop3A_927] {strides = array<i32>} : memref<16x128xf32, #tpu.memory_space<vmem>>, vector<16xf32>,
          %parallel_loop3A_929 = arith.subf %parallel_loop3A_925, %parallel_loop3A_928 : vector<16xf32>
          %parallel_loop3A_930 = arith.index_cast %parallel_loop3A_153 : i32 to index
          %parallel_loop3A_931 = arith.constant 640 : index
          %parallel_loop3A_932 = tpu.vector_load %arg15[%parallel_loop3A_930, %parallel_loop3A_931] {strides = array<i32>} : memref<16x1024xi32, #tpu.memory_space<vmem>>, vector<16xi32>,
          %parallel_loop3A_933 = vector.bitcast %parallel_loop3A_932 : vector<16xi32> to vector<32xbf16>
          %parallel_loop3A_934 = tpu.unpack_subelements %parallel_loop3A_933, 0 {pack_format = #tpu.pack_format<interleaved>} : vector<32xbf16> -> vector<16xf32>
          %parallel_loop3A_935 = tpu.unpack_subelements %parallel_loop3A_933, 1 {pack_format = #tpu.pack_format<interleaved>} : vector<32xbf16> -> vector<16xf32>
          %parallel_loop3A_936 = arith.constant 0 : i32
          %parallel_loop3A_937 = vector.broadcast %parallel_loop3A_936 : i32 to vector<16x1xi32>
          %parallel_loop3A_938 = vector.shape_cast %parallel_loop3A_937 : vector<16x1xi32> to vector<16xi32>
          %parallel_loop3A_939 = tpu.dynamic_gather %parallel_loop3A_929[%parallel_loop3A_938] in [0] : vector<16xf32>, vector<16xi32> -> vector<16xf32>
          %parallel_loop3A_940 = arith.mulf %parallel_loop3A_939, %parallel_loop3A_934 : vector<16xf32>
          %parallel_loop3A_941 = arith.addf %parallel_loop3A_898, %parallel_loop3A_940 : vector<16xf32>
          %parallel_loop3A_942 = arith.constant 1 : i32
          %parallel_loop3A_943 = vector.broadcast %parallel_loop3A_942 : i32 to vector<16x1xi32>
          %parallel_loop3A_944 = vector.shape_cast %parallel_loop3A_943 : vector<16x1xi32> to vector<16xi32>
          %parallel_loop3A_945 = tpu.dynamic_gather %parallel_loop3A_929[%parallel_loop3A_944] in [0] : vector<16xf32>, vector<16xi32> -> vector<16xf32>
          %parallel_loop3A_946 = arith.mulf %parallel_loop3A_945, %parallel_loop3A_935 : vector<16xf32>
          %parallel_loop3A_947 = arith.addf %parallel_loop3A_904, %parallel_loop3A_946 : vector<16xf32>
          %parallel_loop3A_948 = arith.index_cast %parallel_loop3A_153 : i32 to index
          %parallel_loop3A_949 = arith.constant 656 : index
          %parallel_loop3A_950 = tpu.vector_load %arg15[%parallel_loop3A_948, %parallel_loop3A_949] {strides = array<i32>} : memref<16x1024xi32, #tpu.memory_space<vmem>>, vector<16xi32>,
          %parallel_loop3A_951 = vector.bitcast %parallel_loop3A_950 : vector<16xi32> to vector<32xbf16>
          %parallel_loop3A_952 = tpu.unpack_subelements %parallel_loop3A_951, 0 {pack_format = #tpu.pack_format<interleaved>} : vector<32xbf16> -> vector<16xf32>
          %parallel_loop3A_953 = tpu.unpack_subelements %parallel_loop3A_951, 1 {pack_format = #tpu.pack_format<interleaved>} : vector<32xbf16> -> vector<16xf32>
          %parallel_loop3A_954 = arith.constant 2 : i32
          %parallel_loop3A_955 = vector.broadcast %parallel_loop3A_954 : i32 to vector<16x1xi32>
          %parallel_loop3A_956 = vector.shape_cast %parallel_loop3A_955 : vector<16x1xi32> to vector<16xi32>
          %parallel_loop3A_957 = tpu.dynamic_gather %parallel_loop3A_929[%parallel_loop3A_956] in [0] : vector<16xf32>, vector<16xi32> -> vector<16xf32>
          %parallel_loop3A_958 = arith.mulf %parallel_loop3A_957, %parallel_loop3A_952 : vector<16xf32>
          %parallel_loop3A_959 = arith.addf %parallel_loop3A_916, %parallel_loop3A_958 : vector<16xf32>
          %parallel_loop3A_960 = arith.constant 3 : i32
          %parallel_loop3A_961 = vector.broadcast %parallel_loop3A_960 : i32 to vector<16x1xi32>
          %parallel_loop3A_962 = vector.shape_cast %parallel_loop3A_961 : vector<16x1xi32> to vector<16xi32>
          %parallel_loop3A_963 = tpu.dynamic_gather %parallel_loop3A_929[%parallel_loop3A_962] in [0] : vector<16xf32>, vector<16xi32> -> vector<16xf32>
          %parallel_loop3A_964 = arith.mulf %parallel_loop3A_963, %parallel_loop3A_953 : vector<16xf32>
          %parallel_loop3A_965 = arith.addf %parallel_loop3A_922, %parallel_loop3A_964 : vector<16xf32>
          %parallel_loop3A_966 = arith.index_cast %parallel_loop3A_153 : i32 to index
          %parallel_loop3A_967 = arith.constant 672 : index
          %parallel_loop3A_968 = tpu.vector_load %arg15[%parallel_loop3A_966, %parallel_loop3A_967] {strides = array<i32>} : memref<16x1024xi32, #tpu.memory_space<vmem>>, vector<16xi32>,
          %parallel_loop3A_969 = vector.bitcast %parallel_loop3A_968 : vector<16xi32> to vector<32xbf16>
          %parallel_loop3A_970 = tpu.unpack_subelements %parallel_loop3A_969, 0 {pack_format = #tpu.pack_format<interleaved>} : vector<32xbf16> -> vector<16xf32>
          %parallel_loop3A_971 = tpu.unpack_subelements %parallel_loop3A_969, 1 {pack_format = #tpu.pack_format<interleaved>} : vector<32xbf16> -> vector<16xf32>
          %parallel_loop3A_972 = arith.constant 4 : i32
          %parallel_loop3A_973 = vector.broadcast %parallel_loop3A_972 : i32 to vector<16x1xi32>
          %parallel_loop3A_974 = vector.shape_cast %parallel_loop3A_973 : vector<16x1xi32> to vector<16xi32>
          %parallel_loop3A_975 = tpu.dynamic_gather %parallel_loop3A_929[%parallel_loop3A_974] in [0] : vector<16xf32>, vector<16xi32> -> vector<16xf32>
          %parallel_loop3A_976 = arith.mulf %parallel_loop3A_975, %parallel_loop3A_970 : vector<16xf32>
          %parallel_loop3A_977 = arith.addf %parallel_loop3A_941, %parallel_loop3A_976 : vector<16xf32>
          %parallel_loop3A_978 = arith.constant 5 : i32
          %parallel_loop3A_979 = vector.broadcast %parallel_loop3A_978 : i32 to vector<16x1xi32>
          %parallel_loop3A_980 = vector.shape_cast %parallel_loop3A_979 : vector<16x1xi32> to vector<16xi32>
          %parallel_loop3A_981 = tpu.dynamic_gather %parallel_loop3A_929[%parallel_loop3A_980] in [0] : vector<16xf32>, vector<16xi32> -> vector<16xf32>
          %parallel_loop3A_982 = arith.mulf %parallel_loop3A_981, %parallel_loop3A_971 : vector<16xf32>
          %parallel_loop3A_983 = arith.addf %parallel_loop3A_947, %parallel_loop3A_982 : vector<16xf32>
          %parallel_loop3A_984 = arith.index_cast %parallel_loop3A_153 : i32 to index
          %parallel_loop3A_985 = arith.constant 688 : index
          %parallel_loop3A_986 = tpu.vector_load %arg15[%parallel_loop3A_984, %parallel_loop3A_985] {strides = array<i32>} : memref<16x1024xi32, #tpu.memory_space<vmem>>, vector<16xi32>,
          %parallel_loop3A_987 = vector.bitcast %parallel_loop3A_986 : vector<16xi32> to vector<32xbf16>
          %parallel_loop3A_988 = tpu.unpack_subelements %parallel_loop3A_987, 0 {pack_format = #tpu.pack_format<interleaved>} : vector<32xbf16> -> vector<16xf32>
          %parallel_loop3A_989 = tpu.unpack_subelements %parallel_loop3A_987, 1 {pack_format = #tpu.pack_format<interleaved>} : vector<32xbf16> -> vector<16xf32>
          %parallel_loop3A_990 = arith.constant 6 : i32
          %parallel_loop3A_991 = vector.broadcast %parallel_loop3A_990 : i32 to vector<16x1xi32>
          %parallel_loop3A_992 = vector.shape_cast %parallel_loop3A_991 : vector<16x1xi32> to vector<16xi32>
          %parallel_loop3A_993 = tpu.dynamic_gather %parallel_loop3A_929[%parallel_loop3A_992] in [0] : vector<16xf32>, vector<16xi32> -> vector<16xf32>
          %parallel_loop3A_994 = arith.mulf %parallel_loop3A_993, %parallel_loop3A_988 : vector<16xf32>
          %parallel_loop3A_995 = arith.addf %parallel_loop3A_959, %parallel_loop3A_994 : vector<16xf32>
          %parallel_loop3A_996 = arith.constant 7 : i32
          %parallel_loop3A_997 = vector.broadcast %parallel_loop3A_996 : i32 to vector<16x1xi32>
          %parallel_loop3A_998 = vector.shape_cast %parallel_loop3A_997 : vector<16x1xi32> to vector<16xi32>
          %parallel_loop3A_999 = tpu.dynamic_gather %parallel_loop3A_929[%parallel_loop3A_998] in [0] : vector<16xf32>, vector<16xi32> -> vector<16xf32>
          %parallel_loop3A_1000 = arith.mulf %parallel_loop3A_999, %parallel_loop3A_989 : vector<16xf32>
          %parallel_loop3A_1001 = arith.addf %parallel_loop3A_965, %parallel_loop3A_1000 : vector<16xf32>
          %parallel_loop3A_1002 = arith.index_cast %parallel_loop3A_153 : i32 to index
          %parallel_loop3A_1003 = arith.constant 704 : index
          %parallel_loop3A_1004 = tpu.vector_load %arg15[%parallel_loop3A_1002, %parallel_loop3A_1003] {strides = array<i32>} : memref<16x1024xi32, #tpu.memory_space<vmem>>, vector<16xi32>,
          %parallel_loop3A_1005 = vector.bitcast %parallel_loop3A_1004 : vector<16xi32> to vector<32xbf16>
          %parallel_loop3A_1006 = tpu.unpack_subelements %parallel_loop3A_1005, 0 {pack_format = #tpu.pack_format<interleaved>} : vector<32xbf16> -> vector<16xf32>
          %parallel_loop3A_1007 = tpu.unpack_subelements %parallel_loop3A_1005, 1 {pack_format = #tpu.pack_format<interleaved>} : vector<32xbf16> -> vector<16xf32>
          %parallel_loop3A_1008 = arith.constant 8 : i32
          %parallel_loop3A_1009 = vector.broadcast %parallel_loop3A_1008 : i32 to vector<16x1xi32>
          %parallel_loop3A_1010 = vector.shape_cast %parallel_loop3A_1009 : vector<16x1xi32> to vector<16xi32>
          %parallel_loop3A_1011 = tpu.dynamic_gather %parallel_loop3A_929[%parallel_loop3A_1010] in [0] : vector<16xf32>, vector<16xi32> -> vector<16xf32>
          %parallel_loop3A_1012 = arith.mulf %parallel_loop3A_1011, %parallel_loop3A_1006 : vector<16xf32>
          %parallel_loop3A_1013 = arith.addf %parallel_loop3A_977, %parallel_loop3A_1012 : vector<16xf32>
          %parallel_loop3A_1014 = arith.constant 9 : i32
          %parallel_loop3A_1015 = vector.broadcast %parallel_loop3A_1014 : i32 to vector<16x1xi32>
          %parallel_loop3A_1016 = vector.shape_cast %parallel_loop3A_1015 : vector<16x1xi32> to vector<16xi32>
          %parallel_loop3A_1017 = tpu.dynamic_gather %parallel_loop3A_929[%parallel_loop3A_1016] in [0] : vector<16xf32>, vector<16xi32> -> vector<16xf32>
          %parallel_loop3A_1018 = arith.mulf %parallel_loop3A_1017, %parallel_loop3A_1007 : vector<16xf32>
          %parallel_loop3A_1019 = arith.addf %parallel_loop3A_983, %parallel_loop3A_1018 : vector<16xf32>
          %parallel_loop3A_1020 = arith.index_cast %parallel_loop3A_153 : i32 to index
          %parallel_loop3A_1021 = arith.constant 720 : index
          %parallel_loop3A_1022 = tpu.vector_load %arg15[%parallel_loop3A_1020, %parallel_loop3A_1021] {strides = array<i32>} : memref<16x1024xi32, #tpu.memory_space<vmem>>, vector<16xi32>,
          %parallel_loop3A_1023 = vector.bitcast %parallel_loop3A_1022 : vector<16xi32> to vector<32xbf16>
          %parallel_loop3A_1024 = tpu.unpack_subelements %parallel_loop3A_1023, 0 {pack_format = #tpu.pack_format<interleaved>} : vector<32xbf16> -> vector<16xf32>
          %parallel_loop3A_1025 = tpu.unpack_subelements %parallel_loop3A_1023, 1 {pack_format = #tpu.pack_format<interleaved>} : vector<32xbf16> -> vector<16xf32>
          %parallel_loop3A_1026 = arith.constant 10 : i32
          %parallel_loop3A_1027 = vector.broadcast %parallel_loop3A_1026 : i32 to vector<16x1xi32>
          %parallel_loop3A_1028 = vector.shape_cast %parallel_loop3A_1027 : vector<16x1xi32> to vector<16xi32>
          %parallel_loop3A_1029 = tpu.dynamic_gather %parallel_loop3A_929[%parallel_loop3A_1028] in [0] : vector<16xf32>, vector<16xi32> -> vector<16xf32>
          %parallel_loop3A_1030 = arith.mulf %parallel_loop3A_1029, %parallel_loop3A_1024 : vector<16xf32>
          %parallel_loop3A_1031 = arith.addf %parallel_loop3A_995, %parallel_loop3A_1030 : vector<16xf32>
          %parallel_loop3A_1032 = arith.constant 11 : i32
          %parallel_loop3A_1033 = vector.broadcast %parallel_loop3A_1032 : i32 to vector<16x1xi32>
          %parallel_loop3A_1034 = vector.shape_cast %parallel_loop3A_1033 : vector<16x1xi32> to vector<16xi32>
          %parallel_loop3A_1035 = tpu.dynamic_gather %parallel_loop3A_929[%parallel_loop3A_1034] in [0] : vector<16xf32>, vector<16xi32> -> vector<16xf32>
          %parallel_loop3A_1036 = arith.mulf %parallel_loop3A_1035, %parallel_loop3A_1025 : vector<16xf32>
          %parallel_loop3A_1037 = arith.addf %parallel_loop3A_1001, %parallel_loop3A_1036 : vector<16xf32>
          %parallel_loop3A_1038 = arith.index_cast %parallel_loop3A_153 : i32 to index
          %parallel_loop3A_1039 = arith.constant 736 : index
          %parallel_loop3A_1040 = tpu.vector_load %arg15[%parallel_loop3A_1038, %parallel_loop3A_1039] {strides = array<i32>} : memref<16x1024xi32, #tpu.memory_space<vmem>>, vector<16xi32>,
          %parallel_loop3A_1041 = vector.bitcast %parallel_loop3A_1040 : vector<16xi32> to vector<32xbf16>
          %parallel_loop3A_1042 = tpu.unpack_subelements %parallel_loop3A_1041, 0 {pack_format = #tpu.pack_format<interleaved>} : vector<32xbf16> -> vector<16xf32>
          %parallel_loop3A_1043 = tpu.unpack_subelements %parallel_loop3A_1041, 1 {pack_format = #tpu.pack_format<interleaved>} : vector<32xbf16> -> vector<16xf32>
          %parallel_loop3A_1044 = arith.constant 12 : i32
          %parallel_loop3A_1045 = vector.broadcast %parallel_loop3A_1044 : i32 to vector<16x1xi32>
          %parallel_loop3A_1046 = vector.shape_cast %parallel_loop3A_1045 : vector<16x1xi32> to vector<16xi32>
          %parallel_loop3A_1047 = tpu.dynamic_gather %parallel_loop3A_929[%parallel_loop3A_1046] in [0] : vector<16xf32>, vector<16xi32> -> vector<16xf32>
          %parallel_loop3A_1048 = arith.mulf %parallel_loop3A_1047, %parallel_loop3A_1042 : vector<16xf32>
          %parallel_loop3A_1049 = arith.addf %parallel_loop3A_1013, %parallel_loop3A_1048 : vector<16xf32>
          %parallel_loop3A_1050 = arith.constant 13 : i32
          %parallel_loop3A_1051 = vector.broadcast %parallel_loop3A_1050 : i32 to vector<16x1xi32>
          %parallel_loop3A_1052 = vector.shape_cast %parallel_loop3A_1051 : vector<16x1xi32> to vector<16xi32>
          %parallel_loop3A_1053 = tpu.dynamic_gather %parallel_loop3A_929[%parallel_loop3A_1052] in [0] : vector<16xf32>, vector<16xi32> -> vector<16xf32>
          %parallel_loop3A_1054 = arith.mulf %parallel_loop3A_1053, %parallel_loop3A_1043 : vector<16xf32>
          %parallel_loop3A_1055 = arith.addf %parallel_loop3A_1019, %parallel_loop3A_1054 : vector<16xf32>
          %parallel_loop3A_1056 = arith.index_cast %parallel_loop3A_153 : i32 to index
          %parallel_loop3A_1057 = arith.constant 752 : index
          %parallel_loop3A_1058 = tpu.vector_load %arg15[%parallel_loop3A_1056, %parallel_loop3A_1057] {strides = array<i32>} : memref<16x1024xi32, #tpu.memory_space<vmem>>, vector<16xi32>,
          %parallel_loop3A_1059 = vector.bitcast %parallel_loop3A_1058 : vector<16xi32> to vector<32xbf16>
          %parallel_loop3A_1060 = tpu.unpack_subelements %parallel_loop3A_1059, 0 {pack_format = #tpu.pack_format<interleaved>} : vector<32xbf16> -> vector<16xf32>
          %parallel_loop3A_1061 = tpu.unpack_subelements %parallel_loop3A_1059, 1 {pack_format = #tpu.pack_format<interleaved>} : vector<32xbf16> -> vector<16xf32>
          %parallel_loop3A_1062 = arith.constant 14 : i32
          %parallel_loop3A_1063 = vector.broadcast %parallel_loop3A_1062 : i32 to vector<16x1xi32>
          %parallel_loop3A_1064 = vector.shape_cast %parallel_loop3A_1063 : vector<16x1xi32> to vector<16xi32>
          %parallel_loop3A_1065 = tpu.dynamic_gather %parallel_loop3A_929[%parallel_loop3A_1064] in [0] : vector<16xf32>, vector<16xi32> -> vector<16xf32>
          %parallel_loop3A_1066 = arith.mulf %parallel_loop3A_1065, %parallel_loop3A_1060 : vector<16xf32>
          %parallel_loop3A_1067 = arith.addf %parallel_loop3A_1031, %parallel_loop3A_1066 : vector<16xf32>
          %parallel_loop3A_1068 = arith.constant 15 : i32
          %parallel_loop3A_1069 = vector.broadcast %parallel_loop3A_1068 : i32 to vector<16x1xi32>
          %parallel_loop3A_1070 = vector.shape_cast %parallel_loop3A_1069 : vector<16x1xi32> to vector<16xi32>
          %parallel_loop3A_1071 = tpu.dynamic_gather %parallel_loop3A_929[%parallel_loop3A_1070] in [0] : vector<16xf32>, vector<16xi32> -> vector<16xf32>
          %parallel_loop3A_1072 = arith.mulf %parallel_loop3A_1071, %parallel_loop3A_1061 : vector<16xf32>
          %parallel_loop3A_1073 = arith.addf %parallel_loop3A_1037, %parallel_loop3A_1072 : vector<16xf32>
          %parallel_loop3A_1074 = arith.index_cast %parallel_loop3A_153 : i32 to index
          %parallel_loop3A_1075 = arith.constant 96 : index
          %parallel_loop3A_1076 = tpu.vector_load %arg13[%parallel_loop3A_1074, %parallel_loop3A_1075] {strides = array<i32>} : memref<16x128xf32, #tpu.memory_space<vmem>>, vector<16xf32>,
          %parallel_loop3A_1077 = arith.index_cast %parallel_loop3A_153 : i32 to index
          %parallel_loop3A_1078 = arith.constant 96 : index
          %parallel_loop3A_1079 = tpu.vector_load %arg14[%parallel_loop3A_1077, %parallel_loop3A_1078] {strides = array<i32>} : memref<16x128xf32, #tpu.memory_space<vmem>>, vector<16xf32>,
          %parallel_loop3A_1080 = arith.subf %parallel_loop3A_1076, %parallel_loop3A_1079 : vector<16xf32>
          %parallel_loop3A_1081 = arith.index_cast %parallel_loop3A_153 : i32 to index
          %parallel_loop3A_1082 = arith.constant 768 : index
          %parallel_loop3A_1083 = tpu.vector_load %arg15[%parallel_loop3A_1081, %parallel_loop3A_1082] {strides = array<i32>} : memref<16x1024xi32, #tpu.memory_space<vmem>>, vector<16xi32>,
          %parallel_loop3A_1084 = vector.bitcast %parallel_loop3A_1083 : vector<16xi32> to vector<32xbf16>
          %parallel_loop3A_1085 = tpu.unpack_subelements %parallel_loop3A_1084, 0 {pack_format = #tpu.pack_format<interleaved>} : vector<32xbf16> -> vector<16xf32>
          %parallel_loop3A_1086 = tpu.unpack_subelements %parallel_loop3A_1084, 1 {pack_format = #tpu.pack_format<interleaved>} : vector<32xbf16> -> vector<16xf32>
          %parallel_loop3A_1087 = arith.constant 0 : i32
          %parallel_loop3A_1088 = vector.broadcast %parallel_loop3A_1087 : i32 to vector<16x1xi32>
          %parallel_loop3A_1089 = vector.shape_cast %parallel_loop3A_1088 : vector<16x1xi32> to vector<16xi32>
          %parallel_loop3A_1090 = tpu.dynamic_gather %parallel_loop3A_1080[%parallel_loop3A_1089] in [0] : vector<16xf32>, vector<16xi32> -> vector<16xf32>
          %parallel_loop3A_1091 = arith.mulf %parallel_loop3A_1090, %parallel_loop3A_1085 : vector<16xf32>
          %parallel_loop3A_1092 = arith.addf %parallel_loop3A_1049, %parallel_loop3A_1091 : vector<16xf32>
          %parallel_loop3A_1093 = arith.constant 1 : i32
          %parallel_loop3A_1094 = vector.broadcast %parallel_loop3A_1093 : i32 to vector<16x1xi32>
          %parallel_loop3A_1095 = vector.shape_cast %parallel_loop3A_1094 : vector<16x1xi32> to vector<16xi32>
          %parallel_loop3A_1096 = tpu.dynamic_gather %parallel_loop3A_1080[%parallel_loop3A_1095] in [0] : vector<16xf32>, vector<16xi32> -> vector<16xf32>
          %parallel_loop3A_1097 = arith.mulf %parallel_loop3A_1096, %parallel_loop3A_1086 : vector<16xf32>
          %parallel_loop3A_1098 = arith.addf %parallel_loop3A_1055, %parallel_loop3A_1097 : vector<16xf32>
          %parallel_loop3A_1099 = arith.index_cast %parallel_loop3A_153 : i32 to index
          %parallel_loop3A_1100 = arith.constant 784 : index
          %parallel_loop3A_1101 = tpu.vector_load %arg15[%parallel_loop3A_1099, %parallel_loop3A_1100] {strides = array<i32>} : memref<16x1024xi32, #tpu.memory_space<vmem>>, vector<16xi32>,
          %parallel_loop3A_1102 = vector.bitcast %parallel_loop3A_1101 : vector<16xi32> to vector<32xbf16>
          %parallel_loop3A_1103 = tpu.unpack_subelements %parallel_loop3A_1102, 0 {pack_format = #tpu.pack_format<interleaved>} : vector<32xbf16> -> vector<16xf32>
          %parallel_loop3A_1104 = tpu.unpack_subelements %parallel_loop3A_1102, 1 {pack_format = #tpu.pack_format<interleaved>} : vector<32xbf16> -> vector<16xf32>
          %parallel_loop3A_1105 = arith.constant 2 : i32
          %parallel_loop3A_1106 = vector.broadcast %parallel_loop3A_1105 : i32 to vector<16x1xi32>
          %parallel_loop3A_1107 = vector.shape_cast %parallel_loop3A_1106 : vector<16x1xi32> to vector<16xi32>
          %parallel_loop3A_1108 = tpu.dynamic_gather %parallel_loop3A_1080[%parallel_loop3A_1107] in [0] : vector<16xf32>, vector<16xi32> -> vector<16xf32>
          %parallel_loop3A_1109 = arith.mulf %parallel_loop3A_1108, %parallel_loop3A_1103 : vector<16xf32>
          %parallel_loop3A_1110 = arith.addf %parallel_loop3A_1067, %parallel_loop3A_1109 : vector<16xf32>
          %parallel_loop3A_1111 = arith.constant 3 : i32
          %parallel_loop3A_1112 = vector.broadcast %parallel_loop3A_1111 : i32 to vector<16x1xi32>
          %parallel_loop3A_1113 = vector.shape_cast %parallel_loop3A_1112 : vector<16x1xi32> to vector<16xi32>
          %parallel_loop3A_1114 = tpu.dynamic_gather %parallel_loop3A_1080[%parallel_loop3A_1113] in [0] : vector<16xf32>, vector<16xi32> -> vector<16xf32>
          %parallel_loop3A_1115 = arith.mulf %parallel_loop3A_1114, %parallel_loop3A_1104 : vector<16xf32>
          %parallel_loop3A_1116 = arith.addf %parallel_loop3A_1073, %parallel_loop3A_1115 : vector<16xf32>
          %parallel_loop3A_1117 = arith.index_cast %parallel_loop3A_153 : i32 to index
          %parallel_loop3A_1118 = arith.constant 800 : index
          %parallel_loop3A_1119 = tpu.vector_load %arg15[%parallel_loop3A_1117, %parallel_loop3A_1118] {strides = array<i32>} : memref<16x1024xi32, #tpu.memory_space<vmem>>, vector<16xi32>,
          %parallel_loop3A_1120 = vector.bitcast %parallel_loop3A_1119 : vector<16xi32> to vector<32xbf16>
          %parallel_loop3A_1121 = tpu.unpack_subelements %parallel_loop3A_1120, 0 {pack_format = #tpu.pack_format<interleaved>} : vector<32xbf16> -> vector<16xf32>
          %parallel_loop3A_1122 = tpu.unpack_subelements %parallel_loop3A_1120, 1 {pack_format = #tpu.pack_format<interleaved>} : vector<32xbf16> -> vector<16xf32>
          %parallel_loop3A_1123 = arith.constant 4 : i32
          %parallel_loop3A_1124 = vector.broadcast %parallel_loop3A_1123 : i32 to vector<16x1xi32>
          %parallel_loop3A_1125 = vector.shape_cast %parallel_loop3A_1124 : vector<16x1xi32> to vector<16xi32>
          %parallel_loop3A_1126 = tpu.dynamic_gather %parallel_loop3A_1080[%parallel_loop3A_1125] in [0] : vector<16xf32>, vector<16xi32> -> vector<16xf32>
          %parallel_loop3A_1127 = arith.mulf %parallel_loop3A_1126, %parallel_loop3A_1121 : vector<16xf32>
          %parallel_loop3A_1128 = arith.addf %parallel_loop3A_1092, %parallel_loop3A_1127 : vector<16xf32>
          %parallel_loop3A_1129 = arith.constant 5 : i32
          %parallel_loop3A_1130 = vector.broadcast %parallel_loop3A_1129 : i32 to vector<16x1xi32>
          %parallel_loop3A_1131 = vector.shape_cast %parallel_loop3A_1130 : vector<16x1xi32> to vector<16xi32>
          %parallel_loop3A_1132 = tpu.dynamic_gather %parallel_loop3A_1080[%parallel_loop3A_1131] in [0] : vector<16xf32>, vector<16xi32> -> vector<16xf32>
          %parallel_loop3A_1133 = arith.mulf %parallel_loop3A_1132, %parallel_loop3A_1122 : vector<16xf32>
          %parallel_loop3A_1134 = arith.addf %parallel_loop3A_1098, %parallel_loop3A_1133 : vector<16xf32>
          %parallel_loop3A_1135 = arith.index_cast %parallel_loop3A_153 : i32 to index
          %parallel_loop3A_1136 = arith.constant 816 : index
          %parallel_loop3A_1137 = tpu.vector_load %arg15[%parallel_loop3A_1135, %parallel_loop3A_1136] {strides = array<i32>} : memref<16x1024xi32, #tpu.memory_space<vmem>>, vector<16xi32>,
          %parallel_loop3A_1138 = vector.bitcast %parallel_loop3A_1137 : vector<16xi32> to vector<32xbf16>
          %parallel_loop3A_1139 = tpu.unpack_subelements %parallel_loop3A_1138, 0 {pack_format = #tpu.pack_format<interleaved>} : vector<32xbf16> -> vector<16xf32>
          %parallel_loop3A_1140 = tpu.unpack_subelements %parallel_loop3A_1138, 1 {pack_format = #tpu.pack_format<interleaved>} : vector<32xbf16> -> vector<16xf32>
          %parallel_loop3A_1141 = arith.constant 6 : i32
          %parallel_loop3A_1142 = vector.broadcast %parallel_loop3A_1141 : i32 to vector<16x1xi32>
          %parallel_loop3A_1143 = vector.shape_cast %parallel_loop3A_1142 : vector<16x1xi32> to vector<16xi32>
          %parallel_loop3A_1144 = tpu.dynamic_gather %parallel_loop3A_1080[%parallel_loop3A_1143] in [0] : vector<16xf32>, vector<16xi32> -> vector<16xf32>
          %parallel_loop3A_1145 = arith.mulf %parallel_loop3A_1144, %parallel_loop3A_1139 : vector<16xf32>
          %parallel_loop3A_1146 = arith.addf %parallel_loop3A_1110, %parallel_loop3A_1145 : vector<16xf32>
          %parallel_loop3A_1147 = arith.constant 7 : i32
          %parallel_loop3A_1148 = vector.broadcast %parallel_loop3A_1147 : i32 to vector<16x1xi32>
          %parallel_loop3A_1149 = vector.shape_cast %parallel_loop3A_1148 : vector<16x1xi32> to vector<16xi32>
          %parallel_loop3A_1150 = tpu.dynamic_gather %parallel_loop3A_1080[%parallel_loop3A_1149] in [0] : vector<16xf32>, vector<16xi32> -> vector<16xf32>
          %parallel_loop3A_1151 = arith.mulf %parallel_loop3A_1150, %parallel_loop3A_1140 : vector<16xf32>
          %parallel_loop3A_1152 = arith.addf %parallel_loop3A_1116, %parallel_loop3A_1151 : vector<16xf32>
          %parallel_loop3A_1153 = arith.index_cast %parallel_loop3A_153 : i32 to index
          %parallel_loop3A_1154 = arith.constant 832 : index
          %parallel_loop3A_1155 = tpu.vector_load %arg15[%parallel_loop3A_1153, %parallel_loop3A_1154] {strides = array<i32>} : memref<16x1024xi32, #tpu.memory_space<vmem>>, vector<16xi32>,
          %parallel_loop3A_1156 = vector.bitcast %parallel_loop3A_1155 : vector<16xi32> to vector<32xbf16>
          %parallel_loop3A_1157 = tpu.unpack_subelements %parallel_loop3A_1156, 0 {pack_format = #tpu.pack_format<interleaved>} : vector<32xbf16> -> vector<16xf32>
          %parallel_loop3A_1158 = tpu.unpack_subelements %parallel_loop3A_1156, 1 {pack_format = #tpu.pack_format<interleaved>} : vector<32xbf16> -> vector<16xf32>
          %parallel_loop3A_1159 = arith.constant 8 : i32
          %parallel_loop3A_1160 = vector.broadcast %parallel_loop3A_1159 : i32 to vector<16x1xi32>
          %parallel_loop3A_1161 = vector.shape_cast %parallel_loop3A_1160 : vector<16x1xi32> to vector<16xi32>
          %parallel_loop3A_1162 = tpu.dynamic_gather %parallel_loop3A_1080[%parallel_loop3A_1161] in [0] : vector<16xf32>, vector<16xi32> -> vector<16xf32>
          %parallel_loop3A_1163 = arith.mulf %parallel_loop3A_1162, %parallel_loop3A_1157 : vector<16xf32>
          %parallel_loop3A_1164 = arith.addf %parallel_loop3A_1128, %parallel_loop3A_1163 : vector<16xf32>
          %parallel_loop3A_1165 = arith.constant 9 : i32
          %parallel_loop3A_1166 = vector.broadcast %parallel_loop3A_1165 : i32 to vector<16x1xi32>
          %parallel_loop3A_1167 = vector.shape_cast %parallel_loop3A_1166 : vector<16x1xi32> to vector<16xi32>
          %parallel_loop3A_1168 = tpu.dynamic_gather %parallel_loop3A_1080[%parallel_loop3A_1167] in [0] : vector<16xf32>, vector<16xi32> -> vector<16xf32>
          %parallel_loop3A_1169 = arith.mulf %parallel_loop3A_1168, %parallel_loop3A_1158 : vector<16xf32>
          %parallel_loop3A_1170 = arith.addf %parallel_loop3A_1134, %parallel_loop3A_1169 : vector<16xf32>
          %parallel_loop3A_1171 = arith.index_cast %parallel_loop3A_153 : i32 to index
          %parallel_loop3A_1172 = arith.constant 848 : index
          %parallel_loop3A_1173 = tpu.vector_load %arg15[%parallel_loop3A_1171, %parallel_loop3A_1172] {strides = array<i32>} : memref<16x1024xi32, #tpu.memory_space<vmem>>, vector<16xi32>,
          %parallel_loop3A_1174 = vector.bitcast %parallel_loop3A_1173 : vector<16xi32> to vector<32xbf16>
          %parallel_loop3A_1175 = tpu.unpack_subelements %parallel_loop3A_1174, 0 {pack_format = #tpu.pack_format<interleaved>} : vector<32xbf16> -> vector<16xf32>
          %parallel_loop3A_1176 = tpu.unpack_subelements %parallel_loop3A_1174, 1 {pack_format = #tpu.pack_format<interleaved>} : vector<32xbf16> -> vector<16xf32>
          %parallel_loop3A_1177 = arith.constant 10 : i32
          %parallel_loop3A_1178 = vector.broadcast %parallel_loop3A_1177 : i32 to vector<16x1xi32>
          %parallel_loop3A_1179 = vector.shape_cast %parallel_loop3A_1178 : vector<16x1xi32> to vector<16xi32>
          %parallel_loop3A_1180 = tpu.dynamic_gather %parallel_loop3A_1080[%parallel_loop3A_1179] in [0] : vector<16xf32>, vector<16xi32> -> vector<16xf32>
          %parallel_loop3A_1181 = arith.mulf %parallel_loop3A_1180, %parallel_loop3A_1175 : vector<16xf32>
          %parallel_loop3A_1182 = arith.addf %parallel_loop3A_1146, %parallel_loop3A_1181 : vector<16xf32>
          %parallel_loop3A_1183 = arith.constant 11 : i32
          %parallel_loop3A_1184 = vector.broadcast %parallel_loop3A_1183 : i32 to vector<16x1xi32>
          %parallel_loop3A_1185 = vector.shape_cast %parallel_loop3A_1184 : vector<16x1xi32> to vector<16xi32>
          %parallel_loop3A_1186 = tpu.dynamic_gather %parallel_loop3A_1080[%parallel_loop3A_1185] in [0] : vector<16xf32>, vector<16xi32> -> vector<16xf32>
          %parallel_loop3A_1187 = arith.mulf %parallel_loop3A_1186, %parallel_loop3A_1176 : vector<16xf32>
          %parallel_loop3A_1188 = arith.addf %parallel_loop3A_1152, %parallel_loop3A_1187 : vector<16xf32>
          %parallel_loop3A_1189 = arith.index_cast %parallel_loop3A_153 : i32 to index
          %parallel_loop3A_1190 = arith.constant 864 : index
          %parallel_loop3A_1191 = tpu.vector_load %arg15[%parallel_loop3A_1189, %parallel_loop3A_1190] {strides = array<i32>} : memref<16x1024xi32, #tpu.memory_space<vmem>>, vector<16xi32>,
          %parallel_loop3A_1192 = vector.bitcast %parallel_loop3A_1191 : vector<16xi32> to vector<32xbf16>
          %parallel_loop3A_1193 = tpu.unpack_subelements %parallel_loop3A_1192, 0 {pack_format = #tpu.pack_format<interleaved>} : vector<32xbf16> -> vector<16xf32>
          %parallel_loop3A_1194 = tpu.unpack_subelements %parallel_loop3A_1192, 1 {pack_format = #tpu.pack_format<interleaved>} : vector<32xbf16> -> vector<16xf32>
          %parallel_loop3A_1195 = arith.constant 12 : i32
          %parallel_loop3A_1196 = vector.broadcast %parallel_loop3A_1195 : i32 to vector<16x1xi32>
          %parallel_loop3A_1197 = vector.shape_cast %parallel_loop3A_1196 : vector<16x1xi32> to vector<16xi32>
          %parallel_loop3A_1198 = tpu.dynamic_gather %parallel_loop3A_1080[%parallel_loop3A_1197] in [0] : vector<16xf32>, vector<16xi32> -> vector<16xf32>
          %parallel_loop3A_1199 = arith.mulf %parallel_loop3A_1198, %parallel_loop3A_1193 : vector<16xf32>
          %parallel_loop3A_1200 = arith.addf %parallel_loop3A_1164, %parallel_loop3A_1199 : vector<16xf32>
          %parallel_loop3A_1201 = arith.constant 13 : i32
          %parallel_loop3A_1202 = vector.broadcast %parallel_loop3A_1201 : i32 to vector<16x1xi32>
          %parallel_loop3A_1203 = vector.shape_cast %parallel_loop3A_1202 : vector<16x1xi32> to vector<16xi32>
          %parallel_loop3A_1204 = tpu.dynamic_gather %parallel_loop3A_1080[%parallel_loop3A_1203] in [0] : vector<16xf32>, vector<16xi32> -> vector<16xf32>
          %parallel_loop3A_1205 = arith.mulf %parallel_loop3A_1204, %parallel_loop3A_1194 : vector<16xf32>
          %parallel_loop3A_1206 = arith.addf %parallel_loop3A_1170, %parallel_loop3A_1205 : vector<16xf32>
          %parallel_loop3A_1207 = arith.index_cast %parallel_loop3A_153 : i32 to index
          %parallel_loop3A_1208 = arith.constant 880 : index
          %parallel_loop3A_1209 = tpu.vector_load %arg15[%parallel_loop3A_1207, %parallel_loop3A_1208] {strides = array<i32>} : memref<16x1024xi32, #tpu.memory_space<vmem>>, vector<16xi32>,
          %parallel_loop3A_1210 = vector.bitcast %parallel_loop3A_1209 : vector<16xi32> to vector<32xbf16>
          %parallel_loop3A_1211 = tpu.unpack_subelements %parallel_loop3A_1210, 0 {pack_format = #tpu.pack_format<interleaved>} : vector<32xbf16> -> vector<16xf32>
          %parallel_loop3A_1212 = tpu.unpack_subelements %parallel_loop3A_1210, 1 {pack_format = #tpu.pack_format<interleaved>} : vector<32xbf16> -> vector<16xf32>
          %parallel_loop3A_1213 = arith.constant 14 : i32
          %parallel_loop3A_1214 = vector.broadcast %parallel_loop3A_1213 : i32 to vector<16x1xi32>
          %parallel_loop3A_1215 = vector.shape_cast %parallel_loop3A_1214 : vector<16x1xi32> to vector<16xi32>
          %parallel_loop3A_1216 = tpu.dynamic_gather %parallel_loop3A_1080[%parallel_loop3A_1215] in [0] : vector<16xf32>, vector<16xi32> -> vector<16xf32>
          %parallel_loop3A_1217 = arith.mulf %parallel_loop3A_1216, %parallel_loop3A_1211 : vector<16xf32>
          %parallel_loop3A_1218 = arith.addf %parallel_loop3A_1182, %parallel_loop3A_1217 : vector<16xf32>
          %parallel_loop3A_1219 = arith.constant 15 : i32
          %parallel_loop3A_1220 = vector.broadcast %parallel_loop3A_1219 : i32 to vector<16x1xi32>
          %parallel_loop3A_1221 = vector.shape_cast %parallel_loop3A_1220 : vector<16x1xi32> to vector<16xi32>
          %parallel_loop3A_1222 = tpu.dynamic_gather %parallel_loop3A_1080[%parallel_loop3A_1221] in [0] : vector<16xf32>, vector<16xi32> -> vector<16xf32>
          %parallel_loop3A_1223 = arith.mulf %parallel_loop3A_1222, %parallel_loop3A_1212 : vector<16xf32>
          %parallel_loop3A_1224 = arith.addf %parallel_loop3A_1188, %parallel_loop3A_1223 : vector<16xf32>
          %parallel_loop3A_1225 = arith.index_cast %parallel_loop3A_153 : i32 to index
          %parallel_loop3A_1226 = arith.constant 112 : index
          %parallel_loop3A_1227 = tpu.vector_load %arg13[%parallel_loop3A_1225, %parallel_loop3A_1226] {strides = array<i32>} : memref<16x128xf32, #tpu.memory_space<vmem>>, vector<16xf32>,
          %parallel_loop3A_1228 = arith.index_cast %parallel_loop3A_153 : i32 to index
          %parallel_loop3A_1229 = arith.constant 112 : index
          %parallel_loop3A_1230 = tpu.vector_load %arg14[%parallel_loop3A_1228, %parallel_loop3A_1229] {strides = array<i32>} : memref<16x128xf32, #tpu.memory_space<vmem>>, vector<16xf32>,
          %parallel_loop3A_1231 = arith.subf %parallel_loop3A_1227, %parallel_loop3A_1230 : vector<16xf32>
          %parallel_loop3A_1232 = arith.index_cast %parallel_loop3A_153 : i32 to index
          %parallel_loop3A_1233 = arith.constant 896 : index
          %parallel_loop3A_1234 = tpu.vector_load %arg15[%parallel_loop3A_1232, %parallel_loop3A_1233] {strides = array<i32>} : memref<16x1024xi32, #tpu.memory_space<vmem>>, vector<16xi32>,
          %parallel_loop3A_1235 = vector.bitcast %parallel_loop3A_1234 : vector<16xi32> to vector<32xbf16>
          %parallel_loop3A_1236 = tpu.unpack_subelements %parallel_loop3A_1235, 0 {pack_format = #tpu.pack_format<interleaved>} : vector<32xbf16> -> vector<16xf32>
          %parallel_loop3A_1237 = tpu.unpack_subelements %parallel_loop3A_1235, 1 {pack_format = #tpu.pack_format<interleaved>} : vector<32xbf16> -> vector<16xf32>
          %parallel_loop3A_1238 = arith.constant 0 : i32
          %parallel_loop3A_1239 = vector.broadcast %parallel_loop3A_1238 : i32 to vector<16x1xi32>
          %parallel_loop3A_1240 = vector.shape_cast %parallel_loop3A_1239 : vector<16x1xi32> to vector<16xi32>
          %parallel_loop3A_1241 = tpu.dynamic_gather %parallel_loop3A_1231[%parallel_loop3A_1240] in [0] : vector<16xf32>, vector<16xi32> -> vector<16xf32>
          %parallel_loop3A_1242 = arith.mulf %parallel_loop3A_1241, %parallel_loop3A_1236 : vector<16xf32>
          %parallel_loop3A_1243 = arith.addf %parallel_loop3A_1200, %parallel_loop3A_1242 : vector<16xf32>
          %parallel_loop3A_1244 = arith.constant 1 : i32
          %parallel_loop3A_1245 = vector.broadcast %parallel_loop3A_1244 : i32 to vector<16x1xi32>
          %parallel_loop3A_1246 = vector.shape_cast %parallel_loop3A_1245 : vector<16x1xi32> to vector<16xi32>
          %parallel_loop3A_1247 = tpu.dynamic_gather %parallel_loop3A_1231[%parallel_loop3A_1246] in [0] : vector<16xf32>, vector<16xi32> -> vector<16xf32>
          %parallel_loop3A_1248 = arith.mulf %parallel_loop3A_1247, %parallel_loop3A_1237 : vector<16xf32>
          %parallel_loop3A_1249 = arith.addf %parallel_loop3A_1206, %parallel_loop3A_1248 : vector<16xf32>
          %parallel_loop3A_1250 = arith.index_cast %parallel_loop3A_153 : i32 to index
          %parallel_loop3A_1251 = arith.constant 912 : index
          %parallel_loop3A_1252 = tpu.vector_load %arg15[%parallel_loop3A_1250, %parallel_loop3A_1251] {strides = array<i32>} : memref<16x1024xi32, #tpu.memory_space<vmem>>, vector<16xi32>,
          %parallel_loop3A_1253 = vector.bitcast %parallel_loop3A_1252 : vector<16xi32> to vector<32xbf16>
          %parallel_loop3A_1254 = tpu.unpack_subelements %parallel_loop3A_1253, 0 {pack_format = #tpu.pack_format<interleaved>} : vector<32xbf16> -> vector<16xf32>
          %parallel_loop3A_1255 = tpu.unpack_subelements %parallel_loop3A_1253, 1 {pack_format = #tpu.pack_format<interleaved>} : vector<32xbf16> -> vector<16xf32>
          %parallel_loop3A_1256 = arith.constant 2 : i32
          %parallel_loop3A_1257 = vector.broadcast %parallel_loop3A_1256 : i32 to vector<16x1xi32>
          %parallel_loop3A_1258 = vector.shape_cast %parallel_loop3A_1257 : vector<16x1xi32> to vector<16xi32>
          %parallel_loop3A_1259 = tpu.dynamic_gather %parallel_loop3A_1231[%parallel_loop3A_1258] in [0] : vector<16xf32>, vector<16xi32> -> vector<16xf32>
          %parallel_loop3A_1260 = arith.mulf %parallel_loop3A_1259, %parallel_loop3A_1254 : vector<16xf32>
          %parallel_loop3A_1261 = arith.addf %parallel_loop3A_1218, %parallel_loop3A_1260 : vector<16xf32>
          %parallel_loop3A_1262 = arith.constant 3 : i32
          %parallel_loop3A_1263 = vector.broadcast %parallel_loop3A_1262 : i32 to vector<16x1xi32>
          %parallel_loop3A_1264 = vector.shape_cast %parallel_loop3A_1263 : vector<16x1xi32> to vector<16xi32>
          %parallel_loop3A_1265 = tpu.dynamic_gather %parallel_loop3A_1231[%parallel_loop3A_1264] in [0] : vector<16xf32>, vector<16xi32> -> vector<16xf32>
          %parallel_loop3A_1266 = arith.mulf %parallel_loop3A_1265, %parallel_loop3A_1255 : vector<16xf32>
          %parallel_loop3A_1267 = arith.addf %parallel_loop3A_1224, %parallel_loop3A_1266 : vector<16xf32>
          %parallel_loop3A_1268 = arith.index_cast %parallel_loop3A_153 : i32 to index
          %parallel_loop3A_1269 = arith.constant 928 : index
          %parallel_loop3A_1270 = tpu.vector_load %arg15[%parallel_loop3A_1268, %parallel_loop3A_1269] {strides = array<i32>} : memref<16x1024xi32, #tpu.memory_space<vmem>>, vector<16xi32>,
          %parallel_loop3A_1271 = vector.bitcast %parallel_loop3A_1270 : vector<16xi32> to vector<32xbf16>
          %parallel_loop3A_1272 = tpu.unpack_subelements %parallel_loop3A_1271, 0 {pack_format = #tpu.pack_format<interleaved>} : vector<32xbf16> -> vector<16xf32>
          %parallel_loop3A_1273 = tpu.unpack_subelements %parallel_loop3A_1271, 1 {pack_format = #tpu.pack_format<interleaved>} : vector<32xbf16> -> vector<16xf32>
          %parallel_loop3A_1274 = arith.constant 4 : i32
          %parallel_loop3A_1275 = vector.broadcast %parallel_loop3A_1274 : i32 to vector<16x1xi32>
          %parallel_loop3A_1276 = vector.shape_cast %parallel_loop3A_1275 : vector<16x1xi32> to vector<16xi32>
          %parallel_loop3A_1277 = tpu.dynamic_gather %parallel_loop3A_1231[%parallel_loop3A_1276] in [0] : vector<16xf32>, vector<16xi32> -> vector<16xf32>
          %parallel_loop3A_1278 = arith.mulf %parallel_loop3A_1277, %parallel_loop3A_1272 : vector<16xf32>
          %parallel_loop3A_1279 = arith.addf %parallel_loop3A_1243, %parallel_loop3A_1278 : vector<16xf32>
          %parallel_loop3A_1280 = arith.constant 5 : i32
          %parallel_loop3A_1281 = vector.broadcast %parallel_loop3A_1280 : i32 to vector<16x1xi32>
          %parallel_loop3A_1282 = vector.shape_cast %parallel_loop3A_1281 : vector<16x1xi32> to vector<16xi32>
          %parallel_loop3A_1283 = tpu.dynamic_gather %parallel_loop3A_1231[%parallel_loop3A_1282] in [0] : vector<16xf32>, vector<16xi32> -> vector<16xf32>
          %parallel_loop3A_1284 = arith.mulf %parallel_loop3A_1283, %parallel_loop3A_1273 : vector<16xf32>
          %parallel_loop3A_1285 = arith.addf %parallel_loop3A_1249, %parallel_loop3A_1284 : vector<16xf32>
          %parallel_loop3A_1286 = arith.index_cast %parallel_loop3A_153 : i32 to index
          %parallel_loop3A_1287 = arith.constant 944 : index
          %parallel_loop3A_1288 = tpu.vector_load %arg15[%parallel_loop3A_1286, %parallel_loop3A_1287] {strides = array<i32>} : memref<16x1024xi32, #tpu.memory_space<vmem>>, vector<16xi32>,
          %parallel_loop3A_1289 = vector.bitcast %parallel_loop3A_1288 : vector<16xi32> to vector<32xbf16>
          %parallel_loop3A_1290 = tpu.unpack_subelements %parallel_loop3A_1289, 0 {pack_format = #tpu.pack_format<interleaved>} : vector<32xbf16> -> vector<16xf32>
          %parallel_loop3A_1291 = tpu.unpack_subelements %parallel_loop3A_1289, 1 {pack_format = #tpu.pack_format<interleaved>} : vector<32xbf16> -> vector<16xf32>
          %parallel_loop3A_1292 = arith.constant 6 : i32
          %parallel_loop3A_1293 = vector.broadcast %parallel_loop3A_1292 : i32 to vector<16x1xi32>
          %parallel_loop3A_1294 = vector.shape_cast %parallel_loop3A_1293 : vector<16x1xi32> to vector<16xi32>
          %parallel_loop3A_1295 = tpu.dynamic_gather %parallel_loop3A_1231[%parallel_loop3A_1294] in [0] : vector<16xf32>, vector<16xi32> -> vector<16xf32>
          %parallel_loop3A_1296 = arith.mulf %parallel_loop3A_1295, %parallel_loop3A_1290 : vector<16xf32>
          %parallel_loop3A_1297 = arith.addf %parallel_loop3A_1261, %parallel_loop3A_1296 : vector<16xf32>
          %parallel_loop3A_1298 = arith.constant 7 : i32
          %parallel_loop3A_1299 = vector.broadcast %parallel_loop3A_1298 : i32 to vector<16x1xi32>
          %parallel_loop3A_1300 = vector.shape_cast %parallel_loop3A_1299 : vector<16x1xi32> to vector<16xi32>
          %parallel_loop3A_1301 = tpu.dynamic_gather %parallel_loop3A_1231[%parallel_loop3A_1300] in [0] : vector<16xf32>, vector<16xi32> -> vector<16xf32>
          %parallel_loop3A_1302 = arith.mulf %parallel_loop3A_1301, %parallel_loop3A_1291 : vector<16xf32>
          %parallel_loop3A_1303 = arith.addf %parallel_loop3A_1267, %parallel_loop3A_1302 : vector<16xf32>
          %parallel_loop3A_1304 = arith.index_cast %parallel_loop3A_153 : i32 to index
          %parallel_loop3A_1305 = arith.constant 960 : index
          %parallel_loop3A_1306 = tpu.vector_load %arg15[%parallel_loop3A_1304, %parallel_loop3A_1305] {strides = array<i32>} : memref<16x1024xi32, #tpu.memory_space<vmem>>, vector<16xi32>,
          %parallel_loop3A_1307 = vector.bitcast %parallel_loop3A_1306 : vector<16xi32> to vector<32xbf16>
          %parallel_loop3A_1308 = tpu.unpack_subelements %parallel_loop3A_1307, 0 {pack_format = #tpu.pack_format<interleaved>} : vector<32xbf16> -> vector<16xf32>
          %parallel_loop3A_1309 = tpu.unpack_subelements %parallel_loop3A_1307, 1 {pack_format = #tpu.pack_format<interleaved>} : vector<32xbf16> -> vector<16xf32>
          %parallel_loop3A_1310 = arith.constant 8 : i32
          %parallel_loop3A_1311 = vector.broadcast %parallel_loop3A_1310 : i32 to vector<16x1xi32>
          %parallel_loop3A_1312 = vector.shape_cast %parallel_loop3A_1311 : vector<16x1xi32> to vector<16xi32>
          %parallel_loop3A_1313 = tpu.dynamic_gather %parallel_loop3A_1231[%parallel_loop3A_1312] in [0] : vector<16xf32>, vector<16xi32> -> vector<16xf32>
          %parallel_loop3A_1314 = arith.mulf %parallel_loop3A_1313, %parallel_loop3A_1308 : vector<16xf32>
          %parallel_loop3A_1315 = arith.addf %parallel_loop3A_1279, %parallel_loop3A_1314 : vector<16xf32>
          %parallel_loop3A_1316 = arith.constant 9 : i32
          %parallel_loop3A_1317 = vector.broadcast %parallel_loop3A_1316 : i32 to vector<16x1xi32>
          %parallel_loop3A_1318 = vector.shape_cast %parallel_loop3A_1317 : vector<16x1xi32> to vector<16xi32>
          %parallel_loop3A_1319 = tpu.dynamic_gather %parallel_loop3A_1231[%parallel_loop3A_1318] in [0] : vector<16xf32>, vector<16xi32> -> vector<16xf32>
          %parallel_loop3A_1320 = arith.mulf %parallel_loop3A_1319, %parallel_loop3A_1309 : vector<16xf32>
          %parallel_loop3A_1321 = arith.addf %parallel_loop3A_1285, %parallel_loop3A_1320 : vector<16xf32>
          %parallel_loop3A_1322 = arith.index_cast %parallel_loop3A_153 : i32 to index
          %parallel_loop3A_1323 = arith.constant 976 : index
          %parallel_loop3A_1324 = tpu.vector_load %arg15[%parallel_loop3A_1322, %parallel_loop3A_1323] {strides = array<i32>} : memref<16x1024xi32, #tpu.memory_space<vmem>>, vector<16xi32>,
          %parallel_loop3A_1325 = vector.bitcast %parallel_loop3A_1324 : vector<16xi32> to vector<32xbf16>
          %parallel_loop3A_1326 = tpu.unpack_subelements %parallel_loop3A_1325, 0 {pack_format = #tpu.pack_format<interleaved>} : vector<32xbf16> -> vector<16xf32>
          %parallel_loop3A_1327 = tpu.unpack_subelements %parallel_loop3A_1325, 1 {pack_format = #tpu.pack_format<interleaved>} : vector<32xbf16> -> vector<16xf32>
          %parallel_loop3A_1328 = arith.constant 10 : i32
          %parallel_loop3A_1329 = vector.broadcast %parallel_loop3A_1328 : i32 to vector<16x1xi32>
          %parallel_loop3A_1330 = vector.shape_cast %parallel_loop3A_1329 : vector<16x1xi32> to vector<16xi32>
          %parallel_loop3A_1331 = tpu.dynamic_gather %parallel_loop3A_1231[%parallel_loop3A_1330] in [0] : vector<16xf32>, vector<16xi32> -> vector<16xf32>
          %parallel_loop3A_1332 = arith.mulf %parallel_loop3A_1331, %parallel_loop3A_1326 : vector<16xf32>
          %parallel_loop3A_1333 = arith.addf %parallel_loop3A_1297, %parallel_loop3A_1332 : vector<16xf32>
          %parallel_loop3A_1334 = arith.constant 11 : i32
          %parallel_loop3A_1335 = vector.broadcast %parallel_loop3A_1334 : i32 to vector<16x1xi32>
          %parallel_loop3A_1336 = vector.shape_cast %parallel_loop3A_1335 : vector<16x1xi32> to vector<16xi32>
          %parallel_loop3A_1337 = tpu.dynamic_gather %parallel_loop3A_1231[%parallel_loop3A_1336] in [0] : vector<16xf32>, vector<16xi32> -> vector<16xf32>
          %parallel_loop3A_1338 = arith.mulf %parallel_loop3A_1337, %parallel_loop3A_1327 : vector<16xf32>
          %parallel_loop3A_1339 = arith.addf %parallel_loop3A_1303, %parallel_loop3A_1338 : vector<16xf32>
          %parallel_loop3A_1340 = arith.index_cast %parallel_loop3A_153 : i32 to index
          %parallel_loop3A_1341 = arith.constant 992 : index
          %parallel_loop3A_1342 = tpu.vector_load %arg15[%parallel_loop3A_1340, %parallel_loop3A_1341] {strides = array<i32>} : memref<16x1024xi32, #tpu.memory_space<vmem>>, vector<16xi32>,
          %parallel_loop3A_1343 = vector.bitcast %parallel_loop3A_1342 : vector<16xi32> to vector<32xbf16>
          %parallel_loop3A_1344 = tpu.unpack_subelements %parallel_loop3A_1343, 0 {pack_format = #tpu.pack_format<interleaved>} : vector<32xbf16> -> vector<16xf32>
          %parallel_loop3A_1345 = tpu.unpack_subelements %parallel_loop3A_1343, 1 {pack_format = #tpu.pack_format<interleaved>} : vector<32xbf16> -> vector<16xf32>
          %parallel_loop3A_1346 = arith.constant 12 : i32
          %parallel_loop3A_1347 = vector.broadcast %parallel_loop3A_1346 : i32 to vector<16x1xi32>
          %parallel_loop3A_1348 = vector.shape_cast %parallel_loop3A_1347 : vector<16x1xi32> to vector<16xi32>
          %parallel_loop3A_1349 = tpu.dynamic_gather %parallel_loop3A_1231[%parallel_loop3A_1348] in [0] : vector<16xf32>, vector<16xi32> -> vector<16xf32>
          %parallel_loop3A_1350 = arith.mulf %parallel_loop3A_1349, %parallel_loop3A_1344 : vector<16xf32>
          %parallel_loop3A_1351 = arith.addf %parallel_loop3A_1315, %parallel_loop3A_1350 : vector<16xf32>
          %parallel_loop3A_1352 = arith.constant 13 : i32
          %parallel_loop3A_1353 = vector.broadcast %parallel_loop3A_1352 : i32 to vector<16x1xi32>
          %parallel_loop3A_1354 = vector.shape_cast %parallel_loop3A_1353 : vector<16x1xi32> to vector<16xi32>
          %parallel_loop3A_1355 = tpu.dynamic_gather %parallel_loop3A_1231[%parallel_loop3A_1354] in [0] : vector<16xf32>, vector<16xi32> -> vector<16xf32>
          %parallel_loop3A_1356 = arith.mulf %parallel_loop3A_1355, %parallel_loop3A_1345 : vector<16xf32>
          %parallel_loop3A_1357 = arith.addf %parallel_loop3A_1321, %parallel_loop3A_1356 : vector<16xf32>
          %parallel_loop3A_1358 = arith.index_cast %parallel_loop3A_153 : i32 to index
          %parallel_loop3A_1359 = arith.constant 1008 : index
          %parallel_loop3A_1360 = tpu.vector_load %arg15[%parallel_loop3A_1358, %parallel_loop3A_1359] {strides = array<i32>} : memref<16x1024xi32, #tpu.memory_space<vmem>>, vector<16xi32>,
          %parallel_loop3A_1361 = vector.bitcast %parallel_loop3A_1360 : vector<16xi32> to vector<32xbf16>
          %parallel_loop3A_1362 = tpu.unpack_subelements %parallel_loop3A_1361, 0 {pack_format = #tpu.pack_format<interleaved>} : vector<32xbf16> -> vector<16xf32>
          %parallel_loop3A_1363 = tpu.unpack_subelements %parallel_loop3A_1361, 1 {pack_format = #tpu.pack_format<interleaved>} : vector<32xbf16> -> vector<16xf32>
          %parallel_loop3A_1364 = arith.constant 14 : i32
          %parallel_loop3A_1365 = vector.broadcast %parallel_loop3A_1364 : i32 to vector<16x1xi32>
          %parallel_loop3A_1366 = vector.shape_cast %parallel_loop3A_1365 : vector<16x1xi32> to vector<16xi32>
          %parallel_loop3A_1367 = tpu.dynamic_gather %parallel_loop3A_1231[%parallel_loop3A_1366] in [0] : vector<16xf32>, vector<16xi32> -> vector<16xf32>
          %parallel_loop3A_1368 = arith.mulf %parallel_loop3A_1367, %parallel_loop3A_1362 : vector<16xf32>
          %parallel_loop3A_1369 = arith.addf %parallel_loop3A_1333, %parallel_loop3A_1368 : vector<16xf32>
          %parallel_loop3A_1370 = arith.constant 15 : i32
          %parallel_loop3A_1371 = vector.broadcast %parallel_loop3A_1370 : i32 to vector<16x1xi32>
          %parallel_loop3A_1372 = vector.shape_cast %parallel_loop3A_1371 : vector<16x1xi32> to vector<16xi32>
          %parallel_loop3A_1373 = tpu.dynamic_gather %parallel_loop3A_1231[%parallel_loop3A_1372] in [0] : vector<16xf32>, vector<16xi32> -> vector<16xf32>
          %parallel_loop3A_1374 = arith.mulf %parallel_loop3A_1373, %parallel_loop3A_1363 : vector<16xf32>
          %parallel_loop3A_1375 = arith.addf %parallel_loop3A_1339, %parallel_loop3A_1374 : vector<16xf32>
          %parallel_loop3A_1376 = arith.addf %parallel_loop3A_1351, %parallel_loop3A_1369 : vector<16xf32>
          %parallel_loop3A_1377 = arith.addf %parallel_loop3A_1357, %parallel_loop3A_1375 : vector<16xf32>
          %parallel_loop3A_1378 = arith.constant 17 : i32
          %parallel_loop3A_1379 = arith.muli %parallel_loop3A_153, %parallel_loop3A_1378 : i32
          %parallel_loop3A_1380 = vector.broadcast %parallel_loop3A_1379 : i32 to vector<16xi32>
          %parallel_loop3A_1381 = arith.addi %parallel_loop3A_1380, %iota3A : vector<16xi32>
          %parallel_loop3A_1382 = arith.constant 7.500000e-01 : f32
          %parallel_loop3A_1383 = vector.broadcast %parallel_loop3A_1382 : f32 to vector<16xf32>
          %parallel_loop3A_1384 = arith.addf %parallel_loop3A_1376, %parallel_loop3A_1377 : vector<16xf32>
          %parallel_loop3A_1385 = math.absf %parallel_loop3A_1384 : vector<16xf32>
          %parallel_loop3A_1386 = arith.subf %parallel_loop3A_1383, %parallel_loop3A_1385 : vector<16xf32>
          tpu.vector_store_idx %arg21[%parallel_loop3A_1381], %parallel_loop3A_1386 : memref<272xf32, #tpu.memory_space<vmem>>[vector<16xi32>], vector<16xf32>,
        } {sc.loop_unroll_factor = 4 : i64, sc.parallel_access}
        %mul3A_71 = arith.constant 17 : i32
        %mul3A_72 = vector.broadcast %mul3A_71 : i32 to vector<16xi32>
        %mul3A_73 = arith.muli %iota3A, %mul3A_72 : vector<16xi32>
        %gather3A = tpu.vector_load_idx %arg21[%mul3A_73] : memref<272xf32, #tpu.memory_space<vmem>>[vector<16xi32>], vector<16xf32>,
        %broadcast_in_dim3A = arith.constant 1 : i32
        %broadcast_in_dim3A_74 = vector.broadcast %broadcast_in_dim3A : i32 to vector<16xi32>
        %add3A_75 = arith.addi %mul3A_73, %broadcast_in_dim3A_74 : vector<16xi32>
        %gather3A_76 = tpu.vector_load_idx %arg21[%add3A_75] : memref<272xf32, #tpu.memory_space<vmem>>[vector<16xi32>], vector<16xf32>,
        %add3A_77 = arith.addf %gather3A, %gather3A_76 : vector<16xf32>
        %broadcast_in_dim3A_78 = arith.constant 2 : i32
        %broadcast_in_dim3A_79 = vector.broadcast %broadcast_in_dim3A_78 : i32 to vector<16xi32>
        %add3A_80 = arith.addi %mul3A_73, %broadcast_in_dim3A_79 : vector<16xi32>
        %gather3A_81 = tpu.vector_load_idx %arg21[%add3A_80] : memref<272xf32, #tpu.memory_space<vmem>>[vector<16xi32>], vector<16xf32>,
        %add3A_82 = arith.addf %add3A_77, %gather3A_81 : vector<16xf32>
        %broadcast_in_dim3A_83 = arith.constant 3 : i32
        %broadcast_in_dim3A_84 = vector.broadcast %broadcast_in_dim3A_83 : i32 to vector<16xi32>
        %add3A_85 = arith.addi %mul3A_73, %broadcast_in_dim3A_84 : vector<16xi32>
        %gather3A_86 = tpu.vector_load_idx %arg21[%add3A_85] : memref<272xf32, #tpu.memory_space<vmem>>[vector<16xi32>], vector<16xf32>,
        %add3A_87 = arith.addf %add3A_82, %gather3A_86 : vector<16xf32>
        %broadcast_in_dim3A_88 = arith.constant 4 : i32
        %broadcast_in_dim3A_89 = vector.broadcast %broadcast_in_dim3A_88 : i32 to vector<16xi32>
        %add3A_90 = arith.addi %mul3A_73, %broadcast_in_dim3A_89 : vector<16xi32>
        %gather3A_91 = tpu.vector_load_idx %arg21[%add3A_90] : memref<272xf32, #tpu.memory_space<vmem>>[vector<16xi32>], vector<16xf32>,
        %add3A_92 = arith.addf %add3A_87, %gather3A_91 : vector<16xf32>
        %broadcast_in_dim3A_93 = arith.constant 5 : i32
        %broadcast_in_dim3A_94 = vector.broadcast %broadcast_in_dim3A_93 : i32 to vector<16xi32>
        %add3A_95 = arith.addi %mul3A_73, %broadcast_in_dim3A_94 : vector<16xi32>
        %gather3A_96 = tpu.vector_load_idx %arg21[%add3A_95] : memref<272xf32, #tpu.memory_space<vmem>>[vector<16xi32>], vector<16xf32>,
        %add3A_97 = arith.addf %add3A_92, %gather3A_96 : vector<16xf32>
        %broadcast_in_dim3A_98 = arith.constant 6 : i32
        %broadcast_in_dim3A_99 = vector.broadcast %broadcast_in_dim3A_98 : i32 to vector<16xi32>
        %add3A_100 = arith.addi %mul3A_73, %broadcast_in_dim3A_99 : vector<16xi32>
        %gather3A_101 = tpu.vector_load_idx %arg21[%add3A_100] : memref<272xf32, #tpu.memory_space<vmem>>[vector<16xi32>], vector<16xf32>,
        %add3A_102 = arith.addf %add3A_97, %gather3A_101 : vector<16xf32>
        %broadcast_in_dim3A_103 = arith.constant 7 : i32
        %broadcast_in_dim3A_104 = vector.broadcast %broadcast_in_dim3A_103 : i32 to vector<16xi32>
        %add3A_105 = arith.addi %mul3A_73, %broadcast_in_dim3A_104 : vector<16xi32>
        %gather3A_106 = tpu.vector_load_idx %arg21[%add3A_105] : memref<272xf32, #tpu.memory_space<vmem>>[vector<16xi32>], vector<16xf32>,
        %add3A_107 = arith.addf %add3A_102, %gather3A_106 : vector<16xf32>
        %broadcast_in_dim3A_108 = arith.constant 8 : i32
        %broadcast_in_dim3A_109 = vector.broadcast %broadcast_in_dim3A_108 : i32 to vector<16xi32>
        %add3A_110 = arith.addi %mul3A_73, %broadcast_in_dim3A_109 : vector<16xi32>
        %gather3A_111 = tpu.vector_load_idx %arg21[%add3A_110] : memref<272xf32, #tpu.memory_space<vmem>>[vector<16xi32>], vector<16xf32>,
        %add3A_112 = arith.addf %add3A_107, %gather3A_111 : vector<16xf32>
        %broadcast_in_dim3A_113 = arith.constant 9 : i32
        %broadcast_in_dim3A_114 = vector.broadcast %broadcast_in_dim3A_113 : i32 to vector<16xi32>
        %add3A_115 = arith.addi %mul3A_73, %broadcast_in_dim3A_114 : vector<16xi32>
        %gather3A_116 = tpu.vector_load_idx %arg21[%add3A_115] : memref<272xf32, #tpu.memory_space<vmem>>[vector<16xi32>], vector<16xf32>,
        %add3A_117 = arith.addf %add3A_112, %gather3A_116 : vector<16xf32>
        %broadcast_in_dim3A_118 = arith.constant 10 : i32
        %broadcast_in_dim3A_119 = vector.broadcast %broadcast_in_dim3A_118 : i32 to vector<16xi32>
        %add3A_120 = arith.addi %mul3A_73, %broadcast_in_dim3A_119 : vector<16xi32>
        %gather3A_121 = tpu.vector_load_idx %arg21[%add3A_120] : memref<272xf32, #tpu.memory_space<vmem>>[vector<16xi32>], vector<16xf32>,
        %add3A_122 = arith.addf %add3A_117, %gather3A_121 : vector<16xf32>
        %broadcast_in_dim3A_123 = arith.constant 11 : i32
        %broadcast_in_dim3A_124 = vector.broadcast %broadcast_in_dim3A_123 : i32 to vector<16xi32>
        %add3A_125 = arith.addi %mul3A_73, %broadcast_in_dim3A_124 : vector<16xi32>
        %gather3A_126 = tpu.vector_load_idx %arg21[%add3A_125] : memref<272xf32, #tpu.memory_space<vmem>>[vector<16xi32>], vector<16xf32>,
        %add3A_127 = arith.addf %add3A_122, %gather3A_126 : vector<16xf32>
        %broadcast_in_dim3A_128 = arith.constant 12 : i32
        %broadcast_in_dim3A_129 = vector.broadcast %broadcast_in_dim3A_128 : i32 to vector<16xi32>
        %add3A_130 = arith.addi %mul3A_73, %broadcast_in_dim3A_129 : vector<16xi32>
        %gather3A_131 = tpu.vector_load_idx %arg21[%add3A_130] : memref<272xf32, #tpu.memory_space<vmem>>[vector<16xi32>], vector<16xf32>,
        %add3A_132 = arith.addf %add3A_127, %gather3A_131 : vector<16xf32>
        %broadcast_in_dim3A_133 = arith.constant 13 : i32
        %broadcast_in_dim3A_134 = vector.broadcast %broadcast_in_dim3A_133 : i32 to vector<16xi32>
        %add3A_135 = arith.addi %mul3A_73, %broadcast_in_dim3A_134 : vector<16xi32>
        %gather3A_136 = tpu.vector_load_idx %arg21[%add3A_135] : memref<272xf32, #tpu.memory_space<vmem>>[vector<16xi32>], vector<16xf32>,
        %add3A_137 = arith.addf %add3A_132, %gather3A_136 : vector<16xf32>
        %broadcast_in_dim3A_138 = arith.constant 14 : i32
        %broadcast_in_dim3A_139 = vector.broadcast %broadcast_in_dim3A_138 : i32 to vector<16xi32>
        %add3A_140 = arith.addi %mul3A_73, %broadcast_in_dim3A_139 : vector<16xi32>
        %gather3A_141 = tpu.vector_load_idx %arg21[%add3A_140] : memref<272xf32, #tpu.memory_space<vmem>>[vector<16xi32>], vector<16xf32>,
        %add3A_142 = arith.addf %add3A_137, %gather3A_141 : vector<16xf32>
        %broadcast_in_dim3A_143 = arith.constant 15 : i32
        %broadcast_in_dim3A_144 = vector.broadcast %broadcast_in_dim3A_143 : i32 to vector<16xi32>
        %add3A_145 = arith.addi %mul3A_73, %broadcast_in_dim3A_144 : vector<16xi32>
        %gather3A_146 = tpu.vector_load_idx %arg21[%add3A_145] : memref<272xf32, #tpu.memory_space<vmem>>[vector<16xi32>], vector<16xf32>,
        %add3A_147 = arith.addf %add3A_142, %gather3A_146 : vector<16xf32>
        %swap3A = arith.constant 0 : index
        %swap3A_148 = tpu.vector_load %arg24[%swap3A] {strides = array<i32>} : memref<16xf32, #tpu.memory_space<vmem>>, vector<16xf32>,
        tpu.vector_store %arg24[%swap3A], %add3A_147 {strides = array<i32>} : memref<16xf32, #tpu.memory_space<vmem>>, vector<16xf32>,
        %mul3A_149 = arith.constant 16 : i32
        %mul3A_150 = arith.muli %add3A_41, %mul3A_149 : i32
        %add3A_151 = arith.addi %mul3A_8, %mul3A_150 : i32
        %dma_start3A = tpu.memref_slice %arg8[%add3A_151] : memref<160000xf32, #tpu.memory_space<hbm>> -> memref<16xf32, #tpu.memory_space<hbm>>
        %dma_start3A_152 = tpu.memref_slice %arg8[%add3A_151] : memref<160000xf32, #tpu.memory_space<hbm>> -> memref<16xf32, #tpu.memory_space<hbm>>
        tpu.enqueue_dma source(%arg24 : memref<16xf32, #tpu.memory_space<vmem>>) target(%dma_start3A_152 : memref<16xf32, #tpu.memory_space<hbm>>) target_semaphore(%arg25 : memref<!tpu.dma_semaphore, #tpu.memory_space<semaphore_mem>>)
      } else {
      }
    }
    %scan3A_17 = arith.constant 157 : i32
    %dma_wait3A = tpu.memref_slice %arg8[%mul3A_8] : memref<160000xf32, #tpu.memory_space<hbm>> -> memref<16xf32, #tpu.memory_space<hbm>>
    %dma_wait3A_18 = tpu.memref_slice %arg8[%mul3A_8] : memref<160000xf32, #tpu.memory_space<hbm>> -> memref<16xf32, #tpu.memory_space<hbm>>
    tpu.wait_dma2 semaphore(%arg23 : memref<!tpu.dma_semaphore, #tpu.memory_space<semaphore_mem>>) src(%arg22 : memref<16xf32, #tpu.memory_space<vmem>>) dst(%dma_wait3A_18 : memref<16xf32, #tpu.memory_space<hbm>>)
    %dma_wait3A_19 = tpu.memref_slice %arg8[%mul3A_8] : memref<160000xf32, #tpu.memory_space<hbm>> -> memref<16xf32, #tpu.memory_space<hbm>>
    %dma_wait3A_20 = tpu.memref_slice %arg8[%mul3A_8] : memref<160000xf32, #tpu.memory_space<hbm>> -> memref<16xf32, #tpu.memory_space<hbm>>
    tpu.wait_dma2 semaphore(%arg25 : memref<!tpu.dma_semaphore, #tpu.memory_space<semaphore_mem>>) src(%arg24 : memref<16xf32, #tpu.memory_space<vmem>>) dst(%dma_wait3A_20 : memref<16xf32, #tpu.memory_space<hbm>>)
    return
  }
}

</mosaic_0001>

<sc_bundles>
// kernel: _sc_call.3.cloned.1.call-start
scs
__scs_entry_jumppad:
0x0: {  	(pc) =	sbr.rel $0x88, $3  }
0x1: {  	(tag) =	ssettag $0x0;
	lr =	simm.s32 $0x1  }
0x2: {  	[smem:$0x3F9C] =	sst lr;
	_ =	strace $0xD0000000  }
0x3: {  	_ = 	snop  }
0x4: {  	_ = 	snop  }
0x5: {  	_ = 	snop  }
0x6: {  	_ = 	snop  }
0x7: {  	_ = 	snop  }
__scs_overlays_trampoline_lowered:
0x8: {  	[smem:$0x3FAB] =	sst s0  }
0x9: {  	[smem:$0x3FAC] =	sst s1  }
0xa: {  	[smem:$0x3FAD] =	sst s2  }
0xb: {  	[smem:$0x3FAE] =	sst s3  }
0xc: {  	[smem:$0x3FAF] =	sst s4  }
0xd: {  	[smem:$0x3FB0] =	sst s5  }
0xe: {  	[smem:$0x3FB1] =	sst s6  }
0xf: {  	[smem:$0x3FB2] =	sst s7  }
0x10: {  	[smem:$0x3FB3] =	sst s8  }
0x11: {  	[smem:$0x3FB4] =	sst s9;
	s0 =	simm.s32 @!p0 $0x0  }
0x12: {  	s1 =	sld [smem:$0x3F9A];
	s0 =	simm.s32 @p0 $0x1  }
0x13: {  	[smem:$0x3FB5] =	sst s0;
	s0 =	simm.s32 @!p1 $0x0  }
0x14: {  	s2 =	sld [smem:$0x3F99];
	s0 =	simm.s32 @p1 $0x1  }
0x15: {  	[smem:$0x3FB6] =	sst s0;
	s0 =	simm.s32 @!p2 $0x0  }
0x16: {  	s3 =	sld [smem:$0x3FDB];
	s0 =	simm.s32 @p2 $0x1  }
0x17: {  	s4 =	simm.s32 $0x1BF5;
	[smem:$0x3FB8] =	sst s0  }
0x18: {  	s0 =	sld [smem:$0x3F9B];
	_ =	swait.ge [sflag:s4], $0x0  }
0x19: {  	s7 =	sld [smem:$0x3F9C]  }
0x1a: {  	s8 =	sadd.s32 $0xFFFFE003, lr  }
0x1b: {  	s9 =	sadd.s32 $0xFFFFFEF7, lr;
	s5 =	simm.s32 $0xFFFFFFFF;
	p2 =	slt.u32 s8, $0xFFFFF086  }
0x1c: {  	p1 =	slt.u32 s9, $0xF7A;
	s5 =	simm.s32 @!p2 $0x0  }
0x1d: {  	s5 =	simm.s32 @p1 $0x1;
	p0 =	seq.s32 s7, s2  }
0x1e: {  	s7 =	smul.u32 @!p0 $0xF7A, s2;
	p2 =	seq.s32 @!p0 s5, $0x0  }
0x1f: {  	s9 =	smul.u32 $0xF7A, s1;
	s8 =	simm.s32 @!p0 $0x1BF5;
	p2 =	por !p2, p0  }
0x20: {  	[sflag:s8] =	ssyncset.s32 @!p0 $0xFFFFF086;
	s6 =	sadd.s32 @!p0 s3, s7;
	s7 =	simm.s32 @!p0 $0x108  }
0x21: {  	s3 =	sadd.s32 s3, s9;
	s6 =	sadd.s32 @!p0 $0x88, s6;
	s7 =	simm.s32 @p2 $0x1082  }
0x22: {  	[simem:s7], [sflag:s8] =	dma.local @!p0 [hbm:s6], $0xF7A  }
0x23: {  	s9 =	sor.u32 $0xD0000000, s2;
	s6 =	simm.s32 $0x108;
	_ =	swait.ge @!p0 [sflag:s8], $0x0  }
0x24: {  	s3 =	sadd.s32 $0x88, s3;
	s6 =	simm.s32 @!p1 $0x1082;
	[sflag:s4] =	ssyncset.s32 $0xFFFFF086  }
0x25: {  	[simem:s6], [sflag:s4] =	dma.local [hbm:s3], $0xF7A  }
0x26: {  	[smem:$0x3F9C] =	sst s1;
	(tag) =	ssettag s2;
	_ =	strace s9  }
0x27: {  	s1 =	sld [smem:$0x3FAC]  }
0x28: {  	s2 =	sld [smem:$0x3FAD]  }
0x29: {  	s4 =	sld [smem:$0x3FAF]  }
0x2a: {  	p0 =	seq.s32 s5, $0x0;
	s5 =	sld [smem:$0x3FB0]  }
0x2b: {  	s6 =	sld [smem:$0x3FB1]  }
0x2c: {  	s7 =	sld [smem:$0x3FB2]  }
0x2d: {  	s3 =	simm.s32 $0x108;
	s8 =	sld [smem:$0x3FB3]  }
0x2e: {  	s3 =	simm.s32 @!p0 $0x1082;
	s9 =	sld [smem:$0x3FB4]  }
0x2f: {  	lr =	sadd.s32 s0, s3;
	s0 =	sld [smem:$0x3FAB]  }
0x30: {  	s3 =	sld [smem:$0x3FAE]  }
0x31: {  	[smem:$0x3FB7] =	sst s10  }
0x32: {  	s10 =	sld [smem:$0x3FB5];
	_ =	sdelay $0x3  }
0x33: {  	p0 =	seq.s32 s10, $0x1;
	s10 =	sld [smem:$0x3FB7];
	_ =	sdelay $0x3  }
0x34: {  	[smem:$0x3FB7] =	sst s10  }
0x35: {  	s10 =	sld [smem:$0x3FB6];
	_ =	sdelay $0x3  }
0x36: {  	p1 =	seq.s32 s10, $0x1;
	s10 =	sld [smem:$0x3FB7];
	_ =	sdelay $0x3  }
0x37: {  	[smem:$0x3FB7] =	sst s10  }
0x38: {  	s10 =	sld [smem:$0x3FB8]  }
0x39: {  	_ = 	snop;
	(pc) =	sbr.ind lr, $3  }
0x3a: {  	_ = 	snop  }
0x3b: {  	_ = 	snop  }
0x3c: {  	p2 =	seq.s32 s10, $0x1;
	s10 =	sld [smem:$0x3FB7]  }
0x3d: {  	_ =	shalt  }
0x3e: {  	_ =	shalt  }
0x3f: {  	_ =	shalt  }
0x40: {  	_ =	shalt  }
0x41: {  	_ =	shalt  }
0x42: {  	_ =	shalt  }
0x43: {  	_ =	shalt  }
0x44: {  	_ =	shalt  }
0x45: {  	_ =	shalt  }
0x46: {  	_ =	shalt  }
0x47: {  	_ =	shalt  }
0x48: {  	_ =	shalt  }
0x49: {  	_ =	shalt  }
0x4a: {  	_ =	shalt  }
0x4b: {  	_ =	shalt  }
0x4c: {  	_ =	shalt  }
0x4d: {  	_ =	shalt  }
0x4e: {  	_ =	shalt  }
0x4f: {  	_ =	shalt  }
0x50: {  	_ =	shalt  }
0x51: {  	_ =	shalt  }
0x52: {  	_ =	shalt  }
0x53: {  	_ =	shalt  }
0x54: {  	_ =	shalt  }
0x55: {  	_ =	shalt  }
0x56: {  	_ =	shalt  }
0x57: {  	_ =	shalt  }
0x58: {  	_ =	shalt  }
0x59: {  	_ =	shalt  }
0x5a: {  	_ =	shalt  }
0x5b: {  	_ =	shalt  }
0x5c: {  	_ =	shalt  }
0x5d: {  	_ =	shalt  }
0x5e: {  	_ =	shalt  }
0x5f: {  	_ =	shalt  }
0x60: {  	_ =	shalt  }
0x61: {  	_ =	shalt  }
0x62: {  	_ =	shalt  }
0x63: {  	_ =	shalt  }
0x64: {  	_ =	shalt  }
0x65: {  	_ =	shalt  }
0x66: {  	_ =	shalt  }
0x67: {  	_ =	shalt  }
0x68: {  	_ =	shalt  }
0x69: {  	_ =	shalt  }
0x6a: {  	_ =	shalt  }
0x6b: {  	_ =	shalt  }
0x6c: {  	_ =	shalt  }
0x6d: {  	_ =	shalt  }
0x6e: {  	_ =	shalt  }
0x6f: {  	_ =	shalt  }
0x70: {  	_ =	shalt  }
0x71: {  	_ =	shalt  }
0x72: {  	_ =	shalt  }
0x73: {  	_ =	shalt  }
0x74: {  	_ =	shalt  }
0x75: {  	_ =	shalt  }
0x76: {  	_ =	shalt  }
0x77: {  	_ =	shalt  }
0x78: {  	_ =	shalt  }
0x79: {  	_ =	shalt  }
0x7a: {  	_ =	shalt  }
0x7b: {  	_ =	shalt  }
0x7c: {  	_ =	shalt  }
0x7d: {  	_ =	shalt  }
0x7e: {  	_ =	shalt  }
0x7f: {  	_ =	shalt  }
0x80: {  	_ =	shalt  }
0x81: {  	_ =	shalt  }
0x82: {  	_ =	shalt  }
0x83: {  	_ =	shalt  }
0x84: {  	_ =	shalt  }
0x85: {  	_ =	shalt  }
0x86: {  	_ =	shalt  }
0x87: {  	_ =	shalt  }
.Lfunc_end0:
.L_simem_size_0:
called_computation_lowered:
.L_overlay_start_0:
0x88: {  	s2 =	sld [smem:$0x3FD9]  }
0x89: {  	s3 =	sld [smem:$0x3FFE];
	_ =	sdelay $0x1  }
0x8a: {  	s1 =	srdreg.scid  }
0x8b: {  	s0 =	sand.u32 $0x1, s1  }
0x8c: {  	s17 =	sshll.u32 s0, $0xA;
	s2 =	sadd.s32 s3, s2  }
0x8d: {  	s2 =	sadd.s32 s2, s17  }
0x8e: {  	[smem:$0x3FC3] =	sst s2  }
0x8f: {  	_ = 	snop  }
0x90: {  	s2 =	sld [smem:$0x3FC9]  }
0x91: {  	s18 =	sld [smem:$0x3FC7]  }
0x92: {  	s4 =	sld [smem:$0x3FD0];
	(tm) =	ssettm $0x1  }
0x93: {  	s5 =	sld [smem:$0x3FFB];
	_ =	sdelay $0x3  }
0x94: {  	_ =	strace s5  }
0x95: {  	s5 =	sld [smem:$0x3FFC];
	_ =	sdelay $0x3  }
0x96: {  	_ =	strace s5  }
0x97: {  	s5 =	sld [smem:$0x3FFD];
	_ =	sdelay $0x3  }
0x98: {  	_ =	strace s5  }
0x99: {  	_ =	strace $0x8FFFFFFF  }
0x9a: {  	s19 =	sld [smem:$0x3FDB];
	_ =	sdelay $0x1  }
0x9b: {  	s6 =	simm.s32 $_scs_section_size  }
0x9c: {  	s7 =	simm.s32 $_size__tile_overlayer_lowered;
	s8 =	simm.s32 $_tile_overlayer_lowered  }
0x9d: {  	s22 =	simm.s32 $0x1BFF;
	s21 =	sshll.u32 s8, $0x1;
	s5 =	sadd.s32 s6, s19  }
0x9e: {  	s9 =	simm.s32 $0x0;
	s20 =	sshll.u32 s7, $0x1;
	s7 =	sadd.s32 s21, s5  }
0x9f: {  	[timem:s9], [sflag:s22] =	dma.local [hbm:s7], s20  }
0xa0: {  	_ =	swait.ge [sflag:s22], s20  }
0xa1: {  	s6 =	ssub.s32 $0x0, s20;
	[sflag:s22] =	ssyncset.done $0x0  }
0xa2: {  	[sflag:s22] =	ssyncadd.s32 s6;
	_ =	sdelay $0x1  }
0xa3: {  	s23 =	simm.s32 $0x1B8B  }
0xa4: {  	_ =	swait.ge [sflag:s23], $0x1  }
0xa5: {  	[sflag:s23] =	ssyncset.done $0x0  }
0xa6: {  	s25 =	simm.s32 $0x1B8E;
	s24 =	sld [smem:$0x3FFE];
	[sflag:s23] =	ssyncadd.s32 $0xFFFFFFFF  }
0xa7: {  	s26 =	simm.s32 $execute0_lowered;
	[smem:$0x3FD2] =	sst s25  }
0xa8: {  	s7 =	sshll.u32 s26, $0x1;
	_ =	strace $0x80000046;
	[dreg:$0x1] =	wrdreg $0xFFFFFFFF  }
0xa9: {  	s28 =	simm.s32 $_size_execute0_lowered;
	s5 =	sadd.s32 s5, s7;
	[dreg:$0x0] =	wrdreg $0x0  }
0xaa: {  	s7 =	sshll.u32 s28, $0x1;
	[dreg:$0x2] =	wrdreg s5  }
0xab: {  	[dreg:$0x3] =	wrdreg s7  }
0xac: {  	[dreg:$0x4] =	wrdreg $0xC0  }
0xad: {  	_ =	task [dreg:s9], $0x5FFFF  }
0xae: {  	[dreg:$0x1] =	wrdreg $0xFFFFFFFF  }
0xaf: {  	[dreg:$0x0] =	wrdreg $0x60  }
0xb0: {  	[dreg:$0x2] =	wrdreg s2  }
0xb1: {  	[dreg:$0x3] =	wrdreg s24  }
0xb2: {  	[dreg:$0x4] =	wrdreg s18  }
0xb3: {  	[dreg:$0x5] =	wrdreg s4  }
0xb4: {  	[dreg:$0x6] =	wrdreg $0x9  }
0xb5: {  	_ =	task.clear_ibuf [dreg:s9], $0x7FFFF;
	_ =	strace $0x90000046  }
0xb6: {  	s29 =	simm.s32 $0x9;
	_ =	strace $0x80000048  }
0xb7: {  	_ =	swait.ge [sflag:s29], $0x1  }
0xb8: {  	[sflag:s29] =	ssyncadd.s32 $0xFFFFFFFF  }
0xb9: {  	_ =	strace $0x90000048  }
0xba: {  	_ =	sfence  }
0xbb: {  	s30 =	sld [smem:$0x0];
	_ =	sdelay $0x2  }
0xbc: {  	s31 =	sshll.u32 s1, $0xD;
	s1 =	sshrl.u32 s1, $0x2  }
0xbd: {  	s3 =	sand.u32 $0x4000, s31;
	s1 =	sadd.s32 s1, s30  }
0xbe: {  	s0 =	sor.u32 s3, s0;
	s1 =	sshll.u32 s1, $0x11  }
0xbf: {  	s0 =	sor.u32 s1, s0  }
0xc0: {  	s0 =	sadd.s32 $0x8F2B, s0  }
0xc1: {  	[sflag:s0] =	ssyncadd.remote.s32 $0x1  }
0xc2: {  	_ =	sfence.sel $0xFFFF  }
0xc3: {  	[dreg:$0x0] =	wrdreg $0xFFFFFFFF;
	(pc) =	sbr.abs _section_cstart, $3  }
0xc4: {  	[dreg:$0x1] =	wrdreg $0xFFFFFFFF  }
0xc5: {  	_ =	task.clear_ibuf [dreg:s9], $0x2FFFF;
	_ =	strace $0x9FFFFFFF  }
0xc6: {  	(tm) =	ssettm $0x7FFFFFFF  }
0xc7: {  	_ =	shalt  }
tec
execute0_lowered:
.L_overlay_start_1:
0x0: {  	(tag) =	ssettag $0x1  }
0x1: {  	s1 =	rddreg [dreg:$0x0]  }
0x2: {  	s0 =	rddreg [dreg:$0x1];
	s2 =	srdreg.scid  }
0x3: {  	s8 =	stileid.u32;
	s5 =	rddreg [dreg:$0x2]  }
0x4: {  	s3 =	rddreg [dreg:$0x3];
	s18 =	simm.s32 $0x5;
	s21 =	simm.s32 $0xDC00  }
0x5: {  	s17 =	simm.s32 $0x11C00;
	s19 =	simm.s32 $0x2;
	s20 =	simm.s32 $0x11C80  }
0x6: {  	s23 =	simm.s32 $0x4;
	s24 =	simm.s32 $0x0;
	s2 =	sand.u32 $0x1, s2  }
0x7: {  	s4 =	sshll.u32 s8, $0x1;
	s28 =	sadd.s32 $0x29400, s0;
	p0 =	slt.u32 s8, $0x8  }
0x8: {  	s8 =	simm.s32 $0x139;
	s13 =	sadd.s32 $0xA100, s0;
	s6 =	sor.u32 s2, s4  }
0x9: {  	s14 =	sadd.s32 $0xA200, s0;
	s15 =	sadd.s32 $0xA300, s0;
	s7 =	smul.u32 $0x138, s6  }
0xa: {  	s4 =	simm.s32 $0x0;
	s2 =	ssub.s32 $0x2, s2;
	s6 =	smin.u32 s6, $0x10  }
0xb: {  	v0 =	vlaneseq.u32;
	vm0 =	vmmov $0xffff;
	v4 =	vimm.s32 $0x4;
	s8 =	simm.s32 @!p0 $0x138;
	[smem:$0x7FF] =	sst s4;
	s6 =	sadd.s32 s6, s7  }
0xc: {  	v5 =	vimm.s32 $0x0;
	v7 =	vimm.s32 $0x1;
	v8 =	vimm.s32 $0x2;
	s9 =	sshrl.u32 s2, $0x1;
	_ =	strace $0x80000047;
	s6 =	sshll.u32 s6, $0x4  }
0xd: {  	v9 =	vimm.s32 $0x3;
	v10 =	vimm.s32 $0x5;
	v11 =	vimm.s32 $0x6;
	[dreg:$0x5] =	wrdreg s28;
	s2 =	ssub.s32 s2, s9;
	s10 =	smin.u32 s6, $0x25D70  }
.Ltmp0:
0xe: {  	v12 =	vimm.s32 $0x7;
	v13 =	vimm.s32 $0x8;
	v14 =	vimm.s32 $0x9;
	s31 =	smax.u32 s2, $0x1;
	s11 =	sshrl.u32 s10, $0x3;
	(pc) =	sbr.rel .LBB2_1-.Ltmp0, $4  }
0xf: {  	v15 =	vimm.s32 $0xA;
	v16 =	vimm.s32 $0xB;
	v17 =	vimm.s32 $0xC;
	s7 =	sadd.s32 $0xA000, s0;
	[dreg:$0x9] =	wrdreg s31;
	s29 =	sadd.s32 s0, s11  }
0x10: {  	v18 =	vimm.s32 $0xD;
	v19 =	vimm.s32 $0xE;
	v20 =	vimm.s32 $0xF;
	s10 =	ssub.s32 s6, s10;
	s5 =	sadd.s32 s5, s11;
	[dreg:$0x6] =	wrdreg s29  }
0x11: {  	v2 =	vshrl.u32 v0, $0x3;
	v1 =	vand.u32 $0x7, v0;
	v3 =	vor.u32 $0x8, v0;
	s30 =	sadd.s32 $0xC800, s10;
	s9 =	sadd.s32 $0x5000, s29;
	[dreg:$0x8] =	wrdreg s5  }
0x12: {  	v2 =	vmul.u32 $0x8, v2;
	s2 =	simm.s32 $0x1;
	s0 =	simm.s32 $0x11A80;
	v21 =	vmov s10;
	v6 =	vmov s30;
	[dreg:$0x7] =	wrdreg s9  }
.LBB2_11:
0x13: {  	s5 =	simm.s32 $0x3  }
0x14: {  	_ =	swait.ge [sflag:s5], $0x10  }
0x15: {  	[sflag:s5] =	ssyncset.done $0x0  }
0x16: {  	[sflag:s5] =	ssyncadd.s32 $0xFFFFFFF0  }
0x17: {  	_ =	swait.ge [sflag:s23], $0x10  }
0x18: {  	s24 =	sadd.s32 $0x1, s24;
	s31 =	rddreg [dreg:$0x9]  }
0x19: {  	p0 =	sne.s32 s24, s31  }
.Ltmp1:
0x1a: {  	_ = 	snop;
	(pc) =	sbr.rel @!p0 .LBB2_12-.Ltmp1, $3  }
0x1b: {  	_ =	sdelay $0x1  }
0x1c: {  	[sflag:s23] =	ssyncset.done $0x0  }
0x1d: {  	[sflag:s23] =	ssyncadd.s32 $0xFFFFFFF0  }
.LBB2_1:
0x1e: {  	s5 =	rddreg [dreg:$0x7];
	s9 =	simm.s32 $0xA000  }
0x1f: {  	[tilespmem:s9], [sflag:$0x5] =	stream.linear.gather [hbm4b:s5+s4], $0x1390, $0x38;
	[tilespmem:$0x11D00] =	vst v63  }
0x20: {  	_ =	swait.ge [sflag:s18], $0x1390  }
0x21: {  	[sflag:s18] =	ssyncset.done $0x0  }
0x22: {  	s29 =	simm.s32 $0xB400;
	s28 =	rddreg [dreg:$0x6];
	[sflag:s18] =	ssyncadd.s32 $0xFFFFEC70  }
0x23: {  	[tilespmem:s29], [sflag:$0x5] =	stream.linear.gather [hbm4b:s28+s4], $0x1390, $0x38;
	[tilespmem:$0x11D00] =	vst v63  }
0x24: {  	_ =	swait.ge [sflag:s18], $0x1390  }
0x25: {  	[sflag:s18] =	ssyncset.done $0x0  }
0x26: {  	s31 =	simm.s32 $0xC800;
	s30 =	rddreg [dreg:$0x8];
	[sflag:s18] =	ssyncadd.s32 $0xFFFFEC70  }
0x27: {  	[tilespmem:s31], [sflag:$0x5] =	stream.linear.gather [hbm4b:s30+s4], $0x1390, $0x38;
	[tilespmem:$0x11D00] =	vst v63  }
0x28: {  	_ =	swait.ge [sflag:s18], $0x1390  }
0x29: {  	[sflag:s18] =	ssyncset.done $0x0  }
0x2a: {  	s11 =	rddreg [dreg:$0x5];
	[sflag:s18] =	ssyncadd.s32 $0xFFFFEC70  }
0x2b: {  	[tilespmem:s21], [sflag:$0x5] =	stream.linear.gather [hbm4b:s11+s4], $0x3E80, $0x38;
	[tilespmem:$0x11D00] =	vst v63  }
0x2c: {  	_ =	swait.ge [sflag:s18], $0x3E80  }
0x2d: {  	[sflag:s18] =	ssyncset.done $0x0  }
0x2e: {  	[sflag:s18] =	ssyncadd.s32 $0xFFFFC180  }
0x2f: {  	v22 =	vld [tilespmem:s10+$0xC800];
	_ =	sdelay $0x2  }
0x30: {  	v23 =	vld [tilespmem:s10+$0xA000];
	_ =	sdelay $0x1  }
0x31: {  	v24 =	vld [tilespmem:s10+$0xB400];
	v25 =	vshll.u32 v22, $0x3  }
0x32: {  	v22 =	vand.u32 $0x7, v22;
	v25 =	vand.u32 $0xFFFFFFC0, v25  }
0x33: {  	v22 =	vor.u32 v22, v25  }
0x34: {  	v25 =	vperm.xlane v22, v1;
	_ =	sdelay $0x1  }
0x35: {  	v25 =	vadd.s32 v2, v25  }
0x36: {  	[tilespmem:s4], [sflag:$0x1] =	stream.indirect_vreg.gather [hbm4b:s1+s4], $0x80, v23, vm0, $0xb8;
	[tilespmem:$0x11D00] =	vst v63  }
0x37: {  	s12 =	simm.s32 $0x800  }
0x38: {  	[tilespmem:s12], [sflag:$0x1] =	stream.indirect_vreg.gather [hbm4b:s1+s4], $0x80, v24, vm0, $0xb8;
	[tilespmem:$0x11D00] =	vst v63  }
0x39: {  	s16 =	simm.s32 $0x1000  }
0x3a: {  	[tilespmem:s16], [sflag:$0x1] =	stream.indirect_vreg.gather [hbm4b:s7+s4], $0x80, v25, vm0, $0xb8;
	[tilespmem:$0x11D00] =	vst v63  }
0x3b: {  	s22 =	simm.s32 $0x1800;
	v22 =	vperm.xlane v22, v3  }
0x3c: {  	[tilespmem:s22], [sflag:$0x1] =	stream.indirect_vreg.gather [hbm4b:s13+s4], $0x80, v25, vm0, $0xb8;
	[tilespmem:$0x11D00] =	vst v63  }
0x3d: {  	s25 =	simm.s32 $0x2000;
	v22 =	vadd.s32 v2, v22  }
0x3e: {  	[tilespmem:s25], [sflag:$0x1] =	stream.indirect_vreg.gather [hbm4b:s14+s4], $0x80, v25, vm0, $0xb8;
	[tilespmem:$0x11D00] =	vst v63  }
0x3f: {  	s26 =	simm.s32 $0x2800  }
0x40: {  	[tilespmem:s26], [sflag:$0x1] =	stream.indirect_vreg.gather [hbm4b:s15+s4], $0x80, v25, vm0, $0xb8;
	[tilespmem:$0x11D00] =	vst v63  }
0x41: {  	s28 =	simm.s32 $0x3000  }
0x42: {  	[tilespmem:s28], [sflag:$0x1] =	stream.indirect_vreg.gather [hbm4b:s7+s4], $0x80, v22, vm0, $0xb8;
	[tilespmem:$0x11D00] =	vst v63  }
0x43: {  	s29 =	simm.s32 $0x3800  }
0x44: {  	[tilespmem:s29], [sflag:$0x1] =	stream.indirect_vreg.gather [hbm4b:s13+s4], $0x80, v22, vm0, $0xb8;
	[tilespmem:$0x11D00] =	vst v63  }
.Ltmp2:
0x45: {  	_ = 	snop;
	(pc) =	sbr.rel .LBB2_2-.Ltmp2, $4  }
0x46: {  	s30 =	simm.s32 $0x4000  }
0x47: {  	[tilespmem:s30], [sflag:$0x1] =	stream.indirect_vreg.gather [hbm4b:s14+s4], $0x80, v22, vm0, $0xb8;
	[tilespmem:$0x11D00] =	vst v63  }
0x48: {  	s31 =	simm.s32 $0x4800;
	s25 =	simm.s32 $0x0  }
0x49: {  	[tilespmem:s31], [sflag:$0x1] =	stream.indirect_vreg.gather [hbm4b:s15+s4], $0x80, v22, vm0, $0xb8;
	[tilespmem:$0x11D00] =	vst v63  }
.LBB2_10:
0x4a: {  	s25 =	sadd.s32 $0x1, s25  }
0x4b: {  	p0 =	sne.s32 s25, $0x9D  }
.Ltmp3:
0x4c: {  	_ = 	snop;
	(pc) =	sbr.rel @!p0 .LBB2_11-.Ltmp3, $1  }
0x4d: {  	_ =	sdelay $0x3  }
.LBB2_2:
0x4e: {  	_ = 	snop  }
0x4f: {  	s26 =	sshllo.u32 s25, $0x1  }
0x50: {  	p0 =	sge.u32 s26, s8  }
0x51: {  	s5 =	sshll.u32 @!p0 s26, $0x4  }
0x52: {  	v22 =	vld.idx.msk @!p0 [tilespmem:v21+s5+$0xC800 ss:$0x1], $0xffff;
	_ =	sdelay $0x2  }
0x53: {  	v23 =	vld.idx.msk @!p0 [tilespmem:v21+s5+$0xA000 ss:$0x1], $0xffff;
	_ =	sdelay $0x1  }
0x54: {  	v24 =	vld.idx.msk @!p0 [tilespmem:v21+s5+$0xB400 ss:$0x1], $0xffff;
	v25 =	vshll.u32 @!p0 v22, $0x3  }
0x55: {  	v26 =	vlaneseq.u32 @!p0;
	v22 =	vand.u32 @!p0 $0x7, v22;
	v25 =	vand.u32 @!p0 $0xFFFFFFC0, v25  }
0x56: {  	v27 =	vshrl.u32 @!p0 v26, $0x3;
	v22 =	vor.u32 @!p0 v22, v25;
	v25 =	vand.u32 @!p0 $0x7, v26  }
0x57: {  	v27 =	vmul.u32 @!p0 $0x8, v27;
	v25 =	vperm.xlane @!p0 v22, v25;
	_ =	sdelay $0x1  }
0x58: {  	vm1 =	vmmov @!p0 $0xffff;
	s9 =	simm.s32 @!p0 $0x5000;
	s5 =	simm.s32 @!p0 $0x0;
	v25 =	vadd.s32 @!p0 v27, v25  }
0x59: {  	[tilespmem:s9], [sflag:$0x2] =	stream.indirect_vreg.gather @!p0 [hbm4b:s1+s5], $0x80, v23, vm1, $0xb8;
	[tilespmem:$0x11D00] =	vst v63  }
0x5a: {  	s9 =	simm.s32 @!p0 $0x5800  }
0x5b: {  	[tilespmem:s9], [sflag:$0x2] =	stream.indirect_vreg.gather @!p0 [hbm4b:s1+s5], $0x80, v24, vm1, $0xb8;
	[tilespmem:$0x11D00] =	vst v63  }
0x5c: {  	s9 =	simm.s32 @!p0 $0x6000  }
0x5d: {  	v23 =	vor.u32 @!p0 $0x8, v26;
	[tilespmem:s9], [sflag:$0x2] =	stream.indirect_vreg.gather @!p0 [hbm4b:s7+s5], $0x80, v25, vm1, $0xb8;
	[tilespmem:$0x11D00] =	vst v63  }
0x5e: {  	v22 =	vperm.xlane @!p0 v22, v23;
	s9 =	simm.s32 @!p0 $0x6800  }
0x5f: {  	[tilespmem:s9], [sflag:$0x2] =	stream.indirect_vreg.gather @!p0 [hbm4b:s13+s5], $0x80, v25, vm1, $0xb8;
	[tilespmem:$0x11D00] =	vst v63  }
0x60: {  	v22 =	vadd.s32 @!p0 v27, v22;
	s9 =	simm.s32 @!p0 $0x7000  }
0x61: {  	[tilespmem:s9], [sflag:$0x2] =	stream.indirect_vreg.gather @!p0 [hbm4b:s14+s5], $0x80, v25, vm1, $0xb8;
	[tilespmem:$0x11D00] =	vst v63  }
0x62: {  	s9 =	simm.s32 @!p0 $0x7800  }
0x63: {  	[tilespmem:s9], [sflag:$0x2] =	stream.indirect_vreg.gather @!p0 [hbm4b:s15+s5], $0x80, v25, vm1, $0xb8;
	[tilespmem:$0x11D00] =	vst v63  }
0x64: {  	s28 =	sshll.u32 s25, $0x1;
	s9 =	simm.s32 @!p0 $0x8000  }
0x65: {  	[tilespmem:s9], [sflag:$0x2] =	stream.indirect_vreg.gather @!p0 [hbm4b:s7+s5], $0x80, v22, vm1, $0xb8;
	[tilespmem:$0x11D00] =	vst v63  }
0x66: {  	p2 =	sge.u32 s28, s8;
	s9 =	simm.s32 @!p0 $0x8800  }
0x67: {  	[tilespmem:s9], [sflag:$0x2] =	stream.indirect_vreg.gather @!p0 [hbm4b:s13+s5], $0x80, v22, vm1, $0xb8;
	[tilespmem:$0x11D00] =	vst v63  }
.Ltmp4:
0x68: {  	_ = 	snop;
	(pc) =	sbr.rel @p2 .LBB2_6-.Ltmp4, $4  }
0x69: {  	s9 =	simm.s32 @!p0 $0x9000  }
0x6a: {  	[tilespmem:s9], [sflag:$0x2] =	stream.indirect_vreg.gather @!p0 [hbm4b:s14+s5], $0x80, v22, vm1, $0xb8;
	[tilespmem:$0x11D00] =	vst v63  }
0x6b: {  	p1 =	seq.s32 s25, $0x0;
	s9 =	simm.s32 @!p0 $0x9800  }
0x6c: {  	[tilespmem:s9], [sflag:$0x2] =	stream.indirect_vreg.gather @!p0 [hbm4b:s15+s5], $0x80, v22, vm1, $0xb8;
	[tilespmem:$0x11D00] =	vst v63  }
0x6d: {  	s5 =	simm.s32 @!p1 $0x3  }
0x6e: {  	_ =	swait.ge @!p1 [sflag:s5], $0x10  }
0x6f: {  	[sflag:s5] =	ssyncset.done @!p1 $0x0  }
0x70: {  	[sflag:s5] =	ssyncadd.s32 @!p1 $0xFFFFFFF0  }
0x71: {  	_ =	swait.ge [sflag:s2], $0x800  }
0x72: {  	[sflag:s2] =	ssyncset.done $0x0  }
0x73: {  	[sflag:s2] =	ssyncadd.s32 $0xFFFFF800  }
0x74: {  	_ =	swait.ge [sflag:s2], $0x800  }
0x75: {  	[sflag:s2] =	ssyncset.done $0x0  }
0x76: {  	[sflag:s2] =	ssyncadd.s32 $0xFFFFF800  }
0x77: {  	_ =	swait.ge [sflag:s2], $0x4000  }
0x78: {  	[sflag:s2] =	ssyncset.done $0x0  }
0x79: {  	s29 =	sshll.u32 s25, $0x5;
	[sflag:s2] =	ssyncadd.s32 $0xFFFFC000  }
0x7a: {  	s30 =	simm.s32 $0x0;
	v22 =	vld.idx.msk [tilespmem:v6+s29+$0x0 ss:$0x1], $0xffff  }
.LBB2_4:
0x7b: {  	s5 =	sshll.u32 s30, $0x7  }
0x7c: {  	v24 =	vld [tilespmem:s5+$0x0]  }
0x7d: {  	v25 =	vld [tilespmem:s5+$0x800];
	_ =	sdelay $0x3  }
0x7e: {  	s31 =	sshll.u32 s30, $0xA  }
0x7f: {  	s11 =	sand.u32 $0x2000, s31;
	v24 =	vsub.f32 v24, v25  }
0x80: {  	v23 =	vmov s30;
	s9 =	sand.u32 $0x200, s5;
	s11 =	sor.u32 $0x1000, s11  }
0x81: {  	v23 =	vperm.xlane v22, v23;
	s12 =	sor.u32 s9, s11;
	v28 =	vperm.xlane v24, v5  }
0x82: {  	v26 =	vld [tilespmem:s12+$0x0];
	v30 =	vperm.xlane v24, v7;
	v31 =	vperm.xlane v24, v8  }
0x83: {  	v27 =	vld [tilespmem:s12+$0x10];
	v32 =	vperm.xlane v24, v9;
	v40 =	vperm.xlane v24, v4  }
0x84: {  	v29 =	vld [tilespmem:s12+$0x20];
	v42 =	vperm.xlane v24, v10;
	v33 =	vperm.xlane v24, v11  }
0x85: {  	v38 =	vld [tilespmem:s12+$0x30];
	v34 =	vperm.xlane v24, v12;
	v47 =	vperm.xlane v24, v13  }
0x86: {  	v43 =	vld [tilespmem:s12+$0x40];
	v48 =	vperm.xlane v24, v14;
	v50 =	vperm.xlane v24, v15  }
0x87: {  	v23 =	vshll.u32 v23, $0x4;
	v35 =	vld [tilespmem:s12+$0x50];
	v55 =	vperm.xlane v24, v16;
	v58 =	vperm.xlane v24, v17  }
0x88: {  	v23 =	vor.u32 v0, v23;
	v60 =	vperm.xlane v24, v18;
	v62 =	vperm.xlane v24, v19  }
0x89: {  	v54 =	vld [tilespmem:s5+$0x10];
	v24 =	vperm.xlane v24, v20;
	v36 =	vunpack.i.u.bf16.f32 v26;
	v26 =	vunpack.i.l.bf16.f32 v26  }
0x8a: {  	v56 =	vld [tilespmem:s5+$0x810];
	v37 =	vunpack.i.l.bf16.f32 v27;
	v27 =	vunpack.i.u.bf16.f32 v27;
	v41 =	vunpack.i.l.bf16.f32 v29  }
0x8b: {  	v52 =	vld [tilespmem:s12+$0x70];
	v29 =	vunpack.i.u.bf16.f32 v29;
	v44 =	vunpack.i.u.bf16.f32 v38;
	v49 =	vunpack.i.u.bf16.f32 v43  }
0x8c: {  	v63 =	vld [tilespmem:s12+$0x400];
	v51 =	vunpack.i.l.bf16.f32 v35;
	v26 =	vmul.f32 v28, v26;
	v25 =	vmul.f32 v30, v36  }
0x8d: {  	v57 =	vunpack.i.u.bf16.f32 v35;
	v28 =	vmul.f32 v31, v37;
	v39 =	vmul.f32 v32, v27  }
0x8e: {  	v27 =	vmul.f32 v40, v41;
	v29 =	vmul.f32 v42, v29;
	v30 =	vunpack.i.l.bf16.f32 v38  }
0x8f: {  	v46 =	vmul.f32 v34, v44;
	v32 =	vunpack.i.l.bf16.f32 v43;
	v31 =	vmul.f32 v48, v49  }
0x90: {  	v23 =	vld.idx.msk [tilespmem:v23+s21+$0x0], $0xffff;
	v53 =	vmul.f32 v50, v51;
	v45 =	vmul.f32 v33, v30;
	v30 =	vsub.f32 v54, v56  }
0x91: {  	v38 =	vunpack.i.l.bf16.f32 v52;
	v41 =	vunpack.i.l.bf16.f32 v63;
	v33 =	vunpack.i.u.bf16.f32 v52  }
0x92: {  	v36 =	vld [tilespmem:s12+$0x60];
	v44 =	vunpack.i.u.bf16.f32 v63;
	v24 =	vmul.f32 v24, v33;
	v40 =	vperm.xlane v30, v5  }
0x93: {  	v43 =	vld [tilespmem:s12+$0x420];
	v25 =	vadd.f32 $0.0e+00, v25;
	v42 =	vperm.xlane v30, v7;
	v48 =	vperm.xlane v30, v9  }
0x94: {  	v28 =	vadd.f32 $0.0e+00, v28;
	v50 =	vperm.xlane v30, v4;
	v52 =	vperm.xlane v30, v10  }
0x95: {  	v54 =	vld [tilespmem:s12+$0x440];
	v63 =	vperm.xlane v30, v14;
	v23 =	vadd.f32 v26, v23;
	v26 =	vadd.f32 $0.0e+00, v39  }
0x96: {  	v25 =	vadd.f32 v29, v25;
	v29 =	vmul.f32 v47, v32;
	v32 =	vmul.f32 v62, v38  }
0x97: {  	v59 =	vunpack.i.l.bf16.f32 v36;
	v61 =	vunpack.i.u.bf16.f32 v36;
	v23 =	vadd.f32 v27, v23  }
0x98: {  	v39 =	vld [tilespmem:s12+$0x410];
	v51 =	vunpack.i.l.bf16.f32 v43;
	v27 =	vadd.f32 v45, v28;
	v26 =	vadd.f32 v46, v26  }
0x99: {  	v25 =	vadd.f32 v31, v25;
	v28 =	vmul.f32 v58, v59;
	v34 =	vmul.f32 v60, v61  }
0x9a: {  	v45 =	vperm.xlane v30, v8;
	v58 =	vperm.xlane v30, v12;
	v60 =	vunpack.i.u.bf16.f32 v54  }
0x9b: {  	v46 =	vld [tilespmem:s12+$0x430];
	v61 =	vperm.xlane v30, v13;
	v23 =	vadd.f32 v29, v23;
	v29 =	vmul.f32 v55, v57  }
0x9c: {  	v62 =	vunpack.i.l.bf16.f32 v54;
	v27 =	vadd.f32 v53, v27;
	v25 =	vadd.f32 v34, v25  }
0x9d: {  	v53 =	vperm.xlane v30, v11;
	v47 =	vunpack.i.l.bf16.f32 v39;
	v26 =	vadd.f32 v29, v26  }
0x9e: {  	v49 =	vunpack.i.u.bf16.f32 v39;
	v23 =	vadd.f32 v28, v23;
	v27 =	vadd.f32 v32, v27  }
0x9f: {  	v57 =	vld [tilespmem:s12+$0x450];
	v29 =	vmul.f32 v42, v44;
	v28 =	vmul.f32 v45, v47;
	v32 =	vunpack.i.u.bf16.f32 v43  }
0xa0: {  	v43 =	vperm.xlane v30, v16;
	v55 =	vunpack.i.l.bf16.f32 v46;
	v56 =	vmul.f32 v52, v32  }
0xa1: {  	v59 =	vunpack.i.u.bf16.f32 v46;
	v52 =	vperm.xlane v30, v19;
	v24 =	vadd.f32 v24, v26  }
0xa2: {  	v26 =	vmul.f32 v40, v41;
	v25 =	vadd.f32 v29, v25;
	v29 =	vmul.f32 v50, v51  }
0xa3: {  	v44 =	vld [tilespmem:s12+$0x470];
	v27 =	vadd.f32 v28, v27;
	v31 =	vmul.f32 v53, v55;
	v40 =	vperm.xlane v30, v15  }
0xa4: {  	v37 =	vld [tilespmem:s12+$0x830];
	v28 =	vmul.f32 v63, v60;
	v51 =	vperm.xlane v30, v18;
	v42 =	vunpack.i.l.bf16.f32 v57  }
0xa5: {  	v47 =	vld [tilespmem:s5+$0x820];
	v32 =	vunpack.i.u.bf16.f32 v57;
	v23 =	vadd.f32 v26, v23;
	v26 =	vmul.f32 v48, v49  }
0xa6: {  	v46 =	vld [tilespmem:s5+$0x20];
	v27 =	vadd.f32 v31, v27;
	v31 =	vmul.f32 v40, v42;
	v45 =	vmul.f32 v43, v32  }
0xa7: {  	v41 =	vld [tilespmem:s12+$0x460];
	v25 =	vadd.f32 v56, v25;
	v49 =	vperm.xlane v30, v17;
	v30 =	vperm.xlane v30, v20  }
0xa8: {  	v53 =	vld [tilespmem:s12+$0x800];
	v54 =	vunpack.i.l.bf16.f32 v44;
	v33 =	vunpack.i.u.bf16.f32 v44;
	v24 =	vadd.f32 v26, v24  }
0xa9: {  	v23 =	vadd.f32 v29, v23;
	v26 =	vmul.f32 v58, v59;
	v29 =	vmul.f32 v61, v62  }
0xaa: {  	v25 =	vadd.f32 v28, v25;
	v27 =	vadd.f32 v31, v27;
	v32 =	vmul.f32 v52, v54  }
0xab: {  	v55 =	vld [tilespmem:s12+$0x810];
	v30 =	vmul.f32 v30, v33;
	v28 =	vsub.f32 v46, v47;
	v46 =	vunpack.i.u.bf16.f32 v37  }
0xac: {  	v33 =	vunpack.i.l.bf16.f32 v37;
	v48 =	vunpack.i.u.bf16.f32 v41;
	v50 =	vunpack.i.l.bf16.f32 v41  }
0xad: {  	v57 =	vunpack.i.u.bf16.f32 v53;
	v24 =	vadd.f32 v26, v24;
	v31 =	vmul.f32 v49, v50  }
0xae: {  	v42 =	vld [tilespmem:s12+$0x840];
	v23 =	vadd.f32 v29, v23;
	v26 =	vmul.f32 v51, v48;
	v29 =	vperm.xlane v28, v5  }
0xaf: {  	v59 =	vunpack.i.l.bf16.f32 v53;
	v60 =	vperm.xlane v28, v7;
	v61 =	vperm.xlane v28, v8  }
0xb0: {  	v62 =	vunpack.i.l.bf16.f32 v55;
	v63 =	vperm.xlane v28, v9;
	v39 =	vperm.xlane v28, v4  }
0xb1: {  	v36 =	vunpack.i.u.bf16.f32 v55;
	v41 =	vperm.xlane v28, v10;
	v43 =	vperm.xlane v28, v11  }
0xb2: {  	v58 =	vld [tilespmem:s12+$0x820];
	v56 =	vadd.f32 v32, v27;
	v44 =	vperm.xlane v28, v12;
	v48 =	vperm.xlane v28, v13  }
0xb3: {  	v52 =	vld [tilespmem:s12+$0x860];
	v49 =	vperm.xlane v28, v14;
	v51 =	vperm.xlane v28, v15;
	v50 =	vunpack.i.u.bf16.f32 v42  }
0xb4: {  	v24 =	vadd.f32 v45, v24;
	v29 =	vmul.f32 v29, v59;
	v27 =	vmul.f32 v60, v57  }
0xb5: {  	v23 =	vadd.f32 v31, v23;
	v31 =	vmul.f32 v61, v62;
	v38 =	vmul.f32 v63, v36  }
0xb6: {  	v55 =	vld [tilespmem:s12+$0x870];
	v25 =	vadd.f32 v26, v25;
	v47 =	vmul.f32 v43, v33;
	v53 =	vmul.f32 v49, v50  }
0xb7: {  	v61 =	vperm.xlane v28, v17;
	v63 =	vperm.xlane v28, v18;
	v40 =	vunpack.i.l.bf16.f32 v58  }
0xb8: {  	v62 =	vunpack.i.l.bf16.f32 v52;
	v24 =	vadd.f32 v30, v24;
	v23 =	vadd.f32 v29, v23  }
0xb9: {  	v25 =	vadd.f32 v27, v25;
	v26 =	vadd.f32 v31, v56;
	v27 =	vmul.f32 v39, v40  }
0xba: {  	v45 =	vld [tilespmem:s12+$0x850];
	v30 =	vunpack.i.u.bf16.f32 v58;
	v31 =	vunpack.i.l.bf16.f32 v42;
	v58 =	vperm.xlane v28, v16  }
0xbb: {  	v57 =	vld [tilespmem:s5+$0x30];
	v40 =	vunpack.i.u.bf16.f32 v52;
	v43 =	vunpack.i.l.bf16.f32 v55;
	v29 =	vmul.f32 v41, v30  }
0xbc: {  	v59 =	vld [tilespmem:s5+$0x830];
	v33 =	vunpack.i.u.bf16.f32 v55;
	v30 =	vmul.f32 v44, v46;
	v41 =	vperm.xlane v28, v19  }
0xbd: {  	v49 =	vld [tilespmem:s12+$0xC20];
	v34 =	vmul.f32 v63, v40;
	v28 =	vperm.xlane v28, v20;
	v24 =	vadd.f32 v38, v24  }
0xbe: {  	v42 =	vld [tilespmem:s12+$0xC00];
	v23 =	vadd.f32 v27, v23;
	v26 =	vadd.f32 v47, v26;
	v27 =	vmul.f32 v61, v62  }
0xbf: {  	v52 =	vld [tilespmem:s12+$0xC30];
	v25 =	vadd.f32 v29, v25;
	v29 =	vmul.f32 v48, v31;
	v54 =	vunpack.i.l.bf16.f32 v45  }
0xc0: {  	v60 =	vunpack.i.u.bf16.f32 v45;
	v32 =	vmul.f32 v41, v43;
	v45 =	vmul.f32 v28, v33  }
0xc1: {  	v44 =	vld [tilespmem:s12+$0xC10];
	v24 =	vadd.f32 v30, v24;
	v56 =	vmul.f32 v51, v54;
	v30 =	vsub.f32 v57, v59  }
0xc2: {  	v57 =	vunpack.i.l.bf16.f32 v49;
	v23 =	vadd.f32 v29, v23;
	v25 =	vadd.f32 v53, v25  }
0xc3: {  	v29 =	vmul.f32 v58, v60;
	v47 =	vunpack.i.l.bf16.f32 v42;
	v50 =	vunpack.i.u.bf16.f32 v42  }
0xc4: {  	v61 =	vunpack.i.l.bf16.f32 v52;
	v40 =	vunpack.i.u.bf16.f32 v52;
	v46 =	vperm.xlane v30, v5  }
0xc5: {  	v26 =	vadd.f32 v56, v26;
	v48 =	vperm.xlane v30, v7;
	v51 =	vperm.xlane v30, v8  }
0xc6: {  	v53 =	vunpack.i.l.bf16.f32 v44;
	v54 =	vperm.xlane v30, v9;
	v56 =	vperm.xlane v30, v4  }
0xc7: {  	v63 =	vld [tilespmem:s12+$0xC50];
	v55 =	vunpack.i.u.bf16.f32 v44;
	v58 =	vperm.xlane v30, v10;
	v59 =	vperm.xlane v30, v11  }
0xc8: {  	v39 =	vperm.xlane v30, v12;
	v42 =	vperm.xlane v30, v13;
	v24 =	vadd.f32 v29, v24  }
0xc9: {  	v44 =	vperm.xlane v30, v14;
	v23 =	vadd.f32 v27, v23;
	v25 =	vadd.f32 v34, v25  }
0xca: {  	v26 =	vadd.f32 v32, v26;
	v27 =	vmul.f32 v46, v47;
	v29 =	vmul.f32 v48, v50  }
0xcb: {  	v60 =	vld [tilespmem:s12+$0xC40];
	v28 =	vmul.f32 v51, v53;
	v32 =	vunpack.i.u.bf16.f32 v49;
	v31 =	vmul.f32 v59, v61  }
0xcc: {  	v47 =	vunpack.i.l.bf16.f32 v63;
	v48 =	vperm.xlane v30, v16;
	v24 =	vadd.f32 v45, v24  }
0xcd: {  	v62 =	vmul.f32 v58, v32;
	v45 =	vperm.xlane v30, v15;
	v32 =	vunpack.i.u.bf16.f32 v63  }
0xce: {  	v23 =	vadd.f32 v27, v23;
	v25 =	vadd.f32 v29, v25;
	v27 =	vmul.f32 v54, v55  }
0xcf: {  	v46 =	vld [tilespmem:s12+$0xC60];
	v29 =	vmul.f32 v56, v57;
	v26 =	vadd.f32 v28, v26;
	v50 =	vmul.f32 v48, v32  }
0xd0: {  	v49 =	vld [tilespmem:s12+$0xC70];
	v41 =	vunpack.i.u.bf16.f32 v60;
	v54 =	vperm.xlane v30, v17;
	v56 =	vperm.xlane v30, v18  }
0xd1: {  	s9 =	sor.u32 s31, s9;
	v52 =	vld [tilespmem:s5+$0x840];
	v43 =	vunpack.i.l.bf16.f32 v60;
	v57 =	vperm.xlane v30, v19;
	v30 =	vperm.xlane v30, v20  }
0xd2: {  	s16 =	sor.u32 $0x1000, s9;
	v51 =	vld [tilespmem:s5+$0x40];
	v28 =	vmul.f32 v44, v41;
	v24 =	vadd.f32 v27, v24;
	v23 =	vadd.f32 v29, v23  }
0xd3: {  	s22 =	sor.u32 $0x1010, s9;
	v58 =	vld [tilespmem:s16+$0x1000];
	v25 =	vadd.f32 v62, v25;
	v26 =	vadd.f32 v31, v26;
	v27 =	vmul.f32 v39, v40  }
0xd4: {  	v60 =	vld [tilespmem:s22+$0x1000];
	v29 =	vmul.f32 v42, v43;
	v31 =	vmul.f32 v45, v47;
	v53 =	vunpack.i.u.bf16.f32 v46  }
0xd5: {  	v55 =	vunpack.i.l.bf16.f32 v46;
	v59 =	vunpack.i.l.bf16.f32 v49;
	v24 =	vadd.f32 v27, v24  }
0xd6: {  	v33 =	vunpack.i.u.bf16.f32 v49;
	v23 =	vadd.f32 v29, v23;
	v25 =	vadd.f32 v28, v25  }
0xd7: {  	v26 =	vadd.f32 v31, v26;
	v31 =	vmul.f32 v54, v55;
	v27 =	vmul.f32 v56, v53  }
0xd8: {  	s22 =	sor.u32 $0x1030, s9;
	v32 =	vmul.f32 v57, v59;
	v30 =	vmul.f32 v30, v33;
	v28 =	vsub.f32 v51, v52  }
0xd9: {  	v41 =	vld [tilespmem:s22+$0x1000];
	v61 =	vunpack.i.u.bf16.f32 v58;
	v63 =	vunpack.i.l.bf16.f32 v58;
	v38 =	vunpack.i.l.bf16.f32 v60  }
0xda: {  	s16 =	sor.u32 $0x1020, s9;
	v40 =	vunpack.i.u.bf16.f32 v60;
	v24 =	vadd.f32 v50, v24;
	v29 =	vperm.xlane v28, v5  }
0xdb: {  	v62 =	vld [tilespmem:s16+$0x1000];
	v23 =	vadd.f32 v31, v23;
	v36 =	vperm.xlane v28, v7;
	v37 =	vperm.xlane v28, v8  }
0xdc: {  	s16 =	sor.u32 $0x1040, s9;
	v25 =	vadd.f32 v27, v25;
	v39 =	vperm.xlane v28, v9;
	v43 =	vperm.xlane v28, v4  }
0xdd: {  	s22 =	sor.u32 $0x1050, s9;
	v46 =	vld [tilespmem:s16+$0x1000];
	v26 =	vadd.f32 v32, v26;
	v45 =	vperm.xlane v28, v10;
	v47 =	vperm.xlane v28, v11  }
0xde: {  	v49 =	vld [tilespmem:s22+$0x1000];
	s16 =	sor.u32 $0x1060, s9;
	v48 =	vperm.xlane v28, v12;
	v50 =	vunpack.i.u.bf16.f32 v41;
	v52 =	vperm.xlane v28, v13  }
0xdf: {  	s22 =	sor.u32 $0x1070, s9;
	v56 =	vld [tilespmem:s16+$0x1000];
	v33 =	vunpack.i.l.bf16.f32 v41;
	v53 =	vperm.xlane v28, v14;
	v55 =	vperm.xlane v28, v15  }
0xe0: {  	v59 =	vld [tilespmem:s22+$0x1000];
	v44 =	vunpack.i.l.bf16.f32 v62;
	v29 =	vmul.f32 v29, v63;
	v27 =	vmul.f32 v36, v61  }
0xe1: {  	v24 =	vadd.f32 v30, v24;
	v31 =	vmul.f32 v37, v38;
	v42 =	vmul.f32 v39, v40  }
0xe2: {  	v30 =	vunpack.i.u.bf16.f32 v62;
	v51 =	vmul.f32 v47, v33;
	v54 =	vunpack.i.u.bf16.f32 v46  }
0xe3: {  	v58 =	vunpack.i.l.bf16.f32 v49;
	v62 =	vperm.xlane v28, v16;
	v40 =	vperm.xlane v28, v17  }
0xe4: {  	v39 =	vunpack.i.u.bf16.f32 v49;
	v57 =	vmul.f32 v53, v54;
	v60 =	vmul.f32 v55, v58  }
0xe5: {  	v41 =	vunpack.i.l.bf16.f32 v56;
	v33 =	vunpack.i.u.bf16.f32 v59;
	v23 =	vadd.f32 v29, v23  }
0xe6: {  	v61 =	vld [tilespmem:s5+$0x50];
	v25 =	vadd.f32 v27, v25;
	v26 =	vadd.f32 v31, v26;
	v27 =	vmul.f32 v43, v44  }
0xe7: {  	s22 =	sor.u32 $0x1410, s9;
	v63 =	vld [tilespmem:s5+$0x850];
	v24 =	vadd.f32 v42, v24;
	v29 =	vmul.f32 v45, v30;
	v30 =	vmul.f32 v48, v50  }
0xe8: {  	v47 =	vld [tilespmem:s22+$0x1000];
	v31 =	vunpack.i.l.bf16.f32 v46;
	v42 =	vperm.xlane v28, v18;
	v43 =	vunpack.i.u.bf16.f32 v56  }
0xe9: {  	s22 =	sor.u32 $0x1430, s9;
	v44 =	vperm.xlane v28, v19;
	v46 =	vunpack.i.l.bf16.f32 v59;
	v28 =	vperm.xlane v28, v20  }
0xea: {  	v55 =	vld [tilespmem:s22+$0x1000];
	v23 =	vadd.f32 v27, v23;
	v25 =	vadd.f32 v29, v25;
	v29 =	vmul.f32 v52, v31  }
0xeb: {  	s16 =	sor.u32 $0x1400, s9;
	v26 =	vadd.f32 v51, v26;
	v27 =	vmul.f32 v40, v41;
	v34 =	vmul.f32 v42, v43  }
0xec: {  	v45 =	vld [tilespmem:s16+$0x1000];
	v24 =	vadd.f32 v30, v24;
	v32 =	vmul.f32 v44, v46;
	v48 =	vmul.f32 v28, v33  }
0xed: {  	v30 =	vsub.f32 v61, v63;
	v56 =	vunpack.i.l.bf16.f32 v47;
	v23 =	vadd.f32 v29, v23  }
0xee: {  	v58 =	vunpack.i.u.bf16.f32 v47;
	v25 =	vadd.f32 v57, v25;
	v26 =	vadd.f32 v60, v26  }
0xef: {  	v29 =	vmul.f32 v62, v39;
	v39 =	vunpack.i.l.bf16.f32 v55;
	v49 =	vperm.xlane v30, v5  }
0xf0: {  	s16 =	sor.u32 $0x1420, s9;
	v43 =	vunpack.i.u.bf16.f32 v55;
	v51 =	vperm.xlane v30, v7;
	v54 =	vperm.xlane v30, v8  }
0xf1: {  	s22 =	sor.u32 $0x1450, s9;
	v52 =	vld [tilespmem:s16+$0x1000];
	v50 =	vunpack.i.l.bf16.f32 v45;
	v57 =	vperm.xlane v30, v9;
	v59 =	vperm.xlane v30, v4  }
0xf2: {  	v41 =	vld [tilespmem:s22+$0x1000];
	v53 =	vunpack.i.u.bf16.f32 v45;
	v61 =	vperm.xlane v30, v10;
	v62 =	vperm.xlane v30, v11  }
0xf3: {  	s16 =	sor.u32 $0x1440, s9;
	v42 =	vperm.xlane v30, v12;
	v45 =	vperm.xlane v30, v13;
	v24 =	vadd.f32 v29, v24  }
0xf4: {  	v63 =	vld [tilespmem:s16+$0x1000];
	v37 =	vperm.xlane v30, v16;
	v23 =	vadd.f32 v27, v23;
	v25 =	vadd.f32 v34, v25  }
0xf5: {  	v26 =	vadd.f32 v32, v26;
	v27 =	vmul.f32 v49, v50;
	v29 =	vmul.f32 v51, v53  }
0xf6: {  	s16 =	sor.u32 $0x1460, s9;
	v28 =	vmul.f32 v54, v56;
	v60 =	vunpack.i.l.bf16.f32 v52;
	v32 =	vunpack.i.u.bf16.f32 v52  }
0xf7: {  	v46 =	vld [tilespmem:s16+$0x1000];
	v31 =	vmul.f32 v62, v39;
	v49 =	vperm.xlane v30, v15;
	v51 =	vunpack.i.l.bf16.f32 v41  }
0xf8: {  	v54 =	vperm.xlane v30, v17;
	v24 =	vadd.f32 v48, v24;
	v40 =	vmul.f32 v61, v32  }
0xf9: {  	v44 =	vunpack.i.u.bf16.f32 v63;
	v47 =	vunpack.i.l.bf16.f32 v63;
	v48 =	vperm.xlane v30, v14  }
0xfa: {  	v38 =	vld [tilespmem:s5+$0x60];
	s22 =	sor.u32 $0x1470, s9;
	v32 =	vunpack.i.u.bf16.f32 v41;
	v23 =	vadd.f32 v27, v23;
	v25 =	vadd.f32 v29, v25  }
0xfb: {  	v50 =	vld [tilespmem:s22+$0x1000];
	v27 =	vmul.f32 v57, v58;
	v29 =	vmul.f32 v59, v60;
	v26 =	vadd.f32 v28, v26  }
0xfc: {  	v52 =	vld [tilespmem:s5+$0x860];
	v33 =	vmul.f32 v49, v51;
	v53 =	vmul.f32 v37, v32;
	v55 =	vunpack.i.l.bf16.f32 v46  }
0xfd: {  	v58 =	vunpack.i.u.bf16.f32 v46;
	v59 =	vperm.xlane v30, v18;
	v60 =	vperm.xlane v30, v19  }
0xfe: {  	v30 =	vperm.xlane v30, v20;
	v28 =	vmul.f32 v48, v44;
	v24 =	vadd.f32 v27, v24  }
0xff: {  	s22 =	sor.u32 $0x1810, s9;
	v56 =	vmul.f32 v54, v55;
	v23 =	vadd.f32 v29, v23;
	v25 =	vadd.f32 v40, v25  }
0x100: {  	v63 =	vld [tilespmem:s22+$0x1000];
	v26 =	vadd.f32 v31, v26;
	v27 =	vmul.f32 v42, v43;
	v29 =	vmul.f32 v45, v47  }
0x101: {  	s16 =	sor.u32 $0x1800, s9;
	v61 =	vunpack.i.l.bf16.f32 v50;
	v34 =	vsub.f32 v38, v52;
	v62 =	vunpack.i.u.bf16.f32 v50  }
0x102: {  	v57 =	vld [tilespmem:s16+$0x1000];
	v24 =	vadd.f32 v27, v24;
	v23 =	vadd.f32 v29, v23;
	v29 =	vmul.f32 v59, v58  }
0x103: {  	v25 =	vadd.f32 v28, v25;
	v32 =	vmul.f32 v60, v61;
	v35 =	vmul.f32 v30, v62  }
0x104: {  	v26 =	vadd.f32 v33, v26;
	v36 =	vperm.xlane v34, v5;
	v39 =	vperm.xlane v34, v7  }
0x105: {  	s16 =	sor.u32 $0x1820, s9;
	v44 =	vunpack.i.u.bf16.f32 v63;
	v41 =	vperm.xlane v34, v8;
	v42 =	vperm.xlane v34, v9  }
0x106: {  	s22 =	sor.u32 $0x1830, s9;
	v40 =	vld [tilespmem:s16+$0x1000];
	v33 =	vunpack.i.l.bf16.f32 v63;
	v46 =	vperm.xlane v34, v4;
	v47 =	vperm.xlane v34, v10  }
0x107: {  	v43 =	vld [tilespmem:s22+$0x1000];
	v37 =	vunpack.i.l.bf16.f32 v57;
	v49 =	vperm.xlane v34, v11;
	v55 =	vperm.xlane v34, v12  }
0x108: {  	s16 =	sor.u32 $0x1840, s9;
	v28 =	vunpack.i.u.bf16.f32 v57;
	v57 =	vperm.xlane v34, v13;
	v59 =	vperm.xlane v34, v14  }
0x109: {  	s22 =	sor.u32 $0x1850, s9;
	v50 =	vld [tilespmem:s16+$0x1000];
	v62 =	vperm.xlane v34, v15;
	v24 =	vadd.f32 v53, v24;
	v23 =	vadd.f32 v56, v23  }
0x10a: {  	v54 =	vld [tilespmem:s22+$0x1000];
	v25 =	vadd.f32 v29, v25;
	v38 =	vmul.f32 v36, v37;
	v28 =	vmul.f32 v39, v28  }
0x10b: {  	v26 =	vadd.f32 v32, v26;
	v45 =	vmul.f32 v41, v33;
	v29 =	vmul.f32 v42, v44  }
0x10c: {  	v48 =	vunpack.i.u.bf16.f32 v40;
	v30 =	vunpack.i.l.bf16.f32 v40;
	v52 =	vunpack.i.l.bf16.f32 v43  }
0x10d: {  	s16 =	sor.u32 $0x1860, s9;
	v56 =	vunpack.i.u.bf16.f32 v43;
	v41 =	vperm.xlane v34, v16;
	v24 =	vadd.f32 v35, v24  }
0x10e: {  	s22 =	sor.u32 $0x1870, s9;
	v60 =	vld [tilespmem:s16+$0x1000];
	v51 =	vmul.f32 v47, v48;
	v53 =	vmul.f32 v49, v52;
	v58 =	vunpack.i.l.bf16.f32 v50  }
0x10f: {  	v63 =	vld [tilespmem:s22+$0x1000];
	v61 =	vunpack.i.u.bf16.f32 v50;
	v40 =	vunpack.i.l.bf16.f32 v54;
	v47 =	vperm.xlane v34, v17  }
0x110: {  	v43 =	vunpack.i.u.bf16.f32 v54;
	v48 =	vperm.xlane v34, v18;
	v50 =	vperm.xlane v34, v19  }
0x111: {  	v23 =	vadd.f32 v38, v23;
	v25 =	vadd.f32 v28, v25;
	v28 =	vmul.f32 v46, v30  }
0x112: {  	s22 =	sor.u32 $0x1C10, s9;
	v42 =	vld [tilespmem:s5+$0x70];
	v26 =	vadd.f32 v45, v26;
	v27 =	vmul.f32 v57, v58;
	v31 =	vmul.f32 v59, v61  }
0x113: {  	v54 =	vld [tilespmem:s22+$0x1000];
	v44 =	vmul.f32 v62, v40;
	v46 =	vmul.f32 v41, v43;
	v49 =	vunpack.i.u.bf16.f32 v60  }
0x114: {  	s12 =	sor.u32 $0x1C20, s9;
	v45 =	vld [tilespmem:s5+$0x870];
	v32 =	vunpack.i.l.bf16.f32 v60;
	v52 =	vunpack.i.l.bf16.f32 v63;
	v24 =	vadd.f32 v29, v24  }
0x115: {  	v60 =	vld [tilespmem:s12+$0x1000];
	v29 =	vmul.f32 v48, v49;
	v23 =	vadd.f32 v28, v23;
	v28 =	vmul.f32 v55, v56  }
0x116: {  	v25 =	vadd.f32 v51, v25;
	v26 =	vadd.f32 v53, v26;
	v53 =	vmul.f32 v50, v52  }
0x117: {  	v55 =	vperm.xlane v34, v20;
	v24 =	vadd.f32 v28, v24;
	v23 =	vadd.f32 v27, v23  }
0x118: {  	s16 =	sor.u32 $0x1C00, s9;
	v56 =	vunpack.i.u.bf16.f32 v63;
	v25 =	vadd.f32 v31, v25;
	v26 =	vadd.f32 v44, v26  }
0x119: {  	v51 =	vld [tilespmem:s16+$0x1000];
	v28 =	vmul.f32 v47, v32;
	v40 =	vunpack.i.l.bf16.f32 v54;
	v30 =	vsub.f32 v42, v45  }
0x11a: {  	v31 =	vunpack.i.u.bf16.f32 v54;
	v33 =	vunpack.i.l.bf16.f32 v60;
	v24 =	vadd.f32 v46, v24  }
0x11b: {  	v23 =	vadd.f32 v28, v23;
	v28 =	vmul.f32 v55, v56;
	v57 =	vperm.xlane v30, v5  }
0x11c: {  	v25 =	vadd.f32 v29, v25;
	v59 =	vperm.xlane v30, v7;
	v62 =	vperm.xlane v30, v8  }
0x11d: {  	s22 =	sor.u32 $0x1C40, s9;
	v26 =	vadd.f32 v53, v26;
	v42 =	vperm.xlane v30, v9;
	v43 =	vperm.xlane v30, v4  }
0x11e: {  	v47 =	vld [tilespmem:s22+$0x1000];
	v58 =	vunpack.i.l.bf16.f32 v51;
	v44 =	vperm.xlane v30, v10;
	v49 =	vperm.xlane v30, v11  }
0x11f: {  	s16 =	sor.u32 $0x1C30, s9;
	v61 =	vunpack.i.u.bf16.f32 v51;
	v51 =	vperm.xlane v30, v12;
	v52 =	vperm.xlane v30, v13  }
0x120: {  	s5 =	sor.u32 $0x1, s30;
	v45 =	vld [tilespmem:s16+$0x1000];
	v46 =	vunpack.i.u.bf16.f32 v60;
	v60 =	vperm.xlane v30, v15;
	v27 =	vmul.f32 v57, v58  }
0x121: {  	v56 =	vmov s5;
	v63 =	vmul.f32 v59, v61;
	v41 =	vmul.f32 v62, v40  }
0x122: {  	s12 =	sor.u32 $0x1C50, s9;
	v24 =	vadd.f32 v28, v24;
	v29 =	vmul.f32 v42, v31;
	v48 =	vmul.f32 v43, v33  }
0x123: {  	v55 =	vld [tilespmem:s12+$0x1000];
	v31 =	vmul.f32 v44, v46;
	v54 =	vunpack.i.l.bf16.f32 v47;
	v57 =	vperm.xlane v30, v14  }
0x124: {  	v59 =	vunpack.i.u.bf16.f32 v47;
	v40 =	vperm.xlane v30, v16;
	v42 =	vperm.xlane v30, v17  }
0x125: {  	s16 =	sor.u32 $0x1C60, s9;
	v50 =	vunpack.i.l.bf16.f32 v45;
	v53 =	vunpack.i.u.bf16.f32 v45;
	v28 =	vmul.f32 v52, v54  }
0x126: {  	s9 =	sor.u32 $0x1C70, s9;
	v58 =	vld [tilespmem:s16+$0x1000];
	v45 =	vperm.xlane v30, v18;
	v23 =	vadd.f32 v27, v23;
	v25 =	vadd.f32 v63, v25  }
0x127: {  	v43 =	vld [tilespmem:s9+$0x1000];
	v52 =	vperm.xlane v30, v20;
	v26 =	vadd.f32 v41, v26;
	v24 =	vadd.f32 v29, v24  }
0x128: {  	s12 =	sshll.u32 s5, $0x7;
	v27 =	vmul.f32 v49, v50;
	v29 =	vmul.f32 v51, v53;
	v63 =	vunpack.i.l.bf16.f32 v55  }
0x129: {  	s22 =	sand.u32 $0x280, s12;
	v62 =	vld [tilespmem:s12+$0x0];
	v33 =	vunpack.i.u.bf16.f32 v55;
	v50 =	vperm.xlane v30, v19;
	v23 =	vadd.f32 v48, v23  }
0x12a: {  	s16 =	sor.u32 s22, s11;
	v41 =	vld [tilespmem:s12+$0x800];
	v33 =	vmul.f32 v40, v33;
	v25 =	vadd.f32 v31, v25;
	v26 =	vadd.f32 v27, v26  }
0x12b: {  	v53 =	vld [tilespmem:s16+$0x10];
	v31 =	vperm.xlane v22, v56;
	v24 =	vadd.f32 v29, v24;
	v27 =	vmul.f32 v57, v59  }
0x12c: {  	v44 =	vunpack.i.l.bf16.f32 v58;
	v46 =	vunpack.i.u.bf16.f32 v58;
	v51 =	vunpack.i.l.bf16.f32 v43  }
0x12d: {  	v54 =	vunpack.i.u.bf16.f32 v43;
	v23 =	vadd.f32 v28, v23;
	v61 =	vshll.u32 v31, $0x4  }
0x12e: {  	v28 =	vmul.f32 v60, v63;
	v25 =	vadd.f32 v27, v25;
	v47 =	vmul.f32 v42, v44  }
0x12f: {  	v40 =	vld [tilespmem:s16+$0x30];
	v24 =	vadd.f32 v33, v24;
	v27 =	vmul.f32 v45, v46;
	v29 =	vor.u32 v0, v61  }
0x130: {  	v48 =	vld [tilespmem:s16+$0x0];
	v31 =	vsub.f32 v62, v41;
	v62 =	vunpack.i.l.bf16.f32 v53;
	v49 =	vadd.f32 v47, v23  }
0x131: {  	v23 =	vadd.f32 v27, v25;
	v25 =	vmul.f32 v50, v51;
	v27 =	vmul.f32 v52, v54  }
0x132: {  	v58 =	vld [tilespmem:s16+$0x20];
	v30 =	vunpack.i.u.bf16.f32 v53;
	v55 =	vperm.xlane v31, v5;
	v57 =	vperm.xlane v31, v7  }
0x133: {  	v26 =	vadd.f32 v28, v26;
	v60 =	vperm.xlane v31, v8;
	v63 =	vperm.xlane v31, v9  }
0x134: {  	v43 =	vld [tilespmem:s16+$0x40];
	v47 =	vunpack.i.u.bf16.f32 v40;
	v41 =	vperm.xlane v31, v4;
	v42 =	vperm.xlane v31, v10  }
0x135: {  	v56 =	vunpack.i.l.bf16.f32 v48;
	v45 =	vperm.xlane v31, v11;
	v46 =	vperm.xlane v31, v12  }
0x136: {  	v39 =	vld [tilespmem:s16+$0x50];
	v34 =	vunpack.i.u.bf16.f32 v48;
	v48 =	vperm.xlane v31, v13;
	v53 =	vperm.xlane v31, v14  }
0x137: {  	v26 =	vadd.f32 v25, v26;
	v25 =	vadd.f32 v27, v24;
	v44 =	vunpack.i.u.bf16.f32 v58  }
0x138: {  	v52 =	vld [tilespmem:s16+$0x60];
	v33 =	vunpack.i.l.bf16.f32 v58;
	v58 =	vperm.xlane v31, v16;
	v32 =	vmul.f32 v55, v56  }
0x139: {  	v50 =	vunpack.i.l.bf16.f32 v43;
	v59 =	vmul.f32 v57, v34;
	v28 =	vmul.f32 v60, v62;
	v62 =	vld [tilespmem:s16+$0x70]  }
0x13a: {  	v54 =	vunpack.i.u.bf16.f32 v43;
	v33 =	vmul.f32 v41, v33;
	v51 =	vmul.f32 v48, v50;
	v29 =	vld.idx.msk [tilespmem:v29+s21+$0x0], $0xffff  }
0x13b: {  	v55 =	vperm.xlane v31, v15;
	v57 =	vunpack.i.l.bf16.f32 v39;
	v60 =	vunpack.i.u.bf16.f32 v39  }
0x13c: {  	v48 =	vperm.xlane v31, v19;
	v24 =	vadd.f32 v26, v49;
	v23 =	vadd.f32 v25, v23  }
0x13d: {  	v49 =	vmul.f32 v46, v47;
	v36 =	vmul.f32 v58, v60;
	v27 =	vadd.f32 $0.0e+00, v59  }
0x13e: {  	v28 =	vadd.f32 $0.0e+00, v28;
	v43 =	vunpack.i.u.bf16.f32 v52;
	v24 =	vadd.f32 v23, v24  }
0x13f: {  	v47 =	vunpack.i.u.bf16.f32 v62;
	v50 =	vunpack.i.l.bf16.f32 v62;
	v61 =	vadd.f32 v32, v29  }
0x140: {  	v29 =	vmul.f32 v63, v30;
	v30 =	vmul.f32 v42, v44;
	v32 =	vunpack.i.l.bf16.f32 v40  }
0x141: {  	v56 =	vld [tilespmem:s12+$0x10];
	v63 =	vunpack.i.l.bf16.f32 v52;
	v40 =	vperm.xlane v31, v18;
	v32 =	vmul.f32 v45, v32  }
0x142: {  	v59 =	vld [tilespmem:s12+$0x810];
	v29 =	vadd.f32 $0.0e+00, v29;
	v27 =	vadd.f32 v30, v27;
	v30 =	vmul.f32 v55, v57  }
0x143: {  	v45 =	vld [tilespmem:s16+$0x400];
	v26 =	vadd.f32 v33, v61;
	v61 =	vperm.xlane v31, v17;
	v46 =	vmul.f32 v40, v43  }
0x144: {  	v31 =	vperm.xlane v31, v20;
	v28 =	vadd.f32 v32, v28;
	v32 =	vmul.f32 v53, v54  }
0x145: {  	v33 =	vmul.f32 v48, v50;
	v29 =	vadd.f32 v49, v29;
	v26 =	vadd.f32 v51, v26  }
0x146: {  	v55 =	vld [tilespmem:s16+$0x420];
	v44 =	vmul.f32 v61, v63;
	v27 =	vadd.f32 v32, v27;
	v28 =	vadd.f32 v30, v28  }
0x147: {  	v32 =	vsub.f32 v56, v59;
	v30 =	vmul.f32 v31, v47;
	v29 =	vadd.f32 v36, v29  }
0x148: {  	v26 =	vadd.f32 v44, v26;
	v51 =	vunpack.i.l.bf16.f32 v45;
	v53 =	vunpack.i.u.bf16.f32 v45  }
0x149: {  	v49 =	vld [tilespmem:s16+$0x410];
	v27 =	vadd.f32 v46, v27;
	v37 =	vperm.xlane v32, v5;
	v52 =	vperm.xlane v32, v7  }
0x14a: {  	v63 =	vld [tilespmem:s16+$0x440];
	v28 =	vadd.f32 v33, v28;
	v56 =	vperm.xlane v32, v8;
	v58 =	vperm.xlane v32, v9  }
0x14b: {  	v61 =	vperm.xlane v32, v4;
	v62 =	vperm.xlane v32, v10;
	v41 =	vunpack.i.u.bf16.f32 v55  }
0x14c: {  	v59 =	vld [tilespmem:s16+$0x430];
	v36 =	vunpack.i.l.bf16.f32 v55;
	v43 =	vperm.xlane v32, v11;
	v44 =	vperm.xlane v32, v12  }
0x14d: {  	v47 =	vld [tilespmem:s16+$0x450];
	v46 =	vperm.xlane v32, v13;
	v29 =	vadd.f32 v30, v29;
	v54 =	vmul.f32 v37, v51  }
0x14e: {  	v31 =	vmul.f32 v52, v53;
	v57 =	vunpack.i.l.bf16.f32 v49;
	v60 =	vunpack.i.u.bf16.f32 v49  }
0x14f: {  	v42 =	vmul.f32 v61, v36;
	v34 =	vmul.f32 v62, v41;
	v49 =	vunpack.i.l.bf16.f32 v63  }
0x150: {  	v52 =	vperm.xlane v32, v14;
	v53 =	vunpack.i.u.bf16.f32 v63;
	v63 =	vperm.xlane v32, v18  }
0x151: {  	v30 =	vmul.f32 v56, v57;
	v45 =	vunpack.i.u.bf16.f32 v59;
	v33 =	vunpack.i.l.bf16.f32 v59  }
0x152: {  	v51 =	vld [tilespmem:s16+$0x460];
	v50 =	vmul.f32 v46, v49;
	v56 =	vunpack.i.l.bf16.f32 v47;
	v57 =	vperm.xlane v32, v16  }
0x153: {  	v61 =	vld [tilespmem:s16+$0x470];
	v59 =	vunpack.i.u.bf16.f32 v47;
	v27 =	vadd.f32 v31, v27;
	v31 =	vmul.f32 v58, v60  }
0x154: {  	v26 =	vadd.f32 v54, v26;
	v48 =	vmul.f32 v44, v45;
	v54 =	vperm.xlane v32, v15  }
0x155: {  	v55 =	vld [tilespmem:s12+$0x20];
	v60 =	vperm.xlane v32, v17;
	v28 =	vadd.f32 v30, v28;
	v36 =	vmul.f32 v57, v59  }
0x156: {  	v49 =	vld [tilespmem:s16+$0x810];
	v29 =	vadd.f32 v31, v29;
	v31 =	vmul.f32 v43, v33;
	v26 =	vadd.f32 v42, v26  }
0x157: {  	v45 =	vld [tilespmem:s16+$0x800];
	v27 =	vadd.f32 v34, v27;
	v30 =	vmul.f32 v54, v56;
	v62 =	vunpack.i.l.bf16.f32 v51  }
0x158: {  	v58 =	vld [tilespmem:s12+$0x820];
	v44 =	vunpack.i.u.bf16.f32 v51;
	v47 =	vunpack.i.u.bf16.f32 v61;
	v28 =	vadd.f32 v31, v28  }
0x159: {  	v29 =	vadd.f32 v48, v29;
	v31 =	vmul.f32 v52, v53;
	v33 =	vmul.f32 v60, v62  }
0x15a: {  	v26 =	vadd.f32 v50, v26;
	v46 =	vmul.f32 v63, v44;
	v48 =	vperm.xlane v32, v19  }
0x15b: {  	v59 =	vld [tilespmem:s16+$0x830];
	v50 =	vunpack.i.l.bf16.f32 v61;
	v32 =	vperm.xlane v32, v20;
	v57 =	vunpack.i.l.bf16.f32 v49  }
0x15c: {  	v60 =	vunpack.i.u.bf16.f32 v49;
	v51 =	vunpack.i.l.bf16.f32 v45;
	v27 =	vadd.f32 v31, v27  }
0x15d: {  	v53 =	vunpack.i.u.bf16.f32 v45;
	v28 =	vadd.f32 v30, v28;
	v31 =	vsub.f32 v55, v58  }
0x15e: {  	v26 =	vadd.f32 v33, v26;
	v33 =	vmul.f32 v48, v50;
	v30 =	vmul.f32 v32, v47  }
0x15f: {  	v63 =	vld [tilespmem:s16+$0x840];
	v29 =	vadd.f32 v36, v29;
	v37 =	vperm.xlane v31, v5;
	v52 =	vperm.xlane v31, v7  }
0x160: {  	v45 =	vunpack.i.u.bf16.f32 v59;
	v56 =	vperm.xlane v31, v8;
	v58 =	vperm.xlane v31, v9  }
0x161: {  	v27 =	vadd.f32 v46, v27;
	v61 =	vperm.xlane v31, v4;
	v62 =	vperm.xlane v31, v10  }
0x162: {  	v55 =	vld [tilespmem:s16+$0x820];
	v28 =	vadd.f32 v33, v28;
	v43 =	vperm.xlane v31, v11;
	v44 =	vperm.xlane v31, v12  }
0x163: {  	v47 =	vld [tilespmem:s16+$0x850];
	v29 =	vadd.f32 v30, v29;
	v46 =	vperm.xlane v31, v13;
	v54 =	vmul.f32 v37, v51  }
0x164: {  	v49 =	vunpack.i.l.bf16.f32 v63;
	v32 =	vmul.f32 v52, v53;
	v30 =	vmul.f32 v56, v57  }
0x165: {  	v33 =	vunpack.i.l.bf16.f32 v59;
	v48 =	vmul.f32 v44, v45;
	v50 =	vmul.f32 v46, v49  }
0x166: {  	v52 =	vperm.xlane v31, v14;
	v53 =	vunpack.i.u.bf16.f32 v63;
	v57 =	vperm.xlane v31, v16  }
0x167: {  	v63 =	vperm.xlane v31, v18;
	v45 =	vperm.xlane v31, v19;
	v41 =	vunpack.i.u.bf16.f32 v55  }
0x168: {  	v51 =	vld [tilespmem:s16+$0x860];
	v36 =	vunpack.i.l.bf16.f32 v55;
	v56 =	vunpack.i.l.bf16.f32 v47;
	v59 =	vunpack.i.u.bf16.f32 v47  }
0x169: {  	v46 =	vld [tilespmem:s16+$0xC10];
	v27 =	vadd.f32 v32, v27;
	v32 =	vmul.f32 v58, v60;
	v42 =	vmul.f32 v61, v36  }
0x16a: {  	v26 =	vadd.f32 v54, v26;
	v34 =	vmul.f32 v62, v41;
	v54 =	vperm.xlane v31, v15  }
0x16b: {  	v55 =	vld [tilespmem:s12+$0x30];
	v28 =	vadd.f32 v30, v28;
	v60 =	vperm.xlane v31, v17;
	v36 =	vmul.f32 v57, v59  }
0x16c: {  	v61 =	vld [tilespmem:s16+$0x870];
	v31 =	vperm.xlane v31, v20;
	v29 =	vadd.f32 v32, v29;
	v32 =	vmul.f32 v43, v33  }
0x16d: {  	v58 =	vld [tilespmem:s12+$0x830];
	v26 =	vadd.f32 v42, v26;
	v27 =	vadd.f32 v34, v27;
	v30 =	vmul.f32 v54, v56  }
0x16e: {  	v62 =	vunpack.i.l.bf16.f32 v51;
	v41 =	vunpack.i.u.bf16.f32 v51;
	v54 =	vunpack.i.l.bf16.f32 v46  }
0x16f: {  	v57 =	vunpack.i.u.bf16.f32 v46;
	v28 =	vadd.f32 v32, v28;
	v32 =	vmul.f32 v52, v53  }
0x170: {  	v42 =	vld [tilespmem:s16+$0xC00];
	v29 =	vadd.f32 v48, v29;
	v26 =	vadd.f32 v50, v26;
	v33 =	vmul.f32 v60, v62  }
0x171: {  	v43 =	vmul.f32 v63, v41;
	v44 =	vunpack.i.u.bf16.f32 v61;
	v27 =	vadd.f32 v32, v27  }
0x172: {  	v47 =	vunpack.i.l.bf16.f32 v61;
	v28 =	vadd.f32 v30, v28;
	v32 =	vsub.f32 v55, v58  }
0x173: {  	v26 =	vadd.f32 v33, v26;
	v33 =	vmul.f32 v45, v47;
	v30 =	vmul.f32 v31, v44  }
0x174: {  	v52 =	vld [tilespmem:s16+$0xC20];
	v29 =	vadd.f32 v36, v29;
	v37 =	vperm.xlane v32, v5;
	v49 =	vperm.xlane v32, v7  }
0x175: {  	v48 =	vunpack.i.l.bf16.f32 v42;
	v53 =	vperm.xlane v32, v8;
	v55 =	vperm.xlane v32, v9  }
0x176: {  	v56 =	vld [tilespmem:s16+$0xC30];
	v50 =	vunpack.i.u.bf16.f32 v42;
	v58 =	vperm.xlane v32, v4;
	v59 =	vperm.xlane v32, v10  }
0x177: {  	v60 =	vld [tilespmem:s16+$0xC40];
	v27 =	vadd.f32 v43, v27;
	v63 =	vperm.xlane v32, v11;
	v42 =	vperm.xlane v32, v12  }
0x178: {  	v28 =	vadd.f32 v33, v28;
	v44 =	vperm.xlane v32, v13;
	v41 =	vperm.xlane v32, v19  }
0x179: {  	v45 =	vld [tilespmem:s16+$0xC50];
	v61 =	vunpack.i.u.bf16.f32 v52;
	v36 =	vunpack.i.l.bf16.f32 v52;
	v52 =	vperm.xlane v32, v15  }
0x17a: {  	v29 =	vadd.f32 v30, v29;
	v51 =	vmul.f32 v37, v48;
	v31 =	vmul.f32 v49, v50  }
0x17b: {  	v43 =	vunpack.i.u.bf16.f32 v56;
	v30 =	vmul.f32 v53, v54;
	v62 =	vmul.f32 v58, v36  }
0x17c: {  	v47 =	vunpack.i.l.bf16.f32 v60;
	v34 =	vmul.f32 v59, v61;
	v46 =	vmul.f32 v42, v43  }
0x17d: {  	v33 =	vunpack.i.l.bf16.f32 v56;
	v48 =	vmul.f32 v44, v47;
	v50 =	vperm.xlane v32, v14  }
0x17e: {  	v49 =	vld [tilespmem:s16+$0xC60];
	v58 =	vperm.xlane v32, v17;
	v61 =	vperm.xlane v32, v18;
	v54 =	vunpack.i.l.bf16.f32 v45  }
0x17f: {  	v26 =	vadd.f32 v51, v26;
	v27 =	vadd.f32 v31, v27;
	v31 =	vmul.f32 v55, v57  }
0x180: {  	v59 =	vld [tilespmem:s16+$0xC70];
	v28 =	vadd.f32 v30, v28;
	v51 =	vunpack.i.u.bf16.f32 v60;
	v55 =	vperm.xlane v32, v16  }
0x181: {  	v57 =	vunpack.i.u.bf16.f32 v45;
	v30 =	vmul.f32 v52, v54;
	v32 =	vperm.xlane v32, v20  }
0x182: {  	s9 =	sor.u32 s31, s22;
	v56 =	vld [tilespmem:s12+$0x840];
	v29 =	vadd.f32 v31, v29;
	v31 =	vmul.f32 v63, v33;
	v26 =	vadd.f32 v62, v26  }
0x183: {  	s22 =	sor.u32 $0x1000, s9;
	v53 =	vld [tilespmem:s12+$0x40];
	v27 =	vadd.f32 v34, v27;
	v36 =	vmul.f32 v55, v57;
	v60 =	vunpack.i.l.bf16.f32 v49  }
0x184: {  	v63 =	vld [tilespmem:s22+$0x1000];
	v62 =	vunpack.i.u.bf16.f32 v49;
	v28 =	vadd.f32 v31, v28;
	v31 =	vmul.f32 v50, v51  }
0x185: {  	v40 =	vunpack.i.u.bf16.f32 v59;
	v43 =	vunpack.i.l.bf16.f32 v59;
	v29 =	vadd.f32 v46, v29  }
0x186: {  	v26 =	vadd.f32 v48, v26;
	v33 =	vmul.f32 v58, v60;
	v27 =	vadd.f32 v31, v27  }
0x187: {  	s22 =	sor.u32 $0x1010, s9;
	v38 =	vmul.f32 v61, v62;
	v28 =	vadd.f32 v30, v28;
	v29 =	vadd.f32 v36, v29  }
0x188: {  	v42 =	vld [tilespmem:s22+$0x1000];
	s22 =	sor.u32 $0x1020, s9;
	v26 =	vadd.f32 v33, v26;
	v31 =	vsub.f32 v53, v56;
	v33 =	vmul.f32 v41, v43  }
0x189: {  	v48 =	vld [tilespmem:s22+$0x1000];
	v30 =	vmul.f32 v32, v40;
	v44 =	vunpack.i.l.bf16.f32 v63;
	v46 =	vunpack.i.u.bf16.f32 v63  }
0x18a: {  	v27 =	vadd.f32 v38, v27;
	v37 =	vperm.xlane v31, v5;
	v45 =	vperm.xlane v31, v7  }
0x18b: {  	s22 =	sor.u32 $0x1030, s9;
	v28 =	vadd.f32 v33, v28;
	v49 =	vperm.xlane v31, v8;
	v51 =	vperm.xlane v31, v9  }
0x18c: {  	v52 =	vld [tilespmem:s22+$0x1000];
	s22 =	sor.u32 $0x1040, s9;
	v29 =	vadd.f32 v30, v29;
	v54 =	vperm.xlane v31, v4;
	v55 =	vperm.xlane v31, v10  }
0x18d: {  	v56 =	vld [tilespmem:s22+$0x1000];
	v50 =	vunpack.i.l.bf16.f32 v42;
	v59 =	vperm.xlane v31, v11;
	v60 =	vperm.xlane v31, v12  }
0x18e: {  	v62 =	vperm.xlane v31, v13;
	v57 =	vunpack.i.u.bf16.f32 v48;
	v47 =	vmul.f32 v37, v44  }
0x18f: {  	v36 =	vunpack.i.l.bf16.f32 v48;
	v32 =	vmul.f32 v45, v46;
	v30 =	vmul.f32 v49, v50  }
0x190: {  	s22 =	sor.u32 $0x1050, s9;
	v53 =	vunpack.i.u.bf16.f32 v42;
	v58 =	vmul.f32 v54, v36;
	v34 =	vmul.f32 v55, v57  }
0x191: {  	v63 =	vld [tilespmem:s22+$0x1000];
	v61 =	vunpack.i.u.bf16.f32 v52;
	v33 =	vunpack.i.l.bf16.f32 v52;
	v45 =	vperm.xlane v31, v14  }
0x192: {  	v50 =	vperm.xlane v31, v16;
	v41 =	vmul.f32 v60, v61;
	v42 =	vunpack.i.l.bf16.f32 v56  }
0x193: {  	s22 =	sor.u32 $0x1060, s9;
	v46 =	vunpack.i.u.bf16.f32 v56;
	v56 =	vperm.xlane v31, v18;
	v61 =	vperm.xlane v31, v19  }
0x194: {  	v44 =	vld [tilespmem:s22+$0x1000];
	v26 =	vadd.f32 v47, v26;
	v27 =	vadd.f32 v32, v27;
	v32 =	vmul.f32 v51, v53  }
0x195: {  	v28 =	vadd.f32 v30, v28;
	v43 =	vmul.f32 v62, v42;
	v47 =	vperm.xlane v31, v15  }
0x196: {  	v48 =	vld [tilespmem:s12+$0x50];
	s22 =	sor.u32 $0x1070, s9;
	v49 =	vunpack.i.l.bf16.f32 v63;
	v52 =	vunpack.i.u.bf16.f32 v63;
	v53 =	vperm.xlane v31, v17  }
0x197: {  	v54 =	vld [tilespmem:s22+$0x1000];
	v31 =	vperm.xlane v31, v20;
	v36 =	vmul.f32 v50, v52;
	v29 =	vadd.f32 v32, v29  }
0x198: {  	v51 =	vld [tilespmem:s12+$0x850];
	v32 =	vmul.f32 v59, v33;
	v26 =	vadd.f32 v58, v26;
	v27 =	vadd.f32 v34, v27  }
0x199: {  	s22 =	sor.u32 $0x1400, s9;
	v30 =	vmul.f32 v47, v49;
	v55 =	vunpack.i.l.bf16.f32 v44;
	v57 =	vunpack.i.u.bf16.f32 v44  }
0x19a: {  	v58 =	vld [tilespmem:s22+$0x1000];
	v28 =	vadd.f32 v32, v28;
	v29 =	vadd.f32 v41, v29;
	v32 =	vmul.f32 v45, v46  }
0x19b: {  	v26 =	vadd.f32 v43, v26;
	v33 =	vmul.f32 v53, v55;
	v59 =	vmul.f32 v56, v57  }
0x19c: {  	v60 =	vunpack.i.u.bf16.f32 v54;
	v27 =	vadd.f32 v32, v27;
	v28 =	vadd.f32 v30, v28  }
0x19d: {  	s22 =	sor.u32 $0x1410, s9;
	v63 =	vunpack.i.l.bf16.f32 v54;
	v29 =	vadd.f32 v36, v29;
	v32 =	vsub.f32 v48, v51  }
0x19e: {  	v62 =	vld [tilespmem:s22+$0x1000];
	s22 =	sor.u32 $0x1420, s9;
	v26 =	vadd.f32 v33, v26;
	v33 =	vmul.f32 v61, v63;
	v30 =	vmul.f32 v31, v60  }
0x19f: {  	v44 =	vld [tilespmem:s22+$0x1000];
	v40 =	vunpack.i.l.bf16.f32 v58;
	v42 =	vunpack.i.u.bf16.f32 v58;
	v37 =	vperm.xlane v32, v5  }
0x1a0: {  	v27 =	vadd.f32 v59, v27;
	v41 =	vperm.xlane v32, v7;
	v45 =	vperm.xlane v32, v8  }
0x1a1: {  	s22 =	sor.u32 $0x1430, s9;
	v28 =	vadd.f32 v33, v28;
	v47 =	vperm.xlane v32, v9;
	v50 =	vperm.xlane v32, v4  }
0x1a2: {  	v48 =	vld [tilespmem:s22+$0x1000];
	v29 =	vadd.f32 v30, v29;
	v51 =	vperm.xlane v32, v10;
	v55 =	vperm.xlane v32, v11  }
0x1a3: {  	v46 =	vunpack.i.l.bf16.f32 v62;
	v56 =	vperm.xlane v32, v12;
	v58 =	vperm.xlane v32, v13  }
0x1a4: {  	s22 =	sor.u32 $0x1440, s9;
	v36 =	vunpack.i.l.bf16.f32 v44;
	v43 =	vmul.f32 v37, v40;
	v31 =	vmul.f32 v41, v42  }
0x1a5: {  	v52 =	vld [tilespmem:s22+$0x1000];
	s22 =	sor.u32 $0x1450, s9;
	v53 =	vunpack.i.u.bf16.f32 v44;
	v30 =	vmul.f32 v45, v46;
	v54 =	vmul.f32 v50, v36  }
0x1a6: {  	v49 =	vunpack.i.u.bf16.f32 v62;
	v59 =	vld [tilespmem:s22+$0x1000];
	v34 =	vmul.f32 v51, v53;
	v45 =	vperm.xlane v32, v15  }
0x1a7: {  	v51 =	vperm.xlane v32, v17;
	v57 =	vunpack.i.u.bf16.f32 v48;
	v33 =	vunpack.i.l.bf16.f32 v48  }
0x1a8: {  	s22 =	sor.u32 $0x1460, s9;
	v48 =	vperm.xlane v32, v16;
	v26 =	vadd.f32 v43, v26;
	v27 =	vadd.f32 v31, v27  }
0x1a9: {  	v63 =	vld [tilespmem:s22+$0x1000];
	v31 =	vmul.f32 v47, v49;
	v28 =	vadd.f32 v30, v28;
	v60 =	vmul.f32 v56, v57  }
0x1aa: {  	v61 =	vunpack.i.l.bf16.f32 v52;
	v43 =	vperm.xlane v32, v14;
	v44 =	vunpack.i.u.bf16.f32 v52  }
0x1ab: {  	s22 =	sor.u32 $0x1470, s9;
	v46 =	vld [tilespmem:s12+$0x60];
	v62 =	vmul.f32 v58, v61;
	v47 =	vunpack.i.l.bf16.f32 v59;
	v50 =	vunpack.i.u.bf16.f32 v59  }
0x1ac: {  	v52 =	vld [tilespmem:s22+$0x1000];
	v58 =	vperm.xlane v32, v19;
	v29 =	vadd.f32 v31, v29;
	v31 =	vmul.f32 v55, v33  }
0x1ad: {  	v49 =	vld [tilespmem:s12+$0x860];
	v26 =	vadd.f32 v54, v26;
	v27 =	vadd.f32 v34, v27;
	v30 =	vmul.f32 v45, v47  }
0x1ae: {  	v36 =	vmul.f32 v48, v50;
	v53 =	vunpack.i.l.bf16.f32 v63;
	v54 =	vperm.xlane v32, v18  }
0x1af: {  	s22 =	sor.u32 $0x1800, s9;
	v55 =	vunpack.i.u.bf16.f32 v63;
	v32 =	vperm.xlane v32, v20;
	v28 =	vadd.f32 v31, v28  }
0x1b0: {  	v56 =	vld [tilespmem:s22+$0x1000];
	v33 =	vmul.f32 v51, v53;
	v29 =	vadd.f32 v60, v29;
	v26 =	vadd.f32 v62, v26  }
0x1b1: {  	v31 =	vmul.f32 v43, v44;
	v57 =	vmul.f32 v54, v55;
	v59 =	vunpack.i.l.bf16.f32 v52  }
0x1b2: {  	v61 =	vunpack.i.u.bf16.f32 v52;
	v26 =	vadd.f32 v33, v26;
	v33 =	vsub.f32 v46, v49  }
0x1b3: {  	s22 =	sor.u32 $0x1810, s9;
	v27 =	vadd.f32 v31, v27;
	v28 =	vadd.f32 v30, v28;
	v30 =	vmul.f32 v58, v59  }
0x1b4: {  	v60 =	vld [tilespmem:s22+$0x1000];
	v29 =	vadd.f32 v36, v29;
	v32 =	vmul.f32 v32, v61;
	v62 =	vperm.xlane v33, v5  }
0x1b5: {  	s22 =	sor.u32 $0x1820, s9;
	v40 =	vunpack.i.l.bf16.f32 v56;
	v41 =	vperm.xlane v33, v7;
	v43 =	vperm.xlane v33, v8  }
0x1b6: {  	v63 =	vld [tilespmem:s22+$0x1000];
	v42 =	vunpack.i.u.bf16.f32 v56;
	v45 =	vperm.xlane v33, v9;
	v46 =	vperm.xlane v33, v4  }
0x1b7: {  	s22 =	sor.u32 $0x1830, s9;
	v27 =	vadd.f32 v57, v27;
	v51 =	vperm.xlane v33, v10;
	v54 =	vperm.xlane v33, v11  }
0x1b8: {  	v47 =	vld [tilespmem:s22+$0x1000];
	v28 =	vadd.f32 v30, v28;
	v56 =	vperm.xlane v33, v12;
	v57 =	vperm.xlane v33, v13  }
0x1b9: {  	v44 =	vunpack.i.l.bf16.f32 v60;
	v35 =	vunpack.i.u.bf16.f32 v60;
	v60 =	vperm.xlane v33, v14  }
0x1ba: {  	s22 =	sor.u32 $0x1840, s9;
	v29 =	vadd.f32 v32, v29;
	v31 =	vmul.f32 v62, v40;
	v30 =	vmul.f32 v41, v42  }
0x1bb: {  	v50 =	vld [tilespmem:s22+$0x1000];
	s22 =	sor.u32 $0x1850, s9;
	v32 =	vmul.f32 v43, v44;
	v48 =	vunpack.i.l.bf16.f32 v63;
	v49 =	vmul.f32 v45, v35  }
0x1bc: {  	v58 =	vld [tilespmem:s22+$0x1000];
	v52 =	vunpack.i.u.bf16.f32 v63;
	v41 =	vperm.xlane v33, v15;
	v44 =	vperm.xlane v33, v16  }
0x1bd: {  	v42 =	vld [tilespmem:s12+$0x70];
	v34 =	vmul.f32 v46, v48;
	v53 =	vunpack.i.u.bf16.f32 v47;
	v55 =	vunpack.i.l.bf16.f32 v47  }
0x1be: {  	v45 =	vld [tilespmem:s12+$0x870];
	s12 =	sor.u32 $0x2, s30;
	v46 =	vperm.xlane v33, v17;
	v48 =	vperm.xlane v33, v18;
	v26 =	vadd.f32 v31, v26  }
0x1bf: {  	s22 =	sor.u32 $0x1860, s9;
	v40 =	vmov s12;
	v27 =	vadd.f32 v30, v27;
	v28 =	vadd.f32 v32, v28  }
0x1c0: {  	v61 =	vld [tilespmem:s22+$0x1000];
	v29 =	vadd.f32 v49, v29;
	v30 =	vmul.f32 v51, v52;
	v32 =	vmul.f32 v54, v55  }
0x1c1: {  	s22 =	sor.u32 $0x1870, s9;
	v31 =	vmul.f32 v56, v53;
	v35 =	vunpack.i.u.bf16.f32 v50;
	v51 =	vperm.xlane v33, v19  }
0x1c2: {  	v63 =	vld [tilespmem:s22+$0x1000];
	v59 =	vunpack.i.l.bf16.f32 v50;
	v33 =	vperm.xlane v33, v20;
	v62 =	vmul.f32 v60, v35  }
0x1c3: {  	v43 =	vunpack.i.l.bf16.f32 v58;
	v38 =	vunpack.i.u.bf16.f32 v58;
	v26 =	vadd.f32 v34, v26  }
0x1c4: {  	s22 =	sor.u32 $0x1C00, s9;
	v34 =	vmul.f32 v57, v59;
	v27 =	vadd.f32 v30, v27;
	v28 =	vadd.f32 v32, v28  }
0x1c5: {  	s16 =	sor.u32 $0x1C10, s9;
	v50 =	vld [tilespmem:s22+$0x1000];
	v29 =	vadd.f32 v31, v29;
	v30 =	vmul.f32 v41, v43;
	v47 =	vunpack.i.l.bf16.f32 v61  }
0x1c6: {  	v52 =	vld [tilespmem:s16+$0x1000];
	v35 =	vmul.f32 v44, v38;
	v49 =	vunpack.i.u.bf16.f32 v61;
	v31 =	vmul.f32 v46, v47  }
0x1c7: {  	v53 =	vunpack.i.l.bf16.f32 v63;
	v26 =	vadd.f32 v34, v26;
	v27 =	vadd.f32 v62, v27  }
0x1c8: {  	v54 =	vunpack.i.u.bf16.f32 v63;
	v28 =	vadd.f32 v30, v28;
	v29 =	vadd.f32 v35, v29  }
0x1c9: {  	v30 =	vmul.f32 v48, v49;
	v34 =	vsub.f32 v42, v45;
	v55 =	vmul.f32 v51, v53  }
0x1ca: {  	v56 =	vmul.f32 v33, v54;
	v58 =	vunpack.i.l.bf16.f32 v50;
	v36 =	vunpack.i.u.bf16.f32 v50  }
0x1cb: {  	s22 =	sor.u32 $0x1C20, s9;
	v61 =	vunpack.i.l.bf16.f32 v52;
	v57 =	vperm.xlane v34, v5;
	v59 =	vperm.xlane v34, v7  }
0x1cc: {  	v60 =	vld [tilespmem:s22+$0x1000];
	v43 =	vunpack.i.u.bf16.f32 v52;
	v37 =	vperm.xlane v34, v8;
	v42 =	vperm.xlane v34, v9  }
0x1cd: {  	s16 =	sor.u32 $0x1C30, s9;
	v26 =	vadd.f32 v31, v26;
	v45 =	vperm.xlane v34, v4;
	v47 =	vperm.xlane v34, v10  }
0x1ce: {  	v63 =	vld [tilespmem:s16+$0x1000];
	v27 =	vadd.f32 v30, v27;
	v48 =	vperm.xlane v34, v11;
	v51 =	vperm.xlane v34, v12  }
0x1cf: {  	s22 =	sor.u32 $0x1C40, s9;
	v28 =	vadd.f32 v55, v28;
	v55 =	vperm.xlane v34, v13;
	v38 =	vperm.xlane v34, v17  }
0x1d0: {  	v49 =	vld [tilespmem:s22+$0x1000];
	v29 =	vadd.f32 v56, v29;
	v41 =	vperm.xlane v34, v19;
	v31 =	vmul.f32 v57, v58  }
0x1d1: {  	v46 =	vunpack.i.l.bf16.f32 v60;
	v62 =	vmul.f32 v59, v36;
	v33 =	vmul.f32 v37, v61  }
0x1d2: {  	s16 =	sor.u32 $0x1C50, s9;
	v44 =	vunpack.i.u.bf16.f32 v60;
	v30 =	vmul.f32 v42, v43;
	v32 =	vmul.f32 v45, v46  }
0x1d3: {  	v52 =	vld [tilespmem:s16+$0x1000];
	v50 =	vunpack.i.l.bf16.f32 v63;
	v58 =	vperm.xlane v34, v14;
	v59 =	vperm.xlane v34, v15  }
0x1d4: {  	s22 =	sor.u32 $0x1C60, s9;
	v35 =	vunpack.i.u.bf16.f32 v63;
	v61 =	vperm.xlane v34, v16;
	v42 =	vperm.xlane v34, v18  }
0x1d5: {  	v56 =	vld [tilespmem:s22+$0x1000];
	v34 =	vperm.xlane v34, v20;
	v53 =	vmul.f32 v51, v35;
	v54 =	vunpack.i.u.bf16.f32 v49  }
0x1d6: {  	s9 =	sor.u32 $0x1C70, s9;
	v57 =	vunpack.i.l.bf16.f32 v49;
	v26 =	vadd.f32 v31, v26;
	v27 =	vadd.f32 v62, v27  }
0x1d7: {  	v63 =	vld [tilespmem:s9+$0x1000];
	v28 =	vadd.f32 v33, v28;
	v31 =	vmul.f32 v47, v44;
	v33 =	vmul.f32 v48, v50  }
0x1d8: {  	v29 =	vadd.f32 v30, v29;
	v60 =	vunpack.i.l.bf16.f32 v52;
	v62 =	vunpack.i.u.bf16.f32 v52  }
0x1d9: {  	s9 =	sshll.u32 s12, $0x7;
	v30 =	vmul.f32 v58, v54;
	v37 =	vmul.f32 v61, v62;
	v26 =	vadd.f32 v32, v26  }
0x1da: {  	v45 =	vld [tilespmem:s9+$0x800];
	s16 =	sand.u32 $0x300, s9;
	v39 =	vunpack.i.l.bf16.f32 v56;
	v27 =	vadd.f32 v31, v27;
	v28 =	vadd.f32 v33, v28  }
0x1db: {  	v44 =	vld [tilespmem:s9+$0x0];
	s22 =	sor.u32 s16, s11;
	v29 =	vadd.f32 v53, v29;
	v31 =	vmul.f32 v55, v57;
	v33 =	vmul.f32 v59, v60  }
0x1dc: {  	v46 =	vld [tilespmem:s22+$0x0];
	v32 =	vunpack.i.u.bf16.f32 v56;
	v43 =	vunpack.i.l.bf16.f32 v63;
	v36 =	vunpack.i.u.bf16.f32 v63  }
0x1dd: {  	v48 =	vld [tilespmem:s22+$0x10];
	v32 =	vmul.f32 v42, v32;
	v26 =	vadd.f32 v31, v26;
	v27 =	vadd.f32 v30, v27  }
0x1de: {  	v52 =	vld [tilespmem:s22+$0x20];
	v28 =	vadd.f32 v33, v28;
	v30 =	vmul.f32 v38, v39;
	v33 =	vmul.f32 v41, v43  }
0x1df: {  	v61 =	vld [tilespmem:s22+$0x40];
	v29 =	vadd.f32 v37, v29;
	v31 =	vperm.xlane v22, v40;
	v34 =	vmul.f32 v34, v36  }
0x1e0: {  	v26 =	vadd.f32 v30, v26;
	v28 =	vadd.f32 v33, v28  }
0x1e1: {  	v31 =	vshll.u32 v31, $0x4;
	v27 =	vadd.f32 v32, v27;
	v29 =	vadd.f32 v34, v29  }
0x1e2: {  	v50 =	vunpack.i.u.bf16.f32 v46;
	v47 =	vadd.f32 v28, v26;
	v28 =	vsub.f32 v44, v45  }
0x1e3: {  	v57 =	vld [tilespmem:s22+$0x30];
	v30 =	vunpack.i.l.bf16.f32 v46;
	v55 =	vunpack.i.l.bf16.f32 v48;
	v59 =	vunpack.i.l.bf16.f32 v52  }
0x1e4: {  	v46 =	vunpack.i.u.bf16.f32 v61;
	v51 =	vperm.xlane v28, v5;
	v53 =	vperm.xlane v28, v7  }
0x1e5: {  	v34 =	vunpack.i.l.bf16.f32 v61;
	v54 =	vperm.xlane v28, v8;
	v56 =	vperm.xlane v28, v9  }
0x1e6: {  	v31 =	vor.u32 v0, v31;
	v58 =	vperm.xlane v28, v4;
	v60 =	vperm.xlane v28, v10  }
0x1e7: {  	v27 =	vadd.f32 v29, v27;
	v62 =	vperm.xlane v28, v11;
	v63 =	vperm.xlane v28, v12  }
0x1e8: {  	v40 =	vld [tilespmem:s22+$0x50];
	v41 =	vunpack.i.u.bf16.f32 v57;
	v44 =	vperm.xlane v28, v13;
	v45 =	vperm.xlane v28, v14  }
0x1e9: {  	v61 =	vld [tilespmem:s22+$0x400];
	v23 =	vadd.f32 v27, v47;
	v47 =	vperm.xlane v28, v15;
	v27 =	vmul.f32 v51, v30  }
0x1ea: {  	v26 =	vunpack.i.u.bf16.f32 v48;
	v48 =	vld [tilespmem:s22+$0x60];
	v25 =	vmul.f32 v53, v50;
	v30 =	vmul.f32 v54, v55  }
0x1eb: {  	v32 =	vunpack.i.l.bf16.f32 v57;
	v26 =	vmul.f32 v56, v26;
	v29 =	vmul.f32 v58, v59  }
0x1ec: {  	v49 =	vld.idx.msk [tilespmem:v31+s21+$0x0], $0xffff;
	v31 =	vunpack.i.u.bf16.f32 v52;
	v42 =	vmul.f32 v62, v32;
	v43 =	vmul.f32 v63, v41  }
0x1ed: {  	v33 =	vmul.f32 v45, v46;
	v53 =	vperm.xlane v28, v16;
	v55 =	vunpack.i.u.bf16.f32 v40  }
0x1ee: {  	v50 =	vld [tilespmem:s22+$0x70];
	v56 =	vperm.xlane v28, v17;
	v58 =	vperm.xlane v28, v18;
	v41 =	vunpack.i.l.bf16.f32 v61  }
0x1ef: {  	v52 =	vld [tilespmem:s9+$0x10];
	v31 =	vmul.f32 v60, v31;
	v57 =	vunpack.i.l.bf16.f32 v48;
	v59 =	vunpack.i.u.bf16.f32 v48  }
0x1f0: {  	v54 =	vld [tilespmem:s9+$0x810];
	v60 =	vperm.xlane v28, v19;
	v25 =	vadd.f32 $0.0e+00, v25;
	v26 =	vadd.f32 $0.0e+00, v26  }
0x1f1: {  	v28 =	vperm.xlane v28, v20;
	v30 =	vadd.f32 $0.0e+00, v30;
	v36 =	vmul.f32 v58, v59  }
0x1f2: {  	v46 =	vld [tilespmem:s22+$0x430];
	v25 =	vadd.f32 v31, v25;
	v31 =	vmul.f32 v44, v34;
	v26 =	vadd.f32 v43, v26  }
0x1f3: {  	v44 =	vunpack.i.u.bf16.f32 v61;
	v27 =	vadd.f32 v27, v49;
	v49 =	vunpack.i.l.bf16.f32 v40  }
0x1f4: {  	v63 =	vld [tilespmem:s22+$0x410];
	v62 =	vunpack.i.l.bf16.f32 v50;
	v35 =	vunpack.i.u.bf16.f32 v50;
	v51 =	vmul.f32 v47, v49  }
0x1f5: {  	v32 =	vsub.f32 v52, v54;
	v34 =	vmul.f32 v60, v62;
	v28 =	vmul.f32 v28, v35  }
0x1f6: {  	v27 =	vadd.f32 v29, v27;
	v29 =	vadd.f32 v42, v30;
	v30 =	vmul.f32 v56, v57  }
0x1f7: {  	v43 =	vld [tilespmem:s22+$0x420];
	v59 =	vunpack.i.u.bf16.f32 v46;
	v40 =	vperm.xlane v32, v5;
	v42 =	vperm.xlane v32, v7  }
0x1f8: {  	v54 =	vld [tilespmem:s22+$0x440];
	v25 =	vadd.f32 v33, v25;
	v45 =	vperm.xlane v32, v8;
	v48 =	vperm.xlane v32, v9  }
0x1f9: {  	v47 =	vunpack.i.l.bf16.f32 v63;
	v50 =	vperm.xlane v32, v4;
	v52 =	vperm.xlane v32, v10  }
0x1fa: {  	v49 =	vunpack.i.u.bf16.f32 v63;
	v58 =	vperm.xlane v32, v12;
	v61 =	vperm.xlane v32, v13  }
0x1fb: {  	v63 =	vperm.xlane v32, v14;
	v25 =	vadd.f32 v36, v25;
	v27 =	vadd.f32 v31, v27  }
0x1fc: {  	v57 =	vld [tilespmem:s22+$0x450];
	v29 =	vadd.f32 v51, v29;
	v31 =	vmul.f32 v53, v55;
	v51 =	vunpack.i.l.bf16.f32 v43  }
0x1fd: {  	v53 =	vperm.xlane v32, v11;
	v55 =	vunpack.i.l.bf16.f32 v46;
	v60 =	vunpack.i.u.bf16.f32 v54  }
0x1fe: {  	v62 =	vunpack.i.l.bf16.f32 v54;
	v26 =	vadd.f32 v31, v26;
	v27 =	vadd.f32 v30, v27  }
0x1ff: {  	v29 =	vadd.f32 v34, v29;
	v31 =	vmul.f32 v42, v44;
	v30 =	vmul.f32 v45, v47  }
0x200: {  	v34 =	vunpack.i.u.bf16.f32 v43;
	v33 =	vmul.f32 v53, v55;
	v43 =	vperm.xlane v32, v16  }
0x201: {  	v56 =	vmul.f32 v52, v34;
	v42 =	vunpack.i.l.bf16.f32 v57;
	v34 =	vunpack.i.u.bf16.f32 v57  }
0x202: {  	v44 =	vld [tilespmem:s22+$0x470];
	v52 =	vperm.xlane v32, v19;
	v26 =	vadd.f32 v28, v26;
	v28 =	vmul.f32 v40, v41  }
0x203: {  	v53 =	vld [tilespmem:s22+$0x800];
	v25 =	vadd.f32 v31, v25;
	v31 =	vmul.f32 v50, v51;
	v40 =	vperm.xlane v32, v15  }
0x204: {  	v46 =	vld [tilespmem:s9+$0x20];
	v29 =	vadd.f32 v30, v29;
	v30 =	vmul.f32 v63, v60;
	v45 =	vmul.f32 v43, v34  }
0x205: {  	v47 =	vld [tilespmem:s9+$0x820];
	v51 =	vperm.xlane v32, v18;
	v27 =	vadd.f32 v28, v27;
	v28 =	vmul.f32 v48, v49  }
0x206: {  	v41 =	vld [tilespmem:s22+$0x460];
	v25 =	vadd.f32 v56, v25;
	v29 =	vadd.f32 v33, v29;
	v33 =	vmul.f32 v40, v42  }
0x207: {  	v49 =	vperm.xlane v32, v17;
	v32 =	vperm.xlane v32, v20;
	v54 =	vunpack.i.l.bf16.f32 v44  }
0x208: {  	v35 =	vunpack.i.u.bf16.f32 v44;
	v57 =	vunpack.i.u.bf16.f32 v53;
	v26 =	vadd.f32 v28, v26  }
0x209: {  	v55 =	vld [tilespmem:s22+$0x810];
	v27 =	vadd.f32 v31, v27;
	v28 =	vmul.f32 v58, v59;
	v31 =	vmul.f32 v61, v62  }
0x20a: {  	v25 =	vadd.f32 v30, v25;
	v29 =	vadd.f32 v33, v29;
	v34 =	vmul.f32 v52, v54  }
0x20b: {  	v32 =	vmul.f32 v32, v35;
	v30 =	vsub.f32 v46, v47;
	v50 =	vunpack.i.l.bf16.f32 v41  }
0x20c: {  	v48 =	vunpack.i.u.bf16.f32 v41;
	v26 =	vadd.f32 v28, v26;
	v33 =	vmul.f32 v49, v50  }
0x20d: {  	v27 =	vadd.f32 v31, v27;
	v28 =	vmul.f32 v51, v48;
	v31 =	vperm.xlane v30, v5  }
0x20e: {  	v40 =	vunpack.i.u.bf16.f32 v55;
	v60 =	vperm.xlane v30, v7;
	v61 =	vperm.xlane v30, v8  }
0x20f: {  	v59 =	vunpack.i.l.bf16.f32 v53;
	v63 =	vperm.xlane v30, v9;
	v43 =	vperm.xlane v30, v4  }
0x210: {  	v58 =	vld [tilespmem:s22+$0x820];
	v62 =	vunpack.i.l.bf16.f32 v55;
	v47 =	vperm.xlane v30, v11;
	v48 =	vperm.xlane v30, v12  }
0x211: {  	v46 =	vld [tilespmem:s22+$0x840];
	v56 =	vadd.f32 v34, v29;
	v52 =	vperm.xlane v30, v13;
	v53 =	vperm.xlane v30, v14  }
0x212: {  	v55 =	vperm.xlane v30, v15;
	v26 =	vadd.f32 v45, v26;
	v31 =	vmul.f32 v31, v59  }
0x213: {  	v41 =	vld [tilespmem:s22+$0x830];
	v27 =	vadd.f32 v33, v27;
	v29 =	vmul.f32 v60, v57;
	v33 =	vmul.f32 v61, v62  }
0x214: {  	v25 =	vadd.f32 v28, v25;
	v42 =	vmul.f32 v63, v40;
	v45 =	vperm.xlane v30, v10  }
0x215: {  	v62 =	vperm.xlane v30, v16;
	v40 =	vperm.xlane v30, v17;
	v44 =	vunpack.i.l.bf16.f32 v58  }
0x216: {  	v49 =	vld [tilespmem:s22+$0x850];
	v54 =	vunpack.i.u.bf16.f32 v46;
	v26 =	vadd.f32 v32, v26;
	v27 =	vadd.f32 v31, v27  }
0x217: {  	v25 =	vadd.f32 v29, v25;
	v28 =	vadd.f32 v33, v56;
	v29 =	vmul.f32 v43, v44  }
0x218: {  	v59 =	vld [tilespmem:s22+$0x870];
	v32 =	vunpack.i.u.bf16.f32 v58;
	v50 =	vunpack.i.u.bf16.f32 v41;
	v57 =	vmul.f32 v53, v54  }
0x219: {  	v61 =	vld [tilespmem:s9+$0x30];
	v35 =	vunpack.i.l.bf16.f32 v41;
	v44 =	vperm.xlane v30, v19;
	v31 =	vmul.f32 v45, v32  }
0x21a: {  	v63 =	vld [tilespmem:s9+$0x830];
	v33 =	vunpack.i.l.bf16.f32 v46;
	v51 =	vmul.f32 v47, v35;
	v32 =	vmul.f32 v48, v50  }
0x21b: {  	v58 =	vunpack.i.l.bf16.f32 v49;
	v39 =	vunpack.i.u.bf16.f32 v49;
	v26 =	vadd.f32 v42, v26  }
0x21c: {  	v56 =	vld [tilespmem:s22+$0x860];
	v27 =	vadd.f32 v29, v27;
	v60 =	vmul.f32 v55, v58;
	v42 =	vperm.xlane v30, v18  }
0x21d: {  	v30 =	vperm.xlane v30, v20;
	v25 =	vadd.f32 v31, v25;
	v31 =	vmul.f32 v52, v33  }
0x21e: {  	v45 =	vld [tilespmem:s22+$0xC00];
	v28 =	vadd.f32 v51, v28;
	v46 =	vunpack.i.l.bf16.f32 v59;
	v35 =	vunpack.i.u.bf16.f32 v59  }
0x21f: {  	v26 =	vadd.f32 v32, v26;
	v34 =	vmul.f32 v44, v46;
	v32 =	vsub.f32 v61, v63  }
0x220: {  	v47 =	vld [tilespmem:s22+$0xC10];
	v48 =	vmul.f32 v30, v35;
	v27 =	vadd.f32 v31, v27;
	v25 =	vadd.f32 v57, v25  }
0x221: {  	v31 =	vmul.f32 v62, v39;
	v41 =	vunpack.i.l.bf16.f32 v56;
	v43 =	vunpack.i.u.bf16.f32 v56  }
0x222: {  	v28 =	vadd.f32 v60, v28;
	v29 =	vmul.f32 v40, v41;
	v36 =	vmul.f32 v42, v43  }
0x223: {  	v55 =	vld [tilespmem:s22+$0xC30];
	v49 =	vperm.xlane v32, v5;
	v50 =	vunpack.i.l.bf16.f32 v45;
	v51 =	vperm.xlane v32, v7  }
0x224: {  	v53 =	vunpack.i.u.bf16.f32 v45;
	v54 =	vperm.xlane v32, v8;
	v57 =	vperm.xlane v32, v9  }
0x225: {  	v52 =	vld [tilespmem:s22+$0xC20];
	v56 =	vunpack.i.l.bf16.f32 v47;
	v59 =	vperm.xlane v32, v4;
	v61 =	vperm.xlane v32, v10  }
0x226: {  	v58 =	vunpack.i.u.bf16.f32 v47;
	v62 =	vperm.xlane v32, v11;
	v42 =	vperm.xlane v32, v12  }
0x227: {  	v63 =	vld [tilespmem:s22+$0xC40];
	v45 =	vperm.xlane v32, v13;
	v47 =	vperm.xlane v32, v14;
	v26 =	vadd.f32 v31, v26  }
0x228: {  	v28 =	vadd.f32 v34, v28;
	v39 =	vunpack.i.l.bf16.f32 v55;
	v27 =	vadd.f32 v29, v27  }
0x229: {  	v25 =	vadd.f32 v36, v25;
	v29 =	vmul.f32 v49, v50;
	v31 =	vmul.f32 v51, v53  }
0x22a: {  	v30 =	vmul.f32 v54, v56;
	v60 =	vunpack.i.l.bf16.f32 v52;
	v34 =	vunpack.i.u.bf16.f32 v52  }
0x22b: {  	v33 =	vmul.f32 v62, v39;
	v51 =	vperm.xlane v32, v16;
	v26 =	vadd.f32 v48, v26  }
0x22c: {  	v41 =	vld [tilespmem:s22+$0xC50];
	v40 =	vmul.f32 v61, v34;
	v44 =	vunpack.i.u.bf16.f32 v63;
	v48 =	vperm.xlane v32, v15  }
0x22d: {  	v27 =	vadd.f32 v29, v27;
	v25 =	vadd.f32 v31, v25;
	v29 =	vmul.f32 v57, v58  }
0x22e: {  	v31 =	vmul.f32 v59, v60;
	v28 =	vadd.f32 v30, v28;
	v30 =	vmul.f32 v47, v44  }
0x22f: {  	v43 =	vunpack.i.u.bf16.f32 v55;
	v49 =	vld [tilespmem:s22+$0xC60];
	v57 =	vperm.xlane v32, v17;
	v59 =	vperm.xlane v32, v18  }
0x230: {  	v52 =	vld [tilespmem:s22+$0xC70];
	v46 =	vunpack.i.l.bf16.f32 v63;
	v60 =	vperm.xlane v32, v19;
	v32 =	vperm.xlane v32, v20  }
0x231: {  	v55 =	vld [tilespmem:s9+$0x840];
	s22 =	sor.u32 s31, s16;
	v50 =	vunpack.i.l.bf16.f32 v41;
	v34 =	vunpack.i.u.bf16.f32 v41;
	v26 =	vadd.f32 v29, v26  }
0x232: {  	v54 =	vld [tilespmem:s9+$0x40];
	s16 =	sor.u32 $0x1000, s22;
	v27 =	vadd.f32 v31, v27;
	v25 =	vadd.f32 v40, v25;
	v29 =	vmul.f32 v42, v43  }
0x233: {  	v61 =	vld [tilespmem:s16+$0x1000];
	v28 =	vadd.f32 v33, v28;
	v31 =	vmul.f32 v45, v46;
	v33 =	vmul.f32 v48, v50  }
0x234: {  	v53 =	vmul.f32 v51, v34;
	v56 =	vunpack.i.u.bf16.f32 v49;
	v58 =	vunpack.i.l.bf16.f32 v49  }
0x235: {  	v62 =	vunpack.i.l.bf16.f32 v52;
	v26 =	vadd.f32 v29, v26;
	v27 =	vadd.f32 v31, v27  }
0x236: {  	v35 =	vunpack.i.u.bf16.f32 v52;
	v25 =	vadd.f32 v30, v25;
	v28 =	vadd.f32 v33, v28  }
0x237: {  	s16 =	sor.u32 $0x1010, s22;
	v33 =	vmul.f32 v57, v58;
	v29 =	vmul.f32 v59, v56;
	v30 =	vsub.f32 v54, v55  }
0x238: {  	v63 =	vld [tilespmem:s16+$0x1000];
	v34 =	vmul.f32 v60, v62;
	v32 =	vmul.f32 v32, v35;
	v40 =	vunpack.i.u.bf16.f32 v61  }
0x239: {  	s16 =	sor.u32 $0x1020, s22;
	v42 =	vunpack.i.l.bf16.f32 v61;
	v26 =	vadd.f32 v53, v26;
	v31 =	vperm.xlane v30, v5  }
0x23a: {  	v41 =	vld [tilespmem:s16+$0x1000];
	v27 =	vadd.f32 v33, v27;
	v43 =	vperm.xlane v30, v7;
	v44 =	vperm.xlane v30, v8  }
0x23b: {  	s16 =	sor.u32 $0x1030, s22;
	v25 =	vadd.f32 v29, v25;
	v46 =	vperm.xlane v30, v9;
	v50 =	vperm.xlane v30, v4  }
0x23c: {  	v48 =	vld [tilespmem:s16+$0x1000];
	v28 =	vadd.f32 v34, v28;
	v52 =	vperm.xlane v30, v10;
	v54 =	vperm.xlane v30, v11  }
0x23d: {  	v45 =	vunpack.i.l.bf16.f32 v63;
	v55 =	vperm.xlane v30, v12;
	v59 =	vperm.xlane v30, v13  }
0x23e: {  	v47 =	vunpack.i.u.bf16.f32 v63;
	v60 =	vperm.xlane v30, v14;
	v62 =	vperm.xlane v30, v15  }
0x23f: {  	v51 =	vunpack.i.l.bf16.f32 v41;
	v31 =	vmul.f32 v31, v42;
	v29 =	vmul.f32 v43, v40  }
0x240: {  	s16 =	sor.u32 $0x1040, s22;
	v26 =	vadd.f32 v32, v26;
	v33 =	vmul.f32 v44, v45;
	v49 =	vmul.f32 v46, v47  }
0x241: {  	v53 =	vld [tilespmem:s16+$0x1000];
	s16 =	sor.u32 $0x1050, s22;
	v32 =	vunpack.i.u.bf16.f32 v41;
	v35 =	vunpack.i.l.bf16.f32 v48;
	v45 =	vperm.xlane v30, v16  }
0x242: {  	v56 =	vld [tilespmem:s16+$0x1000];
	s16 =	sor.u32 $0x1060, s22;
	v57 =	vunpack.i.u.bf16.f32 v48;
	v48 =	vperm.xlane v30, v17;
	v58 =	vmul.f32 v54, v35  }
0x243: {  	v63 =	vld [tilespmem:s16+$0x1000];
	v27 =	vadd.f32 v31, v27;
	v25 =	vadd.f32 v29, v25;
	v29 =	vmul.f32 v50, v51  }
0x244: {  	v44 =	vld [tilespmem:s9+$0x50];
	v28 =	vadd.f32 v33, v28;
	v31 =	vmul.f32 v52, v32;
	v32 =	vmul.f32 v55, v57  }
0x245: {  	s16 =	sor.u32 $0x1070, s22;
	v46 =	vld [tilespmem:s9+$0x850];
	v26 =	vadd.f32 v49, v26;
	v50 =	vperm.xlane v30, v18;
	v52 =	vperm.xlane v30, v19  }
0x246: {  	v42 =	vld [tilespmem:s16+$0x1000];
	v30 =	vperm.xlane v30, v20;
	v61 =	vunpack.i.u.bf16.f32 v53;
	v33 =	vunpack.i.l.bf16.f32 v53  }
0x247: {  	v27 =	vadd.f32 v29, v27;
	v25 =	vadd.f32 v31, v25;
	v31 =	vmul.f32 v59, v33  }
0x248: {  	v40 =	vmul.f32 v60, v61;
	v41 =	vunpack.i.l.bf16.f32 v56;
	v26 =	vadd.f32 v32, v26  }
0x249: {  	v47 =	vunpack.i.u.bf16.f32 v56;
	v43 =	vmul.f32 v62, v41;
	v49 =	vunpack.i.l.bf16.f32 v63  }
0x24a: {  	v51 =	vunpack.i.u.bf16.f32 v63;
	v32 =	vsub.f32 v44, v46;
	v27 =	vadd.f32 v31, v27  }
0x24b: {  	v31 =	vmul.f32 v45, v47;
	v29 =	vmul.f32 v48, v49;
	v54 =	vunpack.i.l.bf16.f32 v42  }
0x24c: {  	s16 =	sor.u32 $0x1400, s22;
	v36 =	vmul.f32 v50, v51;
	v35 =	vunpack.i.u.bf16.f32 v42;
	v34 =	vmul.f32 v52, v54  }
0x24d: {  	v53 =	vld [tilespmem:s16+$0x1000];
	v28 =	vadd.f32 v58, v28;
	v56 =	vmul.f32 v30, v35;
	v57 =	vperm.xlane v32, v5  }
0x24e: {  	s16 =	sor.u32 $0x1410, s22;
	v59 =	vperm.xlane v32, v7;
	v62 =	vperm.xlane v32, v8  }
0x24f: {  	v55 =	vld [tilespmem:s16+$0x1000];
	v28 =	vadd.f32 v43, v28;
	v41 =	vperm.xlane v32, v9;
	v43 =	vperm.xlane v32, v4  }
0x250: {  	s16 =	sor.u32 $0x1420, s22;
	v25 =	vadd.f32 v40, v25;
	v45 =	vperm.xlane v32, v10;
	v46 =	vperm.xlane v32, v11  }
0x251: {  	v60 =	vld [tilespmem:s16+$0x1000];
	v51 =	vperm.xlane v32, v12;
	v54 =	vperm.xlane v32, v13;
	v26 =	vadd.f32 v31, v26  }
0x252: {  	s16 =	sor.u32 $0x1430, s22;
	v27 =	vadd.f32 v29, v27;
	v25 =	vadd.f32 v36, v25;
	v58 =	vunpack.i.l.bf16.f32 v53  }
0x253: {  	v63 =	vld [tilespmem:s16+$0x1000];
	v61 =	vunpack.i.u.bf16.f32 v53;
	v28 =	vadd.f32 v34, v28;
	v29 =	vmul.f32 v57, v58  }
0x254: {  	s16 =	sor.u32 $0x1440, s22;
	v31 =	vmul.f32 v59, v61;
	v40 =	vunpack.i.l.bf16.f32 v55;
	v57 =	vperm.xlane v32, v14  }
0x255: {  	v47 =	vld [tilespmem:s16+$0x1000];
	v42 =	vunpack.i.u.bf16.f32 v55;
	v58 =	vperm.xlane v32, v15;
	v61 =	vperm.xlane v32, v16  }
0x256: {  	v26 =	vadd.f32 v56, v26;
	v30 =	vmul.f32 v62, v40;
	v44 =	vunpack.i.l.bf16.f32 v60  }
0x257: {  	v34 =	vunpack.i.u.bf16.f32 v60;
	v27 =	vadd.f32 v29, v27;
	v25 =	vadd.f32 v31, v25  }
0x258: {  	s16 =	sor.u32 $0x1450, s22;
	v29 =	vmul.f32 v41, v42;
	v31 =	vmul.f32 v43, v44;
	v48 =	vunpack.i.l.bf16.f32 v63  }
0x259: {  	v50 =	vld [tilespmem:s16+$0x1000];
	v49 =	vmul.f32 v45, v34;
	v52 =	vunpack.i.u.bf16.f32 v63;
	v41 =	vperm.xlane v32, v17  }
0x25a: {  	s16 =	sor.u32 $0x1460, s22;
	v28 =	vadd.f32 v30, v28;
	v33 =	vmul.f32 v46, v48;
	v53 =	vunpack.i.u.bf16.f32 v47  }
0x25b: {  	v55 =	vld [tilespmem:s16+$0x1000];
	s16 =	sor.u32 $0x1470, s22;
	v56 =	vunpack.i.l.bf16.f32 v47;
	v46 =	vperm.xlane v32, v18;
	v47 =	vperm.xlane v32, v19  }
0x25c: {  	v59 =	vld [tilespmem:s16+$0x1000];
	v32 =	vperm.xlane v32, v20;
	v26 =	vadd.f32 v29, v26;
	v27 =	vadd.f32 v31, v27  }
0x25d: {  	v62 =	vld [tilespmem:s9+$0x60];
	v25 =	vadd.f32 v49, v25;
	v29 =	vmul.f32 v51, v52;
	v31 =	vmul.f32 v54, v56  }
0x25e: {  	s16 =	sor.u32 $0x1800, s22;
	v63 =	vld [tilespmem:s9+$0x860];
	v60 =	vunpack.i.l.bf16.f32 v50;
	v30 =	vmul.f32 v57, v53;
	v34 =	vunpack.i.u.bf16.f32 v50  }
0x25f: {  	v44 =	vld [tilespmem:s16+$0x1000];
	v28 =	vadd.f32 v33, v28;
	v35 =	vmul.f32 v58, v60;
	v39 =	vmul.f32 v61, v34  }
0x260: {  	v42 =	vunpack.i.l.bf16.f32 v55;
	v45 =	vunpack.i.u.bf16.f32 v55;
	v26 =	vadd.f32 v29, v26  }
0x261: {  	v27 =	vadd.f32 v31, v27;
	v25 =	vadd.f32 v30, v25;
	v43 =	vmul.f32 v41, v42  }
0x262: {  	s16 =	sor.u32 $0x1810, s22;
	v48 =	vunpack.i.l.bf16.f32 v59;
	v31 =	vmul.f32 v46, v45;
	v49 =	vunpack.i.u.bf16.f32 v59  }
0x263: {  	v50 =	vld [tilespmem:s16+$0x1000];
	v28 =	vadd.f32 v35, v28;
	v36 =	vsub.f32 v62, v63;
	v34 =	vmul.f32 v47, v48  }
0x264: {  	v51 =	vmul.f32 v32, v49;
	v53 =	vunpack.i.l.bf16.f32 v44;
	v30 =	vunpack.i.u.bf16.f32 v44  }
0x265: {  	s16 =	sor.u32 $0x1820, s22;
	v26 =	vadd.f32 v39, v26;
	v27 =	vadd.f32 v43, v27;
	v52 =	vperm.xlane v36, v5  }
0x266: {  	v56 =	vld [tilespmem:s16+$0x1000];
	v25 =	vadd.f32 v31, v25;
	v55 =	vperm.xlane v36, v7;
	v57 =	vperm.xlane v36, v8  }
0x267: {  	s16 =	sor.u32 $0x1830, s22;
	v28 =	vadd.f32 v34, v28;
	v58 =	vperm.xlane v36, v9;
	v62 =	vperm.xlane v36, v4  }
0x268: {  	v59 =	vld [tilespmem:s16+$0x1000];
	v60 =	vunpack.i.u.bf16.f32 v50;
	v63 =	vperm.xlane v36, v10;
	v41 =	vperm.xlane v36, v11  }
0x269: {  	s16 =	sor.u32 $0x1840, s22;
	v35 =	vunpack.i.l.bf16.f32 v50;
	v47 =	vperm.xlane v36, v12;
	v49 =	vperm.xlane v36, v13  }
0x26a: {  	v42 =	vld [tilespmem:s16+$0x1000];
	v26 =	vadd.f32 v51, v26;
	v51 =	vperm.xlane v36, v14;
	v54 =	vmul.f32 v52, v53  }
0x26b: {  	v40 =	vunpack.i.u.bf16.f32 v56;
	v30 =	vmul.f32 v55, v30;
	v61 =	vmul.f32 v57, v35  }
0x26c: {  	s16 =	sor.u32 $0x1850, s22;
	v32 =	vunpack.i.l.bf16.f32 v56;
	v31 =	vmul.f32 v58, v60;
	v43 =	vmul.f32 v63, v40  }
0x26d: {  	v46 =	vld [tilespmem:s16+$0x1000];
	v44 =	vunpack.i.l.bf16.f32 v59;
	v57 =	vperm.xlane v36, v16;
	v63 =	vperm.xlane v36, v17  }
0x26e: {  	v48 =	vunpack.i.u.bf16.f32 v59;
	v40 =	vperm.xlane v36, v18;
	v45 =	vmul.f32 v41, v44  }
0x26f: {  	s16 =	sor.u32 $0x1860, s22;
	v50 =	vunpack.i.l.bf16.f32 v42;
	v53 =	vunpack.i.u.bf16.f32 v42;
	v42 =	vperm.xlane v36, v19  }
0x270: {  	v52 =	vld [tilespmem:s16+$0x1000];
	v27 =	vadd.f32 v54, v27;
	v25 =	vadd.f32 v30, v25;
	v30 =	vmul.f32 v62, v32  }
0x271: {  	s16 =	sor.u32 $0x1870, s22;
	v58 =	vld [tilespmem:s9+$0x70];
	v28 =	vadd.f32 v61, v28;
	v26 =	vadd.f32 v31, v26;
	v29 =	vmul.f32 v49, v50  }
0x272: {  	v55 =	vld [tilespmem:s16+$0x1000];
	v54 =	vperm.xlane v36, v15;
	v33 =	vmul.f32 v51, v53;
	v59 =	vunpack.i.u.bf16.f32 v46  }
0x273: {  	v56 =	vunpack.i.l.bf16.f32 v46;
	v61 =	vld [tilespmem:s9+$0x870];
	v62 =	vmul.f32 v57, v59;
	v27 =	vadd.f32 v30, v27  }
0x274: {  	v25 =	vadd.f32 v43, v25;
	v28 =	vadd.f32 v45, v28;
	v30 =	vmul.f32 v47, v48  }
0x275: {  	v60 =	vmul.f32 v54, v56;
	v47 =	vperm.xlane v36, v20;
	v41 =	vunpack.i.u.bf16.f32 v52  }
0x276: {  	v34 =	vunpack.i.l.bf16.f32 v52;
	v26 =	vadd.f32 v30, v26;
	v27 =	vadd.f32 v29, v27  }
0x277: {  	s16 =	sor.u32 $0x1C00, s22;
	v25 =	vadd.f32 v33, v25;
	v28 =	vadd.f32 v60, v28;
	v30 =	vmul.f32 v63, v34  }
0x278: {  	v43 =	vld [tilespmem:s16+$0x1000];
	v31 =	vmul.f32 v40, v41;
	v44 =	vunpack.i.l.bf16.f32 v55;
	v32 =	vsub.f32 v58, v61  }
0x279: {  	s16 =	sor.u32 $0x1C10, s22;
	v48 =	vunpack.i.u.bf16.f32 v55;
	v45 =	vmul.f32 v42, v44;
	v26 =	vadd.f32 v62, v26  }
0x27a: {  	v46 =	vld [tilespmem:s16+$0x1000];
	v27 =	vadd.f32 v30, v27;
	v30 =	vmul.f32 v47, v48;
	v49 =	vperm.xlane v32, v5  }
0x27b: {  	s16 =	sor.u32 $0x1C20, s22;
	v25 =	vadd.f32 v31, v25;
	v51 =	vperm.xlane v32, v7;
	v54 =	vperm.xlane v32, v8  }
0x27c: {  	v52 =	vld [tilespmem:s16+$0x1000];
	v28 =	vadd.f32 v45, v28;
	v58 =	vperm.xlane v32, v9;
	v59 =	vperm.xlane v32, v4  }
0x27d: {  	s16 =	sor.u32 $0x1C30, s22;
	v50 =	vunpack.i.l.bf16.f32 v43;
	v60 =	vperm.xlane v32, v10;
	v40 =	vperm.xlane v32, v11  }
0x27e: {  	v61 =	vld [tilespmem:s16+$0x1000];
	v53 =	vunpack.i.u.bf16.f32 v43;
	v42 =	vperm.xlane v32, v12;
	v43 =	vperm.xlane v32, v13  }
0x27f: {  	s16 =	sor.u32 $0x1C40, s22;
	v48 =	vperm.xlane v32, v14;
	v26 =	vadd.f32 v30, v26;
	v56 =	vunpack.i.l.bf16.f32 v46  }
0x280: {  	v63 =	vld [tilespmem:s16+$0x1000];
	s16 =	sor.u32 $0x1C50, s22;
	v33 =	vunpack.i.u.bf16.f32 v46;
	v29 =	vmul.f32 v49, v50;
	v55 =	vmul.f32 v51, v53  }
0x281: {  	v46 =	vld [tilespmem:s16+$0x1000];
	s16 =	sor.u32 $0x3, s30;
	v57 =	vmul.f32 v54, v56;
	v31 =	vmul.f32 v58, v33;
	v62 =	vunpack.i.u.bf16.f32 v52  }
0x282: {  	v35 =	vunpack.i.l.bf16.f32 v52;
	v47 =	vmov s16;
	v51 =	vperm.xlane v32, v15  }
0x283: {  	v39 =	vmul.f32 v59, v35;
	v33 =	vmul.f32 v60, v62;
	v41 =	vunpack.i.l.bf16.f32 v61  }
0x284: {  	v44 =	vunpack.i.u.bf16.f32 v61;
	v27 =	vadd.f32 v29, v27;
	v25 =	vadd.f32 v55, v25  }
0x285: {  	s9 =	sor.u32 $0x1C60, s22;
	v60 =	vperm.xlane v32, v18;
	v28 =	vadd.f32 v57, v28;
	v26 =	vadd.f32 v31, v26  }
0x286: {  	s22 =	sor.u32 $0x1C70, s22;
	v49 =	vld [tilespmem:s9+$0x1000];
	v29 =	vmul.f32 v40, v41;
	v45 =	vunpack.i.l.bf16.f32 v63;
	v31 =	vmul.f32 v42, v44  }
0x287: {  	v58 =	vld [tilespmem:s22+$0x1000];
	v50 =	vunpack.i.u.bf16.f32 v63;
	v55 =	vperm.xlane v32, v16;
	v57 =	vperm.xlane v32, v17  }
0x288: {  	s9 =	sshll.u32 s16, $0x7;
	v41 =	vperm.xlane v32, v19;
	v32 =	vperm.xlane v32, v20;
	v27 =	vadd.f32 v39, v27  }
0x289: {  	v53 =	vld [tilespmem:s9+$0x0];
	v30 =	vmul.f32 v43, v45;
	v25 =	vadd.f32 v33, v25;
	v28 =	vadd.f32 v29, v28  }
0x28a: {  	v56 =	vld [tilespmem:s9+$0x800];
	v33 =	vperm.xlane v22, v47;
	v26 =	vadd.f32 v31, v26;
	v35 =	vunpack.i.u.bf16.f32 v46  }
0x28b: {  	s22 =	sand.u32 $0x380, s9;
	v29 =	vmul.f32 v48, v50;
	v54 =	vunpack.i.l.bf16.f32 v46;
	v35 =	vmul.f32 v55, v35  }
0x28c: {  	s11 =	sor.u32 s22, s11;
	v59 =	vunpack.i.l.bf16.f32 v49;
	v61 =	vunpack.i.u.bf16.f32 v49;
	v42 =	vunpack.i.l.bf16.f32 v58  }
0x28d: {  	v63 =	vld [tilespmem:s11+$0x0];
	v44 =	vunpack.i.u.bf16.f32 v58;
	v27 =	vadd.f32 v30, v27;
	v52 =	vshll.u32 v33, $0x4  }
0x28e: {  	v30 =	vmul.f32 v51, v54;
	v25 =	vadd.f32 v29, v25;
	v62 =	vmul.f32 v57, v59  }
0x28f: {  	v43 =	vld [tilespmem:s11+$0x10];
	v29 =	vmul.f32 v60, v61;
	v33 =	vsub.f32 v53, v56;
	v32 =	vmul.f32 v32, v44  }
0x290: {  	v31 =	vor.u32 v0, v52;
	v26 =	vadd.f32 v35, v26;
	v28 =	vadd.f32 v30, v28  }
0x291: {  	v48 =	vld [tilespmem:s11+$0x20];
	v40 =	vadd.f32 v62, v27;
	v25 =	vadd.f32 v29, v25;
	v27 =	vmul.f32 v41, v42  }
0x292: {  	v45 =	vperm.xlane v33, v5;
	v46 =	vunpack.i.l.bf16.f32 v63;
	v47 =	vperm.xlane v33, v7  }
0x293: {  	v36 =	vunpack.i.u.bf16.f32 v63;
	v50 =	vperm.xlane v33, v8;
	v54 =	vperm.xlane v33, v9  }
0x294: {  	v55 =	vld [tilespmem:s11+$0x30];
	v52 =	vunpack.i.l.bf16.f32 v43;
	v56 =	vperm.xlane v33, v4;
	v57 =	vperm.xlane v33, v10  }
0x295: {  	v58 =	vld [tilespmem:s11+$0x40];
	v34 =	vunpack.i.u.bf16.f32 v43;
	v60 =	vperm.xlane v33, v11;
	v61 =	vperm.xlane v33, v12  }
0x296: {  	v63 =	vperm.xlane v33, v13;
	v42 =	vperm.xlane v33, v18;
	v59 =	vunpack.i.u.bf16.f32 v48  }
0x297: {  	v35 =	vunpack.i.l.bf16.f32 v48;
	v28 =	vadd.f32 v27, v28;
	v29 =	vmul.f32 v45, v46;
	v46 =	vld [tilespmem:s11+$0x60]  }
0x298: {  	v27 =	vadd.f32 v32, v26;
	v49 =	vmul.f32 v47, v36;
	v35 =	vmul.f32 v56, v35;
	v56 =	vld [tilespmem:s11+$0x70]  }
0x299: {  	v62 =	vunpack.i.u.bf16.f32 v55;
	v32 =	vunpack.i.l.bf16.f32 v55;
	v47 =	vperm.xlane v33, v14;
	v31 =	vld.idx.msk [tilespmem:v31+s21+$0x0], $0xffff  }
0x29a: {  	v44 =	vunpack.i.l.bf16.f32 v58;
	v55 =	vperm.xlane v33, v17;
	v32 =	vmul.f32 v60, v32;
	v60 =	vld [tilespmem:s11+$0x400]  }
0x29b: {  	v41 =	vld [tilespmem:s11+$0x50];
	v48 =	vunpack.i.u.bf16.f32 v58;
	v43 =	vmul.f32 v61, v62;
	v45 =	vmul.f32 v63, v44  }
0x29c: {  	v62 =	vperm.xlane v33, v19;
	v26 =	vadd.f32 v28, v40;
	v53 =	vadd.f32 $0.0e+00, v49  }
0x29d: {  	v49 =	vperm.xlane v33, v15;
	v58 =	vunpack.i.u.bf16.f32 v46;
	v61 =	vunpack.i.u.bf16.f32 v56  }
0x29e: {  	v51 =	vadd.f32 v29, v31;
	v29 =	vmul.f32 v50, v52;
	v31 =	vmul.f32 v54, v34  }
0x29f: {  	v44 =	vunpack.i.l.bf16.f32 v60;
	v34 =	vmul.f32 v57, v59;
	v52 =	vperm.xlane v33, v16  }
0x2a0: {  	v50 =	vld [tilespmem:s9+$0x10];
	v54 =	vunpack.i.u.bf16.f32 v41;
	v57 =	vunpack.i.l.bf16.f32 v46;
	v33 =	vperm.xlane v33, v20  }
0x2a1: {  	v46 =	vunpack.i.u.bf16.f32 v60;
	v29 =	vadd.f32 $0.0e+00, v29;
	v30 =	vadd.f32 v34, v53;
	v53 =	vld [tilespmem:s9+$0x810]  }
0x2a2: {  	v59 =	vmul.f32 v55, v57;
	v31 =	vadd.f32 $0.0e+00, v31;
	v28 =	vadd.f32 v35, v51  }
0x2a3: {  	v51 =	vunpack.i.l.bf16.f32 v41;
	v29 =	vadd.f32 v32, v29;
	v32 =	vmul.f32 v47, v48  }
0x2a4: {  	v63 =	vld [tilespmem:s11+$0x410];
	v38 =	vmul.f32 v52, v54;
	v34 =	vmul.f32 v49, v51;
	v31 =	vadd.f32 v43, v31  }
0x2a5: {  	v28 =	vadd.f32 v45, v28;
	v43 =	vunpack.i.l.bf16.f32 v56;
	v30 =	vadd.f32 v32, v30  }
0x2a6: {  	v52 =	vld [tilespmem:s11+$0x430];
	v29 =	vadd.f32 v34, v29;
	v32 =	vmul.f32 v42, v58;
	v34 =	vsub.f32 v50, v53  }
0x2a7: {  	v48 =	vld [tilespmem:s11+$0x420];
	v35 =	vmul.f32 v62, v43;
	v31 =	vadd.f32 v38, v31;
	v28 =	vadd.f32 v59, v28  }
0x2a8: {  	v30 =	vadd.f32 v32, v30;
	v32 =	vmul.f32 v33, v61;
	v39 =	vperm.xlane v34, v5  }
0x2a9: {  	v50 =	vunpack.i.l.bf16.f32 v63;
	v45 =	vperm.xlane v34, v7;
	v49 =	vperm.xlane v34, v8  }
0x2aa: {  	v56 =	vld [tilespmem:s11+$0x440];
	v53 =	vunpack.i.u.bf16.f32 v63;
	v51 =	vperm.xlane v34, v9;
	v54 =	vperm.xlane v34, v4  }
0x2ab: {  	v61 =	vunpack.i.u.bf16.f32 v52;
	v55 =	vperm.xlane v34, v10;
	v59 =	vperm.xlane v34, v11  }
0x2ac: {  	v57 =	vunpack.i.u.bf16.f32 v48;
	v60 =	vperm.xlane v34, v12;
	v62 =	vperm.xlane v34, v13  }
0x2ad: {  	v38 =	vunpack.i.l.bf16.f32 v48;
	v48 =	vperm.xlane v34, v15;
	v47 =	vmul.f32 v39, v44  }
0x2ae: {  	v63 =	vld [tilespmem:s11+$0x450];
	v31 =	vadd.f32 v32, v31;
	v33 =	vmul.f32 v45, v46;
	v32 =	vmul.f32 v49, v50  }
0x2af: {  	v43 =	vunpack.i.l.bf16.f32 v56;
	v58 =	vmul.f32 v54, v38;
	v36 =	vmul.f32 v55, v57  }
0x2b0: {  	v42 =	vmul.f32 v60, v61;
	v44 =	vmul.f32 v62, v43  }
0x2b1: {  	v29 =	vadd.f32 v35, v29;
	v46 =	vperm.xlane v34, v14;
	v54 =	vperm.xlane v34, v17  }
0x2b2: {  	v35 =	vunpack.i.l.bf16.f32 v52;
	v45 =	vld [tilespmem:s11+$0x460];
	v57 =	vperm.xlane v34, v18;
	v62 =	vperm.xlane v34, v19  }
0x2b3: {  	v55 =	vld [tilespmem:s11+$0x470];
	v50 =	vunpack.i.l.bf16.f32 v63;
	v28 =	vadd.f32 v47, v28;
	v30 =	vadd.f32 v33, v30  }
0x2b4: {  	v52 =	vld [tilespmem:s9+$0x820];
	v33 =	vmul.f32 v51, v53;
	v29 =	vadd.f32 v32, v29;
	v47 =	vunpack.i.u.bf16.f32 v56  }
0x2b5: {  	v49 =	vld [tilespmem:s9+$0x20];
	v51 =	vperm.xlane v34, v16;
	v53 =	vunpack.i.u.bf16.f32 v63;
	v32 =	vmul.f32 v48, v50  }
0x2b6: {  	v63 =	vld [tilespmem:s11+$0x810];
	v34 =	vperm.xlane v34, v20;
	v31 =	vadd.f32 v33, v31;
	v33 =	vmul.f32 v59, v35  }
0x2b7: {  	v48 =	vld [tilespmem:s11+$0x820];
	v28 =	vadd.f32 v58, v28;
	v30 =	vadd.f32 v36, v30;
	v38 =	vmul.f32 v51, v53  }
0x2b8: {  	v56 =	vunpack.i.l.bf16.f32 v45;
	v58 =	vunpack.i.u.bf16.f32 v45;
	v61 =	vunpack.i.u.bf16.f32 v55  }
0x2b9: {  	v43 =	vunpack.i.l.bf16.f32 v55;
	v29 =	vadd.f32 v33, v29;
	v31 =	vadd.f32 v42, v31  }
0x2ba: {  	v28 =	vadd.f32 v44, v28;
	v33 =	vmul.f32 v46, v47;
	v35 =	vmul.f32 v54, v56  }
0x2bb: {  	v59 =	vld [tilespmem:s11+$0x800];
	v60 =	vmul.f32 v57, v58;
	v50 =	vunpack.i.l.bf16.f32 v63;
	v53 =	vunpack.i.u.bf16.f32 v63  }
0x2bc: {  	v57 =	vunpack.i.u.bf16.f32 v48;
	v30 =	vadd.f32 v33, v30;
	v33 =	vsub.f32 v49, v52  }
0x2bd: {  	v29 =	vadd.f32 v32, v29;
	v28 =	vadd.f32 v35, v28;
	v35 =	vmul.f32 v62, v43  }
0x2be: {  	v31 =	vadd.f32 v38, v31;
	v32 =	vmul.f32 v34, v61;
	v39 =	vperm.xlane v33, v5  }
0x2bf: {  	v38 =	vunpack.i.l.bf16.f32 v48;
	v45 =	vperm.xlane v33, v7;
	v49 =	vperm.xlane v33, v8  }
0x2c0: {  	v56 =	vld [tilespmem:s11+$0x840];
	v44 =	vunpack.i.l.bf16.f32 v59;
	v51 =	vperm.xlane v33, v9;
	v54 =	vperm.xlane v33, v4  }
0x2c1: {  	v63 =	vld [tilespmem:s11+$0x850];
	v46 =	vunpack.i.u.bf16.f32 v59;
	v55 =	vperm.xlane v33, v10;
	v59 =	vperm.xlane v33, v11  }
0x2c2: {  	v52 =	vld [tilespmem:s11+$0x830];
	v30 =	vadd.f32 v60, v30;
	v60 =	vperm.xlane v33, v12;
	v62 =	vperm.xlane v33, v13  }
0x2c3: {  	v29 =	vadd.f32 v35, v29;
	v48 =	vperm.xlane v33, v14;
	v47 =	vmul.f32 v39, v44  }
0x2c4: {  	v31 =	vadd.f32 v32, v31;
	v34 =	vmul.f32 v45, v46;
	v32 =	vmul.f32 v49, v50  }
0x2c5: {  	v58 =	vmul.f32 v54, v38;
	v36 =	vmul.f32 v55, v57;
	v45 =	vunpack.i.l.bf16.f32 v56  }
0x2c6: {  	v49 =	vunpack.i.u.bf16.f32 v56;
	v50 =	vperm.xlane v33, v15;
	v55 =	vunpack.i.u.bf16.f32 v63  }
0x2c7: {  	v54 =	vld [tilespmem:s9+$0x830];
	v56 =	vperm.xlane v33, v17;
	v61 =	vunpack.i.u.bf16.f32 v52;
	v35 =	vunpack.i.l.bf16.f32 v52  }
0x2c8: {  	v57 =	vld [tilespmem:s11+$0x870];
	v46 =	vmul.f32 v62, v45;
	v52 =	vunpack.i.l.bf16.f32 v63;
	v28 =	vadd.f32 v47, v28  }
0x2c9: {  	v45 =	vld [tilespmem:s11+$0xC10];
	v30 =	vadd.f32 v34, v30;
	v34 =	vmul.f32 v51, v53;
	v44 =	vmul.f32 v60, v61  }
0x2ca: {  	v29 =	vadd.f32 v32, v29;
	v47 =	vld [tilespmem:s11+$0x860];
	v53 =	vperm.xlane v33, v16;
	v32 =	vmul.f32 v50, v52  }
0x2cb: {  	v61 =	vld [tilespmem:s11+$0xC00];
	v31 =	vadd.f32 v34, v31;
	v34 =	vmul.f32 v59, v35;
	v28 =	vadd.f32 v58, v28  }
0x2cc: {  	v51 =	vld [tilespmem:s9+$0x30];
	v30 =	vadd.f32 v36, v30;
	v38 =	vmul.f32 v53, v55;
	v59 =	vperm.xlane v33, v18  }
0x2cd: {  	v63 =	vunpack.i.u.bf16.f32 v57;
	v29 =	vadd.f32 v34, v29;
	v31 =	vadd.f32 v44, v31  }
0x2ce: {  	v28 =	vadd.f32 v46, v28;
	v34 =	vmul.f32 v48, v49;
	v44 =	vperm.xlane v33, v19  }
0x2cf: {  	v46 =	vunpack.i.l.bf16.f32 v57;
	v33 =	vperm.xlane v33, v20;
	v53 =	vunpack.i.l.bf16.f32 v45  }
0x2d0: {  	v58 =	vunpack.i.l.bf16.f32 v47;
	v60 =	vunpack.i.u.bf16.f32 v47;
	v47 =	vunpack.i.l.bf16.f32 v61  }
0x2d1: {  	v49 =	vunpack.i.u.bf16.f32 v61;
	v30 =	vadd.f32 v34, v30;
	v34 =	vsub.f32 v51, v54  }
0x2d2: {  	v35 =	vmul.f32 v56, v58;
	v29 =	vadd.f32 v32, v29;
	v62 =	vmul.f32 v59, v60  }
0x2d3: {  	v55 =	vld [tilespmem:s11+$0xC30];
	v31 =	vadd.f32 v38, v31;
	v32 =	vmul.f32 v33, v63;
	v39 =	vperm.xlane v34, v5  }
0x2d4: {  	v28 =	vadd.f32 v35, v28;
	v35 =	vmul.f32 v44, v46;
	v48 =	vperm.xlane v34, v7  }
0x2d5: {  	v51 =	vld [tilespmem:s11+$0xC20];
	v56 =	vunpack.i.u.bf16.f32 v45;
	v52 =	vperm.xlane v34, v8;
	v54 =	vperm.xlane v34, v9  }
0x2d6: {  	v59 =	vld [tilespmem:s11+$0xC40];
	v30 =	vadd.f32 v62, v30;
	v57 =	vperm.xlane v34, v4;
	v58 =	vperm.xlane v34, v10  }
0x2d7: {  	v31 =	vadd.f32 v32, v31;
	v62 =	vperm.xlane v34, v11;
	v63 =	vperm.xlane v34, v12  }
0x2d8: {  	v44 =	vunpack.i.u.bf16.f32 v55;
	v45 =	vperm.xlane v34, v13;
	v50 =	vmul.f32 v39, v47  }
0x2d9: {  	v29 =	vadd.f32 v35, v29;
	v33 =	vmul.f32 v48, v49;
	v32 =	vmul.f32 v52, v53  }
0x2da: {  	v46 =	vld [tilespmem:s11+$0xC50];
	v35 =	vunpack.i.l.bf16.f32 v55;
	v47 =	vmul.f32 v63, v44;
	v53 =	vperm.xlane v34, v15  }
0x2db: {  	v60 =	vunpack.i.u.bf16.f32 v51;
	v38 =	vunpack.i.l.bf16.f32 v51;
	v48 =	vunpack.i.l.bf16.f32 v59  }
0x2dc: {  	v51 =	vperm.xlane v34, v14;
	v52 =	vunpack.i.u.bf16.f32 v59;
	v59 =	vperm.xlane v34, v17  }
0x2dd: {  	v28 =	vadd.f32 v50, v28;
	v30 =	vadd.f32 v33, v30;
	v33 =	vmul.f32 v54, v56  }
0x2de: {  	v29 =	vadd.f32 v32, v29;
	v61 =	vmul.f32 v57, v38;
	v36 =	vmul.f32 v58, v60;
	v50 =	vld [tilespmem:s11+$0xC60]  }
0x2df: {  	v49 =	vmul.f32 v45, v48;
	v54 =	vld [tilespmem:s9+$0x40];
	v56 =	vperm.xlane v34, v16;
	v55 =	vunpack.i.l.bf16.f32 v46  }
0x2e0: {  	v58 =	vld [tilespmem:s11+$0xC70];
	v41 =	vunpack.i.u.bf16.f32 v46;
	v46 =	vperm.xlane v34, v19;
	v31 =	vadd.f32 v33, v31  }
0x2e1: {  	v57 =	vld [tilespmem:s9+$0x840];
	s11 =	sor.u32 s31, s22;
	v33 =	vmul.f32 v62, v35;
	v28 =	vadd.f32 v61, v28;
	v32 =	vmul.f32 v53, v55  }
0x2e2: {  	s22 =	sor.u32 $0x1000, s11;
	v30 =	vadd.f32 v36, v30;
	v38 =	vmul.f32 v56, v41;
	v61 =	vperm.xlane v34, v18  }
0x2e3: {  	v63 =	vld [tilespmem:s22+$0x1000];
	v34 =	vperm.xlane v34, v20;
	v29 =	vadd.f32 v33, v29;
	v31 =	vadd.f32 v47, v31  }
0x2e4: {  	v28 =	vadd.f32 v49, v28;
	v33 =	vmul.f32 v51, v52;
	v60 =	vunpack.i.l.bf16.f32 v50  }
0x2e5: {  	v62 =	vunpack.i.u.bf16.f32 v50;
	v45 =	vunpack.i.u.bf16.f32 v58;
	v48 =	vunpack.i.l.bf16.f32 v58  }
0x2e6: {  	s31 =	sor.u32 $0x1010, s11;
	v30 =	vadd.f32 v33, v30;
	v35 =	vmul.f32 v59, v60;
	v33 =	vsub.f32 v54, v57  }
0x2e7: {  	v47 =	vld [tilespmem:s31+$0x1000];
	v29 =	vadd.f32 v32, v29;
	v31 =	vadd.f32 v38, v31;
	v44 =	vmul.f32 v61, v62  }
0x2e8: {  	v32 =	vmul.f32 v34, v45;
	v49 =	vunpack.i.l.bf16.f32 v63;
	v39 =	vperm.xlane v33, v5  }
0x2e9: {  	s31 =	sor.u32 $0x1020, s11;
	v28 =	vadd.f32 v35, v28;
	v35 =	vmul.f32 v46, v48;
	v50 =	vperm.xlane v33, v7  }
0x2ea: {  	v53 =	vld [tilespmem:s31+$0x1000];
	v51 =	vunpack.i.u.bf16.f32 v63;
	v54 =	vperm.xlane v33, v8;
	v56 =	vperm.xlane v33, v9  }
0x2eb: {  	s31 =	sor.u32 $0x1030, s11;
	v30 =	vadd.f32 v44, v30;
	v59 =	vperm.xlane v33, v4;
	v60 =	vperm.xlane v33, v10  }
0x2ec: {  	v57 =	vld [tilespmem:s31+$0x1000];
	v44 =	vperm.xlane v33, v11;
	v45 =	vperm.xlane v33, v12;
	v55 =	vunpack.i.l.bf16.f32 v47  }
0x2ed: {  	s31 =	sor.u32 $0x1040, s11;
	v58 =	vunpack.i.u.bf16.f32 v47;
	v47 =	vperm.xlane v33, v13;
	v52 =	vmul.f32 v39, v49  }
0x2ee: {  	v61 =	vld [tilespmem:s31+$0x1000];
	v31 =	vadd.f32 v32, v31;
	v34 =	vmul.f32 v50, v51;
	v32 =	vmul.f32 v54, v55  }
0x2ef: {  	s31 =	sor.u32 $0x1050, s11;
	v62 =	vunpack.i.u.bf16.f32 v53;
	v38 =	vunpack.i.l.bf16.f32 v53;
	v53 =	vperm.xlane v33, v14  }
0x2f0: {  	v48 =	vld [tilespmem:s31+$0x1000];
	v29 =	vadd.f32 v35, v29;
	v55 =	vperm.xlane v33, v15;
	v63 =	vmul.f32 v59, v38  }
0x2f1: {  	v36 =	vmul.f32 v60, v62;
	v46 =	vunpack.i.u.bf16.f32 v57;
	v35 =	vunpack.i.l.bf16.f32 v57  }
0x2f2: {  	v28 =	vadd.f32 v52, v28;
	v30 =	vadd.f32 v34, v30;
	v34 =	vmul.f32 v56, v58  }
0x2f3: {  	v29 =	vadd.f32 v32, v29;
	v49 =	vmul.f32 v45, v46;
	v50 =	vunpack.i.l.bf16.f32 v61  }
0x2f4: {  	s31 =	sor.u32 $0x1060, s11;
	v59 =	vld [tilespmem:s9+$0x850];
	v54 =	vunpack.i.u.bf16.f32 v61;
	v58 =	vperm.xlane v33, v16;
	v61 =	vperm.xlane v33, v17  }
0x2f5: {  	v52 =	vld [tilespmem:s31+$0x1000];
	v45 =	vperm.xlane v33, v18;
	v51 =	vmul.f32 v47, v50;
	v57 =	vunpack.i.l.bf16.f32 v48  }
0x2f6: {  	v56 =	vld [tilespmem:s9+$0x50];
	s31 =	sor.u32 $0x1070, s11;
	v60 =	vunpack.i.u.bf16.f32 v48;
	v50 =	vperm.xlane v33, v19;
	v33 =	vperm.xlane v33, v20  }
0x2f7: {  	v62 =	vld [tilespmem:s31+$0x1000];
	v31 =	vadd.f32 v34, v31;
	v34 =	vmul.f32 v44, v35;
	v28 =	vadd.f32 v63, v28  }
0x2f8: {  	v30 =	vadd.f32 v36, v30;
	v32 =	vmul.f32 v55, v57;
	v38 =	vmul.f32 v58, v60  }
0x2f9: {  	s31 =	sor.u32 $0x1400, s11;
	v29 =	vadd.f32 v34, v29;
	v31 =	vadd.f32 v49, v31;
	v34 =	vmul.f32 v53, v54  }
0x2fa: {  	v47 =	vld [tilespmem:s31+$0x1000];
	v28 =	vadd.f32 v51, v28;
	v63 =	vunpack.i.l.bf16.f32 v52;
	v46 =	vunpack.i.u.bf16.f32 v52  }
0x2fb: {  	v30 =	vadd.f32 v34, v30;
	v35 =	vmul.f32 v61, v63;
	v29 =	vadd.f32 v32, v29  }
0x2fc: {  	s31 =	sor.u32 $0x1410, s11;
	v31 =	vadd.f32 v38, v31;
	v34 =	vsub.f32 v56, v59;
	v49 =	vunpack.i.u.bf16.f32 v62  }
0x2fd: {  	v51 =	vld [tilespmem:s31+$0x1000];
	v48 =	vmul.f32 v45, v46;
	v52 =	vunpack.i.l.bf16.f32 v62;
	v32 =	vmul.f32 v33, v49  }
0x2fe: {  	s31 =	sor.u32 $0x1420, s11;
	v28 =	vadd.f32 v35, v28;
	v39 =	vperm.xlane v34, v5;
	v35 =	vmul.f32 v50, v52  }
0x2ff: {  	v57 =	vld [tilespmem:s31+$0x1000];
	v53 =	vunpack.i.l.bf16.f32 v47;
	v54 =	vperm.xlane v34, v7;
	v58 =	vperm.xlane v34, v8  }
0x300: {  	v55 =	vunpack.i.u.bf16.f32 v47;
	v60 =	vperm.xlane v34, v9;
	v63 =	vperm.xlane v34, v4  }
0x301: {  	s31 =	sor.u32 $0x1430, s11;
	v30 =	vadd.f32 v48, v30;
	v44 =	vperm.xlane v34, v10;
	v48 =	vperm.xlane v34, v11  }
0x302: {  	v61 =	vld [tilespmem:s31+$0x1000];
	v49 =	vperm.xlane v34, v12;
	v31 =	vadd.f32 v32, v31;
	v59 =	vunpack.i.l.bf16.f32 v51  }
0x303: {  	s31 =	sor.u32 $0x1440, s11;
	v62 =	vunpack.i.u.bf16.f32 v51;
	v51 =	vperm.xlane v34, v13;
	v56 =	vmul.f32 v39, v53  }
0x304: {  	v45 =	vld [tilespmem:s31+$0x1000];
	v33 =	vmul.f32 v54, v55;
	v32 =	vmul.f32 v58, v59;
	v46 =	vunpack.i.u.bf16.f32 v57  }
0x305: {  	s31 =	sor.u32 $0x1450, s11;
	v38 =	vunpack.i.l.bf16.f32 v57;
	v57 =	vperm.xlane v34, v14;
	v59 =	vperm.xlane v34, v15  }
0x306: {  	v52 =	vld [tilespmem:s31+$0x1000];
	v29 =	vadd.f32 v35, v29;
	v47 =	vmul.f32 v63, v38;
	v36 =	vmul.f32 v44, v46  }
0x307: {  	v50 =	vunpack.i.u.bf16.f32 v61;
	v35 =	vunpack.i.l.bf16.f32 v61;
	v28 =	vadd.f32 v56, v28  }
0x308: {  	v30 =	vadd.f32 v33, v30;
	v33 =	vmul.f32 v60, v62;
	v29 =	vadd.f32 v32, v29  }
0x309: {  	v53 =	vmul.f32 v49, v50;
	v54 =	vunpack.i.l.bf16.f32 v45;
	v62 =	vperm.xlane v34, v16  }
0x30a: {  	s31 =	sor.u32 $0x1460, s11;
	v63 =	vld [tilespmem:s9+$0x860];
	v58 =	vunpack.i.u.bf16.f32 v45;
	v45 =	vperm.xlane v34, v17;
	v55 =	vmul.f32 v51, v54  }
0x30b: {  	v56 =	vld [tilespmem:s31+$0x1000];
	v61 =	vunpack.i.l.bf16.f32 v52;
	v44 =	vunpack.i.u.bf16.f32 v52;
	v31 =	vadd.f32 v33, v31  }
0x30c: {  	v60 =	vld [tilespmem:s9+$0x60];
	s31 =	sor.u32 $0x1470, s11;
	v33 =	vmul.f32 v48, v35;
	v28 =	vadd.f32 v47, v28;
	v32 =	vmul.f32 v59, v61  }
0x30d: {  	v46 =	vld [tilespmem:s31+$0x1000];
	s31 =	sor.u32 $0x1800, s11;
	v30 =	vadd.f32 v36, v30;
	v38 =	vmul.f32 v62, v44;
	v48 =	vperm.xlane v34, v18  }
0x30e: {  	v50 =	vld [tilespmem:s31+$0x1000];
	v29 =	vadd.f32 v33, v29;
	v31 =	vadd.f32 v53, v31;
	v33 =	vmul.f32 v57, v58  }
0x30f: {  	v28 =	vadd.f32 v55, v28;
	v53 =	vperm.xlane v34, v19;
	v34 =	vperm.xlane v34, v20  }
0x310: {  	v47 =	vunpack.i.l.bf16.f32 v56;
	v49 =	vunpack.i.u.bf16.f32 v56;
	v30 =	vadd.f32 v33, v30  }
0x311: {  	s31 =	sor.u32 $0x1810, s11;
	v35 =	vmul.f32 v45, v47;
	v29 =	vadd.f32 v32, v29;
	v31 =	vadd.f32 v38, v31  }
0x312: {  	v54 =	vld [tilespmem:s31+$0x1000];
	v51 =	vmul.f32 v48, v49;
	v33 =	vsub.f32 v60, v63;
	v52 =	vunpack.i.u.bf16.f32 v46  }
0x313: {  	v55 =	vunpack.i.l.bf16.f32 v46;
	v56 =	vunpack.i.l.bf16.f32 v50;
	v32 =	vmul.f32 v34, v52  }
0x314: {  	v28 =	vadd.f32 v35, v28;
	v39 =	vperm.xlane v33, v5;
	v35 =	vmul.f32 v53, v55  }
0x315: {  	s31 =	sor.u32 $0x1820, s11;
	v58 =	vunpack.i.u.bf16.f32 v50;
	v57 =	vperm.xlane v33, v7;
	v61 =	vperm.xlane v33, v8  }
0x316: {  	v60 =	vld [tilespmem:s31+$0x1000];
	v30 =	vadd.f32 v51, v30;
	v63 =	vperm.xlane v33, v9;
	v46 =	vperm.xlane v33, v4  }
0x317: {  	v62 =	vunpack.i.l.bf16.f32 v54;
	v47 =	vperm.xlane v33, v10;
	v51 =	vperm.xlane v33, v11  }
0x318: {  	s31 =	sor.u32 $0x1830, s11;
	v45 =	vunpack.i.u.bf16.f32 v54;
	v52 =	vperm.xlane v33, v12;
	v54 =	vperm.xlane v33, v13  }
0x319: {  	v44 =	vld [tilespmem:s31+$0x1000];
	s31 =	sor.u32 $0x1840, s11;
	v31 =	vadd.f32 v32, v31;
	v59 =	vmul.f32 v39, v56;
	v34 =	vmul.f32 v57, v58  }
0x31a: {  	v48 =	vld [tilespmem:s31+$0x1000];
	v29 =	vadd.f32 v35, v29;
	v32 =	vmul.f32 v61, v62;
	v62 =	vperm.xlane v33, v15  }
0x31b: {  	v49 =	vunpack.i.u.bf16.f32 v60;
	v38 =	vunpack.i.l.bf16.f32 v60;
	v60 =	vperm.xlane v33, v14  }
0x31c: {  	s31 =	sor.u32 $0x1850, s11;
	v28 =	vadd.f32 v59, v28;
	v30 =	vadd.f32 v34, v30;
	v34 =	vmul.f32 v63, v45  }
0x31d: {  	v55 =	vld [tilespmem:s31+$0x1000];
	v29 =	vadd.f32 v32, v29;
	v50 =	vmul.f32 v46, v38;
	v36 =	vmul.f32 v47, v49  }
0x31e: {  	v53 =	vunpack.i.u.bf16.f32 v44;
	v35 =	vunpack.i.l.bf16.f32 v44;
	v45 =	vperm.xlane v33, v16  }
0x31f: {  	s31 =	sor.u32 $0x1860, s11;
	v56 =	vmul.f32 v52, v53;
	v57 =	vunpack.i.l.bf16.f32 v48;
	v61 =	vunpack.i.u.bf16.f32 v48  }
0x320: {  	v59 =	vld [tilespmem:s31+$0x1000];
	v48 =	vperm.xlane v33, v17;
	v31 =	vadd.f32 v34, v31;
	v34 =	vmul.f32 v51, v35  }
0x321: {  	v63 =	vld [tilespmem:s9+$0x70];
	v28 =	vadd.f32 v50, v28;
	v30 =	vadd.f32 v36, v30;
	v58 =	vmul.f32 v54, v57  }
0x322: {  	s31 =	sor.u32 $0x1870, s11;
	v46 =	vld [tilespmem:s9+$0x870];
	v44 =	vunpack.i.l.bf16.f32 v55;
	v47 =	vunpack.i.u.bf16.f32 v55;
	v51 =	vperm.xlane v33, v18  }
0x323: {  	s22 =	sor.u32 $0x1C00, s11;
	v49 =	vld [tilespmem:s31+$0x1000];
	v32 =	vmul.f32 v62, v44;
	v38 =	vmul.f32 v45, v47;
	v29 =	vadd.f32 v34, v29  }
0x324: {  	v53 =	vld [tilespmem:s22+$0x1000];
	v31 =	vadd.f32 v56, v31;
	v28 =	vadd.f32 v58, v28;
	v34 =	vmul.f32 v60, v61  }
0x325: {  	s31 =	sor.u32 $0x1C10, s11;
	v56 =	vperm.xlane v33, v19;
	v33 =	vperm.xlane v33, v20;
	v50 =	vunpack.i.l.bf16.f32 v59  }
0x326: {  	v57 =	vld [tilespmem:s31+$0x1000];
	v52 =	vunpack.i.u.bf16.f32 v59;
	v30 =	vadd.f32 v34, v30;
	v35 =	vmul.f32 v48, v50  }
0x327: {  	v29 =	vadd.f32 v32, v29;
	v31 =	vadd.f32 v38, v31;
	v54 =	vmul.f32 v51, v52  }
0x328: {  	s31 =	sor.u32 $0x1C30, s11;
	v34 =	vsub.f32 v63, v46;
	v55 =	vunpack.i.u.bf16.f32 v49;
	v58 =	vunpack.i.l.bf16.f32 v49  }
0x329: {  	v47 =	vld [tilespmem:s31+$0x1000];
	v59 =	vunpack.i.l.bf16.f32 v53;
	v61 =	vunpack.i.u.bf16.f32 v53;
	v32 =	vmul.f32 v33, v55  }
0x32a: {  	v28 =	vadd.f32 v35, v28;
	v39 =	vperm.xlane v34, v5;
	v35 =	vmul.f32 v56, v58  }
0x32b: {  	s22 =	sor.u32 $0x1C20, s11;
	v45 =	vunpack.i.l.bf16.f32 v57;
	v60 =	vperm.xlane v34, v7;
	v44 =	vperm.xlane v34, v8  }
0x32c: {  	v63 =	vld [tilespmem:s22+$0x1000];
	v48 =	vunpack.i.u.bf16.f32 v57;
	v46 =	vperm.xlane v34, v9;
	v49 =	vperm.xlane v34, v4  }
0x32d: {  	v30 =	vadd.f32 v54, v30;
	v50 =	vperm.xlane v34, v10;
	v54 =	vperm.xlane v34, v11  }
0x32e: {  	s22 =	sor.u32 $0x1C40, s11;
	v55 =	vperm.xlane v34, v12;
	v56 =	vunpack.i.u.bf16.f32 v47;
	v57 =	vperm.xlane v34, v13  }
0x32f: {  	v51 =	vld [tilespmem:s22+$0x1000];
	v43 =	vperm.xlane v34, v15;
	v31 =	vadd.f32 v32, v31;
	v62 =	vmul.f32 v39, v59  }
0x330: {  	s31 =	sor.u32 $0x1C50, s11;
	v29 =	vadd.f32 v35, v29;
	v33 =	vmul.f32 v60, v61;
	v32 =	vmul.f32 v44, v45  }
0x331: {  	v58 =	vld [tilespmem:s31+$0x1000];
	v35 =	vunpack.i.l.bf16.f32 v47;
	v59 =	vmul.f32 v55, v56;
	v52 =	vunpack.i.u.bf16.f32 v63  }
0x332: {  	v38 =	vunpack.i.l.bf16.f32 v63;
	v63 =	vperm.xlane v34, v14;
	v28 =	vadd.f32 v62, v28  }
0x333: {  	v30 =	vadd.f32 v33, v30;
	v33 =	vmul.f32 v46, v48;
	v29 =	vadd.f32 v32, v29  }
0x334: {  	s31 =	sor.u32 $0x1C70, s11;
	v53 =	vmul.f32 v49, v38;
	v36 =	vmul.f32 v50, v52;
	v60 =	vunpack.i.l.bf16.f32 v51  }
0x335: {  	v44 =	vld [tilespmem:s31+$0x1000];
	v42 =	vunpack.i.u.bf16.f32 v51;
	v46 =	vperm.xlane v34, v16;
	v48 =	vperm.xlane v34, v17  }
0x336: {  	s22 =	sor.u32 $0x1C60, s11;
	v52 =	vperm.xlane v34, v19;
	v61 =	vmul.f32 v57, v60;
	v45 =	vunpack.i.l.bf16.f32 v58  }
0x337: {  	v62 =	vld [tilespmem:s22+$0x1000];
	v47 =	vunpack.i.u.bf16.f32 v58;
	v31 =	vadd.f32 v33, v31;
	v33 =	vmul.f32 v54, v35  }
0x338: {  	v28 =	vadd.f32 v53, v28;
	v32 =	vmul.f32 v43, v45;
	v49 =	vmul.f32 v46, v47  }
0x339: {  	v30 =	vadd.f32 v36, v30;
	v53 =	vperm.xlane v34, v18;
	v34 =	vperm.xlane v34, v20  }
0x33a: {  	v54 =	vunpack.i.l.bf16.f32 v44;
	v37 =	vunpack.i.u.bf16.f32 v44;
	v29 =	vadd.f32 v33, v29  }
0x33b: {  	v31 =	vadd.f32 v59, v31;
	v28 =	vadd.f32 v61, v28;
	v33 =	vmul.f32 v63, v42  }
0x33c: {  	v35 =	vmul.f32 v52, v54;
	v34 =	vmul.f32 v34, v37;
	v50 =	vunpack.i.l.bf16.f32 v62  }
0x33d: {  	v36 =	vunpack.i.u.bf16.f32 v62;
	v29 =	vadd.f32 v32, v29;
	v51 =	vmul.f32 v48, v50  }
0x33e: {  	v30 =	vadd.f32 v33, v30;
	v31 =	vadd.f32 v49, v31;
	v55 =	vmul.f32 v53, v36  }
0x33f: {  	s11 =	smul.u32 $0x11, s30;
	v28 =	vadd.f32 v51, v28;
	v29 =	vadd.f32 v35, v29  }
0x340: {  	s5 =	smul.u32 $0x11, s5;
	v30 =	vadd.f32 v55, v30;
	v31 =	vadd.f32 v34, v31  }
0x341: {  	v24 =	vand.u32 $0x7FFFFFFF, v24;
	s12 =	smul.u32 $0x11, s12;
	v25 =	vadd.f32 v27, v25;
	v57 =	vadd.s32 s11, v0  }
0x342: {  	s22 =	smul.u32 $0x11, s16;
	v59 =	vadd.s32 s5, v0;
	v56 =	vadd.f32 v29, v28;
	v58 =	vadd.f32 v31, v30  }
0x343: {  	v24 =	vsub.f32 $7.500000000e-01, v24;
	v25 =	vadd.f32 v25, v26;
	v60 =	vadd.s32 s12, v0  }
0x344: {  	p2 =	slt.u32 s30, $0xC;
	v23 =	vand.u32 $0x7FFFFFFF, v23;
	v61 =	vadd.s32 s22, v0;
	v27 =	vadd.f32 v58, v56  }
.Ltmp5:
0x345: {  	v23 =	vsub.f32 $7.500000000e-01, v23;
	v25 =	vand.u32 $0x7FFFFFFF, v25;
	(pc) =	sbr.rel @p2 .LBB2_4-.Ltmp5, $4  }
0x346: {  	v62 =	vsub.f32 $7.500000000e-01, v25;
	[tilespmem:v57+s0+$0x0] =	vst.idx.msk $0xffff, v24;
	v63 =	vand.u32 $0x7FFFFFFF, v27  }
0x347: {  	[tilespmem:v59+s0+$0x0] =	vst.idx.msk $0xffff, v23;
	v23 =	vsub.f32 $7.500000000e-01, v63  }
0x348: {  	s31 =	sadd.s32 $0x4, s30;
	[tilespmem:v60+s0+$0x0] =	vst.idx.msk $0xffff, v62  }
0x349: {  	s30 =	smov.u32 s31;
	[tilespmem:v61+s0+$0x0] =	vst.idx.msk $0xffff, v23  }
0x34a: {  	v22 =	vmul.u32 $0x11, v0;
	_ =	sdelay $0x1  }
0x34b: {  	v23 =	vadd.s32 $0x1, v22;
	_ =	sdelay $0x1  }
0x34c: {  	v24 =	vadd.s32 $0x2, v22;
	_ =	sdelay $0x1  }
0x34d: {  	v26 =	vadd.s32 $0x3, v22;
	v25 =	vld.idx.msk [tilespmem:v22+s0+$0x0], $0xffff  }
0x34e: {  	v23 =	vld.idx.msk [tilespmem:v23+s0+$0x0], $0xffff  }
0x34f: {  	v27 =	vadd.s32 $0x4, v22  }
0x350: {  	v24 =	vld.idx.msk [tilespmem:v24+s0+$0x0], $0xffff  }
0x351: {  	v28 =	vadd.s32 $0x5, v22  }
0x352: {  	v26 =	vld.idx.msk [tilespmem:v26+s0+$0x0], $0xffff  }
0x353: {  	v54 =	vadd.s32 $0x6, v22;
	v23 =	vadd.f32 v23, v25  }
0x354: {  	v27 =	vld.idx.msk [tilespmem:v27+s0+$0x0], $0xffff  }
0x355: {  	v55 =	vadd.s32 $0x7, v22;
	v23 =	vadd.f32 v24, v23  }
0x356: {  	v28 =	vld.idx.msk [tilespmem:v28+s0+$0x0], $0xffff  }
0x357: {  	v56 =	vadd.s32 $0x8, v22;
	v23 =	vadd.f32 v26, v23  }
0x358: {  	v25 =	vld.idx.msk [tilespmem:v54+s0+$0x0], $0xffff  }
0x359: {  	v57 =	vadd.s32 $0x9, v22;
	v23 =	vadd.f32 v27, v23  }
0x35a: {  	v24 =	vld.idx.msk [tilespmem:v55+s0+$0x0], $0xffff  }
0x35b: {  	v58 =	vadd.s32 $0xA, v22;
	v23 =	vadd.f32 v28, v23  }
0x35c: {  	v26 =	vld.idx.msk [tilespmem:v56+s0+$0x0], $0xffff  }
0x35d: {  	v59 =	vadd.s32 $0xB, v22;
	v23 =	vadd.f32 v25, v23  }
0x35e: {  	v27 =	vld.idx.msk [tilespmem:v57+s0+$0x0], $0xffff  }
0x35f: {  	v60 =	vadd.s32 $0xC, v22;
	v23 =	vadd.f32 v24, v23  }
0x360: {  	v28 =	vld.idx.msk [tilespmem:v58+s0+$0x0], $0xffff  }
0x361: {  	v61 =	vadd.s32 $0xD, v22;
	v23 =	vadd.f32 v26, v23  }
0x362: {  	v25 =	vld.idx.msk [tilespmem:v59+s0+$0x0], $0xffff  }
0x363: {  	v62 =	vadd.s32 $0xE, v22;
	v23 =	vadd.f32 v27, v23  }
0x364: {  	v24 =	vld.idx.msk [tilespmem:v60+s0+$0x0], $0xffff  }
0x365: {  	v22 =	vadd.s32 $0xF, v22;
	v23 =	vadd.f32 v28, v23  }
0x366: {  	v26 =	vld.idx.msk [tilespmem:v61+s0+$0x0], $0xffff  }
0x367: {  	v23 =	vadd.f32 v25, v23  }
0x368: {  	v63 =	vld.idx.msk [tilespmem:v62+s0+$0x0], $0xffff  }
0x369: {  	v23 =	vadd.f32 v24, v23  }
0x36a: {  	v22 =	vld.idx.msk [tilespmem:v22+s0+$0x0], $0xffff  }
0x36b: {  	v23 =	vadd.f32 v26, v23;
	_ =	sdelay $0x1  }
0x36c: {  	v23 =	vadd.f32 v63, v23;
	_ =	sdelay $0x1  }
0x36d: {  	s5 =	sadd.s32 s6, s29;
	v22 =	vadd.f32 v22, v23  }
0x36e: {  	s5 =	sshrl.u32 s5, $0x3  }
0x36f: {  	s5 =	sadd.s32 s3, s5;
	[tilespmem:$0x11C00] =	vst v22  }
0x370: {  	[hbm4b:s5+s4] =	stream.linear.scatter [tilespmem:s17], [sflag:$0x3], $0x10, $0x38;
	[tilespmem:$0x11D00] =	vst v63  }
.LBB2_6:
0x371: {  	_ = 	snop  }
0x372: {  	s5 =	sadd.s32 $0x2, s28  }
0x373: {  	p2 =	sge.u32 s5, s8  }
0x374: {  	s5 =	sshll.u32 @!p2 s5, $0x4  }
0x375: {  	v22 =	vld.idx.msk @!p2 [tilespmem:v21+s5+$0xC800 ss:$0x1], $0xffff;
	_ =	sdelay $0x2  }
0x376: {  	v23 =	vld.idx.msk @!p2 [tilespmem:v21+s5+$0xA000 ss:$0x1], $0xffff;
	_ =	sdelay $0x1  }
0x377: {  	v24 =	vld.idx.msk @!p2 [tilespmem:v21+s5+$0xB400 ss:$0x1], $0xffff;
	v25 =	vshll.u32 @!p2 v22, $0x3  }
0x378: {  	v26 =	vlaneseq.u32 @!p2;
	v22 =	vand.u32 @!p2 $0x7, v22;
	v25 =	vand.u32 @!p2 $0xFFFFFFC0, v25  }
0x379: {  	v27 =	vshrl.u32 @!p2 v26, $0x3;
	v22 =	vor.u32 @!p2 v22, v25;
	v25 =	vand.u32 @!p2 $0x7, v26  }
0x37a: {  	v27 =	vmul.u32 @!p2 $0x8, v27;
	v25 =	vperm.xlane @!p2 v22, v25;
	_ =	sdelay $0x1  }
0x37b: {  	vm1 =	vmmov @!p2 $0xffff;
	s5 =	simm.s32 @!p2 $0x0;
	v25 =	vadd.s32 @!p2 v27, v25  }
0x37c: {  	[tilespmem:s5], [sflag:$0x1] =	stream.indirect_vreg.gather @!p2 [hbm4b:s1+s5], $0x80, v23, vm1, $0xb8;
	[tilespmem:$0x11D00] =	vst v63  }
0x37d: {  	s9 =	simm.s32 @!p2 $0x800  }
0x37e: {  	[tilespmem:s9], [sflag:$0x1] =	stream.indirect_vreg.gather @!p2 [hbm4b:s1+s5], $0x80, v24, vm1, $0xb8;
	[tilespmem:$0x11D00] =	vst v63  }
0x37f: {  	s9 =	simm.s32 @!p2 $0x1000  }
0x380: {  	v23 =	vor.u32 @!p2 $0x8, v26;
	[tilespmem:s9], [sflag:$0x1] =	stream.indirect_vreg.gather @!p2 [hbm4b:s7+s5], $0x80, v25, vm1, $0xb8;
	[tilespmem:$0x11D00] =	vst v63  }
0x381: {  	v22 =	vperm.xlane @!p2 v22, v23;
	s9 =	simm.s32 @!p2 $0x1800  }
0x382: {  	[tilespmem:s9], [sflag:$0x1] =	stream.indirect_vreg.gather @!p2 [hbm4b:s13+s5], $0x80, v25, vm1, $0xb8;
	[tilespmem:$0x11D00] =	vst v63  }
0x383: {  	v22 =	vadd.s32 @!p2 v27, v22;
	s9 =	simm.s32 @!p2 $0x2000  }
0x384: {  	[tilespmem:s9], [sflag:$0x1] =	stream.indirect_vreg.gather @!p2 [hbm4b:s14+s5], $0x80, v25, vm1, $0xb8;
	[tilespmem:$0x11D00] =	vst v63  }
0x385: {  	s9 =	simm.s32 @!p2 $0x2800  }
0x386: {  	[tilespmem:s9], [sflag:$0x1] =	stream.indirect_vreg.gather @!p2 [hbm4b:s15+s5], $0x80, v25, vm1, $0xb8;
	[tilespmem:$0x11D00] =	vst v63  }
0x387: {  	s9 =	simm.s32 @!p2 $0x3000  }
0x388: {  	[tilespmem:s9], [sflag:$0x1] =	stream.indirect_vreg.gather @!p2 [hbm4b:s7+s5], $0x80, v22, vm1, $0xb8;
	[tilespmem:$0x11D00] =	vst v63  }
0x389: {  	s9 =	simm.s32 @!p2 $0x3800  }
0x38a: {  	[tilespmem:s9], [sflag:$0x1] =	stream.indirect_vreg.gather @!p2 [hbm4b:s13+s5], $0x80, v22, vm1, $0xb8;
	[tilespmem:$0x11D00] =	vst v63  }
.Ltmp6:
0x38b: {  	_ = 	snop;
	(pc) =	sbr.rel @p0 .LBB2_10-.Ltmp6, $4  }
0x38c: {  	s9 =	simm.s32 @!p2 $0x4000  }
0x38d: {  	[tilespmem:s9], [sflag:$0x1] =	stream.indirect_vreg.gather @!p2 [hbm4b:s14+s5], $0x80, v22, vm1, $0xb8;
	[tilespmem:$0x11D00] =	vst v63  }
0x38e: {  	s9 =	simm.s32 @!p2 $0x4800  }
0x38f: {  	[tilespmem:s9], [sflag:$0x1] =	stream.indirect_vreg.gather @!p2 [hbm4b:s15+s5], $0x80, v22, vm1, $0xb8;
	[tilespmem:$0x11D00] =	vst v63  }
0x390: {  	s5 =	simm.s32 @!p1 $0x4  }
0x391: {  	_ =	swait.ge @!p1 [sflag:s5], $0x10  }
0x392: {  	[sflag:s5] =	ssyncset.done @!p1 $0x0  }
0x393: {  	[sflag:s5] =	ssyncadd.s32 @!p1 $0xFFFFFFF0  }
0x394: {  	_ =	swait.ge [sflag:s19], $0x800  }
0x395: {  	[sflag:s19] =	ssyncset.done $0x0  }
0x396: {  	[sflag:s19] =	ssyncadd.s32 $0xFFFFF800  }
0x397: {  	_ =	swait.ge [sflag:s19], $0x800  }
0x398: {  	[sflag:s19] =	ssyncset.done $0x0  }
0x399: {  	[sflag:s19] =	ssyncadd.s32 $0xFFFFF800  }
0x39a: {  	_ =	swait.ge [sflag:s19], $0x4000  }
0x39b: {  	[sflag:s19] =	ssyncset.done $0x0  }
0x39c: {  	s26 =	sshll.u32 s26, $0x4;
	[sflag:s19] =	ssyncadd.s32 $0xFFFFC000  }
0x39d: {  	s28 =	simm.s32 $0x0;
	v22 =	vld.idx.msk [tilespmem:v6+s26+$0x0 ss:$0x1], $0xffff  }
.LBB2_8:
0x39e: {  	s5 =	sshll.u32 s28, $0x7  }
0x39f: {  	v24 =	vld [tilespmem:s5+$0x5000]  }
0x3a0: {  	v25 =	vld [tilespmem:s5+$0x5800];
	_ =	sdelay $0x3  }
0x3a1: {  	s29 =	sshll.u32 s28, $0xA  }
0x3a2: {  	v23 =	vmov s28;
	s11 =	sand.u32 $0x2000, s29;
	v24 =	vsub.f32 v24, v25  }
0x3a3: {  	v23 =	vperm.xlane v22, v23;
	s9 =	sand.u32 $0x200, s5;
	s11 =	sadd.s32 $0x6000, s11  }
0x3a4: {  	s12 =	sor.u32 s9, s11;
	v28 =	vperm.xlane v24, v5;
	v30 =	vperm.xlane v24, v7  }
0x3a5: {  	v26 =	vld [tilespmem:s12+$0x0];
	v31 =	vperm.xlane v24, v8;
	v32 =	vperm.xlane v24, v9  }
0x3a6: {  	v27 =	vld [tilespmem:s12+$0x10];
	v40 =	vperm.xlane v24, v4;
	v42 =	vperm.xlane v24, v10  }
0x3a7: {  	v29 =	vld [tilespmem:s12+$0x20];
	v33 =	vperm.xlane v24, v11;
	v34 =	vperm.xlane v24, v12  }
0x3a8: {  	v38 =	vld [tilespmem:s12+$0x30];
	v47 =	vperm.xlane v24, v13;
	v48 =	vperm.xlane v24, v14  }
0x3a9: {  	v23 =	vshll.u32 v23, $0x4;
	v43 =	vld [tilespmem:s12+$0x40];
	v50 =	vperm.xlane v24, v15;
	v55 =	vperm.xlane v24, v16  }
0x3aa: {  	v23 =	vor.u32 v0, v23;
	v35 =	vld [tilespmem:s12+$0x50];
	v58 =	vperm.xlane v24, v17;
	v60 =	vperm.xlane v24, v18  }
0x3ab: {  	v62 =	vperm.xlane v24, v19;
	v24 =	vperm.xlane v24, v20;
	v36 =	vunpack.i.u.bf16.f32 v26  }
0x3ac: {  	v54 =	vld [tilespmem:s5+$0x5010];
	v26 =	vunpack.i.l.bf16.f32 v26;
	v37 =	vunpack.i.l.bf16.f32 v27;
	v27 =	vunpack.i.u.bf16.f32 v27  }
0x3ad: {  	v52 =	vld [tilespmem:s12+$0x70];
	v41 =	vunpack.i.l.bf16.f32 v29;
	v29 =	vunpack.i.u.bf16.f32 v29;
	v44 =	vunpack.i.u.bf16.f32 v38  }
0x3ae: {  	v56 =	vld [tilespmem:s5+$0x5810];
	v49 =	vunpack.i.u.bf16.f32 v43;
	v26 =	vmul.f32 v28, v26;
	v25 =	vmul.f32 v30, v36  }
0x3af: {  	v63 =	vld [tilespmem:s12+$0x400];
	v51 =	vunpack.i.l.bf16.f32 v35;
	v28 =	vmul.f32 v31, v37;
	v39 =	vmul.f32 v32, v27  }
0x3b0: {  	v57 =	vunpack.i.u.bf16.f32 v35;
	v27 =	vmul.f32 v40, v41;
	v29 =	vmul.f32 v42, v29  }
0x3b1: {  	v30 =	vunpack.i.l.bf16.f32 v38;
	v46 =	vmul.f32 v34, v44;
	v32 =	vunpack.i.l.bf16.f32 v43  }
0x3b2: {  	v23 =	vld.idx.msk [tilespmem:v23+s21+$0x0], $0xffff;
	v31 =	vmul.f32 v48, v49;
	v53 =	vmul.f32 v50, v51;
	v38 =	vunpack.i.l.bf16.f32 v52  }
0x3b3: {  	v45 =	vmul.f32 v33, v30;
	v33 =	vunpack.i.u.bf16.f32 v52;
	v30 =	vsub.f32 v54, v56  }
0x3b4: {  	v36 =	vld [tilespmem:s12+$0x60];
	v41 =	vunpack.i.l.bf16.f32 v63;
	v44 =	vunpack.i.u.bf16.f32 v63;
	v24 =	vmul.f32 v24, v33  }
0x3b5: {  	v43 =	vld [tilespmem:s12+$0x420];
	v25 =	vadd.f32 $0.0e+00, v25;
	v40 =	vperm.xlane v30, v5;
	v42 =	vperm.xlane v30, v7  }
0x3b6: {  	v28 =	vadd.f32 $0.0e+00, v28;
	v48 =	vperm.xlane v30, v9;
	v50 =	vperm.xlane v30, v4  }
0x3b7: {  	v52 =	vperm.xlane v30, v10;
	v63 =	vperm.xlane v30, v14;
	v23 =	vadd.f32 v26, v23  }
0x3b8: {  	v54 =	vld [tilespmem:s12+$0x440];
	v26 =	vadd.f32 $0.0e+00, v39;
	v25 =	vadd.f32 v29, v25;
	v29 =	vmul.f32 v47, v32  }
0x3b9: {  	v32 =	vmul.f32 v62, v38;
	v59 =	vunpack.i.l.bf16.f32 v36;
	v61 =	vunpack.i.u.bf16.f32 v36  }
0x3ba: {  	v39 =	vld [tilespmem:s12+$0x410];
	v51 =	vunpack.i.l.bf16.f32 v43;
	v23 =	vadd.f32 v27, v23;
	v27 =	vadd.f32 v45, v28  }
0x3bb: {  	v26 =	vadd.f32 v46, v26;
	v28 =	vmul.f32 v58, v59;
	v34 =	vmul.f32 v60, v61  }
0x3bc: {  	v25 =	vadd.f32 v31, v25;
	v45 =	vperm.xlane v30, v8;
	v58 =	vperm.xlane v30, v12  }
0x3bd: {  	v46 =	vld [tilespmem:s12+$0x430];
	v60 =	vunpack.i.u.bf16.f32 v54;
	v61 =	vperm.xlane v30, v13;
	v62 =	vunpack.i.l.bf16.f32 v54  }
0x3be: {  	v23 =	vadd.f32 v29, v23;
	v27 =	vadd.f32 v53, v27;
	v29 =	vmul.f32 v55, v57  }
0x3bf: {  	v25 =	vadd.f32 v34, v25;
	v53 =	vperm.xlane v30, v11;
	v47 =	vunpack.i.l.bf16.f32 v39  }
0x3c0: {  	v49 =	vunpack.i.u.bf16.f32 v39;
	v26 =	vadd.f32 v29, v26;
	v23 =	vadd.f32 v28, v23  }
0x3c1: {  	v27 =	vadd.f32 v32, v27;
	v29 =	vmul.f32 v42, v44;
	v28 =	vmul.f32 v45, v47  }
0x3c2: {  	v57 =	vld [tilespmem:s12+$0x450];
	v32 =	vunpack.i.u.bf16.f32 v43;
	v43 =	vperm.xlane v30, v16;
	v55 =	vunpack.i.l.bf16.f32 v46  }
0x3c3: {  	v56 =	vmul.f32 v52, v32;
	v52 =	vperm.xlane v30, v19;
	v24 =	vadd.f32 v24, v26  }
0x3c4: {  	v26 =	vmul.f32 v40, v41;
	v25 =	vadd.f32 v29, v25;
	v29 =	vmul.f32 v50, v51  }
0x3c5: {  	v44 =	vld [tilespmem:s12+$0x470];
	v59 =	vunpack.i.u.bf16.f32 v46;
	v31 =	vmul.f32 v53, v55;
	v40 =	vperm.xlane v30, v15  }
0x3c6: {  	v37 =	vld [tilespmem:s12+$0x830];
	v27 =	vadd.f32 v28, v27;
	v28 =	vmul.f32 v63, v60;
	v51 =	vperm.xlane v30, v18  }
0x3c7: {  	v47 =	vld [tilespmem:s5+$0x5820];
	v42 =	vunpack.i.l.bf16.f32 v57;
	v32 =	vunpack.i.u.bf16.f32 v57;
	v23 =	vadd.f32 v26, v23  }
0x3c8: {  	v46 =	vld [tilespmem:s5+$0x5020];
	v26 =	vmul.f32 v48, v49;
	v27 =	vadd.f32 v31, v27;
	v31 =	vmul.f32 v40, v42  }
0x3c9: {  	v41 =	vld [tilespmem:s12+$0x460];
	v25 =	vadd.f32 v56, v25;
	v45 =	vmul.f32 v43, v32;
	v49 =	vperm.xlane v30, v17  }
0x3ca: {  	v30 =	vperm.xlane v30, v20;
	v54 =	vunpack.i.l.bf16.f32 v44;
	v33 =	vunpack.i.u.bf16.f32 v44  }
0x3cb: {  	v24 =	vadd.f32 v26, v24;
	v23 =	vadd.f32 v29, v23;
	v26 =	vmul.f32 v58, v59  }
0x3cc: {  	v53 =	vld [tilespmem:s12+$0x800];
	v29 =	vmul.f32 v61, v62;
	v25 =	vadd.f32 v28, v25;
	v27 =	vadd.f32 v31, v27  }
0x3cd: {  	v32 =	vmul.f32 v52, v54;
	v30 =	vmul.f32 v30, v33;
	v28 =	vsub.f32 v46, v47  }
0x3ce: {  	v55 =	vld [tilespmem:s12+$0x810];
	v46 =	vunpack.i.u.bf16.f32 v37;
	v33 =	vunpack.i.l.bf16.f32 v37;
	v50 =	vunpack.i.l.bf16.f32 v41  }
0x3cf: {  	v48 =	vunpack.i.u.bf16.f32 v41;
	v24 =	vadd.f32 v26, v24;
	v31 =	vmul.f32 v49, v50  }
0x3d0: {  	v23 =	vadd.f32 v29, v23;
	v26 =	vmul.f32 v51, v48;
	v29 =	vperm.xlane v28, v5  }
0x3d1: {  	v42 =	vld [tilespmem:s12+$0x840];
	v57 =	vunpack.i.u.bf16.f32 v53;
	v60 =	vperm.xlane v28, v7;
	v61 =	vperm.xlane v28, v8  }
0x3d2: {  	v59 =	vunpack.i.l.bf16.f32 v53;
	v63 =	vperm.xlane v28, v9;
	v39 =	vperm.xlane v28, v4  }
0x3d3: {  	v62 =	vunpack.i.l.bf16.f32 v55;
	v41 =	vperm.xlane v28, v10;
	v43 =	vperm.xlane v28, v11  }
0x3d4: {  	v36 =	vunpack.i.u.bf16.f32 v55;
	v44 =	vperm.xlane v28, v12;
	v48 =	vperm.xlane v28, v13  }
0x3d5: {  	v58 =	vld [tilespmem:s12+$0x820];
	v56 =	vadd.f32 v32, v27;
	v49 =	vperm.xlane v28, v14;
	v51 =	vperm.xlane v28, v15  }
0x3d6: {  	v52 =	vld [tilespmem:s12+$0x860];
	v50 =	vunpack.i.u.bf16.f32 v42;
	v29 =	vmul.f32 v29, v59;
	v27 =	vmul.f32 v60, v57  }
0x3d7: {  	v23 =	vadd.f32 v31, v23;
	v31 =	vmul.f32 v61, v62;
	v38 =	vmul.f32 v63, v36  }
0x3d8: {  	v55 =	vld [tilespmem:s12+$0x870];
	v24 =	vadd.f32 v45, v24;
	v47 =	vmul.f32 v43, v33;
	v53 =	vmul.f32 v49, v50  }
0x3d9: {  	v25 =	vadd.f32 v26, v25;
	v61 =	vperm.xlane v28, v17;
	v63 =	vperm.xlane v28, v18  }
0x3da: {  	v40 =	vunpack.i.l.bf16.f32 v58;
	v24 =	vadd.f32 v30, v24;
	v23 =	vadd.f32 v29, v23  }
0x3db: {  	v62 =	vunpack.i.l.bf16.f32 v52;
	v25 =	vadd.f32 v27, v25;
	v26 =	vadd.f32 v31, v56  }
0x3dc: {  	v45 =	vld [tilespmem:s12+$0x850];
	v27 =	vmul.f32 v39, v40;
	v30 =	vunpack.i.u.bf16.f32 v58;
	v31 =	vunpack.i.l.bf16.f32 v42  }
0x3dd: {  	v57 =	vld [tilespmem:s5+$0x5030];
	v58 =	vperm.xlane v28, v16;
	v40 =	vunpack.i.u.bf16.f32 v52;
	v43 =	vunpack.i.l.bf16.f32 v55  }
0x3de: {  	v59 =	vld [tilespmem:s5+$0x5830];
	v33 =	vunpack.i.u.bf16.f32 v55;
	v29 =	vmul.f32 v41, v30;
	v30 =	vmul.f32 v44, v46  }
0x3df: {  	v49 =	vld [tilespmem:s12+$0xC20];
	v41 =	vperm.xlane v28, v19;
	v34 =	vmul.f32 v63, v40;
	v24 =	vadd.f32 v38, v24  }
0x3e0: {  	v42 =	vld [tilespmem:s12+$0xC00];
	v28 =	vperm.xlane v28, v20;
	v23 =	vadd.f32 v27, v23;
	v26 =	vadd.f32 v47, v26  }
0x3e1: {  	v52 =	vld [tilespmem:s12+$0xC30];
	v27 =	vmul.f32 v61, v62;
	v25 =	vadd.f32 v29, v25;
	v29 =	vmul.f32 v48, v31  }
0x3e2: {  	v54 =	vunpack.i.l.bf16.f32 v45;
	v60 =	vunpack.i.u.bf16.f32 v45;
	v32 =	vmul.f32 v41, v43  }
0x3e3: {  	v45 =	vmul.f32 v28, v33;
	v24 =	vadd.f32 v30, v24;
	v56 =	vmul.f32 v51, v54  }
0x3e4: {  	v44 =	vld [tilespmem:s12+$0xC10];
	v30 =	vsub.f32 v57, v59;
	v57 =	vunpack.i.l.bf16.f32 v49;
	v23 =	vadd.f32 v29, v23  }
0x3e5: {  	v25 =	vadd.f32 v53, v25;
	v29 =	vmul.f32 v58, v60;
	v47 =	vunpack.i.l.bf16.f32 v42  }
0x3e6: {  	v50 =	vunpack.i.u.bf16.f32 v42;
	v61 =	vunpack.i.l.bf16.f32 v52;
	v46 =	vperm.xlane v30, v5  }
0x3e7: {  	v40 =	vunpack.i.u.bf16.f32 v52;
	v48 =	vperm.xlane v30, v7;
	v51 =	vperm.xlane v30, v8  }
0x3e8: {  	v26 =	vadd.f32 v56, v26;
	v54 =	vperm.xlane v30, v9;
	v56 =	vperm.xlane v30, v4  }
0x3e9: {  	v63 =	vld [tilespmem:s12+$0xC50];
	v53 =	vunpack.i.l.bf16.f32 v44;
	v58 =	vperm.xlane v30, v10;
	v59 =	vperm.xlane v30, v11  }
0x3ea: {  	v55 =	vunpack.i.u.bf16.f32 v44;
	v39 =	vperm.xlane v30, v12;
	v42 =	vperm.xlane v30, v13  }
0x3eb: {  	v44 =	vperm.xlane v30, v14;
	v24 =	vadd.f32 v29, v24;
	v23 =	vadd.f32 v27, v23  }
0x3ec: {  	v25 =	vadd.f32 v34, v25;
	v26 =	vadd.f32 v32, v26;
	v27 =	vmul.f32 v46, v47  }
0x3ed: {  	v60 =	vld [tilespmem:s12+$0xC40];
	v29 =	vmul.f32 v48, v50;
	v28 =	vmul.f32 v51, v53;
	v32 =	vunpack.i.u.bf16.f32 v49  }
0x3ee: {  	v31 =	vmul.f32 v59, v61;
	v47 =	vunpack.i.l.bf16.f32 v63;
	v48 =	vperm.xlane v30, v16  }
0x3ef: {  	v24 =	vadd.f32 v45, v24;
	v62 =	vmul.f32 v58, v32;
	v45 =	vperm.xlane v30, v15  }
0x3f0: {  	v32 =	vunpack.i.u.bf16.f32 v63;
	v23 =	vadd.f32 v27, v23;
	v25 =	vadd.f32 v29, v25  }
0x3f1: {  	v46 =	vld [tilespmem:s12+$0xC60];
	v27 =	vmul.f32 v54, v55;
	v29 =	vmul.f32 v56, v57;
	v26 =	vadd.f32 v28, v26  }
0x3f2: {  	v49 =	vld [tilespmem:s12+$0xC70];
	v41 =	vunpack.i.u.bf16.f32 v60;
	v50 =	vmul.f32 v48, v32;
	v54 =	vperm.xlane v30, v17  }
0x3f3: {  	v43 =	vunpack.i.l.bf16.f32 v60;
	v56 =	vperm.xlane v30, v18;
	v57 =	vperm.xlane v30, v19  }
0x3f4: {  	s9 =	sor.u32 s29, s9;
	v52 =	vld [tilespmem:s5+$0x5840];
	v30 =	vperm.xlane v30, v20;
	v28 =	vmul.f32 v44, v41;
	v24 =	vadd.f32 v27, v24  }
0x3f5: {  	s16 =	sor.u32 $0x1000, s9;
	v51 =	vld [tilespmem:s5+$0x5040];
	v23 =	vadd.f32 v29, v23;
	v25 =	vadd.f32 v62, v25;
	v27 =	vmul.f32 v39, v40  }
0x3f6: {  	s22 =	sor.u32 $0x1010, s9;
	v58 =	vld [tilespmem:s16+$0x6000];
	v26 =	vadd.f32 v31, v26;
	v29 =	vmul.f32 v42, v43;
	v31 =	vmul.f32 v45, v47  }
0x3f7: {  	v60 =	vld [tilespmem:s22+$0x6000];
	v53 =	vunpack.i.u.bf16.f32 v46;
	v55 =	vunpack.i.l.bf16.f32 v46;
	v59 =	vunpack.i.l.bf16.f32 v49  }
0x3f8: {  	v33 =	vunpack.i.u.bf16.f32 v49;
	v24 =	vadd.f32 v27, v24;
	v23 =	vadd.f32 v29, v23  }
0x3f9: {  	v26 =	vadd.f32 v31, v26;
	v31 =	vmul.f32 v54, v55;
	v27 =	vmul.f32 v56, v53  }
0x3fa: {  	s31 =	sor.u32 $0x1030, s9;
	v25 =	vadd.f32 v28, v25;
	v32 =	vmul.f32 v57, v59;
	v30 =	vmul.f32 v30, v33  }
0x3fb: {  	v41 =	vld [tilespmem:s31+$0x6000];
	v28 =	vsub.f32 v51, v52;
	v61 =	vunpack.i.u.bf16.f32 v58;
	v63 =	vunpack.i.l.bf16.f32 v58  }
0x3fc: {  	s30 =	sor.u32 $0x1020, s9;
	v38 =	vunpack.i.l.bf16.f32 v60;
	v40 =	vunpack.i.u.bf16.f32 v60;
	v24 =	vadd.f32 v50, v24  }
0x3fd: {  	v62 =	vld [tilespmem:s30+$0x6000];
	v23 =	vadd.f32 v31, v23;
	v29 =	vperm.xlane v28, v5;
	v36 =	vperm.xlane v28, v7  }
0x3fe: {  	s16 =	sor.u32 $0x1040, s9;
	v25 =	vadd.f32 v27, v25;
	v37 =	vperm.xlane v28, v8;
	v39 =	vperm.xlane v28, v9  }
0x3ff: {  	s22 =	sor.u32 $0x1050, s9;
	v46 =	vld [tilespmem:s16+$0x6000];
	v26 =	vadd.f32 v32, v26;
	v43 =	vperm.xlane v28, v4;
	v45 =	vperm.xlane v28, v10  }
0x400: {  	v49 =	vld [tilespmem:s22+$0x6000];
	v47 =	vperm.xlane v28, v11;
	v48 =	vperm.xlane v28, v12;
	v50 =	vunpack.i.u.bf16.f32 v41  }
0x401: {  	s30 =	sor.u32 $0x1060, s9;
	v33 =	vunpack.i.l.bf16.f32 v41;
	v52 =	vperm.xlane v28, v13;
	v53 =	vperm.xlane v28, v14  }
0x402: {  	s31 =	sor.u32 $0x1070, s9;
	v56 =	vld [tilespmem:s30+$0x6000];
	v55 =	vperm.xlane v28, v15;
	v44 =	vunpack.i.l.bf16.f32 v62;
	v29 =	vmul.f32 v29, v63  }
0x403: {  	v59 =	vld [tilespmem:s31+$0x6000];
	v24 =	vadd.f32 v30, v24;
	v27 =	vmul.f32 v36, v61;
	v31 =	vmul.f32 v37, v38  }
0x404: {  	v42 =	vmul.f32 v39, v40;
	v30 =	vunpack.i.u.bf16.f32 v62;
	v51 =	vmul.f32 v47, v33  }
0x405: {  	v54 =	vunpack.i.u.bf16.f32 v46;
	v58 =	vunpack.i.l.bf16.f32 v49;
	v62 =	vperm.xlane v28, v16  }
0x406: {  	v39 =	vunpack.i.u.bf16.f32 v49;
	v40 =	vperm.xlane v28, v17;
	v57 =	vmul.f32 v53, v54  }
0x407: {  	v60 =	vmul.f32 v55, v58;
	v41 =	vunpack.i.l.bf16.f32 v56;
	v23 =	vadd.f32 v29, v23  }
0x408: {  	v61 =	vld [tilespmem:s5+$0x5050];
	v33 =	vunpack.i.u.bf16.f32 v59;
	v25 =	vadd.f32 v27, v25;
	v26 =	vadd.f32 v31, v26  }
0x409: {  	s22 =	sor.u32 $0x1410, s9;
	v63 =	vld [tilespmem:s5+$0x5850];
	v24 =	vadd.f32 v42, v24;
	v27 =	vmul.f32 v43, v44;
	v29 =	vmul.f32 v45, v30  }
0x40a: {  	v47 =	vld [tilespmem:s22+$0x6000];
	v30 =	vmul.f32 v48, v50;
	v31 =	vunpack.i.l.bf16.f32 v46;
	v42 =	vperm.xlane v28, v18  }
0x40b: {  	v43 =	vunpack.i.u.bf16.f32 v56;
	v44 =	vperm.xlane v28, v19;
	v46 =	vunpack.i.l.bf16.f32 v59  }
0x40c: {  	s31 =	sor.u32 $0x1430, s9;
	v28 =	vperm.xlane v28, v20;
	v23 =	vadd.f32 v27, v23;
	v25 =	vadd.f32 v29, v25  }
0x40d: {  	v55 =	vld [tilespmem:s31+$0x6000];
	v29 =	vmul.f32 v52, v31;
	v26 =	vadd.f32 v51, v26;
	v27 =	vmul.f32 v40, v41  }
0x40e: {  	s16 =	sor.u32 $0x1400, s9;
	v24 =	vadd.f32 v30, v24;
	v34 =	vmul.f32 v42, v43;
	v32 =	vmul.f32 v44, v46  }
0x40f: {  	v45 =	vld [tilespmem:s16+$0x6000];
	v48 =	vmul.f32 v28, v33;
	v30 =	vsub.f32 v61, v63;
	v56 =	vunpack.i.l.bf16.f32 v47  }
0x410: {  	v58 =	vunpack.i.u.bf16.f32 v47;
	v23 =	vadd.f32 v29, v23;
	v25 =	vadd.f32 v57, v25  }
0x411: {  	v26 =	vadd.f32 v60, v26;
	v29 =	vmul.f32 v62, v39;
	v49 =	vperm.xlane v30, v5  }
0x412: {  	s30 =	sor.u32 $0x1420, s9;
	v39 =	vunpack.i.l.bf16.f32 v55;
	v51 =	vperm.xlane v30, v7;
	v54 =	vperm.xlane v30, v8  }
0x413: {  	v52 =	vld [tilespmem:s30+$0x6000];
	v43 =	vunpack.i.u.bf16.f32 v55;
	v57 =	vperm.xlane v30, v9;
	v59 =	vperm.xlane v30, v4  }
0x414: {  	s22 =	sor.u32 $0x1450, s9;
	v50 =	vunpack.i.l.bf16.f32 v45;
	v61 =	vperm.xlane v30, v10;
	v62 =	vperm.xlane v30, v11  }
0x415: {  	s16 =	sor.u32 $0x1440, s9;
	v41 =	vld [tilespmem:s22+$0x6000];
	v53 =	vunpack.i.u.bf16.f32 v45;
	v42 =	vperm.xlane v30, v12;
	v45 =	vperm.xlane v30, v13  }
0x416: {  	v63 =	vld [tilespmem:s16+$0x6000];
	v37 =	vperm.xlane v30, v16;
	v24 =	vadd.f32 v29, v24;
	v23 =	vadd.f32 v27, v23  }
0x417: {  	v25 =	vadd.f32 v34, v25;
	v26 =	vadd.f32 v32, v26;
	v27 =	vmul.f32 v49, v50  }
0x418: {  	s30 =	sor.u32 $0x1460, s9;
	v29 =	vmul.f32 v51, v53;
	v28 =	vmul.f32 v54, v56;
	v60 =	vunpack.i.l.bf16.f32 v52  }
0x419: {  	v46 =	vld [tilespmem:s30+$0x6000];
	v32 =	vunpack.i.u.bf16.f32 v52;
	v31 =	vmul.f32 v62, v39;
	v49 =	vperm.xlane v30, v15  }
0x41a: {  	v51 =	vunpack.i.l.bf16.f32 v41;
	v54 =	vperm.xlane v30, v17;
	v24 =	vadd.f32 v48, v24  }
0x41b: {  	v40 =	vmul.f32 v61, v32;
	v44 =	vunpack.i.u.bf16.f32 v63;
	v47 =	vunpack.i.l.bf16.f32 v63  }
0x41c: {  	v38 =	vld [tilespmem:s5+$0x5060];
	s31 =	sor.u32 $0x1470, s9;
	v48 =	vperm.xlane v30, v14;
	v32 =	vunpack.i.u.bf16.f32 v41;
	v23 =	vadd.f32 v27, v23  }
0x41d: {  	v50 =	vld [tilespmem:s31+$0x6000];
	v25 =	vadd.f32 v29, v25;
	v27 =	vmul.f32 v57, v58;
	v29 =	vmul.f32 v59, v60  }
0x41e: {  	v52 =	vld [tilespmem:s5+$0x5860];
	v55 =	vunpack.i.l.bf16.f32 v46;
	v33 =	vmul.f32 v49, v51;
	v53 =	vmul.f32 v37, v32  }
0x41f: {  	v26 =	vadd.f32 v28, v26;
	v56 =	vmul.f32 v54, v55;
	v59 =	vperm.xlane v30, v18  }
0x420: {  	v58 =	vunpack.i.u.bf16.f32 v46;
	v60 =	vperm.xlane v30, v19;
	v30 =	vperm.xlane v30, v20  }
0x421: {  	s22 =	sor.u32 $0x1810, s9;
	v28 =	vmul.f32 v48, v44;
	v24 =	vadd.f32 v27, v24;
	v23 =	vadd.f32 v29, v23  }
0x422: {  	v63 =	vld [tilespmem:s22+$0x6000];
	v25 =	vadd.f32 v40, v25;
	v27 =	vmul.f32 v42, v43;
	v29 =	vmul.f32 v45, v47  }
0x423: {  	s16 =	sor.u32 $0x1800, s9;
	v26 =	vadd.f32 v31, v26;
	v61 =	vunpack.i.l.bf16.f32 v50;
	v34 =	vsub.f32 v38, v52  }
0x424: {  	v57 =	vld [tilespmem:s16+$0x6000];
	v62 =	vunpack.i.u.bf16.f32 v50;
	v24 =	vadd.f32 v27, v24;
	v23 =	vadd.f32 v29, v23  }
0x425: {  	v25 =	vadd.f32 v28, v25;
	v29 =	vmul.f32 v59, v58;
	v32 =	vmul.f32 v60, v61  }
0x426: {  	v26 =	vadd.f32 v33, v26;
	v35 =	vmul.f32 v30, v62;
	v36 =	vperm.xlane v34, v5  }
0x427: {  	s22 =	sor.u32 $0x1850, s9;
	v44 =	vunpack.i.u.bf16.f32 v63;
	v39 =	vperm.xlane v34, v7;
	v41 =	vperm.xlane v34, v8  }
0x428: {  	s30 =	sor.u32 $0x1820, s9;
	v54 =	vld [tilespmem:s22+$0x6000];
	v33 =	vunpack.i.l.bf16.f32 v63;
	v42 =	vperm.xlane v34, v9;
	v46 =	vperm.xlane v34, v4  }
0x429: {  	s31 =	sor.u32 $0x1830, s9;
	v40 =	vld [tilespmem:s30+$0x6000];
	v37 =	vunpack.i.l.bf16.f32 v57;
	v47 =	vperm.xlane v34, v10;
	v49 =	vperm.xlane v34, v11  }
0x42a: {  	v43 =	vld [tilespmem:s31+$0x6000];
	v28 =	vunpack.i.u.bf16.f32 v57;
	v55 =	vperm.xlane v34, v12;
	v57 =	vperm.xlane v34, v13  }
0x42b: {  	s16 =	sor.u32 $0x1840, s9;
	v59 =	vperm.xlane v34, v14;
	v62 =	vperm.xlane v34, v15;
	v24 =	vadd.f32 v53, v24  }
0x42c: {  	v50 =	vld [tilespmem:s16+$0x6000];
	v23 =	vadd.f32 v56, v23;
	v25 =	vadd.f32 v29, v25;
	v38 =	vmul.f32 v36, v37  }
0x42d: {  	v26 =	vadd.f32 v32, v26;
	v28 =	vmul.f32 v39, v28;
	v45 =	vmul.f32 v41, v33  }
0x42e: {  	v29 =	vmul.f32 v42, v44;
	v48 =	vunpack.i.u.bf16.f32 v40;
	v30 =	vunpack.i.l.bf16.f32 v40  }
0x42f: {  	s30 =	sor.u32 $0x1860, s9;
	v52 =	vunpack.i.l.bf16.f32 v43;
	v56 =	vunpack.i.u.bf16.f32 v43;
	v40 =	vunpack.i.l.bf16.f32 v54  }
0x430: {  	s31 =	sor.u32 $0x1870, s9;
	v60 =	vld [tilespmem:s30+$0x6000];
	v41 =	vperm.xlane v34, v16;
	v43 =	vunpack.i.u.bf16.f32 v54;
	v24 =	vadd.f32 v35, v24  }
0x431: {  	v63 =	vld [tilespmem:s31+$0x6000];
	v51 =	vmul.f32 v47, v48;
	v53 =	vmul.f32 v49, v52;
	v58 =	vunpack.i.l.bf16.f32 v50  }
0x432: {  	v61 =	vunpack.i.u.bf16.f32 v50;
	v44 =	vmul.f32 v62, v40;
	v47 =	vperm.xlane v34, v17  }
0x433: {  	v48 =	vperm.xlane v34, v18;
	v50 =	vperm.xlane v34, v19;
	v23 =	vadd.f32 v38, v23  }
0x434: {  	s22 =	sor.u32 $0x1C10, s9;
	v42 =	vld [tilespmem:s5+$0x5070];
	v25 =	vadd.f32 v28, v25;
	v28 =	vmul.f32 v46, v30;
	v27 =	vmul.f32 v57, v58  }
0x435: {  	v54 =	vld [tilespmem:s22+$0x6000];
	v26 =	vadd.f32 v45, v26;
	v31 =	vmul.f32 v59, v61;
	v46 =	vmul.f32 v41, v43  }
0x436: {  	s30 =	sor.u32 $0x1C20, s9;
	v45 =	vld [tilespmem:s5+$0x5870];
	v49 =	vunpack.i.u.bf16.f32 v60;
	v32 =	vunpack.i.l.bf16.f32 v60;
	v52 =	vunpack.i.l.bf16.f32 v63  }
0x437: {  	v60 =	vld [tilespmem:s30+$0x6000];
	v24 =	vadd.f32 v29, v24;
	v29 =	vmul.f32 v48, v49;
	v23 =	vadd.f32 v28, v23  }
0x438: {  	v25 =	vadd.f32 v51, v25;
	v26 =	vadd.f32 v53, v26;
	v28 =	vmul.f32 v55, v56  }
0x439: {  	v53 =	vmul.f32 v50, v52;
	v55 =	vperm.xlane v34, v20;
	v56 =	vunpack.i.u.bf16.f32 v63  }
0x43a: {  	s16 =	sor.u32 $0x1C00, s9;
	v40 =	vunpack.i.l.bf16.f32 v54;
	v24 =	vadd.f32 v28, v24;
	v23 =	vadd.f32 v27, v23  }
0x43b: {  	v51 =	vld [tilespmem:s16+$0x6000];
	v25 =	vadd.f32 v31, v25;
	v26 =	vadd.f32 v44, v26;
	v28 =	vmul.f32 v47, v32  }
0x43c: {  	v31 =	vunpack.i.u.bf16.f32 v54;
	v30 =	vsub.f32 v42, v45;
	v33 =	vunpack.i.l.bf16.f32 v60  }
0x43d: {  	v24 =	vadd.f32 v46, v24;
	v23 =	vadd.f32 v28, v23;
	v28 =	vmul.f32 v55, v56  }
0x43e: {  	v25 =	vadd.f32 v29, v25;
	v57 =	vperm.xlane v30, v5;
	v59 =	vperm.xlane v30, v7  }
0x43f: {  	s12 =	sor.u32 $0x1C40, s9;
	v26 =	vadd.f32 v53, v26;
	v62 =	vperm.xlane v30, v8;
	v42 =	vperm.xlane v30, v9  }
0x440: {  	v47 =	vld [tilespmem:s12+$0x6000];
	v58 =	vunpack.i.l.bf16.f32 v51;
	v43 =	vperm.xlane v30, v4;
	v44 =	vperm.xlane v30, v10  }
0x441: {  	s31 =	sor.u32 $0x1C30, s9;
	v61 =	vunpack.i.u.bf16.f32 v51;
	v49 =	vperm.xlane v30, v11;
	v51 =	vperm.xlane v30, v12  }
0x442: {  	s5 =	sor.u32 $0x1, s28;
	v45 =	vld [tilespmem:s31+$0x6000];
	v46 =	vunpack.i.u.bf16.f32 v60;
	v52 =	vperm.xlane v30, v13;
	v60 =	vperm.xlane v30, v15  }
0x443: {  	v56 =	vmov s5;
	v27 =	vmul.f32 v57, v58;
	v63 =	vmul.f32 v59, v61  }
0x444: {  	v24 =	vadd.f32 v28, v24;
	v41 =	vmul.f32 v62, v40;
	v29 =	vmul.f32 v42, v31  }
0x445: {  	s16 =	sor.u32 $0x1C50, s9;
	v48 =	vmul.f32 v43, v33;
	v31 =	vmul.f32 v44, v46;
	v54 =	vunpack.i.l.bf16.f32 v47  }
0x446: {  	v55 =	vld [tilespmem:s16+$0x6000];
	v57 =	vperm.xlane v30, v14;
	v59 =	vunpack.i.u.bf16.f32 v47;
	v40 =	vperm.xlane v30, v16  }
0x447: {  	v42 =	vperm.xlane v30, v17;
	v50 =	vunpack.i.l.bf16.f32 v45;
	v53 =	vunpack.i.u.bf16.f32 v45  }
0x448: {  	s22 =	sor.u32 $0x1C60, s9;
	v28 =	vmul.f32 v52, v54;
	v45 =	vperm.xlane v30, v18;
	v23 =	vadd.f32 v27, v23  }
0x449: {  	s9 =	sor.u32 $0x1C70, s9;
	v58 =	vld [tilespmem:s22+$0x6000];
	v52 =	vperm.xlane v30, v20;
	v25 =	vadd.f32 v63, v25;
	v26 =	vadd.f32 v41, v26  }
0x44a: {  	s12 =	sshll.u32 s5, $0x7;
	v43 =	vld [tilespmem:s9+$0x6000];
	v24 =	vadd.f32 v29, v24;
	v27 =	vmul.f32 v49, v50;
	v29 =	vmul.f32 v51, v53  }
0x44b: {  	s30 =	sand.u32 $0x280, s12;
	v62 =	vld [tilespmem:s12+$0x5000];
	v63 =	vunpack.i.l.bf16.f32 v55;
	v33 =	vunpack.i.u.bf16.f32 v55;
	v50 =	vperm.xlane v30, v19  }
0x44c: {  	s16 =	sor.u32 s30, s11;
	v41 =	vld [tilespmem:s12+$0x5800];
	v33 =	vmul.f32 v40, v33;
	v23 =	vadd.f32 v48, v23;
	v25 =	vadd.f32 v31, v25  }
0x44d: {  	v53 =	vld [tilespmem:s16+$0x10];
	v26 =	vadd.f32 v27, v26;
	v31 =	vperm.xlane v22, v56;
	v24 =	vadd.f32 v29, v24  }
0x44e: {  	v27 =	vmul.f32 v57, v59;
	v44 =	vunpack.i.l.bf16.f32 v58;
	v46 =	vunpack.i.u.bf16.f32 v58  }
0x44f: {  	v51 =	vunpack.i.l.bf16.f32 v43;
	v54 =	vunpack.i.u.bf16.f32 v43;
	v23 =	vadd.f32 v28, v23  }
0x450: {  	v61 =	vshll.u32 v31, $0x4;
	v28 =	vmul.f32 v60, v63;
	v25 =	vadd.f32 v27, v25  }
0x451: {  	v40 =	vld [tilespmem:s16+$0x30];
	v47 =	vmul.f32 v42, v44;
	v24 =	vadd.f32 v33, v24;
	v27 =	vmul.f32 v45, v46  }
0x452: {  	v48 =	vld [tilespmem:s16+$0x0];
	v29 =	vor.u32 v0, v61;
	v31 =	vsub.f32 v62, v41;
	v62 =	vunpack.i.l.bf16.f32 v53  }
0x453: {  	v49 =	vadd.f32 v47, v23;
	v23 =	vadd.f32 v27, v25;
	v25 =	vmul.f32 v50, v51  }
0x454: {  	v30 =	vunpack.i.u.bf16.f32 v53;
	v27 =	vmul.f32 v52, v54;
	v55 =	vperm.xlane v31, v5  }
0x455: {  	v58 =	vld [tilespmem:s16+$0x20];
	v26 =	vadd.f32 v28, v26;
	v57 =	vperm.xlane v31, v7;
	v60 =	vperm.xlane v31, v8  }
0x456: {  	v43 =	vld [tilespmem:s16+$0x40];
	v47 =	vunpack.i.u.bf16.f32 v40;
	v63 =	vperm.xlane v31, v9;
	v41 =	vperm.xlane v31, v4  }
0x457: {  	v56 =	vunpack.i.l.bf16.f32 v48;
	v42 =	vperm.xlane v31, v10;
	v45 =	vperm.xlane v31, v11  }
0x458: {  	v39 =	vld [tilespmem:s16+$0x50];
	v34 =	vunpack.i.u.bf16.f32 v48;
	v46 =	vperm.xlane v31, v12;
	v48 =	vperm.xlane v31, v13  }
0x459: {  	v53 =	vperm.xlane v31, v14;
	v26 =	vadd.f32 v25, v26;
	v25 =	vadd.f32 v27, v24  }
0x45a: {  	v44 =	vunpack.i.u.bf16.f32 v58;
	v33 =	vunpack.i.l.bf16.f32 v58;
	v58 =	vperm.xlane v31, v16  }
0x45b: {  	v52 =	vld [tilespmem:s16+$0x60];
	v50 =	vunpack.i.l.bf16.f32 v43;
	v32 =	vmul.f32 v55, v56;
	v59 =	vmul.f32 v57, v34  }
0x45c: {  	v54 =	vunpack.i.u.bf16.f32 v43;
	v28 =	vmul.f32 v60, v62;
	v33 =	vmul.f32 v41, v33;
	v62 =	vld [tilespmem:s16+$0x70]  }
0x45d: {  	v51 =	vmul.f32 v48, v50;
	v55 =	vperm.xlane v31, v15;
	v57 =	vunpack.i.l.bf16.f32 v39;
	v29 =	vld.idx.msk [tilespmem:v29+s21+$0x0], $0xffff  }
0x45e: {  	v60 =	vunpack.i.u.bf16.f32 v39;
	v48 =	vperm.xlane v31, v19;
	v24 =	vadd.f32 v26, v49  }
0x45f: {  	v49 =	vmul.f32 v46, v47;
	v36 =	vmul.f32 v58, v60;
	v23 =	vadd.f32 v25, v23  }
0x460: {  	v27 =	vadd.f32 $0.0e+00, v59;
	v28 =	vadd.f32 $0.0e+00, v28;
	v43 =	vunpack.i.u.bf16.f32 v52  }
0x461: {  	v24 =	vadd.f32 v23, v24;
	v47 =	vunpack.i.u.bf16.f32 v62;
	v50 =	vunpack.i.l.bf16.f32 v62  }
0x462: {  	v61 =	vadd.f32 v32, v29;
	v29 =	vmul.f32 v63, v30;
	v30 =	vmul.f32 v42, v44  }
0x463: {  	v56 =	vld [tilespmem:s12+$0x5010];
	v32 =	vunpack.i.l.bf16.f32 v40;
	v63 =	vunpack.i.l.bf16.f32 v52;
	v40 =	vperm.xlane v31, v18  }
0x464: {  	v59 =	vld [tilespmem:s12+$0x5810];
	v32 =	vmul.f32 v45, v32;
	v29 =	vadd.f32 $0.0e+00, v29;
	v26 =	vadd.f32 v33, v61  }
0x465: {  	v45 =	vld [tilespmem:s16+$0x400];
	v27 =	vadd.f32 v30, v27;
	v30 =	vmul.f32 v55, v57;
	v61 =	vperm.xlane v31, v17  }
0x466: {  	v46 =	vmul.f32 v40, v43;
	v28 =	vadd.f32 v32, v28;
	v32 =	vmul.f32 v53, v54  }
0x467: {  	v31 =	vperm.xlane v31, v20;
	v33 =	vmul.f32 v48, v50;
	v29 =	vadd.f32 v49, v29  }
0x468: {  	v26 =	vadd.f32 v51, v26;
	v44 =	vmul.f32 v61, v63;
	v27 =	vadd.f32 v32, v27  }
0x469: {  	v55 =	vld [tilespmem:s16+$0x420];
	v28 =	vadd.f32 v30, v28;
	v32 =	vsub.f32 v56, v59;
	v30 =	vmul.f32 v31, v47  }
0x46a: {  	v29 =	vadd.f32 v36, v29;
	v26 =	vadd.f32 v44, v26;
	v51 =	vunpack.i.l.bf16.f32 v45  }
0x46b: {  	v49 =	vld [tilespmem:s16+$0x410];
	v53 =	vunpack.i.u.bf16.f32 v45;
	v37 =	vperm.xlane v32, v5;
	v52 =	vperm.xlane v32, v7  }
0x46c: {  	v27 =	vadd.f32 v46, v27;
	v56 =	vperm.xlane v32, v8;
	v58 =	vperm.xlane v32, v9  }
0x46d: {  	v63 =	vld [tilespmem:s16+$0x440];
	v28 =	vadd.f32 v33, v28;
	v61 =	vperm.xlane v32, v4;
	v62 =	vperm.xlane v32, v10  }
0x46e: {  	v59 =	vld [tilespmem:s16+$0x430];
	v41 =	vunpack.i.u.bf16.f32 v55;
	v36 =	vunpack.i.l.bf16.f32 v55;
	v43 =	vperm.xlane v32, v11  }
0x46f: {  	v47 =	vld [tilespmem:s16+$0x450];
	v44 =	vperm.xlane v32, v12;
	v46 =	vperm.xlane v32, v13;
	v29 =	vadd.f32 v30, v29  }
0x470: {  	v54 =	vmul.f32 v37, v51;
	v31 =	vmul.f32 v52, v53;
	v57 =	vunpack.i.l.bf16.f32 v49  }
0x471: {  	v60 =	vunpack.i.u.bf16.f32 v49;
	v42 =	vmul.f32 v61, v36;
	v34 =	vmul.f32 v62, v41  }
0x472: {  	v49 =	vunpack.i.l.bf16.f32 v63;
	v52 =	vperm.xlane v32, v14;
	v53 =	vunpack.i.u.bf16.f32 v63  }
0x473: {  	v63 =	vperm.xlane v32, v18;
	v30 =	vmul.f32 v56, v57;
	v45 =	vunpack.i.u.bf16.f32 v59  }
0x474: {  	v51 =	vld [tilespmem:s16+$0x460];
	v33 =	vunpack.i.l.bf16.f32 v59;
	v50 =	vmul.f32 v46, v49;
	v56 =	vunpack.i.l.bf16.f32 v47  }
0x475: {  	v61 =	vld [tilespmem:s16+$0x470];
	v57 =	vperm.xlane v32, v16;
	v59 =	vunpack.i.u.bf16.f32 v47;
	v26 =	vadd.f32 v54, v26  }
0x476: {  	v27 =	vadd.f32 v31, v27;
	v31 =	vmul.f32 v58, v60;
	v48 =	vmul.f32 v44, v45  }
0x477: {  	v55 =	vld [tilespmem:s12+$0x5020];
	v54 =	vperm.xlane v32, v15;
	v60 =	vperm.xlane v32, v17;
	v28 =	vadd.f32 v30, v28  }
0x478: {  	v49 =	vld [tilespmem:s16+$0x810];
	v36 =	vmul.f32 v57, v59;
	v29 =	vadd.f32 v31, v29;
	v31 =	vmul.f32 v43, v33  }
0x479: {  	v58 =	vld [tilespmem:s12+$0x5820];
	v26 =	vadd.f32 v42, v26;
	v27 =	vadd.f32 v34, v27;
	v30 =	vmul.f32 v54, v56  }
0x47a: {  	v45 =	vld [tilespmem:s16+$0x800];
	v62 =	vunpack.i.l.bf16.f32 v51;
	v44 =	vunpack.i.u.bf16.f32 v51;
	v47 =	vunpack.i.u.bf16.f32 v61  }
0x47b: {  	v28 =	vadd.f32 v31, v28;
	v29 =	vadd.f32 v48, v29;
	v31 =	vmul.f32 v52, v53  }
0x47c: {  	v26 =	vadd.f32 v50, v26;
	v33 =	vmul.f32 v60, v62;
	v46 =	vmul.f32 v63, v44  }
0x47d: {  	v48 =	vperm.xlane v32, v19;
	v50 =	vunpack.i.l.bf16.f32 v61;
	v32 =	vperm.xlane v32, v20  }
0x47e: {  	v59 =	vld [tilespmem:s16+$0x830];
	v57 =	vunpack.i.l.bf16.f32 v49;
	v60 =	vunpack.i.u.bf16.f32 v49;
	v27 =	vadd.f32 v31, v27  }
0x47f: {  	v51 =	vunpack.i.l.bf16.f32 v45;
	v28 =	vadd.f32 v30, v28;
	v31 =	vsub.f32 v55, v58  }
0x480: {  	v26 =	vadd.f32 v33, v26;
	v33 =	vmul.f32 v48, v50;
	v30 =	vmul.f32 v32, v47  }
0x481: {  	v63 =	vld [tilespmem:s16+$0x840];
	v53 =	vunpack.i.u.bf16.f32 v45;
	v37 =	vperm.xlane v31, v5;
	v52 =	vperm.xlane v31, v7  }
0x482: {  	v29 =	vadd.f32 v36, v29;
	v56 =	vperm.xlane v31, v8;
	v58 =	vperm.xlane v31, v9  }
0x483: {  	v45 =	vunpack.i.u.bf16.f32 v59;
	v61 =	vperm.xlane v31, v4;
	v62 =	vperm.xlane v31, v10  }
0x484: {  	v55 =	vld [tilespmem:s16+$0x820];
	v27 =	vadd.f32 v46, v27;
	v43 =	vperm.xlane v31, v11;
	v44 =	vperm.xlane v31, v12  }
0x485: {  	v47 =	vld [tilespmem:s16+$0x850];
	v29 =	vadd.f32 v30, v29;
	v46 =	vperm.xlane v31, v13;
	v54 =	vmul.f32 v37, v51  }
0x486: {  	v49 =	vunpack.i.l.bf16.f32 v63;
	v32 =	vmul.f32 v52, v53;
	v30 =	vmul.f32 v56, v57  }
0x487: {  	v28 =	vadd.f32 v33, v28;
	v48 =	vmul.f32 v44, v45;
	v50 =	vmul.f32 v46, v49  }
0x488: {  	v33 =	vunpack.i.l.bf16.f32 v59;
	v52 =	vperm.xlane v31, v14;
	v57 =	vperm.xlane v31, v16  }
0x489: {  	v53 =	vunpack.i.u.bf16.f32 v63;
	v63 =	vperm.xlane v31, v18;
	v45 =	vperm.xlane v31, v19  }
0x48a: {  	v41 =	vunpack.i.u.bf16.f32 v55;
	v36 =	vunpack.i.l.bf16.f32 v55;
	v56 =	vunpack.i.l.bf16.f32 v47  }
0x48b: {  	v51 =	vld [tilespmem:s16+$0x860];
	v59 =	vunpack.i.u.bf16.f32 v47;
	v27 =	vadd.f32 v32, v27;
	v32 =	vmul.f32 v58, v60  }
0x48c: {  	v46 =	vld [tilespmem:s16+$0xC10];
	v26 =	vadd.f32 v54, v26;
	v42 =	vmul.f32 v61, v36;
	v34 =	vmul.f32 v62, v41  }
0x48d: {  	v55 =	vld [tilespmem:s12+$0x5030];
	v28 =	vadd.f32 v30, v28;
	v54 =	vperm.xlane v31, v15;
	v60 =	vperm.xlane v31, v17  }
0x48e: {  	v61 =	vld [tilespmem:s16+$0x870];
	v36 =	vmul.f32 v57, v59;
	v31 =	vperm.xlane v31, v20;
	v29 =	vadd.f32 v32, v29  }
0x48f: {  	v58 =	vld [tilespmem:s12+$0x5830];
	v32 =	vmul.f32 v43, v33;
	v26 =	vadd.f32 v42, v26;
	v27 =	vadd.f32 v34, v27  }
0x490: {  	v30 =	vmul.f32 v54, v56;
	v62 =	vunpack.i.l.bf16.f32 v51;
	v41 =	vunpack.i.u.bf16.f32 v51  }
0x491: {  	v54 =	vunpack.i.l.bf16.f32 v46;
	v28 =	vadd.f32 v32, v28;
	v32 =	vmul.f32 v52, v53  }
0x492: {  	v29 =	vadd.f32 v48, v29;
	v26 =	vadd.f32 v50, v26;
	v33 =	vmul.f32 v60, v62  }
0x493: {  	v42 =	vld [tilespmem:s16+$0xC00];
	v43 =	vmul.f32 v63, v41;
	v44 =	vunpack.i.u.bf16.f32 v61;
	v27 =	vadd.f32 v32, v27  }
0x494: {  	v47 =	vunpack.i.l.bf16.f32 v61;
	v28 =	vadd.f32 v30, v28;
	v32 =	vsub.f32 v55, v58  }
0x495: {  	v26 =	vadd.f32 v33, v26;
	v33 =	vmul.f32 v45, v47;
	v30 =	vmul.f32 v31, v44  }
0x496: {  	v57 =	vunpack.i.u.bf16.f32 v46;
	v52 =	vld [tilespmem:s16+$0xC20];
	v37 =	vperm.xlane v32, v5;
	v49 =	vperm.xlane v32, v7  }
0x497: {  	v29 =	vadd.f32 v36, v29;
	v53 =	vperm.xlane v32, v8;
	v55 =	vperm.xlane v32, v9  }
0x498: {  	v56 =	vld [tilespmem:s16+$0xC30];
	v48 =	vunpack.i.l.bf16.f32 v42;
	v58 =	vperm.xlane v32, v4;
	v59 =	vperm.xlane v32, v10  }
0x499: {  	v60 =	vld [tilespmem:s16+$0xC40];
	v50 =	vunpack.i.u.bf16.f32 v42;
	v63 =	vperm.xlane v32, v11;
	v42 =	vperm.xlane v32, v12  }
0x49a: {  	v27 =	vadd.f32 v43, v27;
	v44 =	vperm.xlane v32, v13;
	v41 =	vperm.xlane v32, v19  }
0x49b: {  	v61 =	vunpack.i.u.bf16.f32 v52;
	v36 =	vunpack.i.l.bf16.f32 v52;
	v52 =	vperm.xlane v32, v15  }
0x49c: {  	v45 =	vld [tilespmem:s16+$0xC50];
	v29 =	vadd.f32 v30, v29;
	v51 =	vmul.f32 v37, v48;
	v31 =	vmul.f32 v49, v50  }
0x49d: {  	v43 =	vunpack.i.u.bf16.f32 v56;
	v30 =	vmul.f32 v53, v54;
	v62 =	vmul.f32 v58, v36  }
0x49e: {  	v47 =	vunpack.i.l.bf16.f32 v60;
	v34 =	vmul.f32 v59, v61;
	v46 =	vmul.f32 v42, v43  }
0x49f: {  	v28 =	vadd.f32 v33, v28;
	v48 =	vmul.f32 v44, v47;
	v50 =	vperm.xlane v32, v14  }
0x4a0: {  	v33 =	vunpack.i.l.bf16.f32 v56;
	v49 =	vld [tilespmem:s16+$0xC60];
	v58 =	vperm.xlane v32, v17;
	v61 =	vperm.xlane v32, v18  }
0x4a1: {  	v59 =	vld [tilespmem:s16+$0xC70];
	v54 =	vunpack.i.l.bf16.f32 v45;
	v26 =	vadd.f32 v51, v26;
	v27 =	vadd.f32 v31, v27  }
0x4a2: {  	v31 =	vmul.f32 v55, v57;
	v28 =	vadd.f32 v30, v28;
	v51 =	vunpack.i.u.bf16.f32 v60  }
0x4a3: {  	s9 =	sor.u32 s29, s30;
	v56 =	vld [tilespmem:s12+$0x5840];
	v55 =	vperm.xlane v32, v16;
	v57 =	vunpack.i.u.bf16.f32 v45;
	v30 =	vmul.f32 v52, v54  }
0x4a4: {  	s22 =	sor.u32 $0x1010, s9;
	v53 =	vld [tilespmem:s12+$0x5040];
	v32 =	vperm.xlane v32, v20;
	v29 =	vadd.f32 v31, v29;
	v31 =	vmul.f32 v63, v33  }
0x4a5: {  	v42 =	vld [tilespmem:s22+$0x6000];
	v26 =	vadd.f32 v62, v26;
	v27 =	vadd.f32 v34, v27;
	v36 =	vmul.f32 v55, v57  }
0x4a6: {  	s31 =	sor.u32 $0x1000, s9;
	v60 =	vunpack.i.l.bf16.f32 v49;
	v62 =	vunpack.i.u.bf16.f32 v49;
	v40 =	vunpack.i.u.bf16.f32 v59  }
0x4a7: {  	v63 =	vld [tilespmem:s31+$0x6000];
	v43 =	vunpack.i.l.bf16.f32 v59;
	v28 =	vadd.f32 v31, v28;
	v31 =	vmul.f32 v50, v51  }
0x4a8: {  	v29 =	vadd.f32 v46, v29;
	v26 =	vadd.f32 v48, v26;
	v33 =	vmul.f32 v58, v60  }
0x4a9: {  	v38 =	vmul.f32 v61, v62;
	v27 =	vadd.f32 v31, v27;
	v28 =	vadd.f32 v30, v28  }
0x4aa: {  	s31 =	sor.u32 $0x1030, s9;
	v50 =	vunpack.i.l.bf16.f32 v42;
	v29 =	vadd.f32 v36, v29;
	v31 =	vsub.f32 v53, v56  }
0x4ab: {  	s30 =	sor.u32 $0x1020, s9;
	v52 =	vld [tilespmem:s31+$0x6000];
	v26 =	vadd.f32 v33, v26;
	v33 =	vmul.f32 v41, v43;
	v30 =	vmul.f32 v32, v40  }
0x4ac: {  	v48 =	vld [tilespmem:s30+$0x6000];
	v53 =	vunpack.i.u.bf16.f32 v42;
	v44 =	vunpack.i.l.bf16.f32 v63;
	v37 =	vperm.xlane v31, v5  }
0x4ad: {  	v46 =	vunpack.i.u.bf16.f32 v63;
	v45 =	vperm.xlane v31, v7;
	v49 =	vperm.xlane v31, v8  }
0x4ae: {  	v27 =	vadd.f32 v38, v27;
	v51 =	vperm.xlane v31, v9;
	v54 =	vperm.xlane v31, v4  }
0x4af: {  	s22 =	sor.u32 $0x1040, s9;
	v29 =	vadd.f32 v30, v29;
	v55 =	vperm.xlane v31, v10;
	v59 =	vperm.xlane v31, v11  }
0x4b0: {  	v56 =	vld [tilespmem:s22+$0x6000];
	v60 =	vperm.xlane v31, v12;
	v61 =	vunpack.i.u.bf16.f32 v52;
	v62 =	vperm.xlane v31, v13  }
0x4b1: {  	v36 =	vunpack.i.l.bf16.f32 v48;
	v47 =	vmul.f32 v37, v44;
	v32 =	vmul.f32 v45, v46  }
0x4b2: {  	s30 =	sor.u32 $0x1050, s9;
	v57 =	vunpack.i.u.bf16.f32 v48;
	v30 =	vmul.f32 v49, v50;
	v58 =	vmul.f32 v54, v36  }
0x4b3: {  	v63 =	vld [tilespmem:s30+$0x6000];
	v28 =	vadd.f32 v33, v28;
	v34 =	vmul.f32 v55, v57;
	v41 =	vmul.f32 v60, v61  }
0x4b4: {  	v33 =	vunpack.i.l.bf16.f32 v52;
	v45 =	vperm.xlane v31, v14;
	v50 =	vperm.xlane v31, v16  }
0x4b5: {  	s31 =	sor.u32 $0x1060, s9;
	v61 =	vperm.xlane v31, v19;
	v42 =	vunpack.i.l.bf16.f32 v56;
	v46 =	vunpack.i.u.bf16.f32 v56  }
0x4b6: {  	s22 =	sor.u32 $0x1070, s9;
	v44 =	vld [tilespmem:s31+$0x6000];
	v56 =	vperm.xlane v31, v18;
	v26 =	vadd.f32 v47, v26;
	v27 =	vadd.f32 v32, v27  }
0x4b7: {  	v54 =	vld [tilespmem:s22+$0x6000];
	v32 =	vmul.f32 v51, v53;
	v28 =	vadd.f32 v30, v28;
	v43 =	vmul.f32 v62, v42  }
0x4b8: {  	v47 =	vperm.xlane v31, v15;
	v52 =	vunpack.i.u.bf16.f32 v63;
	v53 =	vperm.xlane v31, v17  }
0x4b9: {  	v48 =	vld [tilespmem:s12+$0x5050];
	s31 =	sor.u32 $0x1410, s9;
	v49 =	vunpack.i.l.bf16.f32 v63;
	v31 =	vperm.xlane v31, v20;
	v36 =	vmul.f32 v50, v52  }
0x4ba: {  	v62 =	vld [tilespmem:s31+$0x6000];
	v29 =	vadd.f32 v32, v29;
	v32 =	vmul.f32 v59, v33;
	v26 =	vadd.f32 v58, v26  }
0x4bb: {  	v51 =	vld [tilespmem:s12+$0x5850];
	v27 =	vadd.f32 v34, v27;
	v30 =	vmul.f32 v47, v49;
	v55 =	vunpack.i.l.bf16.f32 v44  }
0x4bc: {  	s31 =	sor.u32 $0x1440, s9;
	v57 =	vunpack.i.u.bf16.f32 v44;
	v60 =	vunpack.i.u.bf16.f32 v54;
	v63 =	vunpack.i.l.bf16.f32 v54  }
0x4bd: {  	s30 =	sor.u32 $0x1400, s9;
	v52 =	vld [tilespmem:s31+$0x6000];
	v28 =	vadd.f32 v32, v28;
	v29 =	vadd.f32 v41, v29;
	v32 =	vmul.f32 v45, v46  }
0x4be: {  	v58 =	vld [tilespmem:s30+$0x6000];
	v26 =	vadd.f32 v43, v26;
	v33 =	vmul.f32 v53, v55;
	v59 =	vmul.f32 v56, v57  }
0x4bf: {  	v46 =	vunpack.i.l.bf16.f32 v62;
	v27 =	vadd.f32 v32, v27;
	v28 =	vadd.f32 v30, v28  }
0x4c0: {  	s22 =	sor.u32 $0x1420, s9;
	v49 =	vunpack.i.u.bf16.f32 v62;
	v29 =	vadd.f32 v36, v29;
	v32 =	vsub.f32 v48, v51  }
0x4c1: {  	v44 =	vld [tilespmem:s22+$0x6000];
	v26 =	vadd.f32 v33, v26;
	v33 =	vmul.f32 v61, v63;
	v30 =	vmul.f32 v31, v60  }
0x4c2: {  	v61 =	vunpack.i.l.bf16.f32 v52;
	v37 =	vperm.xlane v32, v5;
	v41 =	vperm.xlane v32, v7  }
0x4c3: {  	v40 =	vunpack.i.l.bf16.f32 v58;
	v45 =	vperm.xlane v32, v8;
	v47 =	vperm.xlane v32, v9  }
0x4c4: {  	v42 =	vunpack.i.u.bf16.f32 v58;
	v50 =	vperm.xlane v32, v4;
	v51 =	vperm.xlane v32, v10  }
0x4c5: {  	s30 =	sor.u32 $0x1430, s9;
	v29 =	vadd.f32 v30, v29;
	v55 =	vperm.xlane v32, v11;
	v56 =	vperm.xlane v32, v12  }
0x4c6: {  	v48 =	vld [tilespmem:s30+$0x6000];
	v53 =	vunpack.i.u.bf16.f32 v44;
	v58 =	vperm.xlane v32, v13;
	v43 =	vmul.f32 v37, v40  }
0x4c7: {  	s30 =	sor.u32 $0x1460, s9;
	v36 =	vunpack.i.l.bf16.f32 v44;
	v31 =	vmul.f32 v41, v42;
	v30 =	vmul.f32 v45, v46  }
0x4c8: {  	s22 =	sor.u32 $0x1450, s9;
	v63 =	vld [tilespmem:s30+$0x6000];
	v27 =	vadd.f32 v59, v27;
	v54 =	vmul.f32 v50, v36;
	v34 =	vmul.f32 v51, v53  }
0x4c9: {  	s31 =	sor.u32 $0x1470, s9;
	v28 =	vadd.f32 v33, v28;
	v59 =	vld [tilespmem:s22+$0x6000];
	v62 =	vmul.f32 v58, v61;
	v45 =	vperm.xlane v32, v15  }
0x4ca: {  	v44 =	vunpack.i.u.bf16.f32 v52;
	v52 =	vld [tilespmem:s31+$0x6000];
	v51 =	vperm.xlane v32, v17;
	v58 =	vperm.xlane v32, v19  }
0x4cb: {  	v57 =	vunpack.i.u.bf16.f32 v48;
	v33 =	vunpack.i.l.bf16.f32 v48;
	v48 =	vperm.xlane v32, v16  }
0x4cc: {  	v26 =	vadd.f32 v43, v26;
	v27 =	vadd.f32 v31, v27;
	v31 =	vmul.f32 v47, v49  }
0x4cd: {  	v28 =	vadd.f32 v30, v28;
	v60 =	vmul.f32 v56, v57;
	v43 =	vperm.xlane v32, v14  }
0x4ce: {  	v53 =	vunpack.i.l.bf16.f32 v63;
	v47 =	vunpack.i.l.bf16.f32 v59;
	v50 =	vunpack.i.u.bf16.f32 v59  }
0x4cf: {  	s22 =	sor.u32 $0x1800, s9;
	v46 =	vld [tilespmem:s12+$0x5060];
	v59 =	vunpack.i.l.bf16.f32 v52;
	v61 =	vunpack.i.u.bf16.f32 v52;
	v29 =	vadd.f32 v31, v29  }
0x4d0: {  	v56 =	vld [tilespmem:s22+$0x6000];
	v31 =	vmul.f32 v55, v33;
	v26 =	vadd.f32 v54, v26;
	v30 =	vmul.f32 v45, v47  }
0x4d1: {  	s31 =	sor.u32 $0x1820, s9;
	v49 =	vld [tilespmem:s12+$0x5860];
	v27 =	vadd.f32 v34, v27;
	v36 =	vmul.f32 v48, v50;
	v54 =	vperm.xlane v32, v18  }
0x4d2: {  	s22 =	sor.u32 $0x1830, s9;
	v55 =	vunpack.i.u.bf16.f32 v63;
	v33 =	vmul.f32 v51, v53;
	v32 =	vperm.xlane v32, v20;
	v63 =	vld [tilespmem:s31+$0x6000]  }
0x4d3: {  	v47 =	vld [tilespmem:s22+$0x6000];
	v28 =	vadd.f32 v31, v28;
	v29 =	vadd.f32 v60, v29;
	v31 =	vmul.f32 v43, v44  }
0x4d4: {  	v26 =	vadd.f32 v62, v26;
	v57 =	vmul.f32 v54, v55;
	v32 =	vmul.f32 v32, v61  }
0x4d5: {  	v40 =	vunpack.i.l.bf16.f32 v56;
	v27 =	vadd.f32 v31, v27;
	v28 =	vadd.f32 v30, v28  }
0x4d6: {  	s30 =	sor.u32 $0x1810, s9;
	v42 =	vunpack.i.u.bf16.f32 v56;
	v26 =	vadd.f32 v33, v26;
	v33 =	vsub.f32 v46, v49  }
0x4d7: {  	v60 =	vld [tilespmem:s30+$0x6000];
	v29 =	vadd.f32 v36, v29;
	v30 =	vmul.f32 v58, v59;
	v48 =	vunpack.i.l.bf16.f32 v63  }
0x4d8: {  	v52 =	vunpack.i.u.bf16.f32 v63;
	v53 =	vunpack.i.u.bf16.f32 v47;
	v62 =	vperm.xlane v33, v5  }
0x4d9: {  	s22 =	sor.u32 $0x1860, s9;
	v55 =	vunpack.i.l.bf16.f32 v47;
	v41 =	vperm.xlane v33, v7;
	v43 =	vperm.xlane v33, v8  }
0x4da: {  	s30 =	sor.u32 $0x1840, s9;
	v61 =	vld [tilespmem:s22+$0x6000];
	v27 =	vadd.f32 v57, v27;
	v45 =	vperm.xlane v33, v9;
	v46 =	vperm.xlane v33, v4  }
0x4db: {  	v50 =	vld [tilespmem:s30+$0x6000];
	v28 =	vadd.f32 v30, v28;
	v51 =	vperm.xlane v33, v10;
	v54 =	vperm.xlane v33, v11  }
0x4dc: {  	s31 =	sor.u32 $0x1850, s9;
	v56 =	vperm.xlane v33, v12;
	v57 =	vperm.xlane v33, v13;
	v44 =	vunpack.i.l.bf16.f32 v60  }
0x4dd: {  	v58 =	vld [tilespmem:s31+$0x6000];
	v35 =	vunpack.i.u.bf16.f32 v60;
	v60 =	vperm.xlane v33, v14;
	v31 =	vmul.f32 v62, v40  }
0x4de: {  	v29 =	vadd.f32 v32, v29;
	v30 =	vmul.f32 v41, v42;
	v32 =	vmul.f32 v43, v44  }
0x4df: {  	s30 =	sor.u32 $0x1870, s9;
	v47 =	vunpack.i.l.bf16.f32 v61;
	v49 =	vmul.f32 v45, v35;
	v34 =	vmul.f32 v46, v48  }
0x4e0: {  	v63 =	vld [tilespmem:s30+$0x6000];
	v59 =	vunpack.i.l.bf16.f32 v50;
	v41 =	vperm.xlane v33, v15;
	v44 =	vperm.xlane v33, v16  }
0x4e1: {  	v35 =	vunpack.i.u.bf16.f32 v50;
	v42 =	vld [tilespmem:s12+$0x5070];
	v46 =	vperm.xlane v33, v17;
	v48 =	vperm.xlane v33, v18  }
0x4e2: {  	v45 =	vld [tilespmem:s12+$0x5870];
	s12 =	sor.u32 $0x2, s28;
	v62 =	vmul.f32 v60, v35;
	v43 =	vunpack.i.l.bf16.f32 v58;
	v38 =	vunpack.i.u.bf16.f32 v58  }
0x4e3: {  	v40 =	vmov s12;
	v26 =	vadd.f32 v31, v26;
	v27 =	vadd.f32 v30, v27  }
0x4e4: {  	s31 =	sor.u32 $0x1C00, s9;
	v28 =	vadd.f32 v32, v28;
	v30 =	vmul.f32 v51, v52;
	v32 =	vmul.f32 v54, v55  }
0x4e5: {  	v50 =	vld [tilespmem:s31+$0x6000];
	v29 =	vadd.f32 v49, v29;
	v31 =	vmul.f32 v56, v53;
	v35 =	vmul.f32 v44, v38  }
0x4e6: {  	v49 =	vunpack.i.u.bf16.f32 v61;
	v51 =	vperm.xlane v33, v19;
	v53 =	vunpack.i.l.bf16.f32 v63  }
0x4e7: {  	v33 =	vperm.xlane v33, v20;
	v54 =	vunpack.i.u.bf16.f32 v63;
	v26 =	vadd.f32 v34, v26  }
0x4e8: {  	s22 =	sor.u32 $0x1C20, s9;
	v34 =	vmul.f32 v57, v59;
	v27 =	vadd.f32 v30, v27;
	v28 =	vadd.f32 v32, v28  }
0x4e9: {  	s16 =	sor.u32 $0x1C10, s9;
	v60 =	vld [tilespmem:s22+$0x6000];
	v29 =	vadd.f32 v31, v29;
	v30 =	vmul.f32 v41, v43;
	v31 =	vmul.f32 v46, v47  }
0x4ea: {  	v52 =	vld [tilespmem:s16+$0x6000];
	v55 =	vmul.f32 v51, v53;
	v56 =	vmul.f32 v33, v54;
	v58 =	vunpack.i.l.bf16.f32 v50  }
0x4eb: {  	v36 =	vunpack.i.u.bf16.f32 v50;
	v26 =	vadd.f32 v34, v26;
	v34 =	vsub.f32 v42, v45  }
0x4ec: {  	v27 =	vadd.f32 v62, v27;
	v28 =	vadd.f32 v30, v28;
	v30 =	vmul.f32 v48, v49  }
0x4ed: {  	s30 =	sor.u32 $0x1C30, s9;
	v29 =	vadd.f32 v35, v29;
	v57 =	vperm.xlane v34, v5;
	v59 =	vperm.xlane v34, v7  }
0x4ee: {  	v63 =	vld [tilespmem:s30+$0x6000];
	v46 =	vunpack.i.l.bf16.f32 v60;
	v37 =	vperm.xlane v34, v8;
	v42 =	vperm.xlane v34, v9  }
0x4ef: {  	v61 =	vunpack.i.l.bf16.f32 v52;
	v45 =	vperm.xlane v34, v4;
	v47 =	vperm.xlane v34, v10  }
0x4f0: {  	v43 =	vunpack.i.u.bf16.f32 v52;
	v48 =	vperm.xlane v34, v11;
	v51 =	vperm.xlane v34, v12  }
0x4f1: {  	v28 =	vadd.f32 v55, v28;
	v55 =	vperm.xlane v34, v13;
	v38 =	vperm.xlane v34, v17  }
0x4f2: {  	s31 =	sor.u32 $0x1C40, s9;
	v26 =	vadd.f32 v31, v26;
	v41 =	vperm.xlane v34, v19;
	v31 =	vmul.f32 v57, v58  }
0x4f3: {  	v49 =	vld [tilespmem:s31+$0x6000];
	v35 =	vunpack.i.u.bf16.f32 v63;
	v62 =	vmul.f32 v59, v36;
	v33 =	vmul.f32 v37, v61  }
0x4f4: {  	s16 =	sor.u32 $0x1C50, s9;
	v27 =	vadd.f32 v30, v27;
	v30 =	vmul.f32 v42, v43;
	v32 =	vmul.f32 v45, v46  }
0x4f5: {  	s22 =	sor.u32 $0x1C60, s9;
	s9 =	sor.u32 $0x1C70, s9;
	v44 =	vunpack.i.u.bf16.f32 v60;
	v52 =	vld [tilespmem:s16+$0x6000];
	v53 =	vmul.f32 v51, v35;
	v58 =	vperm.xlane v34, v14  }
0x4f6: {  	v50 =	vunpack.i.l.bf16.f32 v63;
	v63 =	vld [tilespmem:s9+$0x6000];
	v59 =	vperm.xlane v34, v15;
	v61 =	vperm.xlane v34, v16  }
0x4f7: {  	v29 =	vadd.f32 v56, v29;
	v56 =	vld [tilespmem:s22+$0x6000];
	v42 =	vperm.xlane v34, v18;
	v34 =	vperm.xlane v34, v20  }
0x4f8: {  	v54 =	vunpack.i.u.bf16.f32 v49;
	v57 =	vunpack.i.l.bf16.f32 v49;
	v26 =	vadd.f32 v31, v26  }
0x4f9: {  	s9 =	sshll.u32 s12, $0x7;
	v27 =	vadd.f32 v62, v27;
	v28 =	vadd.f32 v33, v28;
	v31 =	vmul.f32 v47, v44  }
0x4fa: {  	s30 =	sand.u32 $0x300, s9;
	v33 =	vmul.f32 v48, v50;
	v29 =	vadd.f32 v30, v29;
	v60 =	vunpack.i.l.bf16.f32 v52  }
0x4fb: {  	s22 =	sor.u32 s30, s11;
	v45 =	vld [tilespmem:s9+$0x5800];
	v30 =	vmul.f32 v58, v54;
	v62 =	vunpack.i.u.bf16.f32 v52;
	v43 =	vunpack.i.l.bf16.f32 v63  }
0x4fc: {  	v46 =	vld [tilespmem:s22+$0x0];
	v36 =	vunpack.i.u.bf16.f32 v63;
	v37 =	vmul.f32 v61, v62;
	v39 =	vunpack.i.l.bf16.f32 v56  }
0x4fd: {  	v48 =	vld [tilespmem:s22+$0x10];
	v26 =	vadd.f32 v32, v26;
	v27 =	vadd.f32 v31, v27;
	v31 =	vmul.f32 v55, v57  }
0x4fe: {  	v52 =	vld [tilespmem:s22+$0x20];
	v34 =	vmul.f32 v34, v36;
	v28 =	vadd.f32 v33, v28;
	v33 =	vmul.f32 v59, v60  }
0x4ff: {  	v44 =	vld [tilespmem:s9+$0x5000];
	v32 =	vunpack.i.u.bf16.f32 v56;
	v26 =	vadd.f32 v31, v26;
	v27 =	vadd.f32 v30, v27  }
0x500: {  	v28 =	vadd.f32 v33, v28;
	v30 =	vmul.f32 v38, v39;
	v33 =	vmul.f32 v41, v43  }
0x501: {  	v61 =	vld [tilespmem:s22+$0x40];
	v29 =	vadd.f32 v53, v29;
	v32 =	vmul.f32 v42, v32;
	v50 =	vunpack.i.u.bf16.f32 v46  }
0x502: {  	v31 =	vperm.xlane v22, v40;
	v26 =	vadd.f32 v30, v26;
	v28 =	vadd.f32 v33, v28  }
0x503: {  	v29 =	vadd.f32 v37, v29;
	v55 =	vunpack.i.l.bf16.f32 v48;
	v59 =	vunpack.i.l.bf16.f32 v52  }
0x504: {  	v31 =	vshll.u32 v31, $0x4;
	v47 =	vadd.f32 v28, v26;
	v28 =	vsub.f32 v44, v45  }
0x505: {  	v57 =	vld [tilespmem:s22+$0x30];
	v27 =	vadd.f32 v32, v27;
	v29 =	vadd.f32 v34, v29;
	v30 =	vunpack.i.l.bf16.f32 v46  }
0x506: {  	v46 =	vunpack.i.u.bf16.f32 v61;
	v51 =	vperm.xlane v28, v5;
	v53 =	vperm.xlane v28, v7  }
0x507: {  	v34 =	vunpack.i.l.bf16.f32 v61;
	v54 =	vperm.xlane v28, v8;
	v56 =	vperm.xlane v28, v9  }
0x508: {  	v31 =	vor.u32 v0, v31;
	v58 =	vperm.xlane v28, v4;
	v60 =	vperm.xlane v28, v10  }
0x509: {  	v27 =	vadd.f32 v29, v27;
	v62 =	vperm.xlane v28, v11;
	v63 =	vperm.xlane v28, v12  }
0x50a: {  	v40 =	vld [tilespmem:s22+$0x50];
	v41 =	vunpack.i.u.bf16.f32 v57;
	v44 =	vperm.xlane v28, v13;
	v45 =	vperm.xlane v28, v14  }
0x50b: {  	v61 =	vld [tilespmem:s22+$0x400];
	v23 =	vadd.f32 v27, v47;
	v47 =	vperm.xlane v28, v15;
	v27 =	vmul.f32 v51, v30  }
0x50c: {  	v26 =	vunpack.i.u.bf16.f32 v48;
	v48 =	vld [tilespmem:s22+$0x60];
	v25 =	vmul.f32 v53, v50;
	v30 =	vmul.f32 v54, v55  }
0x50d: {  	v32 =	vunpack.i.l.bf16.f32 v57;
	v26 =	vmul.f32 v56, v26;
	v29 =	vmul.f32 v58, v59  }
0x50e: {  	v49 =	vld.idx.msk [tilespmem:v31+s21+$0x0], $0xffff;
	v31 =	vunpack.i.u.bf16.f32 v52;
	v42 =	vmul.f32 v62, v32;
	v43 =	vmul.f32 v63, v41  }
0x50f: {  	v33 =	vmul.f32 v45, v46;
	v53 =	vperm.xlane v28, v16;
	v55 =	vunpack.i.u.bf16.f32 v40  }
0x510: {  	v50 =	vld [tilespmem:s22+$0x70];
	v56 =	vperm.xlane v28, v17;
	v58 =	vperm.xlane v28, v18;
	v41 =	vunpack.i.l.bf16.f32 v61  }
0x511: {  	v52 =	vld [tilespmem:s9+$0x5010];
	v31 =	vmul.f32 v60, v31;
	v57 =	vunpack.i.l.bf16.f32 v48;
	v59 =	vunpack.i.u.bf16.f32 v48  }
0x512: {  	v54 =	vld [tilespmem:s9+$0x5810];
	v60 =	vperm.xlane v28, v19;
	v25 =	vadd.f32 $0.0e+00, v25;
	v26 =	vadd.f32 $0.0e+00, v26  }
0x513: {  	v28 =	vperm.xlane v28, v20;
	v30 =	vadd.f32 $0.0e+00, v30;
	v36 =	vmul.f32 v58, v59  }
0x514: {  	v46 =	vld [tilespmem:s22+$0x430];
	v25 =	vadd.f32 v31, v25;
	v31 =	vmul.f32 v44, v34;
	v26 =	vadd.f32 v43, v26  }
0x515: {  	v44 =	vunpack.i.u.bf16.f32 v61;
	v27 =	vadd.f32 v27, v49;
	v49 =	vunpack.i.l.bf16.f32 v40  }
0x516: {  	v63 =	vld [tilespmem:s22+$0x410];
	v62 =	vunpack.i.l.bf16.f32 v50;
	v35 =	vunpack.i.u.bf16.f32 v50;
	v51 =	vmul.f32 v47, v49  }
0x517: {  	v32 =	vsub.f32 v52, v54;
	v34 =	vmul.f32 v60, v62;
	v28 =	vmul.f32 v28, v35  }
0x518: {  	v27 =	vadd.f32 v29, v27;
	v29 =	vadd.f32 v42, v30;
	v30 =	vmul.f32 v56, v57  }
0x519: {  	v43 =	vld [tilespmem:s22+$0x420];
	v59 =	vunpack.i.u.bf16.f32 v46;
	v40 =	vperm.xlane v32, v5;
	v42 =	vperm.xlane v32, v7  }
0x51a: {  	v54 =	vld [tilespmem:s22+$0x440];
	v25 =	vadd.f32 v33, v25;
	v45 =	vperm.xlane v32, v8;
	v48 =	vperm.xlane v32, v9  }
0x51b: {  	v47 =	vunpack.i.l.bf16.f32 v63;
	v50 =	vperm.xlane v32, v4;
	v52 =	vperm.xlane v32, v10  }
0x51c: {  	v49 =	vunpack.i.u.bf16.f32 v63;
	v58 =	vperm.xlane v32, v12;
	v61 =	vperm.xlane v32, v13  }
0x51d: {  	v63 =	vperm.xlane v32, v14;
	v25 =	vadd.f32 v36, v25;
	v27 =	vadd.f32 v31, v27  }
0x51e: {  	v57 =	vld [tilespmem:s22+$0x450];
	v29 =	vadd.f32 v51, v29;
	v31 =	vmul.f32 v53, v55;
	v51 =	vunpack.i.l.bf16.f32 v43  }
0x51f: {  	v53 =	vperm.xlane v32, v11;
	v55 =	vunpack.i.l.bf16.f32 v46;
	v60 =	vunpack.i.u.bf16.f32 v54  }
0x520: {  	v62 =	vunpack.i.l.bf16.f32 v54;
	v26 =	vadd.f32 v31, v26;
	v27 =	vadd.f32 v30, v27  }
0x521: {  	v29 =	vadd.f32 v34, v29;
	v31 =	vmul.f32 v42, v44;
	v30 =	vmul.f32 v45, v47  }
0x522: {  	v34 =	vunpack.i.u.bf16.f32 v43;
	v33 =	vmul.f32 v53, v55;
	v43 =	vperm.xlane v32, v16  }
0x523: {  	v56 =	vmul.f32 v52, v34;
	v42 =	vunpack.i.l.bf16.f32 v57;
	v34 =	vunpack.i.u.bf16.f32 v57  }
0x524: {  	v44 =	vld [tilespmem:s22+$0x470];
	v52 =	vperm.xlane v32, v19;
	v26 =	vadd.f32 v28, v26;
	v28 =	vmul.f32 v40, v41  }
0x525: {  	v53 =	vld [tilespmem:s22+$0x800];
	v25 =	vadd.f32 v31, v25;
	v31 =	vmul.f32 v50, v51;
	v40 =	vperm.xlane v32, v15  }
0x526: {  	v46 =	vld [tilespmem:s9+$0x5020];
	v29 =	vadd.f32 v30, v29;
	v30 =	vmul.f32 v63, v60;
	v45 =	vmul.f32 v43, v34  }
0x527: {  	v47 =	vld [tilespmem:s9+$0x5820];
	v51 =	vperm.xlane v32, v18;
	v27 =	vadd.f32 v28, v27;
	v28 =	vmul.f32 v48, v49  }
0x528: {  	v41 =	vld [tilespmem:s22+$0x460];
	v25 =	vadd.f32 v56, v25;
	v29 =	vadd.f32 v33, v29;
	v33 =	vmul.f32 v40, v42  }
0x529: {  	v49 =	vperm.xlane v32, v17;
	v32 =	vperm.xlane v32, v20;
	v54 =	vunpack.i.l.bf16.f32 v44  }
0x52a: {  	v35 =	vunpack.i.u.bf16.f32 v44;
	v57 =	vunpack.i.u.bf16.f32 v53;
	v26 =	vadd.f32 v28, v26  }
0x52b: {  	v55 =	vld [tilespmem:s22+$0x810];
	v27 =	vadd.f32 v31, v27;
	v28 =	vmul.f32 v58, v59;
	v31 =	vmul.f32 v61, v62  }
0x52c: {  	v25 =	vadd.f32 v30, v25;
	v29 =	vadd.f32 v33, v29;
	v34 =	vmul.f32 v52, v54  }
0x52d: {  	v32 =	vmul.f32 v32, v35;
	v30 =	vsub.f32 v46, v47;
	v50 =	vunpack.i.l.bf16.f32 v41  }
0x52e: {  	v48 =	vunpack.i.u.bf16.f32 v41;
	v26 =	vadd.f32 v28, v26;
	v33 =	vmul.f32 v49, v50  }
0x52f: {  	v27 =	vadd.f32 v31, v27;
	v28 =	vmul.f32 v51, v48;
	v31 =	vperm.xlane v30, v5  }
0x530: {  	v40 =	vunpack.i.u.bf16.f32 v55;
	v60 =	vperm.xlane v30, v7;
	v61 =	vperm.xlane v30, v8  }
0x531: {  	v59 =	vunpack.i.l.bf16.f32 v53;
	v63 =	vperm.xlane v30, v9;
	v43 =	vperm.xlane v30, v4  }
0x532: {  	v58 =	vld [tilespmem:s22+$0x820];
	v62 =	vunpack.i.l.bf16.f32 v55;
	v47 =	vperm.xlane v30, v11;
	v48 =	vperm.xlane v30, v12  }
0x533: {  	v46 =	vld [tilespmem:s22+$0x840];
	v56 =	vadd.f32 v34, v29;
	v52 =	vperm.xlane v30, v13;
	v53 =	vperm.xlane v30, v14  }
0x534: {  	v55 =	vperm.xlane v30, v15;
	v26 =	vadd.f32 v45, v26;
	v31 =	vmul.f32 v31, v59  }
0x535: {  	v41 =	vld [tilespmem:s22+$0x830];
	v27 =	vadd.f32 v33, v27;
	v29 =	vmul.f32 v60, v57;
	v33 =	vmul.f32 v61, v62  }
0x536: {  	v25 =	vadd.f32 v28, v25;
	v42 =	vmul.f32 v63, v40;
	v45 =	vperm.xlane v30, v10  }
0x537: {  	v62 =	vperm.xlane v30, v16;
	v40 =	vperm.xlane v30, v17;
	v44 =	vunpack.i.l.bf16.f32 v58  }
0x538: {  	v49 =	vld [tilespmem:s22+$0x850];
	v54 =	vunpack.i.u.bf16.f32 v46;
	v26 =	vadd.f32 v32, v26;
	v27 =	vadd.f32 v31, v27  }
0x539: {  	v25 =	vadd.f32 v29, v25;
	v28 =	vadd.f32 v33, v56;
	v29 =	vmul.f32 v43, v44  }
0x53a: {  	v59 =	vld [tilespmem:s22+$0x870];
	v32 =	vunpack.i.u.bf16.f32 v58;
	v50 =	vunpack.i.u.bf16.f32 v41;
	v57 =	vmul.f32 v53, v54  }
0x53b: {  	v61 =	vld [tilespmem:s9+$0x5030];
	v35 =	vunpack.i.l.bf16.f32 v41;
	v44 =	vperm.xlane v30, v19;
	v31 =	vmul.f32 v45, v32  }
0x53c: {  	v63 =	vld [tilespmem:s9+$0x5830];
	v33 =	vunpack.i.l.bf16.f32 v46;
	v51 =	vmul.f32 v47, v35;
	v32 =	vmul.f32 v48, v50  }
0x53d: {  	v58 =	vunpack.i.l.bf16.f32 v49;
	v39 =	vunpack.i.u.bf16.f32 v49;
	v26 =	vadd.f32 v42, v26  }
0x53e: {  	v56 =	vld [tilespmem:s22+$0x860];
	v27 =	vadd.f32 v29, v27;
	v60 =	vmul.f32 v55, v58;
	v42 =	vperm.xlane v30, v18  }
0x53f: {  	v30 =	vperm.xlane v30, v20;
	v25 =	vadd.f32 v31, v25;
	v31 =	vmul.f32 v52, v33  }
0x540: {  	v45 =	vld [tilespmem:s22+$0xC00];
	v28 =	vadd.f32 v51, v28;
	v46 =	vunpack.i.l.bf16.f32 v59;
	v35 =	vunpack.i.u.bf16.f32 v59  }
0x541: {  	v26 =	vadd.f32 v32, v26;
	v34 =	vmul.f32 v44, v46;
	v32 =	vsub.f32 v61, v63  }
0x542: {  	v47 =	vld [tilespmem:s22+$0xC10];
	v48 =	vmul.f32 v30, v35;
	v27 =	vadd.f32 v31, v27;
	v25 =	vadd.f32 v57, v25  }
0x543: {  	v31 =	vmul.f32 v62, v39;
	v41 =	vunpack.i.l.bf16.f32 v56;
	v43 =	vunpack.i.u.bf16.f32 v56  }
0x544: {  	v28 =	vadd.f32 v60, v28;
	v29 =	vmul.f32 v40, v41;
	v36 =	vmul.f32 v42, v43  }
0x545: {  	v55 =	vld [tilespmem:s22+$0xC30];
	v49 =	vperm.xlane v32, v5;
	v50 =	vunpack.i.l.bf16.f32 v45;
	v51 =	vperm.xlane v32, v7  }
0x546: {  	v53 =	vunpack.i.u.bf16.f32 v45;
	v54 =	vperm.xlane v32, v8;
	v57 =	vperm.xlane v32, v9  }
0x547: {  	v52 =	vld [tilespmem:s22+$0xC20];
	v56 =	vunpack.i.l.bf16.f32 v47;
	v59 =	vperm.xlane v32, v4;
	v61 =	vperm.xlane v32, v10  }
0x548: {  	v58 =	vunpack.i.u.bf16.f32 v47;
	v62 =	vperm.xlane v32, v11;
	v42 =	vperm.xlane v32, v12  }
0x549: {  	v63 =	vld [tilespmem:s22+$0xC40];
	v45 =	vperm.xlane v32, v13;
	v47 =	vperm.xlane v32, v14;
	v26 =	vadd.f32 v31, v26  }
0x54a: {  	v28 =	vadd.f32 v34, v28;
	v39 =	vunpack.i.l.bf16.f32 v55;
	v27 =	vadd.f32 v29, v27  }
0x54b: {  	v25 =	vadd.f32 v36, v25;
	v29 =	vmul.f32 v49, v50;
	v31 =	vmul.f32 v51, v53  }
0x54c: {  	v30 =	vmul.f32 v54, v56;
	v60 =	vunpack.i.l.bf16.f32 v52;
	v34 =	vunpack.i.u.bf16.f32 v52  }
0x54d: {  	v33 =	vmul.f32 v62, v39;
	v51 =	vperm.xlane v32, v16;
	v26 =	vadd.f32 v48, v26  }
0x54e: {  	v41 =	vld [tilespmem:s22+$0xC50];
	v40 =	vmul.f32 v61, v34;
	v44 =	vunpack.i.u.bf16.f32 v63;
	v48 =	vperm.xlane v32, v15  }
0x54f: {  	v27 =	vadd.f32 v29, v27;
	v25 =	vadd.f32 v31, v25;
	v29 =	vmul.f32 v57, v58  }
0x550: {  	v31 =	vmul.f32 v59, v60;
	v28 =	vadd.f32 v30, v28;
	v30 =	vmul.f32 v47, v44  }
0x551: {  	v43 =	vunpack.i.u.bf16.f32 v55;
	v49 =	vld [tilespmem:s22+$0xC60];
	v57 =	vperm.xlane v32, v17;
	v59 =	vperm.xlane v32, v18  }
0x552: {  	v52 =	vld [tilespmem:s22+$0xC70];
	v46 =	vunpack.i.l.bf16.f32 v63;
	v60 =	vperm.xlane v32, v19;
	v32 =	vperm.xlane v32, v20  }
0x553: {  	v55 =	vld [tilespmem:s9+$0x5840];
	s22 =	sor.u32 s29, s30;
	v50 =	vunpack.i.l.bf16.f32 v41;
	v34 =	vunpack.i.u.bf16.f32 v41;
	v26 =	vadd.f32 v29, v26  }
0x554: {  	v54 =	vld [tilespmem:s9+$0x5040];
	s16 =	sor.u32 $0x1000, s22;
	v27 =	vadd.f32 v31, v27;
	v25 =	vadd.f32 v40, v25;
	v29 =	vmul.f32 v42, v43  }
0x555: {  	s31 =	sor.u32 $0x1010, s22;
	v61 =	vld [tilespmem:s16+$0x6000];
	v28 =	vadd.f32 v33, v28;
	v31 =	vmul.f32 v45, v46;
	v33 =	vmul.f32 v48, v50  }
0x556: {  	v63 =	vld [tilespmem:s31+$0x6000];
	v53 =	vmul.f32 v51, v34;
	v56 =	vunpack.i.u.bf16.f32 v49;
	v58 =	vunpack.i.l.bf16.f32 v49  }
0x557: {  	v62 =	vunpack.i.l.bf16.f32 v52;
	v26 =	vadd.f32 v29, v26;
	v27 =	vadd.f32 v31, v27  }
0x558: {  	v35 =	vunpack.i.u.bf16.f32 v52;
	v25 =	vadd.f32 v30, v25;
	v28 =	vadd.f32 v33, v28  }
0x559: {  	v33 =	vmul.f32 v57, v58;
	v29 =	vmul.f32 v59, v56;
	v30 =	vsub.f32 v54, v55  }
0x55a: {  	v34 =	vmul.f32 v60, v62;
	v32 =	vmul.f32 v32, v35;
	v40 =	vunpack.i.u.bf16.f32 v61  }
0x55b: {  	s31 =	sor.u32 $0x1030, s22;
	v42 =	vunpack.i.l.bf16.f32 v61;
	v45 =	vunpack.i.l.bf16.f32 v63;
	v31 =	vperm.xlane v30, v5  }
0x55c: {  	s30 =	sor.u32 $0x1020, s22;
	v48 =	vld [tilespmem:s31+$0x6000];
	v47 =	vunpack.i.u.bf16.f32 v63;
	v43 =	vperm.xlane v30, v7;
	v44 =	vperm.xlane v30, v8  }
0x55d: {  	v41 =	vld [tilespmem:s30+$0x6000];
	v26 =	vadd.f32 v53, v26;
	v46 =	vperm.xlane v30, v9;
	v50 =	vperm.xlane v30, v4  }
0x55e: {  	v27 =	vadd.f32 v33, v27;
	v52 =	vperm.xlane v30, v10;
	v54 =	vperm.xlane v30, v11  }
0x55f: {  	s31 =	sor.u32 $0x1050, s22;
	v25 =	vadd.f32 v29, v25;
	v55 =	vperm.xlane v30, v12;
	v59 =	vperm.xlane v30, v13  }
0x560: {  	v56 =	vld [tilespmem:s31+$0x6000];
	v28 =	vadd.f32 v34, v28;
	v60 =	vperm.xlane v30, v14;
	v62 =	vperm.xlane v30, v15  }
0x561: {  	v57 =	vunpack.i.u.bf16.f32 v48;
	v35 =	vunpack.i.l.bf16.f32 v48;
	v48 =	vperm.xlane v30, v17  }
0x562: {  	v51 =	vunpack.i.l.bf16.f32 v41;
	v31 =	vmul.f32 v31, v42;
	v29 =	vmul.f32 v43, v40  }
0x563: {  	s30 =	sor.u32 $0x1040, s22;
	v26 =	vadd.f32 v32, v26;
	v33 =	vmul.f32 v44, v45;
	v49 =	vmul.f32 v46, v47  }
0x564: {  	v53 =	vld [tilespmem:s30+$0x6000];
	s30 =	sor.u32 $0x1060, s22;
	v32 =	vunpack.i.u.bf16.f32 v41;
	v58 =	vmul.f32 v54, v35;
	v45 =	vperm.xlane v30, v16  }
0x565: {  	s31 =	sor.u32 $0x1070, s22;
	v63 =	vld [tilespmem:s30+$0x6000];
	v41 =	vunpack.i.l.bf16.f32 v56;
	v47 =	vunpack.i.u.bf16.f32 v56;
	v27 =	vadd.f32 v31, v27  }
0x566: {  	v42 =	vld [tilespmem:s31+$0x6000];
	v25 =	vadd.f32 v29, v25;
	v29 =	vmul.f32 v50, v51;
	v31 =	vmul.f32 v52, v32  }
0x567: {  	v44 =	vld [tilespmem:s9+$0x5050];
	v28 =	vadd.f32 v33, v28;
	v32 =	vmul.f32 v55, v57;
	v43 =	vmul.f32 v62, v41  }
0x568: {  	v46 =	vld [tilespmem:s9+$0x5850];
	v26 =	vadd.f32 v49, v26;
	v50 =	vperm.xlane v30, v18;
	v52 =	vperm.xlane v30, v19  }
0x569: {  	v30 =	vperm.xlane v30, v20;
	v61 =	vunpack.i.u.bf16.f32 v53;
	v33 =	vunpack.i.l.bf16.f32 v53  }
0x56a: {  	v27 =	vadd.f32 v29, v27;
	v25 =	vadd.f32 v31, v25;
	v31 =	vmul.f32 v59, v33  }
0x56b: {  	v40 =	vmul.f32 v60, v61;
	v49 =	vunpack.i.l.bf16.f32 v63;
	v51 =	vunpack.i.u.bf16.f32 v63  }
0x56c: {  	s31 =	sor.u32 $0x1410, s22;
	v26 =	vadd.f32 v32, v26;
	v29 =	vmul.f32 v48, v49;
	v36 =	vmul.f32 v50, v51  }
0x56d: {  	v55 =	vld [tilespmem:s31+$0x6000];
	v54 =	vunpack.i.l.bf16.f32 v42;
	v35 =	vunpack.i.u.bf16.f32 v42;
	v32 =	vsub.f32 v44, v46  }
0x56e: {  	s30 =	sor.u32 $0x1400, s22;
	v27 =	vadd.f32 v31, v27;
	v31 =	vmul.f32 v45, v47;
	v34 =	vmul.f32 v52, v54  }
0x56f: {  	v53 =	vld [tilespmem:s30+$0x6000];
	v28 =	vadd.f32 v58, v28;
	v56 =	vmul.f32 v30, v35;
	v57 =	vperm.xlane v32, v5  }
0x570: {  	s30 =	sor.u32 $0x1420, s22;
	v25 =	vadd.f32 v40, v25;
	v59 =	vperm.xlane v32, v7;
	v62 =	vperm.xlane v32, v8  }
0x571: {  	s31 =	sor.u32 $0x1430, s22;
	v60 =	vld [tilespmem:s30+$0x6000];
	v28 =	vadd.f32 v43, v28;
	v41 =	vperm.xlane v32, v9;
	v43 =	vperm.xlane v32, v4  }
0x572: {  	v63 =	vld [tilespmem:s31+$0x6000];
	v40 =	vunpack.i.l.bf16.f32 v55;
	v45 =	vperm.xlane v32, v10;
	v46 =	vperm.xlane v32, v11  }
0x573: {  	v42 =	vunpack.i.u.bf16.f32 v55;
	v51 =	vperm.xlane v32, v12;
	v54 =	vperm.xlane v32, v13  }
0x574: {  	s31 =	sor.u32 $0x1450, s22;
	v26 =	vadd.f32 v31, v26;
	v27 =	vadd.f32 v29, v27;
	v58 =	vunpack.i.l.bf16.f32 v53  }
0x575: {  	v50 =	vld [tilespmem:s31+$0x6000];
	v25 =	vadd.f32 v36, v25;
	v61 =	vunpack.i.u.bf16.f32 v53;
	v29 =	vmul.f32 v57, v58  }
0x576: {  	v28 =	vadd.f32 v34, v28;
	v31 =	vmul.f32 v59, v61;
	v30 =	vmul.f32 v62, v40  }
0x577: {  	s30 =	sor.u32 $0x1440, s22;
	v44 =	vunpack.i.l.bf16.f32 v60;
	v34 =	vunpack.i.u.bf16.f32 v60;
	v48 =	vunpack.i.l.bf16.f32 v63  }
0x578: {  	v47 =	vld [tilespmem:s30+$0x6000];
	v52 =	vunpack.i.u.bf16.f32 v63;
	v57 =	vperm.xlane v32, v14;
	v58 =	vperm.xlane v32, v15  }
0x579: {  	s30 =	sor.u32 $0x1460, s22;
	v61 =	vperm.xlane v32, v16;
	v26 =	vadd.f32 v56, v26;
	v49 =	vmul.f32 v45, v34  }
0x57a: {  	v55 =	vld [tilespmem:s30+$0x6000];
	v33 =	vmul.f32 v46, v48;
	v60 =	vunpack.i.l.bf16.f32 v50;
	v34 =	vunpack.i.u.bf16.f32 v50  }
0x57b: {  	s31 =	sor.u32 $0x1470, s22;
	v46 =	vperm.xlane v32, v18;
	v27 =	vadd.f32 v29, v27;
	v25 =	vadd.f32 v31, v25  }
0x57c: {  	v59 =	vld [tilespmem:s31+$0x6000];
	v29 =	vmul.f32 v41, v42;
	v31 =	vmul.f32 v43, v44;
	v28 =	vadd.f32 v30, v28  }
0x57d: {  	v62 =	vld [tilespmem:s9+$0x5060];
	v53 =	vunpack.i.u.bf16.f32 v47;
	v35 =	vmul.f32 v58, v60;
	v39 =	vmul.f32 v61, v34  }
0x57e: {  	v63 =	vld [tilespmem:s9+$0x5860];
	v56 =	vunpack.i.l.bf16.f32 v47;
	v41 =	vperm.xlane v32, v17;
	v47 =	vperm.xlane v32, v19  }
0x57f: {  	v32 =	vperm.xlane v32, v20;
	v30 =	vmul.f32 v57, v53;
	v42 =	vunpack.i.l.bf16.f32 v55  }
0x580: {  	s31 =	sor.u32 $0x1810, s22;
	v45 =	vunpack.i.u.bf16.f32 v55;
	v26 =	vadd.f32 v29, v26;
	v27 =	vadd.f32 v31, v27  }
0x581: {  	v50 =	vld [tilespmem:s31+$0x6000];
	v25 =	vadd.f32 v49, v25;
	v28 =	vadd.f32 v33, v28;
	v29 =	vmul.f32 v51, v52  }
0x582: {  	s30 =	sor.u32 $0x1800, s22;
	v31 =	vmul.f32 v54, v56;
	v43 =	vmul.f32 v41, v42;
	v48 =	vunpack.i.l.bf16.f32 v59  }
0x583: {  	v44 =	vld [tilespmem:s30+$0x6000];
	v36 =	vsub.f32 v62, v63;
	v49 =	vunpack.i.u.bf16.f32 v59;
	v26 =	vadd.f32 v29, v26  }
0x584: {  	v27 =	vadd.f32 v31, v27;
	v25 =	vadd.f32 v30, v25;
	v31 =	vmul.f32 v46, v45  }
0x585: {  	v28 =	vadd.f32 v35, v28;
	v34 =	vmul.f32 v47, v48;
	v51 =	vmul.f32 v32, v49  }
0x586: {  	v60 =	vunpack.i.u.bf16.f32 v50;
	v52 =	vperm.xlane v36, v5;
	v55 =	vperm.xlane v36, v7  }
0x587: {  	s30 =	sor.u32 $0x1820, s22;
	v35 =	vunpack.i.l.bf16.f32 v50;
	v57 =	vperm.xlane v36, v8;
	v58 =	vperm.xlane v36, v9  }
0x588: {  	s31 =	sor.u32 $0x1830, s22;
	v56 =	vld [tilespmem:s30+$0x6000];
	v53 =	vunpack.i.l.bf16.f32 v44;
	v62 =	vperm.xlane v36, v4;
	v63 =	vperm.xlane v36, v10  }
0x589: {  	s30 =	sor.u32 $0x1840, s22;
	v59 =	vld [tilespmem:s31+$0x6000];
	v30 =	vunpack.i.u.bf16.f32 v44;
	v41 =	vperm.xlane v36, v11;
	v47 =	vperm.xlane v36, v12  }
0x58a: {  	v42 =	vld [tilespmem:s30+$0x6000];
	v49 =	vperm.xlane v36, v13;
	v26 =	vadd.f32 v39, v26;
	v27 =	vadd.f32 v43, v27  }
0x58b: {  	v25 =	vadd.f32 v31, v25;
	v54 =	vmul.f32 v52, v53;
	v30 =	vmul.f32 v55, v30  }
0x58c: {  	v28 =	vadd.f32 v34, v28;
	v61 =	vmul.f32 v57, v35;
	v31 =	vmul.f32 v58, v60  }
0x58d: {  	s31 =	sor.u32 $0x1850, s22;
	v40 =	vunpack.i.u.bf16.f32 v56;
	v32 =	vunpack.i.l.bf16.f32 v56;
	v57 =	vperm.xlane v36, v16  }
0x58e: {  	v46 =	vld [tilespmem:s31+$0x6000];
	v26 =	vadd.f32 v51, v26;
	v43 =	vmul.f32 v63, v40;
	v44 =	vunpack.i.l.bf16.f32 v59  }
0x58f: {  	v48 =	vunpack.i.u.bf16.f32 v59;
	v50 =	vunpack.i.l.bf16.f32 v42;
	v51 =	vperm.xlane v36, v14  }
0x590: {  	v53 =	vunpack.i.u.bf16.f32 v42;
	v63 =	vperm.xlane v36, v17;
	v40 =	vperm.xlane v36, v18  }
0x591: {  	s30 =	sor.u32 $0x1860, s22;
	v42 =	vperm.xlane v36, v19;
	v27 =	vadd.f32 v54, v27;
	v25 =	vadd.f32 v30, v25  }
0x592: {  	s31 =	sor.u32 $0x1870, s22;
	v52 =	vld [tilespmem:s30+$0x6000];
	v30 =	vmul.f32 v62, v32;
	v28 =	vadd.f32 v61, v28;
	v45 =	vmul.f32 v41, v44  }
0x593: {  	v55 =	vld [tilespmem:s31+$0x6000];
	v29 =	vmul.f32 v49, v50;
	v54 =	vperm.xlane v36, v15;
	v56 =	vunpack.i.l.bf16.f32 v46  }
0x594: {  	v58 =	vld [tilespmem:s9+$0x5070];
	v59 =	vunpack.i.u.bf16.f32 v46;
	v26 =	vadd.f32 v31, v26;
	v33 =	vmul.f32 v51, v53  }
0x595: {  	s31 =	sor.u32 $0x1C10, s22;
	v61 =	vld [tilespmem:s9+$0x5870];
	v62 =	vmul.f32 v57, v59;
	v27 =	vadd.f32 v30, v27;
	v25 =	vadd.f32 v43, v25  }
0x596: {  	v46 =	vld [tilespmem:s31+$0x6000];
	v28 =	vadd.f32 v45, v28;
	v30 =	vmul.f32 v47, v48;
	v60 =	vmul.f32 v54, v56  }
0x597: {  	v47 =	vperm.xlane v36, v20;
	v41 =	vunpack.i.u.bf16.f32 v52;
	v34 =	vunpack.i.l.bf16.f32 v52  }
0x598: {  	v44 =	vunpack.i.l.bf16.f32 v55;
	v48 =	vunpack.i.u.bf16.f32 v55;
	v26 =	vadd.f32 v30, v26  }
0x599: {  	v27 =	vadd.f32 v29, v27;
	v25 =	vadd.f32 v33, v25;
	v30 =	vmul.f32 v63, v34  }
0x59a: {  	s30 =	sor.u32 $0x1C00, s22;
	v28 =	vadd.f32 v60, v28;
	v31 =	vmul.f32 v40, v41;
	v45 =	vmul.f32 v42, v44  }
0x59b: {  	v43 =	vld [tilespmem:s30+$0x6000];
	v32 =	vsub.f32 v58, v61;
	v56 =	vunpack.i.l.bf16.f32 v46;
	v33 =	vunpack.i.u.bf16.f32 v46  }
0x59c: {  	s16 =	sor.u32 $0x1C20, s22;
	v26 =	vadd.f32 v62, v26;
	v27 =	vadd.f32 v30, v27;
	v30 =	vmul.f32 v47, v48  }
0x59d: {  	v52 =	vld [tilespmem:s16+$0x6000];
	s16 =	sor.u32 $0x1C50, s22;
	v25 =	vadd.f32 v31, v25;
	v49 =	vperm.xlane v32, v5;
	v51 =	vperm.xlane v32, v7  }
0x59e: {  	v46 =	vld [tilespmem:s16+$0x6000];
	s16 =	sor.u32 $0x3, s28;
	v28 =	vadd.f32 v45, v28;
	v54 =	vperm.xlane v32, v8;
	v58 =	vperm.xlane v32, v9  }
0x59f: {  	s31 =	sor.u32 $0x1C40, s22;
	v47 =	vmov s16;
	v59 =	vperm.xlane v32, v4;
	v60 =	vperm.xlane v32, v10  }
0x5a0: {  	s30 =	sor.u32 $0x1C30, s22;
	v63 =	vld [tilespmem:s31+$0x6000];
	v50 =	vunpack.i.l.bf16.f32 v43;
	v40 =	vperm.xlane v32, v11;
	v42 =	vperm.xlane v32, v12  }
0x5a1: {  	v61 =	vld [tilespmem:s30+$0x6000];
	v53 =	vunpack.i.u.bf16.f32 v43;
	v43 =	vperm.xlane v32, v13;
	v48 =	vperm.xlane v32, v14  }
0x5a2: {  	v62 =	vunpack.i.u.bf16.f32 v52;
	v29 =	vmul.f32 v49, v50;
	v55 =	vmul.f32 v51, v53  }
0x5a3: {  	v35 =	vunpack.i.l.bf16.f32 v52;
	v57 =	vmul.f32 v54, v56;
	v31 =	vmul.f32 v58, v33  }
0x5a4: {  	v26 =	vadd.f32 v30, v26;
	v39 =	vmul.f32 v59, v35;
	v33 =	vmul.f32 v60, v62  }
0x5a5: {  	v45 =	vunpack.i.l.bf16.f32 v63;
	v50 =	vunpack.i.u.bf16.f32 v63;
	v51 =	vperm.xlane v32, v15  }
0x5a6: {  	v60 =	vperm.xlane v32, v18;
	v41 =	vunpack.i.l.bf16.f32 v61;
	v44 =	vunpack.i.u.bf16.f32 v61  }
0x5a7: {  	s30 =	sor.u32 $0x1C60, s22;
	s9 =	sshll.u32 s16, $0x7;
	v30 =	vmul.f32 v43, v45;
	v54 =	vunpack.i.l.bf16.f32 v46;
	v35 =	vunpack.i.u.bf16.f32 v46  }
0x5a8: {  	s22 =	sor.u32 $0x1C70, s22;
	s31 =	sand.u32 $0x380, s9;
	v49 =	vld [tilespmem:s30+$0x6000];
	v27 =	vadd.f32 v29, v27;
	v25 =	vadd.f32 v55, v25;
	v29 =	vmul.f32 v40, v41  }
0x5a9: {  	s11 =	sor.u32 s31, s11;
	v58 =	vld [tilespmem:s22+$0x6000];
	v26 =	vadd.f32 v31, v26;
	v31 =	vmul.f32 v42, v44;
	v55 =	vperm.xlane v32, v16  }
0x5aa: {  	v63 =	vld [tilespmem:s11+$0x0];
	v28 =	vadd.f32 v57, v28;
	v57 =	vperm.xlane v32, v17;
	v41 =	vperm.xlane v32, v19  }
0x5ab: {  	v53 =	vld [tilespmem:s9+$0x5000];
	v32 =	vperm.xlane v32, v20;
	v27 =	vadd.f32 v39, v27;
	v25 =	vadd.f32 v33, v25  }
0x5ac: {  	v56 =	vld [tilespmem:s9+$0x5800];
	v28 =	vadd.f32 v29, v28;
	v33 =	vperm.xlane v22, v47;
	v26 =	vadd.f32 v31, v26  }
0x5ad: {  	v43 =	vld [tilespmem:s11+$0x10];
	v29 =	vmul.f32 v48, v50;
	v35 =	vmul.f32 v55, v35;
	v59 =	vunpack.i.l.bf16.f32 v49  }
0x5ae: {  	v61 =	vunpack.i.u.bf16.f32 v49;
	v42 =	vunpack.i.l.bf16.f32 v58;
	v44 =	vunpack.i.u.bf16.f32 v58  }
0x5af: {  	v46 =	vunpack.i.l.bf16.f32 v63;
	v36 =	vunpack.i.u.bf16.f32 v63;
	v27 =	vadd.f32 v30, v27  }
0x5b0: {  	v52 =	vshll.u32 v33, $0x4;
	v30 =	vmul.f32 v51, v54;
	v25 =	vadd.f32 v29, v25  }
0x5b1: {  	v62 =	vmul.f32 v57, v59;
	v26 =	vadd.f32 v35, v26;
	v33 =	vsub.f32 v53, v56  }
0x5b2: {  	v29 =	vmul.f32 v60, v61;
	v32 =	vmul.f32 v32, v44;
	v34 =	vunpack.i.u.bf16.f32 v43  }
0x5b3: {  	v48 =	vld [tilespmem:s11+$0x20];
	v40 =	vadd.f32 v62, v27;
	v27 =	vmul.f32 v41, v42;
	v45 =	vperm.xlane v33, v5  }
0x5b4: {  	v55 =	vld [tilespmem:s11+$0x30];
	v31 =	vor.u32 v0, v52;
	v47 =	vperm.xlane v33, v7;
	v50 =	vperm.xlane v33, v8  }
0x5b5: {  	v52 =	vunpack.i.l.bf16.f32 v43;
	v54 =	vperm.xlane v33, v9;
	v56 =	vperm.xlane v33, v4  }
0x5b6: {  	v28 =	vadd.f32 v30, v28;
	v57 =	vperm.xlane v33, v10;
	v60 =	vperm.xlane v33, v11  }
0x5b7: {  	v58 =	vld [tilespmem:s11+$0x40];
	v25 =	vadd.f32 v29, v25;
	v61 =	vperm.xlane v33, v12;
	v63 =	vperm.xlane v33, v13  }
0x5b8: {  	v35 =	vunpack.i.l.bf16.f32 v48;
	v28 =	vadd.f32 v27, v28;
	v29 =	vmul.f32 v45, v46;
	v46 =	vld [tilespmem:s11+$0x60]  }
0x5b9: {  	v27 =	vadd.f32 v32, v26;
	v35 =	vmul.f32 v56, v35;
	v32 =	vunpack.i.l.bf16.f32 v55;
	v56 =	vld [tilespmem:s11+$0x70]  }
0x5ba: {  	v42 =	vperm.xlane v33, v18;
	v62 =	vunpack.i.u.bf16.f32 v55;
	v32 =	vmul.f32 v60, v32;
	v60 =	vld [tilespmem:s11+$0x400]  }
0x5bb: {  	v59 =	vunpack.i.u.bf16.f32 v48;
	v49 =	vmul.f32 v47, v36;
	v43 =	vmul.f32 v61, v62;
	v31 =	vld.idx.msk [tilespmem:v31+s21+$0x0], $0xffff  }
0x5bc: {  	v41 =	vld [tilespmem:s11+$0x50];
	v44 =	vunpack.i.l.bf16.f32 v58;
	v47 =	vperm.xlane v33, v14;
	v55 =	vperm.xlane v33, v17  }
0x5bd: {  	v48 =	vunpack.i.u.bf16.f32 v58;
	v62 =	vperm.xlane v33, v19;
	v45 =	vmul.f32 v63, v44  }
0x5be: {  	v26 =	vadd.f32 v28, v40;
	v53 =	vadd.f32 $0.0e+00, v49;
	v49 =	vperm.xlane v33, v15  }
0x5bf: {  	v58 =	vunpack.i.u.bf16.f32 v46;
	v61 =	vunpack.i.u.bf16.f32 v56;
	v44 =	vunpack.i.l.bf16.f32 v60  }
0x5c0: {  	v51 =	vadd.f32 v29, v31;
	v29 =	vmul.f32 v50, v52;
	v31 =	vmul.f32 v54, v34  }
0x5c1: {  	v34 =	vmul.f32 v57, v59;
	v52 =	vperm.xlane v33, v16;
	v54 =	vunpack.i.u.bf16.f32 v41  }
0x5c2: {  	v50 =	vld [tilespmem:s9+$0x5010];
	v57 =	vunpack.i.l.bf16.f32 v46;
	v33 =	vperm.xlane v33, v20;
	v46 =	vunpack.i.u.bf16.f32 v60  }
0x5c3: {  	v59 =	vmul.f32 v55, v57;
	v29 =	vadd.f32 $0.0e+00, v29;
	v30 =	vadd.f32 v34, v53;
	v53 =	vld [tilespmem:s9+$0x5810]  }
0x5c4: {  	v31 =	vadd.f32 $0.0e+00, v31;
	v28 =	vadd.f32 v35, v51;
	v51 =	vunpack.i.l.bf16.f32 v41  }
0x5c5: {  	v38 =	vmul.f32 v52, v54;
	v29 =	vadd.f32 v32, v29;
	v32 =	vmul.f32 v47, v48  }
0x5c6: {  	v63 =	vld [tilespmem:s11+$0x410];
	v34 =	vmul.f32 v49, v51;
	v31 =	vadd.f32 v43, v31;
	v28 =	vadd.f32 v45, v28  }
0x5c7: {  	v43 =	vunpack.i.l.bf16.f32 v56;
	v30 =	vadd.f32 v32, v30;
	v32 =	vmul.f32 v42, v58  }
0x5c8: {  	v48 =	vld [tilespmem:s11+$0x420];
	v35 =	vmul.f32 v62, v43;
	v29 =	vadd.f32 v34, v29;
	v34 =	vsub.f32 v50, v53  }
0x5c9: {  	v31 =	vadd.f32 v38, v31;
	v30 =	vadd.f32 v32, v30;
	v32 =	vmul.f32 v33, v61  }
0x5ca: {  	v52 =	vld [tilespmem:s11+$0x430];
	v28 =	vadd.f32 v59, v28;
	v39 =	vperm.xlane v34, v5;
	v45 =	vperm.xlane v34, v7  }
0x5cb: {  	v50 =	vunpack.i.l.bf16.f32 v63;
	v49 =	vperm.xlane v34, v8;
	v51 =	vperm.xlane v34, v9  }
0x5cc: {  	v56 =	vld [tilespmem:s11+$0x440];
	v53 =	vunpack.i.u.bf16.f32 v63;
	v54 =	vperm.xlane v34, v4;
	v55 =	vperm.xlane v34, v10  }
0x5cd: {  	v57 =	vunpack.i.u.bf16.f32 v48;
	v59 =	vperm.xlane v34, v11;
	v60 =	vperm.xlane v34, v12  }
0x5ce: {  	v38 =	vunpack.i.l.bf16.f32 v48;
	v62 =	vperm.xlane v34, v13;
	v48 =	vperm.xlane v34, v15  }
0x5cf: {  	v63 =	vld [tilespmem:s11+$0x450];
	v61 =	vunpack.i.u.bf16.f32 v52;
	v47 =	vmul.f32 v39, v44;
	v33 =	vmul.f32 v45, v46  }
0x5d0: {  	v31 =	vadd.f32 v32, v31;
	v32 =	vmul.f32 v49, v50;
	v58 =	vmul.f32 v54, v38  }
0x5d1: {  	v43 =	vunpack.i.l.bf16.f32 v56;
	v36 =	vmul.f32 v55, v57;
	v42 =	vmul.f32 v60, v61  }
0x5d2: {  	v29 =	vadd.f32 v35, v29;
	v44 =	vmul.f32 v62, v43;
	v46 =	vperm.xlane v34, v14  }
0x5d3: {  	v35 =	vunpack.i.l.bf16.f32 v52;
	v54 =	vperm.xlane v34, v17;
	v57 =	vperm.xlane v34, v18  }
0x5d4: {  	v45 =	vld [tilespmem:s11+$0x460];
	v62 =	vperm.xlane v34, v19;
	v50 =	vunpack.i.l.bf16.f32 v63;
	v28 =	vadd.f32 v47, v28  }
0x5d5: {  	v55 =	vld [tilespmem:s11+$0x470];
	v30 =	vadd.f32 v33, v30;
	v33 =	vmul.f32 v51, v53;
	v29 =	vadd.f32 v32, v29  }
0x5d6: {  	v52 =	vld [tilespmem:s9+$0x5820];
	v47 =	vunpack.i.u.bf16.f32 v56;
	v51 =	vperm.xlane v34, v16;
	v53 =	vunpack.i.u.bf16.f32 v63  }
0x5d7: {  	v32 =	vmul.f32 v48, v50;
	v63 =	vld [tilespmem:s11+$0x810];
	v34 =	vperm.xlane v34, v20;
	v31 =	vadd.f32 v33, v31  }
0x5d8: {  	v49 =	vld [tilespmem:s9+$0x5020];
	v33 =	vmul.f32 v59, v35;
	v28 =	vadd.f32 v58, v28;
	v30 =	vadd.f32 v36, v30  }
0x5d9: {  	v48 =	vld [tilespmem:s11+$0x820];
	v38 =	vmul.f32 v51, v53;
	v56 =	vunpack.i.l.bf16.f32 v45;
	v58 =	vunpack.i.u.bf16.f32 v45  }
0x5da: {  	v61 =	vunpack.i.u.bf16.f32 v55;
	v43 =	vunpack.i.l.bf16.f32 v55;
	v29 =	vadd.f32 v33, v29  }
0x5db: {  	v31 =	vadd.f32 v42, v31;
	v28 =	vadd.f32 v44, v28;
	v33 =	vmul.f32 v46, v47  }
0x5dc: {  	v59 =	vld [tilespmem:s11+$0x800];
	v35 =	vmul.f32 v54, v56;
	v60 =	vmul.f32 v57, v58;
	v50 =	vunpack.i.l.bf16.f32 v63  }
0x5dd: {  	v53 =	vunpack.i.u.bf16.f32 v63;
	v30 =	vadd.f32 v33, v30;
	v33 =	vsub.f32 v49, v52  }
0x5de: {  	v57 =	vunpack.i.u.bf16.f32 v48;
	v28 =	vadd.f32 v35, v28;
	v35 =	vmul.f32 v62, v43  }
0x5df: {  	v29 =	vadd.f32 v32, v29;
	v32 =	vmul.f32 v34, v61;
	v39 =	vperm.xlane v33, v5  }
0x5e0: {  	v31 =	vadd.f32 v38, v31;
	v45 =	vperm.xlane v33, v7;
	v49 =	vperm.xlane v33, v8  }
0x5e1: {  	v56 =	vld [tilespmem:s11+$0x840];
	v44 =	vunpack.i.l.bf16.f32 v59;
	v51 =	vperm.xlane v33, v9;
	v54 =	vperm.xlane v33, v4  }
0x5e2: {  	v63 =	vld [tilespmem:s11+$0x850];
	v46 =	vunpack.i.u.bf16.f32 v59;
	v55 =	vperm.xlane v33, v10;
	v59 =	vperm.xlane v33, v11  }
0x5e3: {  	v52 =	vld [tilespmem:s11+$0x830];
	v30 =	vadd.f32 v60, v30;
	v60 =	vperm.xlane v33, v12;
	v62 =	vperm.xlane v33, v13  }
0x5e4: {  	v38 =	vunpack.i.l.bf16.f32 v48;
	v48 =	vperm.xlane v33, v14;
	v47 =	vmul.f32 v39, v44  }
0x5e5: {  	v31 =	vadd.f32 v32, v31;
	v34 =	vmul.f32 v45, v46;
	v32 =	vmul.f32 v49, v50  }
0x5e6: {  	v29 =	vadd.f32 v35, v29;
	v58 =	vmul.f32 v54, v38;
	v36 =	vmul.f32 v55, v57  }
0x5e7: {  	v45 =	vunpack.i.l.bf16.f32 v56;
	v49 =	vunpack.i.u.bf16.f32 v56;
	v50 =	vperm.xlane v33, v15  }
0x5e8: {  	v55 =	vunpack.i.u.bf16.f32 v63;
	v56 =	vperm.xlane v33, v17;
	v61 =	vunpack.i.u.bf16.f32 v52  }
0x5e9: {  	v57 =	vld [tilespmem:s11+$0x870];
	v35 =	vunpack.i.l.bf16.f32 v52;
	v46 =	vmul.f32 v62, v45;
	v52 =	vunpack.i.l.bf16.f32 v63  }
0x5ea: {  	v54 =	vld [tilespmem:s9+$0x5830];
	v28 =	vadd.f32 v47, v28;
	v30 =	vadd.f32 v34, v30;
	v34 =	vmul.f32 v51, v53  }
0x5eb: {  	v45 =	vld [tilespmem:s11+$0xC10];
	v29 =	vadd.f32 v32, v29;
	v44 =	vmul.f32 v60, v61;
	v53 =	vperm.xlane v33, v16  }
0x5ec: {  	v47 =	vld [tilespmem:s11+$0x860];
	v32 =	vmul.f32 v50, v52;
	v31 =	vadd.f32 v34, v31;
	v34 =	vmul.f32 v59, v35  }
0x5ed: {  	v61 =	vld [tilespmem:s11+$0xC00];
	v28 =	vadd.f32 v58, v28;
	v30 =	vadd.f32 v36, v30;
	v38 =	vmul.f32 v53, v55  }
0x5ee: {  	v51 =	vld [tilespmem:s9+$0x5030];
	v59 =	vperm.xlane v33, v18;
	v63 =	vunpack.i.u.bf16.f32 v57;
	v29 =	vadd.f32 v34, v29  }
0x5ef: {  	v31 =	vadd.f32 v44, v31;
	v28 =	vadd.f32 v46, v28;
	v34 =	vmul.f32 v48, v49  }
0x5f0: {  	v44 =	vperm.xlane v33, v19;
	v46 =	vunpack.i.l.bf16.f32 v57;
	v33 =	vperm.xlane v33, v20  }
0x5f1: {  	v53 =	vunpack.i.l.bf16.f32 v45;
	v58 =	vunpack.i.l.bf16.f32 v47;
	v60 =	vunpack.i.u.bf16.f32 v47  }
0x5f2: {  	v47 =	vunpack.i.l.bf16.f32 v61;
	v49 =	vunpack.i.u.bf16.f32 v61;
	v30 =	vadd.f32 v34, v30  }
0x5f3: {  	v35 =	vmul.f32 v56, v58;
	v29 =	vadd.f32 v32, v29;
	v34 =	vsub.f32 v51, v54  }
0x5f4: {  	v55 =	vld [tilespmem:s11+$0xC30];
	v31 =	vadd.f32 v38, v31;
	v62 =	vmul.f32 v59, v60;
	v32 =	vmul.f32 v33, v63  }
0x5f5: {  	v28 =	vadd.f32 v35, v28;
	v39 =	vperm.xlane v34, v5;
	v35 =	vmul.f32 v44, v46  }
0x5f6: {  	v56 =	vunpack.i.u.bf16.f32 v45;
	v48 =	vperm.xlane v34, v7;
	v52 =	vperm.xlane v34, v8  }
0x5f7: {  	v51 =	vld [tilespmem:s11+$0xC20];
	v30 =	vadd.f32 v62, v30;
	v54 =	vperm.xlane v34, v9;
	v57 =	vperm.xlane v34, v4  }
0x5f8: {  	v59 =	vld [tilespmem:s11+$0xC40];
	v31 =	vadd.f32 v32, v31;
	v58 =	vperm.xlane v34, v10;
	v62 =	vperm.xlane v34, v11  }
0x5f9: {  	v63 =	vperm.xlane v34, v12;
	v44 =	vunpack.i.u.bf16.f32 v55;
	v45 =	vperm.xlane v34, v13  }
0x5fa: {  	v50 =	vmul.f32 v39, v47;
	v29 =	vadd.f32 v35, v29;
	v33 =	vmul.f32 v48, v49  }
0x5fb: {  	v32 =	vmul.f32 v52, v53;
	v35 =	vunpack.i.l.bf16.f32 v55;
	v47 =	vmul.f32 v63, v44  }
0x5fc: {  	v46 =	vld [tilespmem:s11+$0xC50];
	v53 =	vperm.xlane v34, v15;
	v60 =	vunpack.i.u.bf16.f32 v51;
	v38 =	vunpack.i.l.bf16.f32 v51  }
0x5fd: {  	v48 =	vunpack.i.l.bf16.f32 v59;
	v51 =	vperm.xlane v34, v14;
	v52 =	vunpack.i.u.bf16.f32 v59  }
0x5fe: {  	v59 =	vperm.xlane v34, v17;
	v30 =	vadd.f32 v33, v30;
	v33 =	vmul.f32 v54, v56  }
0x5ff: {  	v28 =	vadd.f32 v50, v28;
	v61 =	vmul.f32 v57, v38;
	v36 =	vmul.f32 v58, v60  }
0x600: {  	v29 =	vadd.f32 v32, v29;
	v49 =	vmul.f32 v45, v48;
	v50 =	vld [tilespmem:s11+$0xC60];
	v56 =	vperm.xlane v34, v16  }
0x601: {  	v58 =	vld [tilespmem:s11+$0xC70];
	v55 =	vunpack.i.l.bf16.f32 v46;
	v41 =	vunpack.i.u.bf16.f32 v46;
	v46 =	vperm.xlane v34, v19  }
0x602: {  	v54 =	vld [tilespmem:s9+$0x5040];
	s11 =	sor.u32 s29, s31;
	v31 =	vadd.f32 v33, v31;
	v33 =	vmul.f32 v62, v35;
	v28 =	vadd.f32 v61, v28  }
0x603: {  	v57 =	vld [tilespmem:s9+$0x5840];
	s22 =	sor.u32 $0x1000, s11;
	v30 =	vadd.f32 v36, v30;
	v32 =	vmul.f32 v53, v55;
	v38 =	vmul.f32 v56, v41  }
0x604: {  	v61 =	vperm.xlane v34, v18;
	v63 =	vld [tilespmem:s22+$0x6000];
	v34 =	vperm.xlane v34, v20;
	v29 =	vadd.f32 v33, v29  }
0x605: {  	v31 =	vadd.f32 v47, v31;
	v28 =	vadd.f32 v49, v28;
	v33 =	vmul.f32 v51, v52  }
0x606: {  	s31 =	sor.u32 $0x1020, s11;
	v60 =	vunpack.i.l.bf16.f32 v50;
	v62 =	vunpack.i.u.bf16.f32 v50;
	v45 =	vunpack.i.u.bf16.f32 v58  }
0x607: {  	v53 =	vld [tilespmem:s31+$0x6000];
	v48 =	vunpack.i.l.bf16.f32 v58;
	v30 =	vadd.f32 v33, v30;
	v29 =	vadd.f32 v32, v29  }
0x608: {  	v35 =	vmul.f32 v59, v60;
	v31 =	vadd.f32 v38, v31;
	v33 =	vsub.f32 v54, v57  }
0x609: {  	s30 =	sor.u32 $0x1010, s11;
	v44 =	vmul.f32 v61, v62;
	v32 =	vmul.f32 v34, v45;
	v49 =	vunpack.i.l.bf16.f32 v63  }
0x60a: {  	v47 =	vld [tilespmem:s30+$0x6000];
	v28 =	vadd.f32 v35, v28;
	v39 =	vperm.xlane v33, v5;
	v35 =	vmul.f32 v46, v48  }
0x60b: {  	v51 =	vunpack.i.u.bf16.f32 v63;
	v50 =	vperm.xlane v33, v7;
	v54 =	vperm.xlane v33, v8  }
0x60c: {  	s29 =	sor.u32 $0x1030, s11;
	v62 =	vunpack.i.u.bf16.f32 v53;
	v56 =	vperm.xlane v33, v9;
	v59 =	vperm.xlane v33, v4  }
0x60d: {  	s30 =	sor.u32 $0x1040, s11;
	v57 =	vld [tilespmem:s29+$0x6000];
	v30 =	vadd.f32 v44, v30;
	v60 =	vperm.xlane v33, v10;
	v44 =	vperm.xlane v33, v11  }
0x60e: {  	v61 =	vld [tilespmem:s30+$0x6000];
	v38 =	vunpack.i.l.bf16.f32 v53;
	v45 =	vperm.xlane v33, v12;
	v53 =	vperm.xlane v33, v14  }
0x60f: {  	v55 =	vunpack.i.l.bf16.f32 v47;
	v58 =	vunpack.i.u.bf16.f32 v47;
	v47 =	vperm.xlane v33, v13  }
0x610: {  	v52 =	vmul.f32 v39, v49;
	v34 =	vmul.f32 v50, v51  }
0x611: {  	v31 =	vadd.f32 v32, v31;
	v32 =	vmul.f32 v54, v55;
	v63 =	vmul.f32 v59, v38  }
0x612: {  	s31 =	sor.u32 $0x1050, s11;
	v29 =	vadd.f32 v35, v29;
	v36 =	vmul.f32 v60, v62;
	v55 =	vperm.xlane v33, v15  }
0x613: {  	v48 =	vld [tilespmem:s31+$0x6000];
	v46 =	vunpack.i.u.bf16.f32 v57;
	v50 =	vunpack.i.l.bf16.f32 v61;
	v54 =	vunpack.i.u.bf16.f32 v61  }
0x614: {  	v61 =	vperm.xlane v33, v17;
	v30 =	vadd.f32 v34, v30;
	v34 =	vmul.f32 v56, v58  }
0x615: {  	s30 =	sor.u32 $0x1070, s11;
	v59 =	vld [tilespmem:s9+$0x5850];
	v35 =	vunpack.i.l.bf16.f32 v57;
	v49 =	vmul.f32 v45, v46;
	v51 =	vmul.f32 v47, v50  }
0x616: {  	s29 =	sor.u32 $0x1060, s11;
	v62 =	vld [tilespmem:s30+$0x6000];
	v28 =	vadd.f32 v52, v28;
	v58 =	vperm.xlane v33, v16;
	v45 =	vperm.xlane v33, v18  }
0x617: {  	s31 =	sor.u32 $0x1400, s11;
	v29 =	vadd.f32 v32, v29;
	v52 =	vld [tilespmem:s29+$0x6000];
	v50 =	vperm.xlane v33, v19;
	v33 =	vperm.xlane v33, v20  }
0x618: {  	v47 =	vld [tilespmem:s31+$0x6000];
	v57 =	vunpack.i.l.bf16.f32 v48;
	v31 =	vadd.f32 v34, v31;
	v34 =	vmul.f32 v44, v35  }
0x619: {  	v56 =	vld [tilespmem:s9+$0x5050];
	v60 =	vunpack.i.u.bf16.f32 v48;
	v28 =	vadd.f32 v63, v28;
	v30 =	vadd.f32 v36, v30  }
0x61a: {  	v32 =	vmul.f32 v55, v57;
	v38 =	vmul.f32 v58, v60;
	v29 =	vadd.f32 v34, v29  }
0x61b: {  	v31 =	vadd.f32 v49, v31;
	v28 =	vadd.f32 v51, v28;
	v34 =	vmul.f32 v53, v54  }
0x61c: {  	s30 =	sor.u32 $0x1420, s11;
	v49 =	vunpack.i.u.bf16.f32 v62;
	v63 =	vunpack.i.l.bf16.f32 v52;
	v46 =	vunpack.i.u.bf16.f32 v52  }
0x61d: {  	v57 =	vld [tilespmem:s30+$0x6000];
	v52 =	vunpack.i.l.bf16.f32 v62;
	v53 =	vunpack.i.l.bf16.f32 v47;
	v55 =	vunpack.i.u.bf16.f32 v47  }
0x61e: {  	v30 =	vadd.f32 v34, v30;
	v35 =	vmul.f32 v61, v63;
	v34 =	vsub.f32 v56, v59  }
0x61f: {  	s29 =	sor.u32 $0x1410, s11;
	v29 =	vadd.f32 v32, v29;
	v48 =	vmul.f32 v45, v46;
	v32 =	vmul.f32 v33, v49  }
0x620: {  	v51 =	vld [tilespmem:s29+$0x6000];
	v28 =	vadd.f32 v35, v28;
	v39 =	vperm.xlane v34, v5;
	v35 =	vmul.f32 v50, v52  }
0x621: {  	v31 =	vadd.f32 v38, v31;
	v54 =	vperm.xlane v34, v7;
	v58 =	vperm.xlane v34, v8  }
0x622: {  	s31 =	sor.u32 $0x1430, s11;
	v46 =	vunpack.i.u.bf16.f32 v57;
	v60 =	vperm.xlane v34, v9;
	v63 =	vperm.xlane v34, v4  }
0x623: {  	s29 =	sor.u32 $0x1440, s11;
	v61 =	vld [tilespmem:s31+$0x6000];
	v30 =	vadd.f32 v48, v30;
	v44 =	vperm.xlane v34, v10;
	v48 =	vperm.xlane v34, v11  }
0x624: {  	v45 =	vld [tilespmem:s29+$0x6000];
	v38 =	vunpack.i.l.bf16.f32 v57;
	v49 =	vperm.xlane v34, v12;
	v57 =	vperm.xlane v34, v14  }
0x625: {  	v59 =	vunpack.i.l.bf16.f32 v51;
	v62 =	vunpack.i.u.bf16.f32 v51;
	v51 =	vperm.xlane v34, v13  }
0x626: {  	v56 =	vmul.f32 v39, v53;
	v33 =	vmul.f32 v54, v55  }
0x627: {  	s30 =	sor.u32 $0x1450, s11;
	v31 =	vadd.f32 v32, v31;
	v32 =	vmul.f32 v58, v59;
	v47 =	vmul.f32 v63, v38  }
0x628: {  	v52 =	vld [tilespmem:s30+$0x6000];
	v29 =	vadd.f32 v35, v29;
	v36 =	vmul.f32 v44, v46;
	v59 =	vperm.xlane v34, v15  }
0x629: {  	v50 =	vunpack.i.u.bf16.f32 v61;
	v35 =	vunpack.i.l.bf16.f32 v61;
	v54 =	vunpack.i.l.bf16.f32 v45  }
0x62a: {  	s29 =	sor.u32 $0x1470, s11;
	v58 =	vunpack.i.u.bf16.f32 v45;
	v45 =	vperm.xlane v34, v17;
	v28 =	vadd.f32 v56, v28  }
0x62b: {  	v46 =	vld [tilespmem:s29+$0x6000];
	v30 =	vadd.f32 v33, v30;
	v33 =	vmul.f32 v60, v62;
	v53 =	vmul.f32 v49, v50  }
0x62c: {  	s31 =	sor.u32 $0x1460, s11;
	v63 =	vld [tilespmem:s9+$0x5860];
	v29 =	vadd.f32 v32, v29;
	v55 =	vmul.f32 v51, v54;
	v62 =	vperm.xlane v34, v16  }
0x62d: {  	s30 =	sor.u32 $0x1800, s11;
	v56 =	vld [tilespmem:s31+$0x6000];
	v61 =	vunpack.i.l.bf16.f32 v52;
	v44 =	vunpack.i.u.bf16.f32 v52;
	v31 =	vadd.f32 v33, v31  }
0x62e: {  	v50 =	vld [tilespmem:s30+$0x6000];
	v33 =	vmul.f32 v48, v35;
	v28 =	vadd.f32 v47, v28;
	v32 =	vmul.f32 v59, v61  }
0x62f: {  	v60 =	vld [tilespmem:s9+$0x5060];
	v30 =	vadd.f32 v36, v30;
	v38 =	vmul.f32 v62, v44;
	v48 =	vperm.xlane v34, v18  }
0x630: {  	s31 =	sor.u32 $0x1810, s11;
	v52 =	vunpack.i.u.bf16.f32 v46;
	v29 =	vadd.f32 v33, v29;
	v31 =	vadd.f32 v53, v31  }
0x631: {  	v54 =	vld [tilespmem:s31+$0x6000];
	v28 =	vadd.f32 v55, v28;
	v33 =	vmul.f32 v57, v58;
	v53 =	vperm.xlane v34, v19  }
0x632: {  	v55 =	vunpack.i.l.bf16.f32 v46;
	v34 =	vperm.xlane v34, v20;
	v47 =	vunpack.i.l.bf16.f32 v56  }
0x633: {  	v49 =	vunpack.i.u.bf16.f32 v56;
	v56 =	vunpack.i.l.bf16.f32 v50;
	v58 =	vunpack.i.u.bf16.f32 v50  }
0x634: {  	v30 =	vadd.f32 v33, v30;
	v35 =	vmul.f32 v45, v47;
	v33 =	vsub.f32 v60, v63  }
0x635: {  	s30 =	sor.u32 $0x1830, s11;
	v29 =	vadd.f32 v32, v29;
	v31 =	vadd.f32 v38, v31;
	v51 =	vmul.f32 v48, v49  }
0x636: {  	v44 =	vld [tilespmem:s30+$0x6000];
	v32 =	vmul.f32 v34, v52;
	v62 =	vunpack.i.l.bf16.f32 v54;
	v39 =	vperm.xlane v33, v5  }
0x637: {  	s29 =	sor.u32 $0x1820, s11;
	v28 =	vadd.f32 v35, v28;
	v35 =	vmul.f32 v53, v55;
	v57 =	vperm.xlane v33, v7  }
0x638: {  	s31 =	sor.u32 $0x1840, s11;
	v60 =	vld [tilespmem:s29+$0x6000];
	v45 =	vunpack.i.u.bf16.f32 v54;
	v61 =	vperm.xlane v33, v8;
	v63 =	vperm.xlane v33, v9  }
0x639: {  	v48 =	vld [tilespmem:s31+$0x6000];
	v30 =	vadd.f32 v51, v30;
	v46 =	vperm.xlane v33, v4;
	v47 =	vperm.xlane v33, v10  }
0x63a: {  	v31 =	vadd.f32 v32, v31;
	v51 =	vperm.xlane v33, v11;
	v52 =	vperm.xlane v33, v12  }
0x63b: {  	v53 =	vunpack.i.u.bf16.f32 v44;
	v54 =	vperm.xlane v33, v13;
	v59 =	vmul.f32 v39, v56  }
0x63c: {  	s29 =	sor.u32 $0x1850, s11;
	v29 =	vadd.f32 v35, v29;
	v34 =	vmul.f32 v57, v58;
	v32 =	vmul.f32 v61, v62  }
0x63d: {  	v55 =	vld [tilespmem:s29+$0x6000];
	v35 =	vunpack.i.l.bf16.f32 v44;
	v56 =	vmul.f32 v52, v53;
	v62 =	vperm.xlane v33, v15  }
0x63e: {  	v49 =	vunpack.i.u.bf16.f32 v60;
	v38 =	vunpack.i.l.bf16.f32 v60;
	v57 =	vunpack.i.l.bf16.f32 v48  }
0x63f: {  	v60 =	vperm.xlane v33, v14;
	v61 =	vunpack.i.u.bf16.f32 v48;
	v48 =	vperm.xlane v33, v17  }
0x640: {  	s29 =	sor.u32 $0x1C00, s11;
	v28 =	vadd.f32 v59, v28;
	v30 =	vadd.f32 v34, v30;
	v34 =	vmul.f32 v63, v45  }
0x641: {  	s30 =	sor.u32 $0x1860, s11;
	v53 =	vld [tilespmem:s29+$0x6000];
	v29 =	vadd.f32 v32, v29;
	v50 =	vmul.f32 v46, v38;
	v36 =	vmul.f32 v47, v49  }
0x642: {  	s31 =	sor.u32 $0x1870, s11;
	v58 =	vmul.f32 v54, v57;
	v59 =	vld [tilespmem:s30+$0x6000];
	v45 =	vperm.xlane v33, v16;
	v44 =	vunpack.i.l.bf16.f32 v55  }
0x643: {  	v49 =	vld [tilespmem:s31+$0x6000];
	v47 =	vunpack.i.u.bf16.f32 v55;
	v31 =	vadd.f32 v34, v31;
	v34 =	vmul.f32 v51, v35  }
0x644: {  	v63 =	vld [tilespmem:s9+$0x5070];
	v28 =	vadd.f32 v50, v28;
	v30 =	vadd.f32 v36, v30;
	v32 =	vmul.f32 v62, v44  }
0x645: {  	v46 =	vld [tilespmem:s9+$0x5870];
	v38 =	vmul.f32 v45, v47;
	v51 =	vperm.xlane v33, v18;
	v29 =	vadd.f32 v34, v29  }
0x646: {  	v31 =	vadd.f32 v56, v31;
	v28 =	vadd.f32 v58, v28;
	v34 =	vmul.f32 v60, v61  }
0x647: {  	s30 =	sor.u32 $0x1C10, s11;
	v56 =	vperm.xlane v33, v19;
	v33 =	vperm.xlane v33, v20;
	v61 =	vunpack.i.u.bf16.f32 v53  }
0x648: {  	v57 =	vld [tilespmem:s30+$0x6000];
	v50 =	vunpack.i.l.bf16.f32 v59;
	v52 =	vunpack.i.u.bf16.f32 v59;
	v55 =	vunpack.i.u.bf16.f32 v49  }
0x649: {  	v58 =	vunpack.i.l.bf16.f32 v49;
	v59 =	vunpack.i.l.bf16.f32 v53;
	v30 =	vadd.f32 v34, v30  }
0x64a: {  	v35 =	vmul.f32 v48, v50;
	v29 =	vadd.f32 v32, v29;
	v34 =	vsub.f32 v63, v46  }
0x64b: {  	s22 =	sor.u32 $0x1C30, s11;
	v31 =	vadd.f32 v38, v31;
	v54 =	vmul.f32 v51, v52;
	v32 =	vmul.f32 v33, v55  }
0x64c: {  	v47 =	vld [tilespmem:s22+$0x6000];
	v28 =	vadd.f32 v35, v28;
	v39 =	vperm.xlane v34, v5;
	v35 =	vmul.f32 v56, v58  }
0x64d: {  	s31 =	sor.u32 $0x1C20, s11;
	v45 =	vunpack.i.l.bf16.f32 v57;
	v60 =	vperm.xlane v34, v7;
	v44 =	vperm.xlane v34, v8  }
0x64e: {  	s29 =	sor.u32 $0x1C40, s11;
	v63 =	vld [tilespmem:s31+$0x6000];
	v48 =	vunpack.i.u.bf16.f32 v57;
	v46 =	vperm.xlane v34, v9;
	v49 =	vperm.xlane v34, v4  }
0x64f: {  	v51 =	vld [tilespmem:s29+$0x6000];
	v30 =	vadd.f32 v54, v30;
	v50 =	vperm.xlane v34, v10;
	v54 =	vperm.xlane v34, v11  }
0x650: {  	v31 =	vadd.f32 v32, v31;
	v55 =	vperm.xlane v34, v12;
	v57 =	vperm.xlane v34, v13  }
0x651: {  	v56 =	vunpack.i.u.bf16.f32 v47;
	v43 =	vperm.xlane v34, v15;
	v62 =	vmul.f32 v39, v59  }
0x652: {  	s30 =	sor.u32 $0x1C50, s11;
	v29 =	vadd.f32 v35, v29;
	v33 =	vmul.f32 v60, v61;
	v32 =	vmul.f32 v44, v45  }
0x653: {  	v58 =	vld [tilespmem:s30+$0x6000];
	v35 =	vunpack.i.l.bf16.f32 v47;
	v59 =	vmul.f32 v55, v56;
	v52 =	vunpack.i.u.bf16.f32 v63  }
0x654: {  	v38 =	vunpack.i.l.bf16.f32 v63;
	v60 =	vunpack.i.l.bf16.f32 v51;
	v63 =	vperm.xlane v34, v14  }
0x655: {  	v42 =	vunpack.i.u.bf16.f32 v51;
	v30 =	vadd.f32 v33, v30;
	v33 =	vmul.f32 v46, v48  }
0x656: {  	s31 =	sor.u32 $0x1C60, s11;
	s11 =	sor.u32 $0x1C70, s11;
	v28 =	vadd.f32 v62, v28;
	v53 =	vmul.f32 v49, v38;
	v36 =	vmul.f32 v50, v52  }
0x657: {  	v44 =	vld [tilespmem:s11+$0x6000];
	v29 =	vadd.f32 v32, v29;
	v61 =	vmul.f32 v57, v60;
	v46 =	vperm.xlane v34, v16  }
0x658: {  	v48 =	vperm.xlane v34, v17;
	v52 =	vperm.xlane v34, v19;
	v45 =	vunpack.i.l.bf16.f32 v58  }
0x659: {  	v62 =	vld [tilespmem:s31+$0x6000];
	v47 =	vunpack.i.u.bf16.f32 v58;
	v31 =	vadd.f32 v33, v31;
	v33 =	vmul.f32 v54, v35  }
0x65a: {  	v28 =	vadd.f32 v53, v28;
	v32 =	vmul.f32 v43, v45;
	v49 =	vmul.f32 v46, v47  }
0x65b: {  	v30 =	vadd.f32 v36, v30;
	v53 =	vperm.xlane v34, v18;
	v34 =	vperm.xlane v34, v20  }
0x65c: {  	v54 =	vunpack.i.l.bf16.f32 v44;
	v37 =	vunpack.i.u.bf16.f32 v44;
	v29 =	vadd.f32 v33, v29  }
0x65d: {  	v31 =	vadd.f32 v59, v31;
	v28 =	vadd.f32 v61, v28;
	v33 =	vmul.f32 v63, v42  }
0x65e: {  	v35 =	vmul.f32 v52, v54;
	v34 =	vmul.f32 v34, v37;
	v50 =	vunpack.i.l.bf16.f32 v62  }
0x65f: {  	v36 =	vunpack.i.u.bf16.f32 v62;
	v29 =	vadd.f32 v32, v29;
	v51 =	vmul.f32 v48, v50  }
0x660: {  	v30 =	vadd.f32 v33, v30;
	v31 =	vadd.f32 v49, v31;
	v55 =	vmul.f32 v53, v36  }
0x661: {  	s22 =	smul.u32 $0x11, s28;
	v28 =	vadd.f32 v51, v28;
	v29 =	vadd.f32 v35, v29  }
0x662: {  	s5 =	smul.u32 $0x11, s5;
	v30 =	vadd.f32 v55, v30;
	v31 =	vadd.f32 v34, v31  }
0x663: {  	v24 =	vand.u32 $0x7FFFFFFF, v24;
	v25 =	vadd.f32 v27, v25;
	s29 =	smul.u32 $0x11, s12;
	v57 =	vadd.s32 s22, v0  }
0x664: {  	s30 =	smul.u32 $0x11, s16;
	v59 =	vadd.s32 s5, v0;
	v56 =	vadd.f32 v29, v28;
	v58 =	vadd.f32 v31, v30  }
0x665: {  	v24 =	vsub.f32 $7.500000000e-01, v24;
	v25 =	vadd.f32 v25, v26;
	v60 =	vadd.s32 s29, v0  }
0x666: {  	p0 =	slt.u32 s28, $0xC;
	v23 =	vand.u32 $0x7FFFFFFF, v23;
	v61 =	vadd.s32 s30, v0;
	v27 =	vadd.f32 v58, v56  }
.Ltmp7:
0x667: {  	v23 =	vsub.f32 $7.500000000e-01, v23;
	v25 =	vand.u32 $0x7FFFFFFF, v25;
	(pc) =	sbr.rel @p0 .LBB2_8-.Ltmp7, $4  }
0x668: {  	[tilespmem:v57+s0+$0x0] =	vst.idx.msk $0xffff, v24;
	v62 =	vsub.f32 $7.500000000e-01, v25;
	v63 =	vand.u32 $0x7FFFFFFF, v27  }
0x669: {  	[tilespmem:v59+s0+$0x0] =	vst.idx.msk $0xffff, v23;
	v23 =	vsub.f32 $7.500000000e-01, v63  }
0x66a: {  	s31 =	sadd.s32 $0x4, s28;
	[tilespmem:v60+s0+$0x0] =	vst.idx.msk $0xffff, v62  }
0x66b: {  	s28 =	smov.u32 s31;
	[tilespmem:v61+s0+$0x0] =	vst.idx.msk $0xffff, v23  }
0x66c: {  	v22 =	vmul.u32 $0x11, v0;
	_ =	sdelay $0x1  }
0x66d: {  	v23 =	vadd.s32 $0x1, v22;
	_ =	sdelay $0x1  }
0x66e: {  	v24 =	vadd.s32 $0x2, v22;
	_ =	sdelay $0x1  }
0x66f: {  	v26 =	vadd.s32 $0x3, v22;
	v25 =	vld.idx.msk [tilespmem:v22+s0+$0x0], $0xffff  }
0x670: {  	v23 =	vld.idx.msk [tilespmem:v23+s0+$0x0], $0xffff  }
0x671: {  	v27 =	vadd.s32 $0x4, v22  }
0x672: {  	v24 =	vld.idx.msk [tilespmem:v24+s0+$0x0], $0xffff  }
0x673: {  	v28 =	vadd.s32 $0x5, v22  }
0x674: {  	v26 =	vld.idx.msk [tilespmem:v26+s0+$0x0], $0xffff  }
0x675: {  	v54 =	vadd.s32 $0x6, v22;
	v23 =	vadd.f32 v23, v25  }
0x676: {  	v27 =	vld.idx.msk [tilespmem:v27+s0+$0x0], $0xffff  }
0x677: {  	v55 =	vadd.s32 $0x7, v22;
	v23 =	vadd.f32 v24, v23  }
0x678: {  	v28 =	vld.idx.msk [tilespmem:v28+s0+$0x0], $0xffff  }
0x679: {  	v56 =	vadd.s32 $0x8, v22;
	v23 =	vadd.f32 v26, v23  }
0x67a: {  	v25 =	vld.idx.msk [tilespmem:v54+s0+$0x0], $0xffff  }
0x67b: {  	v57 =	vadd.s32 $0x9, v22;
	v23 =	vadd.f32 v27, v23  }
0x67c: {  	v24 =	vld.idx.msk [tilespmem:v55+s0+$0x0], $0xffff  }
0x67d: {  	v58 =	vadd.s32 $0xA, v22;
	v23 =	vadd.f32 v28, v23  }
0x67e: {  	v26 =	vld.idx.msk [tilespmem:v56+s0+$0x0], $0xffff  }
0x67f: {  	v59 =	vadd.s32 $0xB, v22;
	v23 =	vadd.f32 v25, v23  }
0x680: {  	v27 =	vld.idx.msk [tilespmem:v57+s0+$0x0], $0xffff  }
0x681: {  	v60 =	vadd.s32 $0xC, v22;
	v23 =	vadd.f32 v24, v23  }
0x682: {  	v28 =	vld.idx.msk [tilespmem:v58+s0+$0x0], $0xffff  }
0x683: {  	v61 =	vadd.s32 $0xD, v22;
	v23 =	vadd.f32 v26, v23  }
0x684: {  	v25 =	vld.idx.msk [tilespmem:v59+s0+$0x0], $0xffff  }
0x685: {  	v62 =	vadd.s32 $0xE, v22;
	v23 =	vadd.f32 v27, v23  }
0x686: {  	v24 =	vld.idx.msk [tilespmem:v60+s0+$0x0], $0xffff  }
0x687: {  	v22 =	vadd.s32 $0xF, v22;
	v23 =	vadd.f32 v28, v23  }
0x688: {  	v26 =	vld.idx.msk [tilespmem:v61+s0+$0x0], $0xffff  }
0x689: {  	v23 =	vadd.f32 v25, v23  }
0x68a: {  	v63 =	vld.idx.msk [tilespmem:v62+s0+$0x0], $0xffff  }
0x68b: {  	v23 =	vadd.f32 v24, v23  }
0x68c: {  	v22 =	vld.idx.msk [tilespmem:v22+s0+$0x0], $0xffff  }
0x68d: {  	v23 =	vadd.f32 v26, v23;
	_ =	sdelay $0x1  }
0x68e: {  	v23 =	vadd.f32 v63, v23  }
.Ltmp8:
0x68f: {  	_ = 	snop;
	(pc) =	sbr.rel .LBB2_10-.Ltmp8, $4  }
0x690: {  	s5 =	sadd.s32 s6, s26;
	v22 =	vadd.f32 v22, v23  }
0x691: {  	s5 =	sshrl.u32 s5, $0x3  }
0x692: {  	s5 =	sadd.s32 s3, s5;
	[tilespmem:$0x11C80] =	vst v22  }
0x693: {  	[hbm4b:s5+s4] =	stream.linear.scatter [tilespmem:s20], [sflag:$0x4], $0x10, $0x38;
	[tilespmem:$0x11D00] =	vst v63  }
.LBB2_12:
0x694: {  	_ =	sfence.sel $0x180000  }
0x695: {  	[bflag:$0x0] =	sbarrier.arrive $0xFFFF  }
0x696: {  	_ =	strace $0x90000047  }
0x697: {  	s0 =	stileid.u32;
	[bflag:$0x2] =	sbarrier.arrive $0xFFFF  }
0x698: {  	p0 =	sne.s32 s0, $0x0;
	s0 =	rddreg [dreg:$0x4]  }
0x699: {  	s0 =	sadd.s32 @!p0 $0x100000, s0  }
0x69a: {  	[sflag:s0] =	ssyncadd.tile.s32 @!p0 $0x1;
	_ =	shalt  }
.Lfunc_end2:
_tile_overlayer_lowered:
.L_overlay_start_2:
0x69b: {  	(tag) =	ssettag $0x2  }
0x69c: {  	s0 =	rddreg [dreg:$0x0];
	s2 =	stileid.u32  }
0x69d: {  	s1 =	rddreg [dreg:$0x1];
	p0 =	sne.s32 s2, $0x0  }
0x69e: {  	s3 =	rddreg [dreg:$0x2];
	[bflag:$0x3] =	sbarrier.arrive $0xFFFF;
	s2 =	simm.s32 @!p0 $0x1C05  }
0x69f: {  	[timem:s3], [sflag:s2] =	dma.local @!p0 [hbm:s0], s1  }
0x6a0: {  	s0 =	simm.s32 @!p0 $0x5  }
0x6a1: {  	_ =	swait.ge @!p0 [sflag:s0], s1  }
0x6a2: {  	s1 =	ssub.s32 @!p0 $0x0, s1;
	[sflag:s0] =	ssyncset.done @!p0 $0x0  }
0x6a3: {  	[sflag:s0] =	ssyncadd.s32 @!p0 s1  }
0x6a4: {  	[bflag:$0x3] =	sbarrier.arrive $0xFFFF  }
0x6a5: {  	_ =	shalt  }

</sc_bundles>
